<compile_context>
chip_gen: v7x
topology: tpu7x:2x2x1
jax: 0.10.2.dev20260603
libtpu: 0.0.44.dev20260713+nightly
codegen_flags: <defaults>
</compile_context>

<pallas_src>
import functools

import jax
import jax.numpy as jnp
from jax import lax
from jax.experimental import pallas as pl
from jax.experimental.pallas import tpu as pltpu
from jax.experimental.pallas import tpu_sc as plsc

_TILE_M = 1024
_NC, _NS, _L = 2, 16, 16
_NW = _NC * _NS


def _logits_body(x_ref, wt_ref, b_ref, out_ref):
    out_ref[...] = (
        jnp.dot(x_ref[...], wt_ref[...], preferred_element_type=jnp.float32)
        + b_ref[...]
    )


def _tc_logits(x, wt, b2, row0, rows):
    M, D = x.shape
    E = wt.shape[1]
    tile0 = row0 // _TILE_M
    return pl.pallas_call(
        _logits_body,
        grid=(rows // _TILE_M,),
        in_specs=[
            pl.BlockSpec((_TILE_M, D), lambda i: (i + tile0, 0)),
            pl.BlockSpec((D, E), lambda i: (0, 0)),
            pl.BlockSpec((1, E), lambda i: (0, 0)),
        ],
        out_specs=pl.BlockSpec((_TILE_M, E), lambda i: (i, 0)),
        out_shape=jax.ShapeDtypeStruct((rows, E), jnp.float32),
        compiler_params=pltpu.CompilerParams(
            dimension_semantics=("arbitrary",)),
    )(x, wt, b2)


def _sc_route(logits, cond16, M):
    rows_per_w = M // _NW
    chunk = min(128, rows_per_w)
    n_chunks = rows_per_w // chunk
    mesh = plsc.VectorSubcoreMesh(
        core_axis_name="c", subcore_axis_name="s",
        num_cores=_NC, num_subcores=_NS)

    @functools.partial(
        pl.kernel,
        out_type=jax.ShapeDtypeStruct((M, 64), jnp.float32),
        mesh=mesh,
        scratch_types=[
            pltpu.VMEM((chunk, 64), jnp.float32),
            pltpu.VMEM((chunk, 64), jnp.float32),
            pltpu.VMEM((chunk, 64), jnp.float32),
            pltpu.VMEM((chunk, 64), jnp.float32),
            pltpu.VMEM((_L,), jnp.int32),
            pltpu.SemaphoreType.DMA,
            pltpu.SemaphoreType.DMA,
            pltpu.SemaphoreType.DMA,
            pltpu.SemaphoreType.DMA,
        ],
        compiler_params=pltpu.CompilerParams(needs_layout_passes=False),
    )
    def route(logits_hbm, cond_hbm, out_hbm,
              in_a, in_b, out_a, out_b, cond_v, si_a, si_b, so_a, so_b):
        wid = lax.axis_index("s") * _NC + lax.axis_index("c")
        row0 = wid * rows_per_w
        first_in = pltpu.make_async_copy(
            logits_hbm.at[pl.ds(row0, chunk)], in_a, si_a)
        first_in.start()
        pltpu.sync_copy(cond_hbm, cond_v)
        cond = cond_v[...] != 0
        iota = lax.iota(jnp.int32, _L)
        lo8 = iota < 8
        seven = jnp.full((_L,), 7, jnp.int32)
        zero = jnp.zeros((_L,), jnp.int32)
        ins = (in_a, in_b)
        outs = (out_a, out_b)
        sis = (si_a, si_b)
        sos = (so_a, so_b)

        shuf_dn = lax.GatherDimensionNumbers(
            offset_dims=(), collapsed_slice_dims=(0,), start_index_map=(0,))

        def shuf(v, idx):
            return lax.gather(
                v, idx[:, None], shuf_dn, (1,),
                mode=lax.GatherScatterMode.PROMISE_IN_BOUNDS)

        def dsort(v):
            return plsc.sort_key_val(v, v, descending=True)[0]

        def make_row_body(in_v, out_v):
          def row_body(r):
            a0 = in_v[r, pl.ds(0, _L)]
            a1 = in_v[r, pl.ds(16, _L)]
            a2 = in_v[r, pl.ds(32, _L)]
            a3 = in_v[r, pl.ds(48, _L)]
            s0 = dsort(a0)
            s1 = dsort(a1)
            s2 = dsort(a2)
            s3 = dsort(a3)
            t01 = dsort(jnp.where(lo8, s0, lax.rev(s1, (0,))))
            t23 = dsort(jnp.where(lo8, s2, lax.rev(s3, (0,))))
            f = dsort(jnp.where(lo8, t01, lax.rev(t23, (0,))))
            m1v = shuf(f, zero)
            threshv = shuf(f, seven)
            g0 = jnp.where(cond | (a0 >= threshv), jnp.exp(a0 - m1v), 0.0)
            g1 = jnp.where(cond | (a1 >= threshv), jnp.exp(a1 - m1v), 0.0)
            g2 = jnp.where(cond | (a2 >= threshv), jnp.exp(a2 - m1v), 0.0)
            g3 = jnp.where(cond | (a3 >= threshv), jnp.exp(a3 - m1v), 0.0)
            sv = (g0 + g1) + (g2 + g3)
            for sh in (8, 4, 2, 1):
                sv = sv + shuf(sv, iota ^ sh)
            rcp = 1.0 / sv
            out_v[r, pl.ds(0, _L)] = g0 * rcp
            out_v[r, pl.ds(16, _L)] = g1 * rcp
            out_v[r, pl.ds(32, _L)] = g2 * rcp
            out_v[r, pl.ds(48, _L)] = g3 * rcp
          return row_body

        def start_in(ci):
            r0 = row0 + ci * chunk
            return pltpu.make_async_copy(
                logits_hbm.at[pl.ds(r0, chunk)], ins[ci % 2], sis[ci % 2])

        def start_out(ci):
            r0 = row0 + ci * chunk
            return pltpu.make_async_copy(
                outs[ci % 2], out_hbm.at[pl.ds(r0, chunk)], sos[ci % 2])

        h_in = [first_in]
        h_out = []
        for ci in range(n_chunks):
            if ci + 1 < n_chunks:
                nxt = start_in(ci + 1)
                nxt.start()
                h_in.append(nxt)
            h_in[ci].wait()
            if ci >= 2:
                h_out[ci - 2].wait()
            plsc.parallel_loop(0, chunk, 1, unroll=2)(
                make_row_body(ins[ci % 2], outs[ci % 2]))
            ocp = start_out(ci)
            ocp.start()
            h_out.append(ocp)
        for h in h_out[-2:]:
            h.wait()

    return route(logits, cond16)


def kernel(x, W, b, k, training):
    del training
    M, D = x.shape
    E = W.shape[0]
    cond16 = jnp.full(
        (_L,), (jnp.asarray(k, jnp.int32) >= E).astype(jnp.int32))
    logits = _tc_logits(x, W.T, b.reshape(1, E), 0, M)
    return _sc_route(logits, cond16, M)

# --- scband reference (transcript-rebuilt; emitter-appended) ---
"""Pipeline reference for scband-dynamic-router-39685497815918 (READ-ONLY COPY).

The authoritative reference and input builder live on the scoring server;
editing this copy changes nothing except your own understanding.
"""

import jax, jax.numpy as jnp
import numpy as np


def setup_inputs(seed: int = 0) -> dict:
    key = jax.random.key(seed)
    k1, k2, k3 = jax.random.split(key, 3)
    x = jax.random.normal(k1, (32768, 4096), dtype=jnp.float32)
    # nn.Linear(d_model=4096, num_experts=64): weight [64, 4096], bias [64]
    W = jax.random.normal(k2, (64, 4096), dtype=jnp.float32) * (1.0 / np.sqrt(4096))
    b = jax.random.normal(k3, (64,), dtype=jnp.float32) * 0.01
    return {"x": x, "W": W, "b": b, "k": 8, "training": 0}


def reference(x, W, b, k, training):
    # routing_network: logits = x @ W^T + b
    logits = x @ W.T + b + jnp.asarray(training, jnp.float32) * 0.0
    E = logits.shape[-1]
    k_static = 8
    dense = jax.nn.softmax(logits, axis=-1)
    # training=0 -> eval path: deterministic top-k (no gumbel noise)
    _, top_k_indices = jax.lax.top_k(logits, k_static)
    rows = jnp.arange(logits.shape[0])[:, None]
    mask = jnp.zeros_like(logits).at[rows, top_k_indices].set(1.0)
    masked_logits = jnp.where(mask == 0, jnp.full_like(logits, -1000000000.0), logits)
    routing_weights = jax.nn.softmax(masked_logits, axis=-1)
    return jnp.where(k >= E, dense, routing_weights)

if __name__ == "__main__":
    import jax
    _d = setup_inputs()
    print(jax.jit(kernel)(*tuple(_d.values())))

</pallas_src>

<mosaic_0001>
#map = affine_map<(d0, d1) -> (0, 0)>
#map1 = affine_map<(d0, d1) -> (0)>
module attributes {stable_mosaic.version = 14 : i64} {
  func.func @route(%arg0: i32, %arg1: i32, %arg2: memref<32768x64xf32, #tpu.memory_space<hbm>>, %arg3: memref<16xi32, #tpu.memory_space<hbm>>, %arg4: memref<32768x64xf32, #tpu.memory_space<hbm>>, %arg5: memref<128x64xf32, #tpu.memory_space<vmem>>, %arg6: memref<128x64xf32, #tpu.memory_space<vmem>>, %arg7: memref<128x64xf32, #tpu.memory_space<vmem>>, %arg8: memref<128x64xf32, #tpu.memory_space<vmem>>, %arg9: memref<16xi32, #tpu.memory_space<vmem>>, %arg10: memref<!tpu.dma_semaphore, #tpu.memory_space<semaphore_mem>>, %arg11: memref<!tpu.dma_semaphore, #tpu.memory_space<semaphore_mem>>, %arg12: memref<!tpu.dma_semaphore, #tpu.memory_space<semaphore_mem>>, %arg13: memref<!tpu.dma_semaphore, #tpu.memory_space<semaphore_mem>>) attributes {dimension_semantics = [#tpu.dimension_semantics<core_parallel>, #tpu.dimension_semantics<subcore_parallel>], iteration_bounds = array<i64: 2, 16>, scalar_prefetch = 0 : i64, scratch_operands = 9 : i64, tpu.core_type = #tpu.core_type<sc_vector_subcore>, window_params = [{transform_indices = #map}, {transform_indices = #map1}, {transform_indices = #map}]} {
    %mul3A = arith.constant 2 : i32
    %mul3A_0 = arith.muli %arg1, %mul3A : i32
    %add3A = arith.addi %mul3A_0, %arg0 : i32
    %mul3A_1 = arith.constant 1024 : i32
    %mul3A_2 = arith.muli %add3A, %mul3A_1 : i32
    %dma_start3A = arith.constant 0 : i32
    %dma_start3A_3 = tpu.memref_slice %arg2[%mul3A_2, %dma_start3A] : memref<32768x64xf32, #tpu.memory_space<hbm>> -> memref<128x64xf32, #tpu.memory_space<hbm>>
    %dma_start3A_4 = arith.constant 0 : i32
    %dma_start3A_5 = tpu.memref_slice %arg2[%mul3A_2, %dma_start3A_4] : memref<32768x64xf32, #tpu.memory_space<hbm>> -> memref<128x64xf32, #tpu.memory_space<hbm>>
    tpu.enqueue_dma source(%dma_start3A_5 : memref<128x64xf32, #tpu.memory_space<hbm>>) target(%arg5 : memref<128x64xf32, #tpu.memory_space<vmem>>) target_semaphore(%arg10 : memref<!tpu.dma_semaphore, #tpu.memory_space<semaphore_mem>>)
    "tpu.region"() ({
      %run_scoped3A = tpu.sem_alloc : memref<!tpu.dma_semaphore, #tpu.memory_space<semaphore_mem>>
      tpu.enqueue_dma source(%arg3 : memref<16xi32, #tpu.memory_space<hbm>>) target(%arg9 : memref<16xi32, #tpu.memory_space<vmem>>) target_semaphore(%run_scoped3A : memref<!tpu.dma_semaphore, #tpu.memory_space<semaphore_mem>>)
      tpu.wait_dma2 semaphore(%run_scoped3A : memref<!tpu.dma_semaphore, #tpu.memory_space<semaphore_mem>>) src(%arg3 : memref<16xi32, #tpu.memory_space<hbm>>) dst(%arg9 : memref<16xi32, #tpu.memory_space<vmem>>)
      tpu.yield
    }) : () -> ()
    %get3A = arith.constant 0 : index
    %get3A_6 = tpu.vector_load %arg9[%get3A] {strides = array<i32>} : memref<16xi32, #tpu.memory_space<vmem>>, vector<16xi32>,
    %ne3A = arith.constant 0 : i32
    %ne3A_7 = vector.broadcast %ne3A : i32 to vector<16xi32>
    %ne3A_8 = arith.cmpi ne, %get3A_6, %ne3A_7 : vector<16xi32>
    %iota3A = tpu.iota {dimensions = array<i32: 0>} : vector<16xi32>
    %lt3A = arith.constant 8 : i32
    %lt3A_9 = vector.broadcast %lt3A : i32 to vector<16xi32>
    %lt3A_10 = arith.cmpi slt, %iota3A, %lt3A_9 : vector<16xi32>
    %broadcast_in_dim3A = arith.constant 7 : i32
    %broadcast_in_dim3A_11 = vector.broadcast %broadcast_in_dim3A : i32 to vector<16xi32>
    %broadcast_in_dim3A_12 = arith.constant 0 : i32
    %broadcast_in_dim3A_13 = vector.broadcast %broadcast_in_dim3A_12 : i32 to vector<16xi32>
    %add3A_14 = arith.constant 128 : i32
    %add3A_15 = arith.addi %mul3A_2, %add3A_14 : i32
    %dma_start3A_16 = arith.constant 0 : i32
    %dma_start3A_17 = tpu.memref_slice %arg2[%add3A_15, %dma_start3A_16] : memref<32768x64xf32, #tpu.memory_space<hbm>> -> memref<128x64xf32, #tpu.memory_space<hbm>>
    %dma_start3A_18 = arith.constant 0 : i32
    %dma_start3A_19 = tpu.memref_slice %arg2[%add3A_15, %dma_start3A_18] : memref<32768x64xf32, #tpu.memory_space<hbm>> -> memref<128x64xf32, #tpu.memory_space<hbm>>
    tpu.enqueue_dma source(%dma_start3A_19 : memref<128x64xf32, #tpu.memory_space<hbm>>) target(%arg6 : memref<128x64xf32, #tpu.memory_space<vmem>>) target_semaphore(%arg11 : memref<!tpu.dma_semaphore, #tpu.memory_space<semaphore_mem>>)
    %dma_wait3A = arith.constant 0 : i32
    %dma_wait3A_20 = tpu.memref_slice %arg2[%mul3A_2, %dma_wait3A] : memref<32768x64xf32, #tpu.memory_space<hbm>> -> memref<128x64xf32, #tpu.memory_space<hbm>>
    %dma_wait3A_21 = arith.constant 0 : i32
    %dma_wait3A_22 = tpu.memref_slice %arg2[%mul3A_2, %dma_wait3A_21] : memref<32768x64xf32, #tpu.memory_space<hbm>> -> memref<128x64xf32, #tpu.memory_space<hbm>>
    tpu.wait_dma2 semaphore(%arg10 : memref<!tpu.dma_semaphore, #tpu.memory_space<semaphore_mem>>) src(%dma_wait3A_22 : memref<128x64xf32, #tpu.memory_space<hbm>>) dst(%arg5 : memref<128x64xf32, #tpu.memory_space<vmem>>)
    %parallel_loop3A = arith.constant 0 : i32
    %parallel_loop3A_23 = arith.constant 128 : i32
    %parallel_loop3A_24 = arith.constant 1 : i32
    scf.for %parallel_loop3A_190 = %parallel_loop3A to %parallel_loop3A_23 step %parallel_loop3A_24  : i32 {
      %parallel_loop3A_191 = arith.index_cast %parallel_loop3A_190 : i32 to index
      %parallel_loop3A_192 = arith.constant 0 : index
      %parallel_loop3A_193 = tpu.vector_load %arg5[%parallel_loop3A_191, %parallel_loop3A_192] {strides = array<i32>} : memref<128x64xf32, #tpu.memory_space<vmem>>, vector<16xf32>,
      %parallel_loop3A_194 = arith.index_cast %parallel_loop3A_190 : i32 to index
      %parallel_loop3A_195 = arith.constant 16 : index
      %parallel_loop3A_196 = tpu.vector_load %arg5[%parallel_loop3A_194, %parallel_loop3A_195] {strides = array<i32>} : memref<128x64xf32, #tpu.memory_space<vmem>>, vector<16xf32>,
      %parallel_loop3A_197 = arith.index_cast %parallel_loop3A_190 : i32 to index
      %parallel_loop3A_198 = arith.constant 32 : index
      %parallel_loop3A_199 = tpu.vector_load %arg5[%parallel_loop3A_197, %parallel_loop3A_198] {strides = array<i32>} : memref<128x64xf32, #tpu.memory_space<vmem>>, vector<16xf32>,
      %parallel_loop3A_200 = arith.index_cast %parallel_loop3A_190 : i32 to index
      %parallel_loop3A_201 = arith.constant 48 : index
      %parallel_loop3A_202 = tpu.vector_load %arg5[%parallel_loop3A_200, %parallel_loop3A_201] {strides = array<i32>} : memref<128x64xf32, #tpu.memory_space<vmem>>, vector<16xf32>,
      %parallel_loop3A_203 = arith.constant dense<true> : vector<16xi1>
      %parallel_loop3A_204, %parallel_loop3A_205, %parallel_loop3A_206 = tpu.sort %parallel_loop3A_193, %parallel_loop3A_193 masked %parallel_loop3A_203 {descending = true} : (vector<16xf32>, vector<16xf32>, vector<16xi1>) -> (vector<16xi1>, vector<16xf32>, vector<16xf32>)
      %parallel_loop3A_207 = arith.constant dense<true> : vector<16xi1>
      %parallel_loop3A_208, %parallel_loop3A_209, %parallel_loop3A_210 = tpu.sort %parallel_loop3A_196, %parallel_loop3A_196 masked %parallel_loop3A_207 {descending = true} : (vector<16xf32>, vector<16xf32>, vector<16xi1>) -> (vector<16xi1>, vector<16xf32>, vector<16xf32>)
      %parallel_loop3A_211 = arith.constant dense<true> : vector<16xi1>
      %parallel_loop3A_212, %parallel_loop3A_213, %parallel_loop3A_214 = tpu.sort %parallel_loop3A_199, %parallel_loop3A_199 masked %parallel_loop3A_211 {descending = true} : (vector<16xf32>, vector<16xf32>, vector<16xi1>) -> (vector<16xi1>, vector<16xf32>, vector<16xf32>)
      %parallel_loop3A_215 = arith.constant dense<true> : vector<16xi1>
      %parallel_loop3A_216, %parallel_loop3A_217, %parallel_loop3A_218 = tpu.sort %parallel_loop3A_202, %parallel_loop3A_202 masked %parallel_loop3A_215 {descending = true} : (vector<16xf32>, vector<16xf32>, vector<16xi1>) -> (vector<16xi1>, vector<16xf32>, vector<16xf32>)
      %parallel_loop3A_219 = arith.constant 15 : i32
      %parallel_loop3A_220 = vector.broadcast %parallel_loop3A_219 : i32 to vector<16xi32>
      %parallel_loop3A_221 = tpu.iota {dimensions = array<i32: 0>} : vector<16xi32>
      %parallel_loop3A_222 = arith.subi %parallel_loop3A_220, %parallel_loop3A_221 : vector<16xi32>
      %parallel_loop3A_223 = tpu.dynamic_gather %parallel_loop3A_209[%parallel_loop3A_222] in [0] : vector<16xf32>, vector<16xi32> -> vector<16xf32>
      %parallel_loop3A_224 = arith.select %lt3A_10, %parallel_loop3A_205, %parallel_loop3A_223 : vector<16xi1>, vector<16xf32>
      %parallel_loop3A_225 = arith.constant dense<true> : vector<16xi1>
      %parallel_loop3A_226, %parallel_loop3A_227, %parallel_loop3A_228 = tpu.sort %parallel_loop3A_224, %parallel_loop3A_224 masked %parallel_loop3A_225 {descending = true} : (vector<16xf32>, vector<16xf32>, vector<16xi1>) -> (vector<16xi1>, vector<16xf32>, vector<16xf32>)
      %parallel_loop3A_229 = arith.constant 15 : i32
      %parallel_loop3A_230 = vector.broadcast %parallel_loop3A_229 : i32 to vector<16xi32>
      %parallel_loop3A_231 = tpu.iota {dimensions = array<i32: 0>} : vector<16xi32>
      %parallel_loop3A_232 = arith.subi %parallel_loop3A_230, %parallel_loop3A_231 : vector<16xi32>
      %parallel_loop3A_233 = tpu.dynamic_gather %parallel_loop3A_217[%parallel_loop3A_232] in [0] : vector<16xf32>, vector<16xi32> -> vector<16xf32>
      %parallel_loop3A_234 = arith.select %lt3A_10, %parallel_loop3A_213, %parallel_loop3A_233 : vector<16xi1>, vector<16xf32>
      %parallel_loop3A_235 = arith.constant dense<true> : vector<16xi1>
      %parallel_loop3A_236, %parallel_loop3A_237, %parallel_loop3A_238 = tpu.sort %parallel_loop3A_234, %parallel_loop3A_234 masked %parallel_loop3A_235 {descending = true} : (vector<16xf32>, vector<16xf32>, vector<16xi1>) -> (vector<16xi1>, vector<16xf32>, vector<16xf32>)
      %parallel_loop3A_239 = arith.constant 15 : i32
      %parallel_loop3A_240 = vector.broadcast %parallel_loop3A_239 : i32 to vector<16xi32>
      %parallel_loop3A_241 = tpu.iota {dimensions = array<i32: 0>} : vector<16xi32>
      %parallel_loop3A_242 = arith.subi %parallel_loop3A_240, %parallel_loop3A_241 : vector<16xi32>
      %parallel_loop3A_243 = tpu.dynamic_gather %parallel_loop3A_237[%parallel_loop3A_242] in [0] : vector<16xf32>, vector<16xi32> -> vector<16xf32>
      %parallel_loop3A_244 = arith.select %lt3A_10, %parallel_loop3A_227, %parallel_loop3A_243 : vector<16xi1>, vector<16xf32>
      %parallel_loop3A_245 = arith.constant dense<true> : vector<16xi1>
      %parallel_loop3A_246, %parallel_loop3A_247, %parallel_loop3A_248 = tpu.sort %parallel_loop3A_244, %parallel_loop3A_244 masked %parallel_loop3A_245 {descending = true} : (vector<16xf32>, vector<16xf32>, vector<16xi1>) -> (vector<16xi1>, vector<16xf32>, vector<16xf32>)
      %parallel_loop3A_249 = vector.shape_cast %broadcast_in_dim3A_13 : vector<16xi32> to vector<16x1xi32>
      %parallel_loop3A_250 = vector.shape_cast %parallel_loop3A_249 : vector<16x1xi32> to vector<16xi32>
      %parallel_loop3A_251 = tpu.dynamic_gather %parallel_loop3A_247[%parallel_loop3A_250] in [0] : vector<16xf32>, vector<16xi32> -> vector<16xf32>
      %parallel_loop3A_252 = vector.shape_cast %broadcast_in_dim3A_11 : vector<16xi32> to vector<16x1xi32>
      %parallel_loop3A_253 = vector.shape_cast %parallel_loop3A_252 : vector<16x1xi32> to vector<16xi32>
      %parallel_loop3A_254 = tpu.dynamic_gather %parallel_loop3A_247[%parallel_loop3A_253] in [0] : vector<16xf32>, vector<16xi32> -> vector<16xf32>
      %parallel_loop3A_255 = arith.cmpf oge, %parallel_loop3A_193, %parallel_loop3A_254 : vector<16xf32>
      %parallel_loop3A_256 = arith.ori %ne3A_8, %parallel_loop3A_255 : vector<16xi1>
      %parallel_loop3A_257 = arith.subf %parallel_loop3A_193, %parallel_loop3A_251 : vector<16xf32>
      %parallel_loop3A_258 = math.exp %parallel_loop3A_257 : vector<16xf32>
      %parallel_loop3A_259 = arith.constant 0.000000e+00 : f32
      %parallel_loop3A_260 = vector.broadcast %parallel_loop3A_259 : f32 to vector<16xf32>
      %parallel_loop3A_261 = arith.select %parallel_loop3A_256, %parallel_loop3A_258, %parallel_loop3A_260 : vector<16xi1>, vector<16xf32>
      %parallel_loop3A_262 = arith.cmpf oge, %parallel_loop3A_196, %parallel_loop3A_254 : vector<16xf32>
      %parallel_loop3A_263 = arith.ori %ne3A_8, %parallel_loop3A_262 : vector<16xi1>
      %parallel_loop3A_264 = arith.subf %parallel_loop3A_196, %parallel_loop3A_251 : vector<16xf32>
      %parallel_loop3A_265 = math.exp %parallel_loop3A_264 : vector<16xf32>
      %parallel_loop3A_266 = arith.constant 0.000000e+00 : f32
      %parallel_loop3A_267 = vector.broadcast %parallel_loop3A_266 : f32 to vector<16xf32>
      %parallel_loop3A_268 = arith.select %parallel_loop3A_263, %parallel_loop3A_265, %parallel_loop3A_267 : vector<16xi1>, vector<16xf32>
      %parallel_loop3A_269 = arith.cmpf oge, %parallel_loop3A_199, %parallel_loop3A_254 : vector<16xf32>
      %parallel_loop3A_270 = arith.ori %ne3A_8, %parallel_loop3A_269 : vector<16xi1>
      %parallel_loop3A_271 = arith.subf %parallel_loop3A_199, %parallel_loop3A_251 : vector<16xf32>
      %parallel_loop3A_272 = math.exp %parallel_loop3A_271 : vector<16xf32>
      %parallel_loop3A_273 = arith.constant 0.000000e+00 : f32
      %parallel_loop3A_274 = vector.broadcast %parallel_loop3A_273 : f32 to vector<16xf32>
      %parallel_loop3A_275 = arith.select %parallel_loop3A_270, %parallel_loop3A_272, %parallel_loop3A_274 : vector<16xi1>, vector<16xf32>
      %parallel_loop3A_276 = arith.cmpf oge, %parallel_loop3A_202, %parallel_loop3A_254 : vector<16xf32>
      %parallel_loop3A_277 = arith.ori %ne3A_8, %parallel_loop3A_276 : vector<16xi1>
      %parallel_loop3A_278 = arith.subf %parallel_loop3A_202, %parallel_loop3A_251 : vector<16xf32>
      %parallel_loop3A_279 = math.exp %parallel_loop3A_278 : vector<16xf32>
      %parallel_loop3A_280 = arith.constant 0.000000e+00 : f32
      %parallel_loop3A_281 = vector.broadcast %parallel_loop3A_280 : f32 to vector<16xf32>
      %parallel_loop3A_282 = arith.select %parallel_loop3A_277, %parallel_loop3A_279, %parallel_loop3A_281 : vector<16xi1>, vector<16xf32>
      %parallel_loop3A_283 = arith.addf %parallel_loop3A_261, %parallel_loop3A_268 : vector<16xf32>
      %parallel_loop3A_284 = arith.addf %parallel_loop3A_275, %parallel_loop3A_282 : vector<16xf32>
      %parallel_loop3A_285 = arith.addf %parallel_loop3A_283, %parallel_loop3A_284 : vector<16xf32>
      %parallel_loop3A_286 = arith.constant 8 : i32
      %parallel_loop3A_287 = vector.broadcast %parallel_loop3A_286 : i32 to vector<16xi32>
      %parallel_loop3A_288 = arith.xori %iota3A, %parallel_loop3A_287 : vector<16xi32>
      %parallel_loop3A_289 = vector.shape_cast %parallel_loop3A_288 : vector<16xi32> to vector<16x1xi32>
      %parallel_loop3A_290 = vector.shape_cast %parallel_loop3A_289 : vector<16x1xi32> to vector<16xi32>
      %parallel_loop3A_291 = tpu.dynamic_gather %parallel_loop3A_285[%parallel_loop3A_290] in [0] : vector<16xf32>, vector<16xi32> -> vector<16xf32>
      %parallel_loop3A_292 = arith.addf %parallel_loop3A_285, %parallel_loop3A_291 : vector<16xf32>
      %parallel_loop3A_293 = arith.constant 4 : i32
      %parallel_loop3A_294 = vector.broadcast %parallel_loop3A_293 : i32 to vector<16xi32>
      %parallel_loop3A_295 = arith.xori %iota3A, %parallel_loop3A_294 : vector<16xi32>
      %parallel_loop3A_296 = vector.shape_cast %parallel_loop3A_295 : vector<16xi32> to vector<16x1xi32>
      %parallel_loop3A_297 = vector.shape_cast %parallel_loop3A_296 : vector<16x1xi32> to vector<16xi32>
      %parallel_loop3A_298 = tpu.dynamic_gather %parallel_loop3A_292[%parallel_loop3A_297] in [0] : vector<16xf32>, vector<16xi32> -> vector<16xf32>
      %parallel_loop3A_299 = arith.addf %parallel_loop3A_292, %parallel_loop3A_298 : vector<16xf32>
      %parallel_loop3A_300 = arith.constant 2 : i32
      %parallel_loop3A_301 = vector.broadcast %parallel_loop3A_300 : i32 to vector<16xi32>
      %parallel_loop3A_302 = arith.xori %iota3A, %parallel_loop3A_301 : vector<16xi32>
      %parallel_loop3A_303 = vector.shape_cast %parallel_loop3A_302 : vector<16xi32> to vector<16x1xi32>
      %parallel_loop3A_304 = vector.shape_cast %parallel_loop3A_303 : vector<16x1xi32> to vector<16xi32>
      %parallel_loop3A_305 = tpu.dynamic_gather %parallel_loop3A_299[%parallel_loop3A_304] in [0] : vector<16xf32>, vector<16xi32> -> vector<16xf32>
      %parallel_loop3A_306 = arith.addf %parallel_loop3A_299, %parallel_loop3A_305 : vector<16xf32>
      %parallel_loop3A_307 = arith.constant 1 : i32
      %parallel_loop3A_308 = vector.broadcast %parallel_loop3A_307 : i32 to vector<16xi32>
      %parallel_loop3A_309 = arith.xori %iota3A, %parallel_loop3A_308 : vector<16xi32>
      %parallel_loop3A_310 = vector.shape_cast %parallel_loop3A_309 : vector<16xi32> to vector<16x1xi32>
      %parallel_loop3A_311 = vector.shape_cast %parallel_loop3A_310 : vector<16x1xi32> to vector<16xi32>
      %parallel_loop3A_312 = tpu.dynamic_gather %parallel_loop3A_306[%parallel_loop3A_311] in [0] : vector<16xf32>, vector<16xi32> -> vector<16xf32>
      %parallel_loop3A_313 = arith.addf %parallel_loop3A_306, %parallel_loop3A_312 : vector<16xf32>
      %parallel_loop3A_314 = arith.constant 1.000000e+00 : f32
      %parallel_loop3A_315 = vector.broadcast %parallel_loop3A_314 : f32 to vector<16xf32>
      %parallel_loop3A_316 = arith.divf %parallel_loop3A_315, %parallel_loop3A_313 : vector<16xf32>
      %parallel_loop3A_317 = arith.mulf %parallel_loop3A_261, %parallel_loop3A_316 : vector<16xf32>
      %parallel_loop3A_318 = arith.index_cast %parallel_loop3A_190 : i32 to index
      %parallel_loop3A_319 = arith.constant 0 : index
      %parallel_loop3A_320 = tpu.vector_load %arg7[%parallel_loop3A_318, %parallel_loop3A_319] {strides = array<i32>} : memref<128x64xf32, #tpu.memory_space<vmem>>, vector<16xf32>,
      tpu.vector_store %arg7[%parallel_loop3A_318, %parallel_loop3A_319], %parallel_loop3A_317 {strides = array<i32>} : memref<128x64xf32, #tpu.memory_space<vmem>>, vector<16xf32>,
      %parallel_loop3A_321 = arith.mulf %parallel_loop3A_268, %parallel_loop3A_316 : vector<16xf32>
      %parallel_loop3A_322 = arith.index_cast %parallel_loop3A_190 : i32 to index
      %parallel_loop3A_323 = arith.constant 16 : index
      %parallel_loop3A_324 = tpu.vector_load %arg7[%parallel_loop3A_322, %parallel_loop3A_323] {strides = array<i32>} : memref<128x64xf32, #tpu.memory_space<vmem>>, vector<16xf32>,
      tpu.vector_store %arg7[%parallel_loop3A_322, %parallel_loop3A_323], %parallel_loop3A_321 {strides = array<i32>} : memref<128x64xf32, #tpu.memory_space<vmem>>, vector<16xf32>,
      %parallel_loop3A_325 = arith.mulf %parallel_loop3A_275, %parallel_loop3A_316 : vector<16xf32>
      %parallel_loop3A_326 = arith.index_cast %parallel_loop3A_190 : i32 to index
      %parallel_loop3A_327 = arith.constant 32 : index
      %parallel_loop3A_328 = tpu.vector_load %arg7[%parallel_loop3A_326, %parallel_loop3A_327] {strides = array<i32>} : memref<128x64xf32, #tpu.memory_space<vmem>>, vector<16xf32>,
      tpu.vector_store %arg7[%parallel_loop3A_326, %parallel_loop3A_327], %parallel_loop3A_325 {strides = array<i32>} : memref<128x64xf32, #tpu.memory_space<vmem>>, vector<16xf32>,
      %parallel_loop3A_329 = arith.mulf %parallel_loop3A_282, %parallel_loop3A_316 : vector<16xf32>
      %parallel_loop3A_330 = arith.index_cast %parallel_loop3A_190 : i32 to index
      %parallel_loop3A_331 = arith.constant 48 : index
      %parallel_loop3A_332 = tpu.vector_load %arg7[%parallel_loop3A_330, %parallel_loop3A_331] {strides = array<i32>} : memref<128x64xf32, #tpu.memory_space<vmem>>, vector<16xf32>,
      tpu.vector_store %arg7[%parallel_loop3A_330, %parallel_loop3A_331], %parallel_loop3A_329 {strides = array<i32>} : memref<128x64xf32, #tpu.memory_space<vmem>>, vector<16xf32>,
    } {sc.loop_unroll_factor = 2 : i64, sc.parallel_access}
    %add3A_25 = arith.constant 0 : i32
    %add3A_26 = arith.addi %mul3A_2, %add3A_25 : i32
    %dma_start3A_27 = arith.constant 0 : i32
    %dma_start3A_28 = tpu.memref_slice %arg4[%add3A_26, %dma_start3A_27] : memref<32768x64xf32, #tpu.memory_space<hbm>> -> memref<128x64xf32, #tpu.memory_space<hbm>>
    %dma_start3A_29 = arith.constant 0 : i32
    %dma_start3A_30 = tpu.memref_slice %arg4[%add3A_26, %dma_start3A_29] : memref<32768x64xf32, #tpu.memory_space<hbm>> -> memref<128x64xf32, #tpu.memory_space<hbm>>
    tpu.enqueue_dma source(%arg7 : memref<128x64xf32, #tpu.memory_space<vmem>>) target(%dma_start3A_30 : memref<128x64xf32, #tpu.memory_space<hbm>>) target_semaphore(%arg12 : memref<!tpu.dma_semaphore, #tpu.memory_space<semaphore_mem>>)
    %add3A_31 = arith.constant 256 : i32
    %add3A_32 = arith.addi %mul3A_2, %add3A_31 : i32
    %dma_start3A_33 = arith.constant 0 : i32
    %dma_start3A_34 = tpu.memref_slice %arg2[%add3A_32, %dma_start3A_33] : memref<32768x64xf32, #tpu.memory_space<hbm>> -> memref<128x64xf32, #tpu.memory_space<hbm>>
    %dma_start3A_35 = arith.constant 0 : i32
    %dma_start3A_36 = tpu.memref_slice %arg2[%add3A_32, %dma_start3A_35] : memref<32768x64xf32, #tpu.memory_space<hbm>> -> memref<128x64xf32, #tpu.memory_space<hbm>>
    tpu.enqueue_dma source(%dma_start3A_36 : memref<128x64xf32, #tpu.memory_space<hbm>>) target(%arg5 : memref<128x64xf32, #tpu.memory_space<vmem>>) target_semaphore(%arg10 : memref<!tpu.dma_semaphore, #tpu.memory_space<semaphore_mem>>)
    %dma_wait3A_37 = arith.constant 0 : i32
    %dma_wait3A_38 = tpu.memref_slice %arg2[%add3A_15, %dma_wait3A_37] : memref<32768x64xf32, #tpu.memory_space<hbm>> -> memref<128x64xf32, #tpu.memory_space<hbm>>
    %dma_wait3A_39 = arith.constant 0 : i32
    %dma_wait3A_40 = tpu.memref_slice %arg2[%add3A_15, %dma_wait3A_39] : memref<32768x64xf32, #tpu.memory_space<hbm>> -> memref<128x64xf32, #tpu.memory_space<hbm>>
    tpu.wait_dma2 semaphore(%arg11 : memref<!tpu.dma_semaphore, #tpu.memory_space<semaphore_mem>>) src(%dma_wait3A_40 : memref<128x64xf32, #tpu.memory_space<hbm>>) dst(%arg6 : memref<128x64xf32, #tpu.memory_space<vmem>>)
    %parallel_loop3A_41 = arith.constant 0 : i32
    %parallel_loop3A_42 = arith.constant 128 : i32
    %parallel_loop3A_43 = arith.constant 1 : i32
    scf.for %parallel_loop3A_190 = %parallel_loop3A_41 to %parallel_loop3A_42 step %parallel_loop3A_43  : i32 {
      %parallel_loop3A_191 = arith.index_cast %parallel_loop3A_190 : i32 to index
      %parallel_loop3A_192 = arith.constant 0 : index
      %parallel_loop3A_193 = tpu.vector_load %arg6[%parallel_loop3A_191, %parallel_loop3A_192] {strides = array<i32>} : memref<128x64xf32, #tpu.memory_space<vmem>>, vector<16xf32>,
      %parallel_loop3A_194 = arith.index_cast %parallel_loop3A_190 : i32 to index
      %parallel_loop3A_195 = arith.constant 16 : index
      %parallel_loop3A_196 = tpu.vector_load %arg6[%parallel_loop3A_194, %parallel_loop3A_195] {strides = array<i32>} : memref<128x64xf32, #tpu.memory_space<vmem>>, vector<16xf32>,
      %parallel_loop3A_197 = arith.index_cast %parallel_loop3A_190 : i32 to index
      %parallel_loop3A_198 = arith.constant 32 : index
      %parallel_loop3A_199 = tpu.vector_load %arg6[%parallel_loop3A_197, %parallel_loop3A_198] {strides = array<i32>} : memref<128x64xf32, #tpu.memory_space<vmem>>, vector<16xf32>,
      %parallel_loop3A_200 = arith.index_cast %parallel_loop3A_190 : i32 to index
      %parallel_loop3A_201 = arith.constant 48 : index
      %parallel_loop3A_202 = tpu.vector_load %arg6[%parallel_loop3A_200, %parallel_loop3A_201] {strides = array<i32>} : memref<128x64xf32, #tpu.memory_space<vmem>>, vector<16xf32>,
      %parallel_loop3A_203 = arith.constant dense<true> : vector<16xi1>
      %parallel_loop3A_204, %parallel_loop3A_205, %parallel_loop3A_206 = tpu.sort %parallel_loop3A_193, %parallel_loop3A_193 masked %parallel_loop3A_203 {descending = true} : (vector<16xf32>, vector<16xf32>, vector<16xi1>) -> (vector<16xi1>, vector<16xf32>, vector<16xf32>)
      %parallel_loop3A_207 = arith.constant dense<true> : vector<16xi1>
      %parallel_loop3A_208, %parallel_loop3A_209, %parallel_loop3A_210 = tpu.sort %parallel_loop3A_196, %parallel_loop3A_196 masked %parallel_loop3A_207 {descending = true} : (vector<16xf32>, vector<16xf32>, vector<16xi1>) -> (vector<16xi1>, vector<16xf32>, vector<16xf32>)
      %parallel_loop3A_211 = arith.constant dense<true> : vector<16xi1>
      %parallel_loop3A_212, %parallel_loop3A_213, %parallel_loop3A_214 = tpu.sort %parallel_loop3A_199, %parallel_loop3A_199 masked %parallel_loop3A_211 {descending = true} : (vector<16xf32>, vector<16xf32>, vector<16xi1>) -> (vector<16xi1>, vector<16xf32>, vector<16xf32>)
      %parallel_loop3A_215 = arith.constant dense<true> : vector<16xi1>
      %parallel_loop3A_216, %parallel_loop3A_217, %parallel_loop3A_218 = tpu.sort %parallel_loop3A_202, %parallel_loop3A_202 masked %parallel_loop3A_215 {descending = true} : (vector<16xf32>, vector<16xf32>, vector<16xi1>) -> (vector<16xi1>, vector<16xf32>, vector<16xf32>)
      %parallel_loop3A_219 = arith.constant 15 : i32
      %parallel_loop3A_220 = vector.broadcast %parallel_loop3A_219 : i32 to vector<16xi32>
      %parallel_loop3A_221 = tpu.iota {dimensions = array<i32: 0>} : vector<16xi32>
      %parallel_loop3A_222 = arith.subi %parallel_loop3A_220, %parallel_loop3A_221 : vector<16xi32>
      %parallel_loop3A_223 = tpu.dynamic_gather %parallel_loop3A_209[%parallel_loop3A_222] in [0] : vector<16xf32>, vector<16xi32> -> vector<16xf32>
      %parallel_loop3A_224 = arith.select %lt3A_10, %parallel_loop3A_205, %parallel_loop3A_223 : vector<16xi1>, vector<16xf32>
      %parallel_loop3A_225 = arith.constant dense<true> : vector<16xi1>
      %parallel_loop3A_226, %parallel_loop3A_227, %parallel_loop3A_228 = tpu.sort %parallel_loop3A_224, %parallel_loop3A_224 masked %parallel_loop3A_225 {descending = true} : (vector<16xf32>, vector<16xf32>, vector<16xi1>) -> (vector<16xi1>, vector<16xf32>, vector<16xf32>)
      %parallel_loop3A_229 = arith.constant 15 : i32
      %parallel_loop3A_230 = vector.broadcast %parallel_loop3A_229 : i32 to vector<16xi32>
      %parallel_loop3A_231 = tpu.iota {dimensions = array<i32: 0>} : vector<16xi32>
      %parallel_loop3A_232 = arith.subi %parallel_loop3A_230, %parallel_loop3A_231 : vector<16xi32>
      %parallel_loop3A_233 = tpu.dynamic_gather %parallel_loop3A_217[%parallel_loop3A_232] in [0] : vector<16xf32>, vector<16xi32> -> vector<16xf32>
      %parallel_loop3A_234 = arith.select %lt3A_10, %parallel_loop3A_213, %parallel_loop3A_233 : vector<16xi1>, vector<16xf32>
      %parallel_loop3A_235 = arith.constant dense<true> : vector<16xi1>
      %parallel_loop3A_236, %parallel_loop3A_237, %parallel_loop3A_238 = tpu.sort %parallel_loop3A_234, %parallel_loop3A_234 masked %parallel_loop3A_235 {descending = true} : (vector<16xf32>, vector<16xf32>, vector<16xi1>) -> (vector<16xi1>, vector<16xf32>, vector<16xf32>)
      %parallel_loop3A_239 = arith.constant 15 : i32
      %parallel_loop3A_240 = vector.broadcast %parallel_loop3A_239 : i32 to vector<16xi32>
      %parallel_loop3A_241 = tpu.iota {dimensions = array<i32: 0>} : vector<16xi32>
      %parallel_loop3A_242 = arith.subi %parallel_loop3A_240, %parallel_loop3A_241 : vector<16xi32>
      %parallel_loop3A_243 = tpu.dynamic_gather %parallel_loop3A_237[%parallel_loop3A_242] in [0] : vector<16xf32>, vector<16xi32> -> vector<16xf32>
      %parallel_loop3A_244 = arith.select %lt3A_10, %parallel_loop3A_227, %parallel_loop3A_243 : vector<16xi1>, vector<16xf32>
      %parallel_loop3A_245 = arith.constant dense<true> : vector<16xi1>
      %parallel_loop3A_246, %parallel_loop3A_247, %parallel_loop3A_248 = tpu.sort %parallel_loop3A_244, %parallel_loop3A_244 masked %parallel_loop3A_245 {descending = true} : (vector<16xf32>, vector<16xf32>, vector<16xi1>) -> (vector<16xi1>, vector<16xf32>, vector<16xf32>)
      %parallel_loop3A_249 = vector.shape_cast %broadcast_in_dim3A_13 : vector<16xi32> to vector<16x1xi32>
      %parallel_loop3A_250 = vector.shape_cast %parallel_loop3A_249 : vector<16x1xi32> to vector<16xi32>
      %parallel_loop3A_251 = tpu.dynamic_gather %parallel_loop3A_247[%parallel_loop3A_250] in [0] : vector<16xf32>, vector<16xi32> -> vector<16xf32>
      %parallel_loop3A_252 = vector.shape_cast %broadcast_in_dim3A_11 : vector<16xi32> to vector<16x1xi32>
      %parallel_loop3A_253 = vector.shape_cast %parallel_loop3A_252 : vector<16x1xi32> to vector<16xi32>
      %parallel_loop3A_254 = tpu.dynamic_gather %parallel_loop3A_247[%parallel_loop3A_253] in [0] : vector<16xf32>, vector<16xi32> -> vector<16xf32>
      %parallel_loop3A_255 = arith.cmpf oge, %parallel_loop3A_193, %parallel_loop3A_254 : vector<16xf32>
      %parallel_loop3A_256 = arith.ori %ne3A_8, %parallel_loop3A_255 : vector<16xi1>
      %parallel_loop3A_257 = arith.subf %parallel_loop3A_193, %parallel_loop3A_251 : vector<16xf32>
      %parallel_loop3A_258 = math.exp %parallel_loop3A_257 : vector<16xf32>
      %parallel_loop3A_259 = arith.constant 0.000000e+00 : f32
      %parallel_loop3A_260 = vector.broadcast %parallel_loop3A_259 : f32 to vector<16xf32>
      %parallel_loop3A_261 = arith.select %parallel_loop3A_256, %parallel_loop3A_258, %parallel_loop3A_260 : vector<16xi1>, vector<16xf32>
      %parallel_loop3A_262 = arith.cmpf oge, %parallel_loop3A_196, %parallel_loop3A_254 : vector<16xf32>
      %parallel_loop3A_263 = arith.ori %ne3A_8, %parallel_loop3A_262 : vector<16xi1>
      %parallel_loop3A_264 = arith.subf %parallel_loop3A_196, %parallel_loop3A_251 : vector<16xf32>
      %parallel_loop3A_265 = math.exp %parallel_loop3A_264 : vector<16xf32>
      %parallel_loop3A_266 = arith.constant 0.000000e+00 : f32
      %parallel_loop3A_267 = vector.broadcast %parallel_loop3A_266 : f32 to vector<16xf32>
      %parallel_loop3A_268 = arith.select %parallel_loop3A_263, %parallel_loop3A_265, %parallel_loop3A_267 : vector<16xi1>, vector<16xf32>
      %parallel_loop3A_269 = arith.cmpf oge, %parallel_loop3A_199, %parallel_loop3A_254 : vector<16xf32>
      %parallel_loop3A_270 = arith.ori %ne3A_8, %parallel_loop3A_269 : vector<16xi1>
      %parallel_loop3A_271 = arith.subf %parallel_loop3A_199, %parallel_loop3A_251 : vector<16xf32>
      %parallel_loop3A_272 = math.exp %parallel_loop3A_271 : vector<16xf32>
      %parallel_loop3A_273 = arith.constant 0.000000e+00 : f32
      %parallel_loop3A_274 = vector.broadcast %parallel_loop3A_273 : f32 to vector<16xf32>
      %parallel_loop3A_275 = arith.select %parallel_loop3A_270, %parallel_loop3A_272, %parallel_loop3A_274 : vector<16xi1>, vector<16xf32>
      %parallel_loop3A_276 = arith.cmpf oge, %parallel_loop3A_202, %parallel_loop3A_254 : vector<16xf32>
      %parallel_loop3A_277 = arith.ori %ne3A_8, %parallel_loop3A_276 : vector<16xi1>
      %parallel_loop3A_278 = arith.subf %parallel_loop3A_202, %parallel_loop3A_251 : vector<16xf32>
      %parallel_loop3A_279 = math.exp %parallel_loop3A_278 : vector<16xf32>
      %parallel_loop3A_280 = arith.constant 0.000000e+00 : f32
      %parallel_loop3A_281 = vector.broadcast %parallel_loop3A_280 : f32 to vector<16xf32>
      %parallel_loop3A_282 = arith.select %parallel_loop3A_277, %parallel_loop3A_279, %parallel_loop3A_281 : vector<16xi1>, vector<16xf32>
      %parallel_loop3A_283 = arith.addf %parallel_loop3A_261, %parallel_loop3A_268 : vector<16xf32>
      %parallel_loop3A_284 = arith.addf %parallel_loop3A_275, %parallel_loop3A_282 : vector<16xf32>
      %parallel_loop3A_285 = arith.addf %parallel_loop3A_283, %parallel_loop3A_284 : vector<16xf32>
      %parallel_loop3A_286 = arith.constant 8 : i32
      %parallel_loop3A_287 = vector.broadcast %parallel_loop3A_286 : i32 to vector<16xi32>
      %parallel_loop3A_288 = arith.xori %iota3A, %parallel_loop3A_287 : vector<16xi32>
      %parallel_loop3A_289 = vector.shape_cast %parallel_loop3A_288 : vector<16xi32> to vector<16x1xi32>
      %parallel_loop3A_290 = vector.shape_cast %parallel_loop3A_289 : vector<16x1xi32> to vector<16xi32>
      %parallel_loop3A_291 = tpu.dynamic_gather %parallel_loop3A_285[%parallel_loop3A_290] in [0] : vector<16xf32>, vector<16xi32> -> vector<16xf32>
      %parallel_loop3A_292 = arith.addf %parallel_loop3A_285, %parallel_loop3A_291 : vector<16xf32>
      %parallel_loop3A_293 = arith.constant 4 : i32
      %parallel_loop3A_294 = vector.broadcast %parallel_loop3A_293 : i32 to vector<16xi32>
      %parallel_loop3A_295 = arith.xori %iota3A, %parallel_loop3A_294 : vector<16xi32>
      %parallel_loop3A_296 = vector.shape_cast %parallel_loop3A_295 : vector<16xi32> to vector<16x1xi32>
      %parallel_loop3A_297 = vector.shape_cast %parallel_loop3A_296 : vector<16x1xi32> to vector<16xi32>
      %parallel_loop3A_298 = tpu.dynamic_gather %parallel_loop3A_292[%parallel_loop3A_297] in [0] : vector<16xf32>, vector<16xi32> -> vector<16xf32>
      %parallel_loop3A_299 = arith.addf %parallel_loop3A_292, %parallel_loop3A_298 : vector<16xf32>
      %parallel_loop3A_300 = arith.constant 2 : i32
      %parallel_loop3A_301 = vector.broadcast %parallel_loop3A_300 : i32 to vector<16xi32>
      %parallel_loop3A_302 = arith.xori %iota3A, %parallel_loop3A_301 : vector<16xi32>
      %parallel_loop3A_303 = vector.shape_cast %parallel_loop3A_302 : vector<16xi32> to vector<16x1xi32>
      %parallel_loop3A_304 = vector.shape_cast %parallel_loop3A_303 : vector<16x1xi32> to vector<16xi32>
      %parallel_loop3A_305 = tpu.dynamic_gather %parallel_loop3A_299[%parallel_loop3A_304] in [0] : vector<16xf32>, vector<16xi32> -> vector<16xf32>
      %parallel_loop3A_306 = arith.addf %parallel_loop3A_299, %parallel_loop3A_305 : vector<16xf32>
      %parallel_loop3A_307 = arith.constant 1 : i32
      %parallel_loop3A_308 = vector.broadcast %parallel_loop3A_307 : i32 to vector<16xi32>
      %parallel_loop3A_309 = arith.xori %iota3A, %parallel_loop3A_308 : vector<16xi32>
      %parallel_loop3A_310 = vector.shape_cast %parallel_loop3A_309 : vector<16xi32> to vector<16x1xi32>
      %parallel_loop3A_311 = vector.shape_cast %parallel_loop3A_310 : vector<16x1xi32> to vector<16xi32>
      %parallel_loop3A_312 = tpu.dynamic_gather %parallel_loop3A_306[%parallel_loop3A_311] in [0] : vector<16xf32>, vector<16xi32> -> vector<16xf32>
      %parallel_loop3A_313 = arith.addf %parallel_loop3A_306, %parallel_loop3A_312 : vector<16xf32>
      %parallel_loop3A_314 = arith.constant 1.000000e+00 : f32
      %parallel_loop3A_315 = vector.broadcast %parallel_loop3A_314 : f32 to vector<16xf32>
      %parallel_loop3A_316 = arith.divf %parallel_loop3A_315, %parallel_loop3A_313 : vector<16xf32>
      %parallel_loop3A_317 = arith.mulf %parallel_loop3A_261, %parallel_loop3A_316 : vector<16xf32>
      %parallel_loop3A_318 = arith.index_cast %parallel_loop3A_190 : i32 to index
      %parallel_loop3A_319 = arith.constant 0 : index
      %parallel_loop3A_320 = tpu.vector_load %arg8[%parallel_loop3A_318, %parallel_loop3A_319] {strides = array<i32>} : memref<128x64xf32, #tpu.memory_space<vmem>>, vector<16xf32>,
      tpu.vector_store %arg8[%parallel_loop3A_318, %parallel_loop3A_319], %parallel_loop3A_317 {strides = array<i32>} : memref<128x64xf32, #tpu.memory_space<vmem>>, vector<16xf32>,
      %parallel_loop3A_321 = arith.mulf %parallel_loop3A_268, %parallel_loop3A_316 : vector<16xf32>
      %parallel_loop3A_322 = arith.index_cast %parallel_loop3A_190 : i32 to index
      %parallel_loop3A_323 = arith.constant 16 : index
      %parallel_loop3A_324 = tpu.vector_load %arg8[%parallel_loop3A_322, %parallel_loop3A_323] {strides = array<i32>} : memref<128x64xf32, #tpu.memory_space<vmem>>, vector<16xf32>,
      tpu.vector_store %arg8[%parallel_loop3A_322, %parallel_loop3A_323], %parallel_loop3A_321 {strides = array<i32>} : memref<128x64xf32, #tpu.memory_space<vmem>>, vector<16xf32>,
      %parallel_loop3A_325 = arith.mulf %parallel_loop3A_275, %parallel_loop3A_316 : vector<16xf32>
      %parallel_loop3A_326 = arith.index_cast %parallel_loop3A_190 : i32 to index
      %parallel_loop3A_327 = arith.constant 32 : index
      %parallel_loop3A_328 = tpu.vector_load %arg8[%parallel_loop3A_326, %parallel_loop3A_327] {strides = array<i32>} : memref<128x64xf32, #tpu.memory_space<vmem>>, vector<16xf32>,
      tpu.vector_store %arg8[%parallel_loop3A_326, %parallel_loop3A_327], %parallel_loop3A_325 {strides = array<i32>} : memref<128x64xf32, #tpu.memory_space<vmem>>, vector<16xf32>,
      %parallel_loop3A_329 = arith.mulf %parallel_loop3A_282, %parallel_loop3A_316 : vector<16xf32>
      %parallel_loop3A_330 = arith.index_cast %parallel_loop3A_190 : i32 to index
      %parallel_loop3A_331 = arith.constant 48 : index
      %parallel_loop3A_332 = tpu.vector_load %arg8[%parallel_loop3A_330, %parallel_loop3A_331] {strides = array<i32>} : memref<128x64xf32, #tpu.memory_space<vmem>>, vector<16xf32>,
      tpu.vector_store %arg8[%parallel_loop3A_330, %parallel_loop3A_331], %parallel_loop3A_329 {strides = array<i32>} : memref<128x64xf32, #tpu.memory_space<vmem>>, vector<16xf32>,
    } {sc.loop_unroll_factor = 2 : i64, sc.parallel_access}
    %add3A_44 = arith.constant 128 : i32
    %add3A_45 = arith.addi %mul3A_2, %add3A_44 : i32
    %dma_start3A_46 = arith.constant 0 : i32
    %dma_start3A_47 = tpu.memref_slice %arg4[%add3A_45, %dma_start3A_46] : memref<32768x64xf32, #tpu.memory_space<hbm>> -> memref<128x64xf32, #tpu.memory_space<hbm>>
    %dma_start3A_48 = arith.constant 0 : i32
    %dma_start3A_49 = tpu.memref_slice %arg4[%add3A_45, %dma_start3A_48] : memref<32768x64xf32, #tpu.memory_space<hbm>> -> memref<128x64xf32, #tpu.memory_space<hbm>>
    tpu.enqueue_dma source(%arg8 : memref<128x64xf32, #tpu.memory_space<vmem>>) target(%dma_start3A_49 : memref<128x64xf32, #tpu.memory_space<hbm>>) target_semaphore(%arg13 : memref<!tpu.dma_semaphore, #tpu.memory_space<semaphore_mem>>)
    %add3A_50 = arith.constant 384 : i32
    %add3A_51 = arith.addi %mul3A_2, %add3A_50 : i32
    %dma_start3A_52 = arith.constant 0 : i32
    %dma_start3A_53 = tpu.memref_slice %arg2[%add3A_51, %dma_start3A_52] : memref<32768x64xf32, #tpu.memory_space<hbm>> -> memref<128x64xf32, #tpu.memory_space<hbm>>
    %dma_start3A_54 = arith.constant 0 : i32
    %dma_start3A_55 = tpu.memref_slice %arg2[%add3A_51, %dma_start3A_54] : memref<32768x64xf32, #tpu.memory_space<hbm>> -> memref<128x64xf32, #tpu.memory_space<hbm>>
    tpu.enqueue_dma source(%dma_start3A_55 : memref<128x64xf32, #tpu.memory_space<hbm>>) target(%arg6 : memref<128x64xf32, #tpu.memory_space<vmem>>) target_semaphore(%arg11 : memref<!tpu.dma_semaphore, #tpu.memory_space<semaphore_mem>>)
    %dma_wait3A_56 = arith.constant 0 : i32
    %dma_wait3A_57 = tpu.memref_slice %arg2[%add3A_32, %dma_wait3A_56] : memref<32768x64xf32, #tpu.memory_space<hbm>> -> memref<128x64xf32, #tpu.memory_space<hbm>>
    %dma_wait3A_58 = arith.constant 0 : i32
    %dma_wait3A_59 = tpu.memref_slice %arg2[%add3A_32, %dma_wait3A_58] : memref<32768x64xf32, #tpu.memory_space<hbm>> -> memref<128x64xf32, #tpu.memory_space<hbm>>
    tpu.wait_dma2 semaphore(%arg10 : memref<!tpu.dma_semaphore, #tpu.memory_space<semaphore_mem>>) src(%dma_wait3A_59 : memref<128x64xf32, #tpu.memory_space<hbm>>) dst(%arg5 : memref<128x64xf32, #tpu.memory_space<vmem>>)
    %dma_wait3A_60 = arith.constant 0 : i32
    %dma_wait3A_61 = tpu.memref_slice %arg4[%add3A_26, %dma_wait3A_60] : memref<32768x64xf32, #tpu.memory_space<hbm>> -> memref<128x64xf32, #tpu.memory_space<hbm>>
    %dma_wait3A_62 = arith.constant 0 : i32
    %dma_wait3A_63 = tpu.memref_slice %arg4[%add3A_26, %dma_wait3A_62] : memref<32768x64xf32, #tpu.memory_space<hbm>> -> memref<128x64xf32, #tpu.memory_space<hbm>>
    tpu.wait_dma2 semaphore(%arg12 : memref<!tpu.dma_semaphore, #tpu.memory_space<semaphore_mem>>) src(%arg7 : memref<128x64xf32, #tpu.memory_space<vmem>>) dst(%dma_wait3A_63 : memref<128x64xf32, #tpu.memory_space<hbm>>)
    %parallel_loop3A_64 = arith.constant 0 : i32
    %parallel_loop3A_65 = arith.constant 128 : i32
    %parallel_loop3A_66 = arith.constant 1 : i32
    scf.for %parallel_loop3A_190 = %parallel_loop3A_64 to %parallel_loop3A_65 step %parallel_loop3A_66  : i32 {
      %parallel_loop3A_191 = arith.index_cast %parallel_loop3A_190 : i32 to index
      %parallel_loop3A_192 = arith.constant 0 : index
      %parallel_loop3A_193 = tpu.vector_load %arg5[%parallel_loop3A_191, %parallel_loop3A_192] {strides = array<i32>} : memref<128x64xf32, #tpu.memory_space<vmem>>, vector<16xf32>,
      %parallel_loop3A_194 = arith.index_cast %parallel_loop3A_190 : i32 to index
      %parallel_loop3A_195 = arith.constant 16 : index
      %parallel_loop3A_196 = tpu.vector_load %arg5[%parallel_loop3A_194, %parallel_loop3A_195] {strides = array<i32>} : memref<128x64xf32, #tpu.memory_space<vmem>>, vector<16xf32>,
      %parallel_loop3A_197 = arith.index_cast %parallel_loop3A_190 : i32 to index
      %parallel_loop3A_198 = arith.constant 32 : index
      %parallel_loop3A_199 = tpu.vector_load %arg5[%parallel_loop3A_197, %parallel_loop3A_198] {strides = array<i32>} : memref<128x64xf32, #tpu.memory_space<vmem>>, vector<16xf32>,
      %parallel_loop3A_200 = arith.index_cast %parallel_loop3A_190 : i32 to index
      %parallel_loop3A_201 = arith.constant 48 : index
      %parallel_loop3A_202 = tpu.vector_load %arg5[%parallel_loop3A_200, %parallel_loop3A_201] {strides = array<i32>} : memref<128x64xf32, #tpu.memory_space<vmem>>, vector<16xf32>,
      %parallel_loop3A_203 = arith.constant dense<true> : vector<16xi1>
      %parallel_loop3A_204, %parallel_loop3A_205, %parallel_loop3A_206 = tpu.sort %parallel_loop3A_193, %parallel_loop3A_193 masked %parallel_loop3A_203 {descending = true} : (vector<16xf32>, vector<16xf32>, vector<16xi1>) -> (vector<16xi1>, vector<16xf32>, vector<16xf32>)
      %parallel_loop3A_207 = arith.constant dense<true> : vector<16xi1>
      %parallel_loop3A_208, %parallel_loop3A_209, %parallel_loop3A_210 = tpu.sort %parallel_loop3A_196, %parallel_loop3A_196 masked %parallel_loop3A_207 {descending = true} : (vector<16xf32>, vector<16xf32>, vector<16xi1>) -> (vector<16xi1>, vector<16xf32>, vector<16xf32>)
      %parallel_loop3A_211 = arith.constant dense<true> : vector<16xi1>
      %parallel_loop3A_212, %parallel_loop3A_213, %parallel_loop3A_214 = tpu.sort %parallel_loop3A_199, %parallel_loop3A_199 masked %parallel_loop3A_211 {descending = true} : (vector<16xf32>, vector<16xf32>, vector<16xi1>) -> (vector<16xi1>, vector<16xf32>, vector<16xf32>)
      %parallel_loop3A_215 = arith.constant dense<true> : vector<16xi1>
      %parallel_loop3A_216, %parallel_loop3A_217, %parallel_loop3A_218 = tpu.sort %parallel_loop3A_202, %parallel_loop3A_202 masked %parallel_loop3A_215 {descending = true} : (vector<16xf32>, vector<16xf32>, vector<16xi1>) -> (vector<16xi1>, vector<16xf32>, vector<16xf32>)
      %parallel_loop3A_219 = arith.constant 15 : i32
      %parallel_loop3A_220 = vector.broadcast %parallel_loop3A_219 : i32 to vector<16xi32>
      %parallel_loop3A_221 = tpu.iota {dimensions = array<i32: 0>} : vector<16xi32>
      %parallel_loop3A_222 = arith.subi %parallel_loop3A_220, %parallel_loop3A_221 : vector<16xi32>
      %parallel_loop3A_223 = tpu.dynamic_gather %parallel_loop3A_209[%parallel_loop3A_222] in [0] : vector<16xf32>, vector<16xi32> -> vector<16xf32>
      %parallel_loop3A_224 = arith.select %lt3A_10, %parallel_loop3A_205, %parallel_loop3A_223 : vector<16xi1>, vector<16xf32>
      %parallel_loop3A_225 = arith.constant dense<true> : vector<16xi1>
      %parallel_loop3A_226, %parallel_loop3A_227, %parallel_loop3A_228 = tpu.sort %parallel_loop3A_224, %parallel_loop3A_224 masked %parallel_loop3A_225 {descending = true} : (vector<16xf32>, vector<16xf32>, vector<16xi1>) -> (vector<16xi1>, vector<16xf32>, vector<16xf32>)
      %parallel_loop3A_229 = arith.constant 15 : i32
      %parallel_loop3A_230 = vector.broadcast %parallel_loop3A_229 : i32 to vector<16xi32>
      %parallel_loop3A_231 = tpu.iota {dimensions = array<i32: 0>} : vector<16xi32>
      %parallel_loop3A_232 = arith.subi %parallel_loop3A_230, %parallel_loop3A_231 : vector<16xi32>
      %parallel_loop3A_233 = tpu.dynamic_gather %parallel_loop3A_217[%parallel_loop3A_232] in [0] : vector<16xf32>, vector<16xi32> -> vector<16xf32>
      %parallel_loop3A_234 = arith.select %lt3A_10, %parallel_loop3A_213, %parallel_loop3A_233 : vector<16xi1>, vector<16xf32>
      %parallel_loop3A_235 = arith.constant dense<true> : vector<16xi1>
      %parallel_loop3A_236, %parallel_loop3A_237, %parallel_loop3A_238 = tpu.sort %parallel_loop3A_234, %parallel_loop3A_234 masked %parallel_loop3A_235 {descending = true} : (vector<16xf32>, vector<16xf32>, vector<16xi1>) -> (vector<16xi1>, vector<16xf32>, vector<16xf32>)
      %parallel_loop3A_239 = arith.constant 15 : i32
      %parallel_loop3A_240 = vector.broadcast %parallel_loop3A_239 : i32 to vector<16xi32>
      %parallel_loop3A_241 = tpu.iota {dimensions = array<i32: 0>} : vector<16xi32>
      %parallel_loop3A_242 = arith.subi %parallel_loop3A_240, %parallel_loop3A_241 : vector<16xi32>
      %parallel_loop3A_243 = tpu.dynamic_gather %parallel_loop3A_237[%parallel_loop3A_242] in [0] : vector<16xf32>, vector<16xi32> -> vector<16xf32>
      %parallel_loop3A_244 = arith.select %lt3A_10, %parallel_loop3A_227, %parallel_loop3A_243 : vector<16xi1>, vector<16xf32>
      %parallel_loop3A_245 = arith.constant dense<true> : vector<16xi1>
      %parallel_loop3A_246, %parallel_loop3A_247, %parallel_loop3A_248 = tpu.sort %parallel_loop3A_244, %parallel_loop3A_244 masked %parallel_loop3A_245 {descending = true} : (vector<16xf32>, vector<16xf32>, vector<16xi1>) -> (vector<16xi1>, vector<16xf32>, vector<16xf32>)
      %parallel_loop3A_249 = vector.shape_cast %broadcast_in_dim3A_13 : vector<16xi32> to vector<16x1xi32>
      %parallel_loop3A_250 = vector.shape_cast %parallel_loop3A_249 : vector<16x1xi32> to vector<16xi32>
      %parallel_loop3A_251 = tpu.dynamic_gather %parallel_loop3A_247[%parallel_loop3A_250] in [0] : vector<16xf32>, vector<16xi32> -> vector<16xf32>
      %parallel_loop3A_252 = vector.shape_cast %broadcast_in_dim3A_11 : vector<16xi32> to vector<16x1xi32>
      %parallel_loop3A_253 = vector.shape_cast %parallel_loop3A_252 : vector<16x1xi32> to vector<16xi32>
      %parallel_loop3A_254 = tpu.dynamic_gather %parallel_loop3A_247[%parallel_loop3A_253] in [0] : vector<16xf32>, vector<16xi32> -> vector<16xf32>
      %parallel_loop3A_255 = arith.cmpf oge, %parallel_loop3A_193, %parallel_loop3A_254 : vector<16xf32>
      %parallel_loop3A_256 = arith.ori %ne3A_8, %parallel_loop3A_255 : vector<16xi1>
      %parallel_loop3A_257 = arith.subf %parallel_loop3A_193, %parallel_loop3A_251 : vector<16xf32>
      %parallel_loop3A_258 = math.exp %parallel_loop3A_257 : vector<16xf32>
      %parallel_loop3A_259 = arith.constant 0.000000e+00 : f32
      %parallel_loop3A_260 = vector.broadcast %parallel_loop3A_259 : f32 to vector<16xf32>
      %parallel_loop3A_261 = arith.select %parallel_loop3A_256, %parallel_loop3A_258, %parallel_loop3A_260 : vector<16xi1>, vector<16xf32>
      %parallel_loop3A_262 = arith.cmpf oge, %parallel_loop3A_196, %parallel_loop3A_254 : vector<16xf32>
      %parallel_loop3A_263 = arith.ori %ne3A_8, %parallel_loop3A_262 : vector<16xi1>
      %parallel_loop3A_264 = arith.subf %parallel_loop3A_196, %parallel_loop3A_251 : vector<16xf32>
      %parallel_loop3A_265 = math.exp %parallel_loop3A_264 : vector<16xf32>
      %parallel_loop3A_266 = arith.constant 0.000000e+00 : f32
      %parallel_loop3A_267 = vector.broadcast %parallel_loop3A_266 : f32 to vector<16xf32>
      %parallel_loop3A_268 = arith.select %parallel_loop3A_263, %parallel_loop3A_265, %parallel_loop3A_267 : vector<16xi1>, vector<16xf32>
      %parallel_loop3A_269 = arith.cmpf oge, %parallel_loop3A_199, %parallel_loop3A_254 : vector<16xf32>
      %parallel_loop3A_270 = arith.ori %ne3A_8, %parallel_loop3A_269 : vector<16xi1>
      %parallel_loop3A_271 = arith.subf %parallel_loop3A_199, %parallel_loop3A_251 : vector<16xf32>
      %parallel_loop3A_272 = math.exp %parallel_loop3A_271 : vector<16xf32>
      %parallel_loop3A_273 = arith.constant 0.000000e+00 : f32
      %parallel_loop3A_274 = vector.broadcast %parallel_loop3A_273 : f32 to vector<16xf32>
      %parallel_loop3A_275 = arith.select %parallel_loop3A_270, %parallel_loop3A_272, %parallel_loop3A_274 : vector<16xi1>, vector<16xf32>
      %parallel_loop3A_276 = arith.cmpf oge, %parallel_loop3A_202, %parallel_loop3A_254 : vector<16xf32>
      %parallel_loop3A_277 = arith.ori %ne3A_8, %parallel_loop3A_276 : vector<16xi1>
      %parallel_loop3A_278 = arith.subf %parallel_loop3A_202, %parallel_loop3A_251 : vector<16xf32>
      %parallel_loop3A_279 = math.exp %parallel_loop3A_278 : vector<16xf32>
      %parallel_loop3A_280 = arith.constant 0.000000e+00 : f32
      %parallel_loop3A_281 = vector.broadcast %parallel_loop3A_280 : f32 to vector<16xf32>
      %parallel_loop3A_282 = arith.select %parallel_loop3A_277, %parallel_loop3A_279, %parallel_loop3A_281 : vector<16xi1>, vector<16xf32>
      %parallel_loop3A_283 = arith.addf %parallel_loop3A_261, %parallel_loop3A_268 : vector<16xf32>
      %parallel_loop3A_284 = arith.addf %parallel_loop3A_275, %parallel_loop3A_282 : vector<16xf32>
      %parallel_loop3A_285 = arith.addf %parallel_loop3A_283, %parallel_loop3A_284 : vector<16xf32>
      %parallel_loop3A_286 = arith.constant 8 : i32
      %parallel_loop3A_287 = vector.broadcast %parallel_loop3A_286 : i32 to vector<16xi32>
      %parallel_loop3A_288 = arith.xori %iota3A, %parallel_loop3A_287 : vector<16xi32>
      %parallel_loop3A_289 = vector.shape_cast %parallel_loop3A_288 : vector<16xi32> to vector<16x1xi32>
      %parallel_loop3A_290 = vector.shape_cast %parallel_loop3A_289 : vector<16x1xi32> to vector<16xi32>
      %parallel_loop3A_291 = tpu.dynamic_gather %parallel_loop3A_285[%parallel_loop3A_290] in [0] : vector<16xf32>, vector<16xi32> -> vector<16xf32>
      %parallel_loop3A_292 = arith.addf %parallel_loop3A_285, %parallel_loop3A_291 : vector<16xf32>
      %parallel_loop3A_293 = arith.constant 4 : i32
      %parallel_loop3A_294 = vector.broadcast %parallel_loop3A_293 : i32 to vector<16xi32>
      %parallel_loop3A_295 = arith.xori %iota3A, %parallel_loop3A_294 : vector<16xi32>
      %parallel_loop3A_296 = vector.shape_cast %parallel_loop3A_295 : vector<16xi32> to vector<16x1xi32>
      %parallel_loop3A_297 = vector.shape_cast %parallel_loop3A_296 : vector<16x1xi32> to vector<16xi32>
      %parallel_loop3A_298 = tpu.dynamic_gather %parallel_loop3A_292[%parallel_loop3A_297] in [0] : vector<16xf32>, vector<16xi32> -> vector<16xf32>
      %parallel_loop3A_299 = arith.addf %parallel_loop3A_292, %parallel_loop3A_298 : vector<16xf32>
      %parallel_loop3A_300 = arith.constant 2 : i32
      %parallel_loop3A_301 = vector.broadcast %parallel_loop3A_300 : i32 to vector<16xi32>
      %parallel_loop3A_302 = arith.xori %iota3A, %parallel_loop3A_301 : vector<16xi32>
      %parallel_loop3A_303 = vector.shape_cast %parallel_loop3A_302 : vector<16xi32> to vector<16x1xi32>
      %parallel_loop3A_304 = vector.shape_cast %parallel_loop3A_303 : vector<16x1xi32> to vector<16xi32>
      %parallel_loop3A_305 = tpu.dynamic_gather %parallel_loop3A_299[%parallel_loop3A_304] in [0] : vector<16xf32>, vector<16xi32> -> vector<16xf32>
      %parallel_loop3A_306 = arith.addf %parallel_loop3A_299, %parallel_loop3A_305 : vector<16xf32>
      %parallel_loop3A_307 = arith.constant 1 : i32
      %parallel_loop3A_308 = vector.broadcast %parallel_loop3A_307 : i32 to vector<16xi32>
      %parallel_loop3A_309 = arith.xori %iota3A, %parallel_loop3A_308 : vector<16xi32>
      %parallel_loop3A_310 = vector.shape_cast %parallel_loop3A_309 : vector<16xi32> to vector<16x1xi32>
      %parallel_loop3A_311 = vector.shape_cast %parallel_loop3A_310 : vector<16x1xi32> to vector<16xi32>
      %parallel_loop3A_312 = tpu.dynamic_gather %parallel_loop3A_306[%parallel_loop3A_311] in [0] : vector<16xf32>, vector<16xi32> -> vector<16xf32>
      %parallel_loop3A_313 = arith.addf %parallel_loop3A_306, %parallel_loop3A_312 : vector<16xf32>
      %parallel_loop3A_314 = arith.constant 1.000000e+00 : f32
      %parallel_loop3A_315 = vector.broadcast %parallel_loop3A_314 : f32 to vector<16xf32>
      %parallel_loop3A_316 = arith.divf %parallel_loop3A_315, %parallel_loop3A_313 : vector<16xf32>
      %parallel_loop3A_317 = arith.mulf %parallel_loop3A_261, %parallel_loop3A_316 : vector<16xf32>
      %parallel_loop3A_318 = arith.index_cast %parallel_loop3A_190 : i32 to index
      %parallel_loop3A_319 = arith.constant 0 : index
      %parallel_loop3A_320 = tpu.vector_load %arg7[%parallel_loop3A_318, %parallel_loop3A_319] {strides = array<i32>} : memref<128x64xf32, #tpu.memory_space<vmem>>, vector<16xf32>,
      tpu.vector_store %arg7[%parallel_loop3A_318, %parallel_loop3A_319], %parallel_loop3A_317 {strides = array<i32>} : memref<128x64xf32, #tpu.memory_space<vmem>>, vector<16xf32>,
      %parallel_loop3A_321 = arith.mulf %parallel_loop3A_268, %parallel_loop3A_316 : vector<16xf32>
      %parallel_loop3A_322 = arith.index_cast %parallel_loop3A_190 : i32 to index
      %parallel_loop3A_323 = arith.constant 16 : index
      %parallel_loop3A_324 = tpu.vector_load %arg7[%parallel_loop3A_322, %parallel_loop3A_323] {strides = array<i32>} : memref<128x64xf32, #tpu.memory_space<vmem>>, vector<16xf32>,
      tpu.vector_store %arg7[%parallel_loop3A_322, %parallel_loop3A_323], %parallel_loop3A_321 {strides = array<i32>} : memref<128x64xf32, #tpu.memory_space<vmem>>, vector<16xf32>,
      %parallel_loop3A_325 = arith.mulf %parallel_loop3A_275, %parallel_loop3A_316 : vector<16xf32>
      %parallel_loop3A_326 = arith.index_cast %parallel_loop3A_190 : i32 to index
      %parallel_loop3A_327 = arith.constant 32 : index
      %parallel_loop3A_328 = tpu.vector_load %arg7[%parallel_loop3A_326, %parallel_loop3A_327] {strides = array<i32>} : memref<128x64xf32, #tpu.memory_space<vmem>>, vector<16xf32>,
      tpu.vector_store %arg7[%parallel_loop3A_326, %parallel_loop3A_327], %parallel_loop3A_325 {strides = array<i32>} : memref<128x64xf32, #tpu.memory_space<vmem>>, vector<16xf32>,
      %parallel_loop3A_329 = arith.mulf %parallel_loop3A_282, %parallel_loop3A_316 : vector<16xf32>
      %parallel_loop3A_330 = arith.index_cast %parallel_loop3A_190 : i32 to index
      %parallel_loop3A_331 = arith.constant 48 : index
      %parallel_loop3A_332 = tpu.vector_load %arg7[%parallel_loop3A_330, %parallel_loop3A_331] {strides = array<i32>} : memref<128x64xf32, #tpu.memory_space<vmem>>, vector<16xf32>,
      tpu.vector_store %arg7[%parallel_loop3A_330, %parallel_loop3A_331], %parallel_loop3A_329 {strides = array<i32>} : memref<128x64xf32, #tpu.memory_space<vmem>>, vector<16xf32>,
    } {sc.loop_unroll_factor = 2 : i64, sc.parallel_access}
    %add3A_67 = arith.constant 256 : i32
    %add3A_68 = arith.addi %mul3A_2, %add3A_67 : i32
    %dma_start3A_69 = arith.constant 0 : i32
    %dma_start3A_70 = tpu.memref_slice %arg4[%add3A_68, %dma_start3A_69] : memref<32768x64xf32, #tpu.memory_space<hbm>> -> memref<128x64xf32, #tpu.memory_space<hbm>>
    %dma_start3A_71 = arith.constant 0 : i32
    %dma_start3A_72 = tpu.memref_slice %arg4[%add3A_68, %dma_start3A_71] : memref<32768x64xf32, #tpu.memory_space<hbm>> -> memref<128x64xf32, #tpu.memory_space<hbm>>
    tpu.enqueue_dma source(%arg7 : memref<128x64xf32, #tpu.memory_space<vmem>>) target(%dma_start3A_72 : memref<128x64xf32, #tpu.memory_space<hbm>>) target_semaphore(%arg12 : memref<!tpu.dma_semaphore, #tpu.memory_space<semaphore_mem>>)
    %add3A_73 = arith.constant 512 : i32
    %add3A_74 = arith.addi %mul3A_2, %add3A_73 : i32
    %dma_start3A_75 = arith.constant 0 : i32
    %dma_start3A_76 = tpu.memref_slice %arg2[%add3A_74, %dma_start3A_75] : memref<32768x64xf32, #tpu.memory_space<hbm>> -> memref<128x64xf32, #tpu.memory_space<hbm>>
    %dma_start3A_77 = arith.constant 0 : i32
    %dma_start3A_78 = tpu.memref_slice %arg2[%add3A_74, %dma_start3A_77] : memref<32768x64xf32, #tpu.memory_space<hbm>> -> memref<128x64xf32, #tpu.memory_space<hbm>>
    tpu.enqueue_dma source(%dma_start3A_78 : memref<128x64xf32, #tpu.memory_space<hbm>>) target(%arg5 : memref<128x64xf32, #tpu.memory_space<vmem>>) target_semaphore(%arg10 : memref<!tpu.dma_semaphore, #tpu.memory_space<semaphore_mem>>)
    %dma_wait3A_79 = arith.constant 0 : i32
    %dma_wait3A_80 = tpu.memref_slice %arg2[%add3A_51, %dma_wait3A_79] : memref<32768x64xf32, #tpu.memory_space<hbm>> -> memref<128x64xf32, #tpu.memory_space<hbm>>
    %dma_wait3A_81 = arith.constant 0 : i32
    %dma_wait3A_82 = tpu.memref_slice %arg2[%add3A_51, %dma_wait3A_81] : memref<32768x64xf32, #tpu.memory_space<hbm>> -> memref<128x64xf32, #tpu.memory_space<hbm>>
    tpu.wait_dma2 semaphore(%arg11 : memref<!tpu.dma_semaphore, #tpu.memory_space<semaphore_mem>>) src(%dma_wait3A_82 : memref<128x64xf32, #tpu.memory_space<hbm>>) dst(%arg6 : memref<128x64xf32, #tpu.memory_space<vmem>>)
    %dma_wait3A_83 = arith.constant 0 : i32
    %dma_wait3A_84 = tpu.memref_slice %arg4[%add3A_45, %dma_wait3A_83] : memref<32768x64xf32, #tpu.memory_space<hbm>> -> memref<128x64xf32, #tpu.memory_space<hbm>>
    %dma_wait3A_85 = arith.constant 0 : i32
    %dma_wait3A_86 = tpu.memref_slice %arg4[%add3A_45, %dma_wait3A_85] : memref<32768x64xf32, #tpu.memory_space<hbm>> -> memref<128x64xf32, #tpu.memory_space<hbm>>
    tpu.wait_dma2 semaphore(%arg13 : memref<!tpu.dma_semaphore, #tpu.memory_space<semaphore_mem>>) src(%arg8 : memref<128x64xf32, #tpu.memory_space<vmem>>) dst(%dma_wait3A_86 : memref<128x64xf32, #tpu.memory_space<hbm>>)
    %parallel_loop3A_87 = arith.constant 0 : i32
    %parallel_loop3A_88 = arith.constant 128 : i32
    %parallel_loop3A_89 = arith.constant 1 : i32
    scf.for %parallel_loop3A_190 = %parallel_loop3A_87 to %parallel_loop3A_88 step %parallel_loop3A_89  : i32 {
      %parallel_loop3A_191 = arith.index_cast %parallel_loop3A_190 : i32 to index
      %parallel_loop3A_192 = arith.constant 0 : index
      %parallel_loop3A_193 = tpu.vector_load %arg6[%parallel_loop3A_191, %parallel_loop3A_192] {strides = array<i32>} : memref<128x64xf32, #tpu.memory_space<vmem>>, vector<16xf32>,
      %parallel_loop3A_194 = arith.index_cast %parallel_loop3A_190 : i32 to index
      %parallel_loop3A_195 = arith.constant 16 : index
      %parallel_loop3A_196 = tpu.vector_load %arg6[%parallel_loop3A_194, %parallel_loop3A_195] {strides = array<i32>} : memref<128x64xf32, #tpu.memory_space<vmem>>, vector<16xf32>,
      %parallel_loop3A_197 = arith.index_cast %parallel_loop3A_190 : i32 to index
      %parallel_loop3A_198 = arith.constant 32 : index
      %parallel_loop3A_199 = tpu.vector_load %arg6[%parallel_loop3A_197, %parallel_loop3A_198] {strides = array<i32>} : memref<128x64xf32, #tpu.memory_space<vmem>>, vector<16xf32>,
      %parallel_loop3A_200 = arith.index_cast %parallel_loop3A_190 : i32 to index
      %parallel_loop3A_201 = arith.constant 48 : index
      %parallel_loop3A_202 = tpu.vector_load %arg6[%parallel_loop3A_200, %parallel_loop3A_201] {strides = array<i32>} : memref<128x64xf32, #tpu.memory_space<vmem>>, vector<16xf32>,
      %parallel_loop3A_203 = arith.constant dense<true> : vector<16xi1>
      %parallel_loop3A_204, %parallel_loop3A_205, %parallel_loop3A_206 = tpu.sort %parallel_loop3A_193, %parallel_loop3A_193 masked %parallel_loop3A_203 {descending = true} : (vector<16xf32>, vector<16xf32>, vector<16xi1>) -> (vector<16xi1>, vector<16xf32>, vector<16xf32>)
      %parallel_loop3A_207 = arith.constant dense<true> : vector<16xi1>
      %parallel_loop3A_208, %parallel_loop3A_209, %parallel_loop3A_210 = tpu.sort %parallel_loop3A_196, %parallel_loop3A_196 masked %parallel_loop3A_207 {descending = true} : (vector<16xf32>, vector<16xf32>, vector<16xi1>) -> (vector<16xi1>, vector<16xf32>, vector<16xf32>)
      %parallel_loop3A_211 = arith.constant dense<true> : vector<16xi1>
      %parallel_loop3A_212, %parallel_loop3A_213, %parallel_loop3A_214 = tpu.sort %parallel_loop3A_199, %parallel_loop3A_199 masked %parallel_loop3A_211 {descending = true} : (vector<16xf32>, vector<16xf32>, vector<16xi1>) -> (vector<16xi1>, vector<16xf32>, vector<16xf32>)
      %parallel_loop3A_215 = arith.constant dense<true> : vector<16xi1>
      %parallel_loop3A_216, %parallel_loop3A_217, %parallel_loop3A_218 = tpu.sort %parallel_loop3A_202, %parallel_loop3A_202 masked %parallel_loop3A_215 {descending = true} : (vector<16xf32>, vector<16xf32>, vector<16xi1>) -> (vector<16xi1>, vector<16xf32>, vector<16xf32>)
      %parallel_loop3A_219 = arith.constant 15 : i32
      %parallel_loop3A_220 = vector.broadcast %parallel_loop3A_219 : i32 to vector<16xi32>
      %parallel_loop3A_221 = tpu.iota {dimensions = array<i32: 0>} : vector<16xi32>
      %parallel_loop3A_222 = arith.subi %parallel_loop3A_220, %parallel_loop3A_221 : vector<16xi32>
      %parallel_loop3A_223 = tpu.dynamic_gather %parallel_loop3A_209[%parallel_loop3A_222] in [0] : vector<16xf32>, vector<16xi32> -> vector<16xf32>
      %parallel_loop3A_224 = arith.select %lt3A_10, %parallel_loop3A_205, %parallel_loop3A_223 : vector<16xi1>, vector<16xf32>
      %parallel_loop3A_225 = arith.constant dense<true> : vector<16xi1>
      %parallel_loop3A_226, %parallel_loop3A_227, %parallel_loop3A_228 = tpu.sort %parallel_loop3A_224, %parallel_loop3A_224 masked %parallel_loop3A_225 {descending = true} : (vector<16xf32>, vector<16xf32>, vector<16xi1>) -> (vector<16xi1>, vector<16xf32>, vector<16xf32>)
      %parallel_loop3A_229 = arith.constant 15 : i32
      %parallel_loop3A_230 = vector.broadcast %parallel_loop3A_229 : i32 to vector<16xi32>
      %parallel_loop3A_231 = tpu.iota {dimensions = array<i32: 0>} : vector<16xi32>
      %parallel_loop3A_232 = arith.subi %parallel_loop3A_230, %parallel_loop3A_231 : vector<16xi32>
      %parallel_loop3A_233 = tpu.dynamic_gather %parallel_loop3A_217[%parallel_loop3A_232] in [0] : vector<16xf32>, vector<16xi32> -> vector<16xf32>
      %parallel_loop3A_234 = arith.select %lt3A_10, %parallel_loop3A_213, %parallel_loop3A_233 : vector<16xi1>, vector<16xf32>
      %parallel_loop3A_235 = arith.constant dense<true> : vector<16xi1>
      %parallel_loop3A_236, %parallel_loop3A_237, %parallel_loop3A_238 = tpu.sort %parallel_loop3A_234, %parallel_loop3A_234 masked %parallel_loop3A_235 {descending = true} : (vector<16xf32>, vector<16xf32>, vector<16xi1>) -> (vector<16xi1>, vector<16xf32>, vector<16xf32>)
      %parallel_loop3A_239 = arith.constant 15 : i32
      %parallel_loop3A_240 = vector.broadcast %parallel_loop3A_239 : i32 to vector<16xi32>
      %parallel_loop3A_241 = tpu.iota {dimensions = array<i32: 0>} : vector<16xi32>
      %parallel_loop3A_242 = arith.subi %parallel_loop3A_240, %parallel_loop3A_241 : vector<16xi32>
      %parallel_loop3A_243 = tpu.dynamic_gather %parallel_loop3A_237[%parallel_loop3A_242] in [0] : vector<16xf32>, vector<16xi32> -> vector<16xf32>
      %parallel_loop3A_244 = arith.select %lt3A_10, %parallel_loop3A_227, %parallel_loop3A_243 : vector<16xi1>, vector<16xf32>
      %parallel_loop3A_245 = arith.constant dense<true> : vector<16xi1>
      %parallel_loop3A_246, %parallel_loop3A_247, %parallel_loop3A_248 = tpu.sort %parallel_loop3A_244, %parallel_loop3A_244 masked %parallel_loop3A_245 {descending = true} : (vector<16xf32>, vector<16xf32>, vector<16xi1>) -> (vector<16xi1>, vector<16xf32>, vector<16xf32>)
      %parallel_loop3A_249 = vector.shape_cast %broadcast_in_dim3A_13 : vector<16xi32> to vector<16x1xi32>
      %parallel_loop3A_250 = vector.shape_cast %parallel_loop3A_249 : vector<16x1xi32> to vector<16xi32>
      %parallel_loop3A_251 = tpu.dynamic_gather %parallel_loop3A_247[%parallel_loop3A_250] in [0] : vector<16xf32>, vector<16xi32> -> vector<16xf32>
      %parallel_loop3A_252 = vector.shape_cast %broadcast_in_dim3A_11 : vector<16xi32> to vector<16x1xi32>
      %parallel_loop3A_253 = vector.shape_cast %parallel_loop3A_252 : vector<16x1xi32> to vector<16xi32>
      %parallel_loop3A_254 = tpu.dynamic_gather %parallel_loop3A_247[%parallel_loop3A_253] in [0] : vector<16xf32>, vector<16xi32> -> vector<16xf32>
      %parallel_loop3A_255 = arith.cmpf oge, %parallel_loop3A_193, %parallel_loop3A_254 : vector<16xf32>
      %parallel_loop3A_256 = arith.ori %ne3A_8, %parallel_loop3A_255 : vector<16xi1>
      %parallel_loop3A_257 = arith.subf %parallel_loop3A_193, %parallel_loop3A_251 : vector<16xf32>
      %parallel_loop3A_258 = math.exp %parallel_loop3A_257 : vector<16xf32>
      %parallel_loop3A_259 = arith.constant 0.000000e+00 : f32
      %parallel_loop3A_260 = vector.broadcast %parallel_loop3A_259 : f32 to vector<16xf32>
      %parallel_loop3A_261 = arith.select %parallel_loop3A_256, %parallel_loop3A_258, %parallel_loop3A_260 : vector<16xi1>, vector<16xf32>
      %parallel_loop3A_262 = arith.cmpf oge, %parallel_loop3A_196, %parallel_loop3A_254 : vector<16xf32>
      %parallel_loop3A_263 = arith.ori %ne3A_8, %parallel_loop3A_262 : vector<16xi1>
      %parallel_loop3A_264 = arith.subf %parallel_loop3A_196, %parallel_loop3A_251 : vector<16xf32>
      %parallel_loop3A_265 = math.exp %parallel_loop3A_264 : vector<16xf32>
      %parallel_loop3A_266 = arith.constant 0.000000e+00 : f32
      %parallel_loop3A_267 = vector.broadcast %parallel_loop3A_266 : f32 to vector<16xf32>
      %parallel_loop3A_268 = arith.select %parallel_loop3A_263, %parallel_loop3A_265, %parallel_loop3A_267 : vector<16xi1>, vector<16xf32>
      %parallel_loop3A_269 = arith.cmpf oge, %parallel_loop3A_199, %parallel_loop3A_254 : vector<16xf32>
      %parallel_loop3A_270 = arith.ori %ne3A_8, %parallel_loop3A_269 : vector<16xi1>
      %parallel_loop3A_271 = arith.subf %parallel_loop3A_199, %parallel_loop3A_251 : vector<16xf32>
      %parallel_loop3A_272 = math.exp %parallel_loop3A_271 : vector<16xf32>
      %parallel_loop3A_273 = arith.constant 0.000000e+00 : f32
      %parallel_loop3A_274 = vector.broadcast %parallel_loop3A_273 : f32 to vector<16xf32>
      %parallel_loop3A_275 = arith.select %parallel_loop3A_270, %parallel_loop3A_272, %parallel_loop3A_274 : vector<16xi1>, vector<16xf32>
      %parallel_loop3A_276 = arith.cmpf oge, %parallel_loop3A_202, %parallel_loop3A_254 : vector<16xf32>
      %parallel_loop3A_277 = arith.ori %ne3A_8, %parallel_loop3A_276 : vector<16xi1>
      %parallel_loop3A_278 = arith.subf %parallel_loop3A_202, %parallel_loop3A_251 : vector<16xf32>
      %parallel_loop3A_279 = math.exp %parallel_loop3A_278 : vector<16xf32>
      %parallel_loop3A_280 = arith.constant 0.000000e+00 : f32
      %parallel_loop3A_281 = vector.broadcast %parallel_loop3A_280 : f32 to vector<16xf32>
      %parallel_loop3A_282 = arith.select %parallel_loop3A_277, %parallel_loop3A_279, %parallel_loop3A_281 : vector<16xi1>, vector<16xf32>
      %parallel_loop3A_283 = arith.addf %parallel_loop3A_261, %parallel_loop3A_268 : vector<16xf32>
      %parallel_loop3A_284 = arith.addf %parallel_loop3A_275, %parallel_loop3A_282 : vector<16xf32>
      %parallel_loop3A_285 = arith.addf %parallel_loop3A_283, %parallel_loop3A_284 : vector<16xf32>
      %parallel_loop3A_286 = arith.constant 8 : i32
      %parallel_loop3A_287 = vector.broadcast %parallel_loop3A_286 : i32 to vector<16xi32>
      %parallel_loop3A_288 = arith.xori %iota3A, %parallel_loop3A_287 : vector<16xi32>
      %parallel_loop3A_289 = vector.shape_cast %parallel_loop3A_288 : vector<16xi32> to vector<16x1xi32>
      %parallel_loop3A_290 = vector.shape_cast %parallel_loop3A_289 : vector<16x1xi32> to vector<16xi32>
      %parallel_loop3A_291 = tpu.dynamic_gather %parallel_loop3A_285[%parallel_loop3A_290] in [0] : vector<16xf32>, vector<16xi32> -> vector<16xf32>
      %parallel_loop3A_292 = arith.addf %parallel_loop3A_285, %parallel_loop3A_291 : vector<16xf32>
      %parallel_loop3A_293 = arith.constant 4 : i32
      %parallel_loop3A_294 = vector.broadcast %parallel_loop3A_293 : i32 to vector<16xi32>
      %parallel_loop3A_295 = arith.xori %iota3A, %parallel_loop3A_294 : vector<16xi32>
      %parallel_loop3A_296 = vector.shape_cast %parallel_loop3A_295 : vector<16xi32> to vector<16x1xi32>
      %parallel_loop3A_297 = vector.shape_cast %parallel_loop3A_296 : vector<16x1xi32> to vector<16xi32>
      %parallel_loop3A_298 = tpu.dynamic_gather %parallel_loop3A_292[%parallel_loop3A_297] in [0] : vector<16xf32>, vector<16xi32> -> vector<16xf32>
      %parallel_loop3A_299 = arith.addf %parallel_loop3A_292, %parallel_loop3A_298 : vector<16xf32>
      %parallel_loop3A_300 = arith.constant 2 : i32
      %parallel_loop3A_301 = vector.broadcast %parallel_loop3A_300 : i32 to vector<16xi32>
      %parallel_loop3A_302 = arith.xori %iota3A, %parallel_loop3A_301 : vector<16xi32>
      %parallel_loop3A_303 = vector.shape_cast %parallel_loop3A_302 : vector<16xi32> to vector<16x1xi32>
      %parallel_loop3A_304 = vector.shape_cast %parallel_loop3A_303 : vector<16x1xi32> to vector<16xi32>
      %parallel_loop3A_305 = tpu.dynamic_gather %parallel_loop3A_299[%parallel_loop3A_304] in [0] : vector<16xf32>, vector<16xi32> -> vector<16xf32>
      %parallel_loop3A_306 = arith.addf %parallel_loop3A_299, %parallel_loop3A_305 : vector<16xf32>
      %parallel_loop3A_307 = arith.constant 1 : i32
      %parallel_loop3A_308 = vector.broadcast %parallel_loop3A_307 : i32 to vector<16xi32>
      %parallel_loop3A_309 = arith.xori %iota3A, %parallel_loop3A_308 : vector<16xi32>
      %parallel_loop3A_310 = vector.shape_cast %parallel_loop3A_309 : vector<16xi32> to vector<16x1xi32>
      %parallel_loop3A_311 = vector.shape_cast %parallel_loop3A_310 : vector<16x1xi32> to vector<16xi32>
      %parallel_loop3A_312 = tpu.dynamic_gather %parallel_loop3A_306[%parallel_loop3A_311] in [0] : vector<16xf32>, vector<16xi32> -> vector<16xf32>
      %parallel_loop3A_313 = arith.addf %parallel_loop3A_306, %parallel_loop3A_312 : vector<16xf32>
      %parallel_loop3A_314 = arith.constant 1.000000e+00 : f32
      %parallel_loop3A_315 = vector.broadcast %parallel_loop3A_314 : f32 to vector<16xf32>
      %parallel_loop3A_316 = arith.divf %parallel_loop3A_315, %parallel_loop3A_313 : vector<16xf32>
      %parallel_loop3A_317 = arith.mulf %parallel_loop3A_261, %parallel_loop3A_316 : vector<16xf32>
      %parallel_loop3A_318 = arith.index_cast %parallel_loop3A_190 : i32 to index
      %parallel_loop3A_319 = arith.constant 0 : index
      %parallel_loop3A_320 = tpu.vector_load %arg8[%parallel_loop3A_318, %parallel_loop3A_319] {strides = array<i32>} : memref<128x64xf32, #tpu.memory_space<vmem>>, vector<16xf32>,
      tpu.vector_store %arg8[%parallel_loop3A_318, %parallel_loop3A_319], %parallel_loop3A_317 {strides = array<i32>} : memref<128x64xf32, #tpu.memory_space<vmem>>, vector<16xf32>,
      %parallel_loop3A_321 = arith.mulf %parallel_loop3A_268, %parallel_loop3A_316 : vector<16xf32>
      %parallel_loop3A_322 = arith.index_cast %parallel_loop3A_190 : i32 to index
      %parallel_loop3A_323 = arith.constant 16 : index
      %parallel_loop3A_324 = tpu.vector_load %arg8[%parallel_loop3A_322, %parallel_loop3A_323] {strides = array<i32>} : memref<128x64xf32, #tpu.memory_space<vmem>>, vector<16xf32>,
      tpu.vector_store %arg8[%parallel_loop3A_322, %parallel_loop3A_323], %parallel_loop3A_321 {strides = array<i32>} : memref<128x64xf32, #tpu.memory_space<vmem>>, vector<16xf32>,
      %parallel_loop3A_325 = arith.mulf %parallel_loop3A_275, %parallel_loop3A_316 : vector<16xf32>
      %parallel_loop3A_326 = arith.index_cast %parallel_loop3A_190 : i32 to index
      %parallel_loop3A_327 = arith.constant 32 : index
      %parallel_loop3A_328 = tpu.vector_load %arg8[%parallel_loop3A_326, %parallel_loop3A_327] {strides = array<i32>} : memref<128x64xf32, #tpu.memory_space<vmem>>, vector<16xf32>,
      tpu.vector_store %arg8[%parallel_loop3A_326, %parallel_loop3A_327], %parallel_loop3A_325 {strides = array<i32>} : memref<128x64xf32, #tpu.memory_space<vmem>>, vector<16xf32>,
      %parallel_loop3A_329 = arith.mulf %parallel_loop3A_282, %parallel_loop3A_316 : vector<16xf32>
      %parallel_loop3A_330 = arith.index_cast %parallel_loop3A_190 : i32 to index
      %parallel_loop3A_331 = arith.constant 48 : index
      %parallel_loop3A_332 = tpu.vector_load %arg8[%parallel_loop3A_330, %parallel_loop3A_331] {strides = array<i32>} : memref<128x64xf32, #tpu.memory_space<vmem>>, vector<16xf32>,
      tpu.vector_store %arg8[%parallel_loop3A_330, %parallel_loop3A_331], %parallel_loop3A_329 {strides = array<i32>} : memref<128x64xf32, #tpu.memory_space<vmem>>, vector<16xf32>,
    } {sc.loop_unroll_factor = 2 : i64, sc.parallel_access}
    %add3A_90 = arith.constant 384 : i32
    %add3A_91 = arith.addi %mul3A_2, %add3A_90 : i32
    %dma_start3A_92 = arith.constant 0 : i32
    %dma_start3A_93 = tpu.memref_slice %arg4[%add3A_91, %dma_start3A_92] : memref<32768x64xf32, #tpu.memory_space<hbm>> -> memref<128x64xf32, #tpu.memory_space<hbm>>
    %dma_start3A_94 = arith.constant 0 : i32
    %dma_start3A_95 = tpu.memref_slice %arg4[%add3A_91, %dma_start3A_94] : memref<32768x64xf32, #tpu.memory_space<hbm>> -> memref<128x64xf32, #tpu.memory_space<hbm>>
    tpu.enqueue_dma source(%arg8 : memref<128x64xf32, #tpu.memory_space<vmem>>) target(%dma_start3A_95 : memref<128x64xf32, #tpu.memory_space<hbm>>) target_semaphore(%arg13 : memref<!tpu.dma_semaphore, #tpu.memory_space<semaphore_mem>>)
    %add3A_96 = arith.constant 640 : i32
    %add3A_97 = arith.addi %mul3A_2, %add3A_96 : i32
    %dma_start3A_98 = arith.constant 0 : i32
    %dma_start3A_99 = tpu.memref_slice %arg2[%add3A_97, %dma_start3A_98] : memref<32768x64xf32, #tpu.memory_space<hbm>> -> memref<128x64xf32, #tpu.memory_space<hbm>>
    %dma_start3A_100 = arith.constant 0 : i32
    %dma_start3A_101 = tpu.memref_slice %arg2[%add3A_97, %dma_start3A_100] : memref<32768x64xf32, #tpu.memory_space<hbm>> -> memref<128x64xf32, #tpu.memory_space<hbm>>
    tpu.enqueue_dma source(%dma_start3A_101 : memref<128x64xf32, #tpu.memory_space<hbm>>) target(%arg6 : memref<128x64xf32, #tpu.memory_space<vmem>>) target_semaphore(%arg11 : memref<!tpu.dma_semaphore, #tpu.memory_space<semaphore_mem>>)
    %dma_wait3A_102 = arith.constant 0 : i32
    %dma_wait3A_103 = tpu.memref_slice %arg2[%add3A_74, %dma_wait3A_102] : memref<32768x64xf32, #tpu.memory_space<hbm>> -> memref<128x64xf32, #tpu.memory_space<hbm>>
    %dma_wait3A_104 = arith.constant 0 : i32
    %dma_wait3A_105 = tpu.memref_slice %arg2[%add3A_74, %dma_wait3A_104] : memref<32768x64xf32, #tpu.memory_space<hbm>> -> memref<128x64xf32, #tpu.memory_space<hbm>>
    tpu.wait_dma2 semaphore(%arg10 : memref<!tpu.dma_semaphore, #tpu.memory_space<semaphore_mem>>) src(%dma_wait3A_105 : memref<128x64xf32, #tpu.memory_space<hbm>>) dst(%arg5 : memref<128x64xf32, #tpu.memory_space<vmem>>)
    %dma_wait3A_106 = arith.constant 0 : i32
    %dma_wait3A_107 = tpu.memref_slice %arg4[%add3A_68, %dma_wait3A_106] : memref<32768x64xf32, #tpu.memory_space<hbm>> -> memref<128x64xf32, #tpu.memory_space<hbm>>
    %dma_wait3A_108 = arith.constant 0 : i32
    %dma_wait3A_109 = tpu.memref_slice %arg4[%add3A_68, %dma_wait3A_108] : memref<32768x64xf32, #tpu.memory_space<hbm>> -> memref<128x64xf32, #tpu.memory_space<hbm>>
    tpu.wait_dma2 semaphore(%arg12 : memref<!tpu.dma_semaphore, #tpu.memory_space<semaphore_mem>>) src(%arg7 : memref<128x64xf32, #tpu.memory_space<vmem>>) dst(%dma_wait3A_109 : memref<128x64xf32, #tpu.memory_space<hbm>>)
    %parallel_loop3A_110 = arith.constant 0 : i32
    %parallel_loop3A_111 = arith.constant 128 : i32
    %parallel_loop3A_112 = arith.constant 1 : i32
    scf.for %parallel_loop3A_190 = %parallel_loop3A_110 to %parallel_loop3A_111 step %parallel_loop3A_112  : i32 {
      %parallel_loop3A_191 = arith.index_cast %parallel_loop3A_190 : i32 to index
      %parallel_loop3A_192 = arith.constant 0 : index
      %parallel_loop3A_193 = tpu.vector_load %arg5[%parallel_loop3A_191, %parallel_loop3A_192] {strides = array<i32>} : memref<128x64xf32, #tpu.memory_space<vmem>>, vector<16xf32>,
      %parallel_loop3A_194 = arith.index_cast %parallel_loop3A_190 : i32 to index
      %parallel_loop3A_195 = arith.constant 16 : index
      %parallel_loop3A_196 = tpu.vector_load %arg5[%parallel_loop3A_194, %parallel_loop3A_195] {strides = array<i32>} : memref<128x64xf32, #tpu.memory_space<vmem>>, vector<16xf32>,
      %parallel_loop3A_197 = arith.index_cast %parallel_loop3A_190 : i32 to index
      %parallel_loop3A_198 = arith.constant 32 : index
      %parallel_loop3A_199 = tpu.vector_load %arg5[%parallel_loop3A_197, %parallel_loop3A_198] {strides = array<i32>} : memref<128x64xf32, #tpu.memory_space<vmem>>, vector<16xf32>,
      %parallel_loop3A_200 = arith.index_cast %parallel_loop3A_190 : i32 to index
      %parallel_loop3A_201 = arith.constant 48 : index
      %parallel_loop3A_202 = tpu.vector_load %arg5[%parallel_loop3A_200, %parallel_loop3A_201] {strides = array<i32>} : memref<128x64xf32, #tpu.memory_space<vmem>>, vector<16xf32>,
      %parallel_loop3A_203 = arith.constant dense<true> : vector<16xi1>
      %parallel_loop3A_204, %parallel_loop3A_205, %parallel_loop3A_206 = tpu.sort %parallel_loop3A_193, %parallel_loop3A_193 masked %parallel_loop3A_203 {descending = true} : (vector<16xf32>, vector<16xf32>, vector<16xi1>) -> (vector<16xi1>, vector<16xf32>, vector<16xf32>)
      %parallel_loop3A_207 = arith.constant dense<true> : vector<16xi1>
      %parallel_loop3A_208, %parallel_loop3A_209, %parallel_loop3A_210 = tpu.sort %parallel_loop3A_196, %parallel_loop3A_196 masked %parallel_loop3A_207 {descending = true} : (vector<16xf32>, vector<16xf32>, vector<16xi1>) -> (vector<16xi1>, vector<16xf32>, vector<16xf32>)
      %parallel_loop3A_211 = arith.constant dense<true> : vector<16xi1>
      %parallel_loop3A_212, %parallel_loop3A_213, %parallel_loop3A_214 = tpu.sort %parallel_loop3A_199, %parallel_loop3A_199 masked %parallel_loop3A_211 {descending = true} : (vector<16xf32>, vector<16xf32>, vector<16xi1>) -> (vector<16xi1>, vector<16xf32>, vector<16xf32>)
      %parallel_loop3A_215 = arith.constant dense<true> : vector<16xi1>
      %parallel_loop3A_216, %parallel_loop3A_217, %parallel_loop3A_218 = tpu.sort %parallel_loop3A_202, %parallel_loop3A_202 masked %parallel_loop3A_215 {descending = true} : (vector<16xf32>, vector<16xf32>, vector<16xi1>) -> (vector<16xi1>, vector<16xf32>, vector<16xf32>)
      %parallel_loop3A_219 = arith.constant 15 : i32
      %parallel_loop3A_220 = vector.broadcast %parallel_loop3A_219 : i32 to vector<16xi32>
      %parallel_loop3A_221 = tpu.iota {dimensions = array<i32: 0>} : vector<16xi32>
      %parallel_loop3A_222 = arith.subi %parallel_loop3A_220, %parallel_loop3A_221 : vector<16xi32>
      %parallel_loop3A_223 = tpu.dynamic_gather %parallel_loop3A_209[%parallel_loop3A_222] in [0] : vector<16xf32>, vector<16xi32> -> vector<16xf32>
      %parallel_loop3A_224 = arith.select %lt3A_10, %parallel_loop3A_205, %parallel_loop3A_223 : vector<16xi1>, vector<16xf32>
      %parallel_loop3A_225 = arith.constant dense<true> : vector<16xi1>
      %parallel_loop3A_226, %parallel_loop3A_227, %parallel_loop3A_228 = tpu.sort %parallel_loop3A_224, %parallel_loop3A_224 masked %parallel_loop3A_225 {descending = true} : (vector<16xf32>, vector<16xf32>, vector<16xi1>) -> (vector<16xi1>, vector<16xf32>, vector<16xf32>)
      %parallel_loop3A_229 = arith.constant 15 : i32
      %parallel_loop3A_230 = vector.broadcast %parallel_loop3A_229 : i32 to vector<16xi32>
      %parallel_loop3A_231 = tpu.iota {dimensions = array<i32: 0>} : vector<16xi32>
      %parallel_loop3A_232 = arith.subi %parallel_loop3A_230, %parallel_loop3A_231 : vector<16xi32>
      %parallel_loop3A_233 = tpu.dynamic_gather %parallel_loop3A_217[%parallel_loop3A_232] in [0] : vector<16xf32>, vector<16xi32> -> vector<16xf32>
      %parallel_loop3A_234 = arith.select %lt3A_10, %parallel_loop3A_213, %parallel_loop3A_233 : vector<16xi1>, vector<16xf32>
      %parallel_loop3A_235 = arith.constant dense<true> : vector<16xi1>
      %parallel_loop3A_236, %parallel_loop3A_237, %parallel_loop3A_238 = tpu.sort %parallel_loop3A_234, %parallel_loop3A_234 masked %parallel_loop3A_235 {descending = true} : (vector<16xf32>, vector<16xf32>, vector<16xi1>) -> (vector<16xi1>, vector<16xf32>, vector<16xf32>)
      %parallel_loop3A_239 = arith.constant 15 : i32
      %parallel_loop3A_240 = vector.broadcast %parallel_loop3A_239 : i32 to vector<16xi32>
      %parallel_loop3A_241 = tpu.iota {dimensions = array<i32: 0>} : vector<16xi32>
      %parallel_loop3A_242 = arith.subi %parallel_loop3A_240, %parallel_loop3A_241 : vector<16xi32>
      %parallel_loop3A_243 = tpu.dynamic_gather %parallel_loop3A_237[%parallel_loop3A_242] in [0] : vector<16xf32>, vector<16xi32> -> vector<16xf32>
      %parallel_loop3A_244 = arith.select %lt3A_10, %parallel_loop3A_227, %parallel_loop3A_243 : vector<16xi1>, vector<16xf32>
      %parallel_loop3A_245 = arith.constant dense<true> : vector<16xi1>
      %parallel_loop3A_246, %parallel_loop3A_247, %parallel_loop3A_248 = tpu.sort %parallel_loop3A_244, %parallel_loop3A_244 masked %parallel_loop3A_245 {descending = true} : (vector<16xf32>, vector<16xf32>, vector<16xi1>) -> (vector<16xi1>, vector<16xf32>, vector<16xf32>)
      %parallel_loop3A_249 = vector.shape_cast %broadcast_in_dim3A_13 : vector<16xi32> to vector<16x1xi32>
      %parallel_loop3A_250 = vector.shape_cast %parallel_loop3A_249 : vector<16x1xi32> to vector<16xi32>
      %parallel_loop3A_251 = tpu.dynamic_gather %parallel_loop3A_247[%parallel_loop3A_250] in [0] : vector<16xf32>, vector<16xi32> -> vector<16xf32>
      %parallel_loop3A_252 = vector.shape_cast %broadcast_in_dim3A_11 : vector<16xi32> to vector<16x1xi32>
      %parallel_loop3A_253 = vector.shape_cast %parallel_loop3A_252 : vector<16x1xi32> to vector<16xi32>
      %parallel_loop3A_254 = tpu.dynamic_gather %parallel_loop3A_247[%parallel_loop3A_253] in [0] : vector<16xf32>, vector<16xi32> -> vector<16xf32>
      %parallel_loop3A_255 = arith.cmpf oge, %parallel_loop3A_193, %parallel_loop3A_254 : vector<16xf32>
      %parallel_loop3A_256 = arith.ori %ne3A_8, %parallel_loop3A_255 : vector<16xi1>
      %parallel_loop3A_257 = arith.subf %parallel_loop3A_193, %parallel_loop3A_251 : vector<16xf32>
      %parallel_loop3A_258 = math.exp %parallel_loop3A_257 : vector<16xf32>
      %parallel_loop3A_259 = arith.constant 0.000000e+00 : f32
      %parallel_loop3A_260 = vector.broadcast %parallel_loop3A_259 : f32 to vector<16xf32>
      %parallel_loop3A_261 = arith.select %parallel_loop3A_256, %parallel_loop3A_258, %parallel_loop3A_260 : vector<16xi1>, vector<16xf32>
      %parallel_loop3A_262 = arith.cmpf oge, %parallel_loop3A_196, %parallel_loop3A_254 : vector<16xf32>
      %parallel_loop3A_263 = arith.ori %ne3A_8, %parallel_loop3A_262 : vector<16xi1>
      %parallel_loop3A_264 = arith.subf %parallel_loop3A_196, %parallel_loop3A_251 : vector<16xf32>
      %parallel_loop3A_265 = math.exp %parallel_loop3A_264 : vector<16xf32>
      %parallel_loop3A_266 = arith.constant 0.000000e+00 : f32
      %parallel_loop3A_267 = vector.broadcast %parallel_loop3A_266 : f32 to vector<16xf32>
      %parallel_loop3A_268 = arith.select %parallel_loop3A_263, %parallel_loop3A_265, %parallel_loop3A_267 : vector<16xi1>, vector<16xf32>
      %parallel_loop3A_269 = arith.cmpf oge, %parallel_loop3A_199, %parallel_loop3A_254 : vector<16xf32>
      %parallel_loop3A_270 = arith.ori %ne3A_8, %parallel_loop3A_269 : vector<16xi1>
      %parallel_loop3A_271 = arith.subf %parallel_loop3A_199, %parallel_loop3A_251 : vector<16xf32>
      %parallel_loop3A_272 = math.exp %parallel_loop3A_271 : vector<16xf32>
      %parallel_loop3A_273 = arith.constant 0.000000e+00 : f32
      %parallel_loop3A_274 = vector.broadcast %parallel_loop3A_273 : f32 to vector<16xf32>
      %parallel_loop3A_275 = arith.select %parallel_loop3A_270, %parallel_loop3A_272, %parallel_loop3A_274 : vector<16xi1>, vector<16xf32>
      %parallel_loop3A_276 = arith.cmpf oge, %parallel_loop3A_202, %parallel_loop3A_254 : vector<16xf32>
      %parallel_loop3A_277 = arith.ori %ne3A_8, %parallel_loop3A_276 : vector<16xi1>
      %parallel_loop3A_278 = arith.subf %parallel_loop3A_202, %parallel_loop3A_251 : vector<16xf32>
      %parallel_loop3A_279 = math.exp %parallel_loop3A_278 : vector<16xf32>
      %parallel_loop3A_280 = arith.constant 0.000000e+00 : f32
      %parallel_loop3A_281 = vector.broadcast %parallel_loop3A_280 : f32 to vector<16xf32>
      %parallel_loop3A_282 = arith.select %parallel_loop3A_277, %parallel_loop3A_279, %parallel_loop3A_281 : vector<16xi1>, vector<16xf32>
      %parallel_loop3A_283 = arith.addf %parallel_loop3A_261, %parallel_loop3A_268 : vector<16xf32>
      %parallel_loop3A_284 = arith.addf %parallel_loop3A_275, %parallel_loop3A_282 : vector<16xf32>
      %parallel_loop3A_285 = arith.addf %parallel_loop3A_283, %parallel_loop3A_284 : vector<16xf32>
      %parallel_loop3A_286 = arith.constant 8 : i32
      %parallel_loop3A_287 = vector.broadcast %parallel_loop3A_286 : i32 to vector<16xi32>
      %parallel_loop3A_288 = arith.xori %iota3A, %parallel_loop3A_287 : vector<16xi32>
      %parallel_loop3A_289 = vector.shape_cast %parallel_loop3A_288 : vector<16xi32> to vector<16x1xi32>
      %parallel_loop3A_290 = vector.shape_cast %parallel_loop3A_289 : vector<16x1xi32> to vector<16xi32>
      %parallel_loop3A_291 = tpu.dynamic_gather %parallel_loop3A_285[%parallel_loop3A_290] in [0] : vector<16xf32>, vector<16xi32> -> vector<16xf32>
      %parallel_loop3A_292 = arith.addf %parallel_loop3A_285, %parallel_loop3A_291 : vector<16xf32>
      %parallel_loop3A_293 = arith.constant 4 : i32
      %parallel_loop3A_294 = vector.broadcast %parallel_loop3A_293 : i32 to vector<16xi32>
      %parallel_loop3A_295 = arith.xori %iota3A, %parallel_loop3A_294 : vector<16xi32>
      %parallel_loop3A_296 = vector.shape_cast %parallel_loop3A_295 : vector<16xi32> to vector<16x1xi32>
      %parallel_loop3A_297 = vector.shape_cast %parallel_loop3A_296 : vector<16x1xi32> to vector<16xi32>
      %parallel_loop3A_298 = tpu.dynamic_gather %parallel_loop3A_292[%parallel_loop3A_297] in [0] : vector<16xf32>, vector<16xi32> -> vector<16xf32>
      %parallel_loop3A_299 = arith.addf %parallel_loop3A_292, %parallel_loop3A_298 : vector<16xf32>
      %parallel_loop3A_300 = arith.constant 2 : i32
      %parallel_loop3A_301 = vector.broadcast %parallel_loop3A_300 : i32 to vector<16xi32>
      %parallel_loop3A_302 = arith.xori %iota3A, %parallel_loop3A_301 : vector<16xi32>
      %parallel_loop3A_303 = vector.shape_cast %parallel_loop3A_302 : vector<16xi32> to vector<16x1xi32>
      %parallel_loop3A_304 = vector.shape_cast %parallel_loop3A_303 : vector<16x1xi32> to vector<16xi32>
      %parallel_loop3A_305 = tpu.dynamic_gather %parallel_loop3A_299[%parallel_loop3A_304] in [0] : vector<16xf32>, vector<16xi32> -> vector<16xf32>
      %parallel_loop3A_306 = arith.addf %parallel_loop3A_299, %parallel_loop3A_305 : vector<16xf32>
      %parallel_loop3A_307 = arith.constant 1 : i32
      %parallel_loop3A_308 = vector.broadcast %parallel_loop3A_307 : i32 to vector<16xi32>
      %parallel_loop3A_309 = arith.xori %iota3A, %parallel_loop3A_308 : vector<16xi32>
      %parallel_loop3A_310 = vector.shape_cast %parallel_loop3A_309 : vector<16xi32> to vector<16x1xi32>
      %parallel_loop3A_311 = vector.shape_cast %parallel_loop3A_310 : vector<16x1xi32> to vector<16xi32>
      %parallel_loop3A_312 = tpu.dynamic_gather %parallel_loop3A_306[%parallel_loop3A_311] in [0] : vector<16xf32>, vector<16xi32> -> vector<16xf32>
      %parallel_loop3A_313 = arith.addf %parallel_loop3A_306, %parallel_loop3A_312 : vector<16xf32>
      %parallel_loop3A_314 = arith.constant 1.000000e+00 : f32
      %parallel_loop3A_315 = vector.broadcast %parallel_loop3A_314 : f32 to vector<16xf32>
      %parallel_loop3A_316 = arith.divf %parallel_loop3A_315, %parallel_loop3A_313 : vector<16xf32>
      %parallel_loop3A_317 = arith.mulf %parallel_loop3A_261, %parallel_loop3A_316 : vector<16xf32>
      %parallel_loop3A_318 = arith.index_cast %parallel_loop3A_190 : i32 to index
      %parallel_loop3A_319 = arith.constant 0 : index
      %parallel_loop3A_320 = tpu.vector_load %arg7[%parallel_loop3A_318, %parallel_loop3A_319] {strides = array<i32>} : memref<128x64xf32, #tpu.memory_space<vmem>>, vector<16xf32>,
      tpu.vector_store %arg7[%parallel_loop3A_318, %parallel_loop3A_319], %parallel_loop3A_317 {strides = array<i32>} : memref<128x64xf32, #tpu.memory_space<vmem>>, vector<16xf32>,
      %parallel_loop3A_321 = arith.mulf %parallel_loop3A_268, %parallel_loop3A_316 : vector<16xf32>
      %parallel_loop3A_322 = arith.index_cast %parallel_loop3A_190 : i32 to index
      %parallel_loop3A_323 = arith.constant 16 : index
      %parallel_loop3A_324 = tpu.vector_load %arg7[%parallel_loop3A_322, %parallel_loop3A_323] {strides = array<i32>} : memref<128x64xf32, #tpu.memory_space<vmem>>, vector<16xf32>,
      tpu.vector_store %arg7[%parallel_loop3A_322, %parallel_loop3A_323], %parallel_loop3A_321 {strides = array<i32>} : memref<128x64xf32, #tpu.memory_space<vmem>>, vector<16xf32>,
      %parallel_loop3A_325 = arith.mulf %parallel_loop3A_275, %parallel_loop3A_316 : vector<16xf32>
      %parallel_loop3A_326 = arith.index_cast %parallel_loop3A_190 : i32 to index
      %parallel_loop3A_327 = arith.constant 32 : index
      %parallel_loop3A_328 = tpu.vector_load %arg7[%parallel_loop3A_326, %parallel_loop3A_327] {strides = array<i32>} : memref<128x64xf32, #tpu.memory_space<vmem>>, vector<16xf32>,
      tpu.vector_store %arg7[%parallel_loop3A_326, %parallel_loop3A_327], %parallel_loop3A_325 {strides = array<i32>} : memref<128x64xf32, #tpu.memory_space<vmem>>, vector<16xf32>,
      %parallel_loop3A_329 = arith.mulf %parallel_loop3A_282, %parallel_loop3A_316 : vector<16xf32>
      %parallel_loop3A_330 = arith.index_cast %parallel_loop3A_190 : i32 to index
      %parallel_loop3A_331 = arith.constant 48 : index
      %parallel_loop3A_332 = tpu.vector_load %arg7[%parallel_loop3A_330, %parallel_loop3A_331] {strides = array<i32>} : memref<128x64xf32, #tpu.memory_space<vmem>>, vector<16xf32>,
      tpu.vector_store %arg7[%parallel_loop3A_330, %parallel_loop3A_331], %parallel_loop3A_329 {strides = array<i32>} : memref<128x64xf32, #tpu.memory_space<vmem>>, vector<16xf32>,
    } {sc.loop_unroll_factor = 2 : i64, sc.parallel_access}
    %add3A_113 = arith.constant 512 : i32
    %add3A_114 = arith.addi %mul3A_2, %add3A_113 : i32
    %dma_start3A_115 = arith.constant 0 : i32
    %dma_start3A_116 = tpu.memref_slice %arg4[%add3A_114, %dma_start3A_115] : memref<32768x64xf32, #tpu.memory_space<hbm>> -> memref<128x64xf32, #tpu.memory_space<hbm>>
    %dma_start3A_117 = arith.constant 0 : i32
    %dma_start3A_118 = tpu.memref_slice %arg4[%add3A_114, %dma_start3A_117] : memref<32768x64xf32, #tpu.memory_space<hbm>> -> memref<128x64xf32, #tpu.memory_space<hbm>>
    tpu.enqueue_dma source(%arg7 : memref<128x64xf32, #tpu.memory_space<vmem>>) target(%dma_start3A_118 : memref<128x64xf32, #tpu.memory_space<hbm>>) target_semaphore(%arg12 : memref<!tpu.dma_semaphore, #tpu.memory_space<semaphore_mem>>)
    %add3A_119 = arith.constant 768 : i32
    %add3A_120 = arith.addi %mul3A_2, %add3A_119 : i32
    %dma_start3A_121 = arith.constant 0 : i32
    %dma_start3A_122 = tpu.memref_slice %arg2[%add3A_120, %dma_start3A_121] : memref<32768x64xf32, #tpu.memory_space<hbm>> -> memref<128x64xf32, #tpu.memory_space<hbm>>
    %dma_start3A_123 = arith.constant 0 : i32
    %dma_start3A_124 = tpu.memref_slice %arg2[%add3A_120, %dma_start3A_123] : memref<32768x64xf32, #tpu.memory_space<hbm>> -> memref<128x64xf32, #tpu.memory_space<hbm>>
    tpu.enqueue_dma source(%dma_start3A_124 : memref<128x64xf32, #tpu.memory_space<hbm>>) target(%arg5 : memref<128x64xf32, #tpu.memory_space<vmem>>) target_semaphore(%arg10 : memref<!tpu.dma_semaphore, #tpu.memory_space<semaphore_mem>>)
    %dma_wait3A_125 = arith.constant 0 : i32
    %dma_wait3A_126 = tpu.memref_slice %arg2[%add3A_97, %dma_wait3A_125] : memref<32768x64xf32, #tpu.memory_space<hbm>> -> memref<128x64xf32, #tpu.memory_space<hbm>>
    %dma_wait3A_127 = arith.constant 0 : i32
    %dma_wait3A_128 = tpu.memref_slice %arg2[%add3A_97, %dma_wait3A_127] : memref<32768x64xf32, #tpu.memory_space<hbm>> -> memref<128x64xf32, #tpu.memory_space<hbm>>
    tpu.wait_dma2 semaphore(%arg11 : memref<!tpu.dma_semaphore, #tpu.memory_space<semaphore_mem>>) src(%dma_wait3A_128 : memref<128x64xf32, #tpu.memory_space<hbm>>) dst(%arg6 : memref<128x64xf32, #tpu.memory_space<vmem>>)
    %dma_wait3A_129 = arith.constant 0 : i32
    %dma_wait3A_130 = tpu.memref_slice %arg4[%add3A_91, %dma_wait3A_129] : memref<32768x64xf32, #tpu.memory_space<hbm>> -> memref<128x64xf32, #tpu.memory_space<hbm>>
    %dma_wait3A_131 = arith.constant 0 : i32
    %dma_wait3A_132 = tpu.memref_slice %arg4[%add3A_91, %dma_wait3A_131] : memref<32768x64xf32, #tpu.memory_space<hbm>> -> memref<128x64xf32, #tpu.memory_space<hbm>>
    tpu.wait_dma2 semaphore(%arg13 : memref<!tpu.dma_semaphore, #tpu.memory_space<semaphore_mem>>) src(%arg8 : memref<128x64xf32, #tpu.memory_space<vmem>>) dst(%dma_wait3A_132 : memref<128x64xf32, #tpu.memory_space<hbm>>)
    %parallel_loop3A_133 = arith.constant 0 : i32
    %parallel_loop3A_134 = arith.constant 128 : i32
    %parallel_loop3A_135 = arith.constant 1 : i32
    scf.for %parallel_loop3A_190 = %parallel_loop3A_133 to %parallel_loop3A_134 step %parallel_loop3A_135  : i32 {
      %parallel_loop3A_191 = arith.index_cast %parallel_loop3A_190 : i32 to index
      %parallel_loop3A_192 = arith.constant 0 : index
      %parallel_loop3A_193 = tpu.vector_load %arg6[%parallel_loop3A_191, %parallel_loop3A_192] {strides = array<i32>} : memref<128x64xf32, #tpu.memory_space<vmem>>, vector<16xf32>,
      %parallel_loop3A_194 = arith.index_cast %parallel_loop3A_190 : i32 to index
      %parallel_loop3A_195 = arith.constant 16 : index
      %parallel_loop3A_196 = tpu.vector_load %arg6[%parallel_loop3A_194, %parallel_loop3A_195] {strides = array<i32>} : memref<128x64xf32, #tpu.memory_space<vmem>>, vector<16xf32>,
      %parallel_loop3A_197 = arith.index_cast %parallel_loop3A_190 : i32 to index
      %parallel_loop3A_198 = arith.constant 32 : index
      %parallel_loop3A_199 = tpu.vector_load %arg6[%parallel_loop3A_197, %parallel_loop3A_198] {strides = array<i32>} : memref<128x64xf32, #tpu.memory_space<vmem>>, vector<16xf32>,
      %parallel_loop3A_200 = arith.index_cast %parallel_loop3A_190 : i32 to index
      %parallel_loop3A_201 = arith.constant 48 : index
      %parallel_loop3A_202 = tpu.vector_load %arg6[%parallel_loop3A_200, %parallel_loop3A_201] {strides = array<i32>} : memref<128x64xf32, #tpu.memory_space<vmem>>, vector<16xf32>,
      %parallel_loop3A_203 = arith.constant dense<true> : vector<16xi1>
      %parallel_loop3A_204, %parallel_loop3A_205, %parallel_loop3A_206 = tpu.sort %parallel_loop3A_193, %parallel_loop3A_193 masked %parallel_loop3A_203 {descending = true} : (vector<16xf32>, vector<16xf32>, vector<16xi1>) -> (vector<16xi1>, vector<16xf32>, vector<16xf32>)
      %parallel_loop3A_207 = arith.constant dense<true> : vector<16xi1>
      %parallel_loop3A_208, %parallel_loop3A_209, %parallel_loop3A_210 = tpu.sort %parallel_loop3A_196, %parallel_loop3A_196 masked %parallel_loop3A_207 {descending = true} : (vector<16xf32>, vector<16xf32>, vector<16xi1>) -> (vector<16xi1>, vector<16xf32>, vector<16xf32>)
      %parallel_loop3A_211 = arith.constant dense<true> : vector<16xi1>
      %parallel_loop3A_212, %parallel_loop3A_213, %parallel_loop3A_214 = tpu.sort %parallel_loop3A_199, %parallel_loop3A_199 masked %parallel_loop3A_211 {descending = true} : (vector<16xf32>, vector<16xf32>, vector<16xi1>) -> (vector<16xi1>, vector<16xf32>, vector<16xf32>)
      %parallel_loop3A_215 = arith.constant dense<true> : vector<16xi1>
      %parallel_loop3A_216, %parallel_loop3A_217, %parallel_loop3A_218 = tpu.sort %parallel_loop3A_202, %parallel_loop3A_202 masked %parallel_loop3A_215 {descending = true} : (vector<16xf32>, vector<16xf32>, vector<16xi1>) -> (vector<16xi1>, vector<16xf32>, vector<16xf32>)
      %parallel_loop3A_219 = arith.constant 15 : i32
      %parallel_loop3A_220 = vector.broadcast %parallel_loop3A_219 : i32 to vector<16xi32>
      %parallel_loop3A_221 = tpu.iota {dimensions = array<i32: 0>} : vector<16xi32>
      %parallel_loop3A_222 = arith.subi %parallel_loop3A_220, %parallel_loop3A_221 : vector<16xi32>
      %parallel_loop3A_223 = tpu.dynamic_gather %parallel_loop3A_209[%parallel_loop3A_222] in [0] : vector<16xf32>, vector<16xi32> -> vector<16xf32>
      %parallel_loop3A_224 = arith.select %lt3A_10, %parallel_loop3A_205, %parallel_loop3A_223 : vector<16xi1>, vector<16xf32>
      %parallel_loop3A_225 = arith.constant dense<true> : vector<16xi1>
      %parallel_loop3A_226, %parallel_loop3A_227, %parallel_loop3A_228 = tpu.sort %parallel_loop3A_224, %parallel_loop3A_224 masked %parallel_loop3A_225 {descending = true} : (vector<16xf32>, vector<16xf32>, vector<16xi1>) -> (vector<16xi1>, vector<16xf32>, vector<16xf32>)
      %parallel_loop3A_229 = arith.constant 15 : i32
      %parallel_loop3A_230 = vector.broadcast %parallel_loop3A_229 : i32 to vector<16xi32>
      %parallel_loop3A_231 = tpu.iota {dimensions = array<i32: 0>} : vector<16xi32>
      %parallel_loop3A_232 = arith.subi %parallel_loop3A_230, %parallel_loop3A_231 : vector<16xi32>
      %parallel_loop3A_233 = tpu.dynamic_gather %parallel_loop3A_217[%parallel_loop3A_232] in [0] : vector<16xf32>, vector<16xi32> -> vector<16xf32>
      %parallel_loop3A_234 = arith.select %lt3A_10, %parallel_loop3A_213, %parallel_loop3A_233 : vector<16xi1>, vector<16xf32>
      %parallel_loop3A_235 = arith.constant dense<true> : vector<16xi1>
      %parallel_loop3A_236, %parallel_loop3A_237, %parallel_loop3A_238 = tpu.sort %parallel_loop3A_234, %parallel_loop3A_234 masked %parallel_loop3A_235 {descending = true} : (vector<16xf32>, vector<16xf32>, vector<16xi1>) -> (vector<16xi1>, vector<16xf32>, vector<16xf32>)
      %parallel_loop3A_239 = arith.constant 15 : i32
      %parallel_loop3A_240 = vector.broadcast %parallel_loop3A_239 : i32 to vector<16xi32>
      %parallel_loop3A_241 = tpu.iota {dimensions = array<i32: 0>} : vector<16xi32>
      %parallel_loop3A_242 = arith.subi %parallel_loop3A_240, %parallel_loop3A_241 : vector<16xi32>
      %parallel_loop3A_243 = tpu.dynamic_gather %parallel_loop3A_237[%parallel_loop3A_242] in [0] : vector<16xf32>, vector<16xi32> -> vector<16xf32>
      %parallel_loop3A_244 = arith.select %lt3A_10, %parallel_loop3A_227, %parallel_loop3A_243 : vector<16xi1>, vector<16xf32>
      %parallel_loop3A_245 = arith.constant dense<true> : vector<16xi1>
      %parallel_loop3A_246, %parallel_loop3A_247, %parallel_loop3A_248 = tpu.sort %parallel_loop3A_244, %parallel_loop3A_244 masked %parallel_loop3A_245 {descending = true} : (vector<16xf32>, vector<16xf32>, vector<16xi1>) -> (vector<16xi1>, vector<16xf32>, vector<16xf32>)
      %parallel_loop3A_249 = vector.shape_cast %broadcast_in_dim3A_13 : vector<16xi32> to vector<16x1xi32>
      %parallel_loop3A_250 = vector.shape_cast %parallel_loop3A_249 : vector<16x1xi32> to vector<16xi32>
      %parallel_loop3A_251 = tpu.dynamic_gather %parallel_loop3A_247[%parallel_loop3A_250] in [0] : vector<16xf32>, vector<16xi32> -> vector<16xf32>
      %parallel_loop3A_252 = vector.shape_cast %broadcast_in_dim3A_11 : vector<16xi32> to vector<16x1xi32>
      %parallel_loop3A_253 = vector.shape_cast %parallel_loop3A_252 : vector<16x1xi32> to vector<16xi32>
      %parallel_loop3A_254 = tpu.dynamic_gather %parallel_loop3A_247[%parallel_loop3A_253] in [0] : vector<16xf32>, vector<16xi32> -> vector<16xf32>
      %parallel_loop3A_255 = arith.cmpf oge, %parallel_loop3A_193, %parallel_loop3A_254 : vector<16xf32>
      %parallel_loop3A_256 = arith.ori %ne3A_8, %parallel_loop3A_255 : vector<16xi1>
      %parallel_loop3A_257 = arith.subf %parallel_loop3A_193, %parallel_loop3A_251 : vector<16xf32>
      %parallel_loop3A_258 = math.exp %parallel_loop3A_257 : vector<16xf32>
      %parallel_loop3A_259 = arith.constant 0.000000e+00 : f32
      %parallel_loop3A_260 = vector.broadcast %parallel_loop3A_259 : f32 to vector<16xf32>
      %parallel_loop3A_261 = arith.select %parallel_loop3A_256, %parallel_loop3A_258, %parallel_loop3A_260 : vector<16xi1>, vector<16xf32>
      %parallel_loop3A_262 = arith.cmpf oge, %parallel_loop3A_196, %parallel_loop3A_254 : vector<16xf32>
      %parallel_loop3A_263 = arith.ori %ne3A_8, %parallel_loop3A_262 : vector<16xi1>
      %parallel_loop3A_264 = arith.subf %parallel_loop3A_196, %parallel_loop3A_251 : vector<16xf32>
      %parallel_loop3A_265 = math.exp %parallel_loop3A_264 : vector<16xf32>
      %parallel_loop3A_266 = arith.constant 0.000000e+00 : f32
      %parallel_loop3A_267 = vector.broadcast %parallel_loop3A_266 : f32 to vector<16xf32>
      %parallel_loop3A_268 = arith.select %parallel_loop3A_263, %parallel_loop3A_265, %parallel_loop3A_267 : vector<16xi1>, vector<16xf32>
      %parallel_loop3A_269 = arith.cmpf oge, %parallel_loop3A_199, %parallel_loop3A_254 : vector<16xf32>
      %parallel_loop3A_270 = arith.ori %ne3A_8, %parallel_loop3A_269 : vector<16xi1>
      %parallel_loop3A_271 = arith.subf %parallel_loop3A_199, %parallel_loop3A_251 : vector<16xf32>
      %parallel_loop3A_272 = math.exp %parallel_loop3A_271 : vector<16xf32>
      %parallel_loop3A_273 = arith.constant 0.000000e+00 : f32
      %parallel_loop3A_274 = vector.broadcast %parallel_loop3A_273 : f32 to vector<16xf32>
      %parallel_loop3A_275 = arith.select %parallel_loop3A_270, %parallel_loop3A_272, %parallel_loop3A_274 : vector<16xi1>, vector<16xf32>
      %parallel_loop3A_276 = arith.cmpf oge, %parallel_loop3A_202, %parallel_loop3A_254 : vector<16xf32>
      %parallel_loop3A_277 = arith.ori %ne3A_8, %parallel_loop3A_276 : vector<16xi1>
      %parallel_loop3A_278 = arith.subf %parallel_loop3A_202, %parallel_loop3A_251 : vector<16xf32>
      %parallel_loop3A_279 = math.exp %parallel_loop3A_278 : vector<16xf32>
      %parallel_loop3A_280 = arith.constant 0.000000e+00 : f32
      %parallel_loop3A_281 = vector.broadcast %parallel_loop3A_280 : f32 to vector<16xf32>
      %parallel_loop3A_282 = arith.select %parallel_loop3A_277, %parallel_loop3A_279, %parallel_loop3A_281 : vector<16xi1>, vector<16xf32>
      %parallel_loop3A_283 = arith.addf %parallel_loop3A_261, %parallel_loop3A_268 : vector<16xf32>
      %parallel_loop3A_284 = arith.addf %parallel_loop3A_275, %parallel_loop3A_282 : vector<16xf32>
      %parallel_loop3A_285 = arith.addf %parallel_loop3A_283, %parallel_loop3A_284 : vector<16xf32>
      %parallel_loop3A_286 = arith.constant 8 : i32
      %parallel_loop3A_287 = vector.broadcast %parallel_loop3A_286 : i32 to vector<16xi32>
      %parallel_loop3A_288 = arith.xori %iota3A, %parallel_loop3A_287 : vector<16xi32>
      %parallel_loop3A_289 = vector.shape_cast %parallel_loop3A_288 : vector<16xi32> to vector<16x1xi32>
      %parallel_loop3A_290 = vector.shape_cast %parallel_loop3A_289 : vector<16x1xi32> to vector<16xi32>
      %parallel_loop3A_291 = tpu.dynamic_gather %parallel_loop3A_285[%parallel_loop3A_290] in [0] : vector<16xf32>, vector<16xi32> -> vector<16xf32>
      %parallel_loop3A_292 = arith.addf %parallel_loop3A_285, %parallel_loop3A_291 : vector<16xf32>
      %parallel_loop3A_293 = arith.constant 4 : i32
      %parallel_loop3A_294 = vector.broadcast %parallel_loop3A_293 : i32 to vector<16xi32>
      %parallel_loop3A_295 = arith.xori %iota3A, %parallel_loop3A_294 : vector<16xi32>
      %parallel_loop3A_296 = vector.shape_cast %parallel_loop3A_295 : vector<16xi32> to vector<16x1xi32>
      %parallel_loop3A_297 = vector.shape_cast %parallel_loop3A_296 : vector<16x1xi32> to vector<16xi32>
      %parallel_loop3A_298 = tpu.dynamic_gather %parallel_loop3A_292[%parallel_loop3A_297] in [0] : vector<16xf32>, vector<16xi32> -> vector<16xf32>
      %parallel_loop3A_299 = arith.addf %parallel_loop3A_292, %parallel_loop3A_298 : vector<16xf32>
      %parallel_loop3A_300 = arith.constant 2 : i32
      %parallel_loop3A_301 = vector.broadcast %parallel_loop3A_300 : i32 to vector<16xi32>
      %parallel_loop3A_302 = arith.xori %iota3A, %parallel_loop3A_301 : vector<16xi32>
      %parallel_loop3A_303 = vector.shape_cast %parallel_loop3A_302 : vector<16xi32> to vector<16x1xi32>
      %parallel_loop3A_304 = vector.shape_cast %parallel_loop3A_303 : vector<16x1xi32> to vector<16xi32>
      %parallel_loop3A_305 = tpu.dynamic_gather %parallel_loop3A_299[%parallel_loop3A_304] in [0] : vector<16xf32>, vector<16xi32> -> vector<16xf32>
      %parallel_loop3A_306 = arith.addf %parallel_loop3A_299, %parallel_loop3A_305 : vector<16xf32>
      %parallel_loop3A_307 = arith.constant 1 : i32
      %parallel_loop3A_308 = vector.broadcast %parallel_loop3A_307 : i32 to vector<16xi32>
      %parallel_loop3A_309 = arith.xori %iota3A, %parallel_loop3A_308 : vector<16xi32>
      %parallel_loop3A_310 = vector.shape_cast %parallel_loop3A_309 : vector<16xi32> to vector<16x1xi32>
      %parallel_loop3A_311 = vector.shape_cast %parallel_loop3A_310 : vector<16x1xi32> to vector<16xi32>
      %parallel_loop3A_312 = tpu.dynamic_gather %parallel_loop3A_306[%parallel_loop3A_311] in [0] : vector<16xf32>, vector<16xi32> -> vector<16xf32>
      %parallel_loop3A_313 = arith.addf %parallel_loop3A_306, %parallel_loop3A_312 : vector<16xf32>
      %parallel_loop3A_314 = arith.constant 1.000000e+00 : f32
      %parallel_loop3A_315 = vector.broadcast %parallel_loop3A_314 : f32 to vector<16xf32>
      %parallel_loop3A_316 = arith.divf %parallel_loop3A_315, %parallel_loop3A_313 : vector<16xf32>
      %parallel_loop3A_317 = arith.mulf %parallel_loop3A_261, %parallel_loop3A_316 : vector<16xf32>
      %parallel_loop3A_318 = arith.index_cast %parallel_loop3A_190 : i32 to index
      %parallel_loop3A_319 = arith.constant 0 : index
      %parallel_loop3A_320 = tpu.vector_load %arg8[%parallel_loop3A_318, %parallel_loop3A_319] {strides = array<i32>} : memref<128x64xf32, #tpu.memory_space<vmem>>, vector<16xf32>,
      tpu.vector_store %arg8[%parallel_loop3A_318, %parallel_loop3A_319], %parallel_loop3A_317 {strides = array<i32>} : memref<128x64xf32, #tpu.memory_space<vmem>>, vector<16xf32>,
      %parallel_loop3A_321 = arith.mulf %parallel_loop3A_268, %parallel_loop3A_316 : vector<16xf32>
      %parallel_loop3A_322 = arith.index_cast %parallel_loop3A_190 : i32 to index
      %parallel_loop3A_323 = arith.constant 16 : index
      %parallel_loop3A_324 = tpu.vector_load %arg8[%parallel_loop3A_322, %parallel_loop3A_323] {strides = array<i32>} : memref<128x64xf32, #tpu.memory_space<vmem>>, vector<16xf32>,
      tpu.vector_store %arg8[%parallel_loop3A_322, %parallel_loop3A_323], %parallel_loop3A_321 {strides = array<i32>} : memref<128x64xf32, #tpu.memory_space<vmem>>, vector<16xf32>,
      %parallel_loop3A_325 = arith.mulf %parallel_loop3A_275, %parallel_loop3A_316 : vector<16xf32>
      %parallel_loop3A_326 = arith.index_cast %parallel_loop3A_190 : i32 to index
      %parallel_loop3A_327 = arith.constant 32 : index
      %parallel_loop3A_328 = tpu.vector_load %arg8[%parallel_loop3A_326, %parallel_loop3A_327] {strides = array<i32>} : memref<128x64xf32, #tpu.memory_space<vmem>>, vector<16xf32>,
      tpu.vector_store %arg8[%parallel_loop3A_326, %parallel_loop3A_327], %parallel_loop3A_325 {strides = array<i32>} : memref<128x64xf32, #tpu.memory_space<vmem>>, vector<16xf32>,
      %parallel_loop3A_329 = arith.mulf %parallel_loop3A_282, %parallel_loop3A_316 : vector<16xf32>
      %parallel_loop3A_330 = arith.index_cast %parallel_loop3A_190 : i32 to index
      %parallel_loop3A_331 = arith.constant 48 : index
      %parallel_loop3A_332 = tpu.vector_load %arg8[%parallel_loop3A_330, %parallel_loop3A_331] {strides = array<i32>} : memref<128x64xf32, #tpu.memory_space<vmem>>, vector<16xf32>,
      tpu.vector_store %arg8[%parallel_loop3A_330, %parallel_loop3A_331], %parallel_loop3A_329 {strides = array<i32>} : memref<128x64xf32, #tpu.memory_space<vmem>>, vector<16xf32>,
    } {sc.loop_unroll_factor = 2 : i64, sc.parallel_access}
    %add3A_136 = arith.constant 640 : i32
    %add3A_137 = arith.addi %mul3A_2, %add3A_136 : i32
    %dma_start3A_138 = arith.constant 0 : i32
    %dma_start3A_139 = tpu.memref_slice %arg4[%add3A_137, %dma_start3A_138] : memref<32768x64xf32, #tpu.memory_space<hbm>> -> memref<128x64xf32, #tpu.memory_space<hbm>>
    %dma_start3A_140 = arith.constant 0 : i32
    %dma_start3A_141 = tpu.memref_slice %arg4[%add3A_137, %dma_start3A_140] : memref<32768x64xf32, #tpu.memory_space<hbm>> -> memref<128x64xf32, #tpu.memory_space<hbm>>
    tpu.enqueue_dma source(%arg8 : memref<128x64xf32, #tpu.memory_space<vmem>>) target(%dma_start3A_141 : memref<128x64xf32, #tpu.memory_space<hbm>>) target_semaphore(%arg13 : memref<!tpu.dma_semaphore, #tpu.memory_space<semaphore_mem>>)
    %add3A_142 = arith.constant 896 : i32
    %add3A_143 = arith.addi %mul3A_2, %add3A_142 : i32
    %dma_start3A_144 = arith.constant 0 : i32
    %dma_start3A_145 = tpu.memref_slice %arg2[%add3A_143, %dma_start3A_144] : memref<32768x64xf32, #tpu.memory_space<hbm>> -> memref<128x64xf32, #tpu.memory_space<hbm>>
    %dma_start3A_146 = arith.constant 0 : i32
    %dma_start3A_147 = tpu.memref_slice %arg2[%add3A_143, %dma_start3A_146] : memref<32768x64xf32, #tpu.memory_space<hbm>> -> memref<128x64xf32, #tpu.memory_space<hbm>>
    tpu.enqueue_dma source(%dma_start3A_147 : memref<128x64xf32, #tpu.memory_space<hbm>>) target(%arg6 : memref<128x64xf32, #tpu.memory_space<vmem>>) target_semaphore(%arg11 : memref<!tpu.dma_semaphore, #tpu.memory_space<semaphore_mem>>)
    %dma_wait3A_148 = arith.constant 0 : i32
    %dma_wait3A_149 = tpu.memref_slice %arg2[%add3A_120, %dma_wait3A_148] : memref<32768x64xf32, #tpu.memory_space<hbm>> -> memref<128x64xf32, #tpu.memory_space<hbm>>
    %dma_wait3A_150 = arith.constant 0 : i32
    %dma_wait3A_151 = tpu.memref_slice %arg2[%add3A_120, %dma_wait3A_150] : memref<32768x64xf32, #tpu.memory_space<hbm>> -> memref<128x64xf32, #tpu.memory_space<hbm>>
    tpu.wait_dma2 semaphore(%arg10 : memref<!tpu.dma_semaphore, #tpu.memory_space<semaphore_mem>>) src(%dma_wait3A_151 : memref<128x64xf32, #tpu.memory_space<hbm>>) dst(%arg5 : memref<128x64xf32, #tpu.memory_space<vmem>>)
    %dma_wait3A_152 = arith.constant 0 : i32
    %dma_wait3A_153 = tpu.memref_slice %arg4[%add3A_114, %dma_wait3A_152] : memref<32768x64xf32, #tpu.memory_space<hbm>> -> memref<128x64xf32, #tpu.memory_space<hbm>>
    %dma_wait3A_154 = arith.constant 0 : i32
    %dma_wait3A_155 = tpu.memref_slice %arg4[%add3A_114, %dma_wait3A_154] : memref<32768x64xf32, #tpu.memory_space<hbm>> -> memref<128x64xf32, #tpu.memory_space<hbm>>
    tpu.wait_dma2 semaphore(%arg12 : memref<!tpu.dma_semaphore, #tpu.memory_space<semaphore_mem>>) src(%arg7 : memref<128x64xf32, #tpu.memory_space<vmem>>) dst(%dma_wait3A_155 : memref<128x64xf32, #tpu.memory_space<hbm>>)
    %parallel_loop3A_156 = arith.constant 0 : i32
    %parallel_loop3A_157 = arith.constant 128 : i32
    %parallel_loop3A_158 = arith.constant 1 : i32
    scf.for %parallel_loop3A_190 = %parallel_loop3A_156 to %parallel_loop3A_157 step %parallel_loop3A_158  : i32 {
      %parallel_loop3A_191 = arith.index_cast %parallel_loop3A_190 : i32 to index
      %parallel_loop3A_192 = arith.constant 0 : index
      %parallel_loop3A_193 = tpu.vector_load %arg5[%parallel_loop3A_191, %parallel_loop3A_192] {strides = array<i32>} : memref<128x64xf32, #tpu.memory_space<vmem>>, vector<16xf32>,
      %parallel_loop3A_194 = arith.index_cast %parallel_loop3A_190 : i32 to index
      %parallel_loop3A_195 = arith.constant 16 : index
      %parallel_loop3A_196 = tpu.vector_load %arg5[%parallel_loop3A_194, %parallel_loop3A_195] {strides = array<i32>} : memref<128x64xf32, #tpu.memory_space<vmem>>, vector<16xf32>,
      %parallel_loop3A_197 = arith.index_cast %parallel_loop3A_190 : i32 to index
      %parallel_loop3A_198 = arith.constant 32 : index
      %parallel_loop3A_199 = tpu.vector_load %arg5[%parallel_loop3A_197, %parallel_loop3A_198] {strides = array<i32>} : memref<128x64xf32, #tpu.memory_space<vmem>>, vector<16xf32>,
      %parallel_loop3A_200 = arith.index_cast %parallel_loop3A_190 : i32 to index
      %parallel_loop3A_201 = arith.constant 48 : index
      %parallel_loop3A_202 = tpu.vector_load %arg5[%parallel_loop3A_200, %parallel_loop3A_201] {strides = array<i32>} : memref<128x64xf32, #tpu.memory_space<vmem>>, vector<16xf32>,
      %parallel_loop3A_203 = arith.constant dense<true> : vector<16xi1>
      %parallel_loop3A_204, %parallel_loop3A_205, %parallel_loop3A_206 = tpu.sort %parallel_loop3A_193, %parallel_loop3A_193 masked %parallel_loop3A_203 {descending = true} : (vector<16xf32>, vector<16xf32>, vector<16xi1>) -> (vector<16xi1>, vector<16xf32>, vector<16xf32>)
      %parallel_loop3A_207 = arith.constant dense<true> : vector<16xi1>
      %parallel_loop3A_208, %parallel_loop3A_209, %parallel_loop3A_210 = tpu.sort %parallel_loop3A_196, %parallel_loop3A_196 masked %parallel_loop3A_207 {descending = true} : (vector<16xf32>, vector<16xf32>, vector<16xi1>) -> (vector<16xi1>, vector<16xf32>, vector<16xf32>)
      %parallel_loop3A_211 = arith.constant dense<true> : vector<16xi1>
      %parallel_loop3A_212, %parallel_loop3A_213, %parallel_loop3A_214 = tpu.sort %parallel_loop3A_199, %parallel_loop3A_199 masked %parallel_loop3A_211 {descending = true} : (vector<16xf32>, vector<16xf32>, vector<16xi1>) -> (vector<16xi1>, vector<16xf32>, vector<16xf32>)
      %parallel_loop3A_215 = arith.constant dense<true> : vector<16xi1>
      %parallel_loop3A_216, %parallel_loop3A_217, %parallel_loop3A_218 = tpu.sort %parallel_loop3A_202, %parallel_loop3A_202 masked %parallel_loop3A_215 {descending = true} : (vector<16xf32>, vector<16xf32>, vector<16xi1>) -> (vector<16xi1>, vector<16xf32>, vector<16xf32>)
      %parallel_loop3A_219 = arith.constant 15 : i32
      %parallel_loop3A_220 = vector.broadcast %parallel_loop3A_219 : i32 to vector<16xi32>
      %parallel_loop3A_221 = tpu.iota {dimensions = array<i32: 0>} : vector<16xi32>
      %parallel_loop3A_222 = arith.subi %parallel_loop3A_220, %parallel_loop3A_221 : vector<16xi32>
      %parallel_loop3A_223 = tpu.dynamic_gather %parallel_loop3A_209[%parallel_loop3A_222] in [0] : vector<16xf32>, vector<16xi32> -> vector<16xf32>
      %parallel_loop3A_224 = arith.select %lt3A_10, %parallel_loop3A_205, %parallel_loop3A_223 : vector<16xi1>, vector<16xf32>
      %parallel_loop3A_225 = arith.constant dense<true> : vector<16xi1>
      %parallel_loop3A_226, %parallel_loop3A_227, %parallel_loop3A_228 = tpu.sort %parallel_loop3A_224, %parallel_loop3A_224 masked %parallel_loop3A_225 {descending = true} : (vector<16xf32>, vector<16xf32>, vector<16xi1>) -> (vector<16xi1>, vector<16xf32>, vector<16xf32>)
      %parallel_loop3A_229 = arith.constant 15 : i32
      %parallel_loop3A_230 = vector.broadcast %parallel_loop3A_229 : i32 to vector<16xi32>
      %parallel_loop3A_231 = tpu.iota {dimensions = array<i32: 0>} : vector<16xi32>
      %parallel_loop3A_232 = arith.subi %parallel_loop3A_230, %parallel_loop3A_231 : vector<16xi32>
      %parallel_loop3A_233 = tpu.dynamic_gather %parallel_loop3A_217[%parallel_loop3A_232] in [0] : vector<16xf32>, vector<16xi32> -> vector<16xf32>
      %parallel_loop3A_234 = arith.select %lt3A_10, %parallel_loop3A_213, %parallel_loop3A_233 : vector<16xi1>, vector<16xf32>
      %parallel_loop3A_235 = arith.constant dense<true> : vector<16xi1>
      %parallel_loop3A_236, %parallel_loop3A_237, %parallel_loop3A_238 = tpu.sort %parallel_loop3A_234, %parallel_loop3A_234 masked %parallel_loop3A_235 {descending = true} : (vector<16xf32>, vector<16xf32>, vector<16xi1>) -> (vector<16xi1>, vector<16xf32>, vector<16xf32>)
      %parallel_loop3A_239 = arith.constant 15 : i32
      %parallel_loop3A_240 = vector.broadcast %parallel_loop3A_239 : i32 to vector<16xi32>
      %parallel_loop3A_241 = tpu.iota {dimensions = array<i32: 0>} : vector<16xi32>
      %parallel_loop3A_242 = arith.subi %parallel_loop3A_240, %parallel_loop3A_241 : vector<16xi32>
      %parallel_loop3A_243 = tpu.dynamic_gather %parallel_loop3A_237[%parallel_loop3A_242] in [0] : vector<16xf32>, vector<16xi32> -> vector<16xf32>
      %parallel_loop3A_244 = arith.select %lt3A_10, %parallel_loop3A_227, %parallel_loop3A_243 : vector<16xi1>, vector<16xf32>
      %parallel_loop3A_245 = arith.constant dense<true> : vector<16xi1>
      %parallel_loop3A_246, %parallel_loop3A_247, %parallel_loop3A_248 = tpu.sort %parallel_loop3A_244, %parallel_loop3A_244 masked %parallel_loop3A_245 {descending = true} : (vector<16xf32>, vector<16xf32>, vector<16xi1>) -> (vector<16xi1>, vector<16xf32>, vector<16xf32>)
      %parallel_loop3A_249 = vector.shape_cast %broadcast_in_dim3A_13 : vector<16xi32> to vector<16x1xi32>
      %parallel_loop3A_250 = vector.shape_cast %parallel_loop3A_249 : vector<16x1xi32> to vector<16xi32>
      %parallel_loop3A_251 = tpu.dynamic_gather %parallel_loop3A_247[%parallel_loop3A_250] in [0] : vector<16xf32>, vector<16xi32> -> vector<16xf32>
      %parallel_loop3A_252 = vector.shape_cast %broadcast_in_dim3A_11 : vector<16xi32> to vector<16x1xi32>
      %parallel_loop3A_253 = vector.shape_cast %parallel_loop3A_252 : vector<16x1xi32> to vector<16xi32>
      %parallel_loop3A_254 = tpu.dynamic_gather %parallel_loop3A_247[%parallel_loop3A_253] in [0] : vector<16xf32>, vector<16xi32> -> vector<16xf32>
      %parallel_loop3A_255 = arith.cmpf oge, %parallel_loop3A_193, %parallel_loop3A_254 : vector<16xf32>
      %parallel_loop3A_256 = arith.ori %ne3A_8, %parallel_loop3A_255 : vector<16xi1>
      %parallel_loop3A_257 = arith.subf %parallel_loop3A_193, %parallel_loop3A_251 : vector<16xf32>
      %parallel_loop3A_258 = math.exp %parallel_loop3A_257 : vector<16xf32>
      %parallel_loop3A_259 = arith.constant 0.000000e+00 : f32
      %parallel_loop3A_260 = vector.broadcast %parallel_loop3A_259 : f32 to vector<16xf32>
      %parallel_loop3A_261 = arith.select %parallel_loop3A_256, %parallel_loop3A_258, %parallel_loop3A_260 : vector<16xi1>, vector<16xf32>
      %parallel_loop3A_262 = arith.cmpf oge, %parallel_loop3A_196, %parallel_loop3A_254 : vector<16xf32>
      %parallel_loop3A_263 = arith.ori %ne3A_8, %parallel_loop3A_262 : vector<16xi1>
      %parallel_loop3A_264 = arith.subf %parallel_loop3A_196, %parallel_loop3A_251 : vector<16xf32>
      %parallel_loop3A_265 = math.exp %parallel_loop3A_264 : vector<16xf32>
      %parallel_loop3A_266 = arith.constant 0.000000e+00 : f32
      %parallel_loop3A_267 = vector.broadcast %parallel_loop3A_266 : f32 to vector<16xf32>
      %parallel_loop3A_268 = arith.select %parallel_loop3A_263, %parallel_loop3A_265, %parallel_loop3A_267 : vector<16xi1>, vector<16xf32>
      %parallel_loop3A_269 = arith.cmpf oge, %parallel_loop3A_199, %parallel_loop3A_254 : vector<16xf32>
      %parallel_loop3A_270 = arith.ori %ne3A_8, %parallel_loop3A_269 : vector<16xi1>
      %parallel_loop3A_271 = arith.subf %parallel_loop3A_199, %parallel_loop3A_251 : vector<16xf32>
      %parallel_loop3A_272 = math.exp %parallel_loop3A_271 : vector<16xf32>
      %parallel_loop3A_273 = arith.constant 0.000000e+00 : f32
      %parallel_loop3A_274 = vector.broadcast %parallel_loop3A_273 : f32 to vector<16xf32>
      %parallel_loop3A_275 = arith.select %parallel_loop3A_270, %parallel_loop3A_272, %parallel_loop3A_274 : vector<16xi1>, vector<16xf32>
      %parallel_loop3A_276 = arith.cmpf oge, %parallel_loop3A_202, %parallel_loop3A_254 : vector<16xf32>
      %parallel_loop3A_277 = arith.ori %ne3A_8, %parallel_loop3A_276 : vector<16xi1>
      %parallel_loop3A_278 = arith.subf %parallel_loop3A_202, %parallel_loop3A_251 : vector<16xf32>
      %parallel_loop3A_279 = math.exp %parallel_loop3A_278 : vector<16xf32>
      %parallel_loop3A_280 = arith.constant 0.000000e+00 : f32
      %parallel_loop3A_281 = vector.broadcast %parallel_loop3A_280 : f32 to vector<16xf32>
      %parallel_loop3A_282 = arith.select %parallel_loop3A_277, %parallel_loop3A_279, %parallel_loop3A_281 : vector<16xi1>, vector<16xf32>
      %parallel_loop3A_283 = arith.addf %parallel_loop3A_261, %parallel_loop3A_268 : vector<16xf32>
      %parallel_loop3A_284 = arith.addf %parallel_loop3A_275, %parallel_loop3A_282 : vector<16xf32>
      %parallel_loop3A_285 = arith.addf %parallel_loop3A_283, %parallel_loop3A_284 : vector<16xf32>
      %parallel_loop3A_286 = arith.constant 8 : i32
      %parallel_loop3A_287 = vector.broadcast %parallel_loop3A_286 : i32 to vector<16xi32>
      %parallel_loop3A_288 = arith.xori %iota3A, %parallel_loop3A_287 : vector<16xi32>
      %parallel_loop3A_289 = vector.shape_cast %parallel_loop3A_288 : vector<16xi32> to vector<16x1xi32>
      %parallel_loop3A_290 = vector.shape_cast %parallel_loop3A_289 : vector<16x1xi32> to vector<16xi32>
      %parallel_loop3A_291 = tpu.dynamic_gather %parallel_loop3A_285[%parallel_loop3A_290] in [0] : vector<16xf32>, vector<16xi32> -> vector<16xf32>
      %parallel_loop3A_292 = arith.addf %parallel_loop3A_285, %parallel_loop3A_291 : vector<16xf32>
      %parallel_loop3A_293 = arith.constant 4 : i32
      %parallel_loop3A_294 = vector.broadcast %parallel_loop3A_293 : i32 to vector<16xi32>
      %parallel_loop3A_295 = arith.xori %iota3A, %parallel_loop3A_294 : vector<16xi32>
      %parallel_loop3A_296 = vector.shape_cast %parallel_loop3A_295 : vector<16xi32> to vector<16x1xi32>
      %parallel_loop3A_297 = vector.shape_cast %parallel_loop3A_296 : vector<16x1xi32> to vector<16xi32>
      %parallel_loop3A_298 = tpu.dynamic_gather %parallel_loop3A_292[%parallel_loop3A_297] in [0] : vector<16xf32>, vector<16xi32> -> vector<16xf32>
      %parallel_loop3A_299 = arith.addf %parallel_loop3A_292, %parallel_loop3A_298 : vector<16xf32>
      %parallel_loop3A_300 = arith.constant 2 : i32
      %parallel_loop3A_301 = vector.broadcast %parallel_loop3A_300 : i32 to vector<16xi32>
      %parallel_loop3A_302 = arith.xori %iota3A, %parallel_loop3A_301 : vector<16xi32>
      %parallel_loop3A_303 = vector.shape_cast %parallel_loop3A_302 : vector<16xi32> to vector<16x1xi32>
      %parallel_loop3A_304 = vector.shape_cast %parallel_loop3A_303 : vector<16x1xi32> to vector<16xi32>
      %parallel_loop3A_305 = tpu.dynamic_gather %parallel_loop3A_299[%parallel_loop3A_304] in [0] : vector<16xf32>, vector<16xi32> -> vector<16xf32>
      %parallel_loop3A_306 = arith.addf %parallel_loop3A_299, %parallel_loop3A_305 : vector<16xf32>
      %parallel_loop3A_307 = arith.constant 1 : i32
      %parallel_loop3A_308 = vector.broadcast %parallel_loop3A_307 : i32 to vector<16xi32>
      %parallel_loop3A_309 = arith.xori %iota3A, %parallel_loop3A_308 : vector<16xi32>
      %parallel_loop3A_310 = vector.shape_cast %parallel_loop3A_309 : vector<16xi32> to vector<16x1xi32>
      %parallel_loop3A_311 = vector.shape_cast %parallel_loop3A_310 : vector<16x1xi32> to vector<16xi32>
      %parallel_loop3A_312 = tpu.dynamic_gather %parallel_loop3A_306[%parallel_loop3A_311] in [0] : vector<16xf32>, vector<16xi32> -> vector<16xf32>
      %parallel_loop3A_313 = arith.addf %parallel_loop3A_306, %parallel_loop3A_312 : vector<16xf32>
      %parallel_loop3A_314 = arith.constant 1.000000e+00 : f32
      %parallel_loop3A_315 = vector.broadcast %parallel_loop3A_314 : f32 to vector<16xf32>
      %parallel_loop3A_316 = arith.divf %parallel_loop3A_315, %parallel_loop3A_313 : vector<16xf32>
      %parallel_loop3A_317 = arith.mulf %parallel_loop3A_261, %parallel_loop3A_316 : vector<16xf32>
      %parallel_loop3A_318 = arith.index_cast %parallel_loop3A_190 : i32 to index
      %parallel_loop3A_319 = arith.constant 0 : index
      %parallel_loop3A_320 = tpu.vector_load %arg7[%parallel_loop3A_318, %parallel_loop3A_319] {strides = array<i32>} : memref<128x64xf32, #tpu.memory_space<vmem>>, vector<16xf32>,
      tpu.vector_store %arg7[%parallel_loop3A_318, %parallel_loop3A_319], %parallel_loop3A_317 {strides = array<i32>} : memref<128x64xf32, #tpu.memory_space<vmem>>, vector<16xf32>,
      %parallel_loop3A_321 = arith.mulf %parallel_loop3A_268, %parallel_loop3A_316 : vector<16xf32>
      %parallel_loop3A_322 = arith.index_cast %parallel_loop3A_190 : i32 to index
      %parallel_loop3A_323 = arith.constant 16 : index
      %parallel_loop3A_324 = tpu.vector_load %arg7[%parallel_loop3A_322, %parallel_loop3A_323] {strides = array<i32>} : memref<128x64xf32, #tpu.memory_space<vmem>>, vector<16xf32>,
      tpu.vector_store %arg7[%parallel_loop3A_322, %parallel_loop3A_323], %parallel_loop3A_321 {strides = array<i32>} : memref<128x64xf32, #tpu.memory_space<vmem>>, vector<16xf32>,
      %parallel_loop3A_325 = arith.mulf %parallel_loop3A_275, %parallel_loop3A_316 : vector<16xf32>
      %parallel_loop3A_326 = arith.index_cast %parallel_loop3A_190 : i32 to index
      %parallel_loop3A_327 = arith.constant 32 : index
      %parallel_loop3A_328 = tpu.vector_load %arg7[%parallel_loop3A_326, %parallel_loop3A_327] {strides = array<i32>} : memref<128x64xf32, #tpu.memory_space<vmem>>, vector<16xf32>,
      tpu.vector_store %arg7[%parallel_loop3A_326, %parallel_loop3A_327], %parallel_loop3A_325 {strides = array<i32>} : memref<128x64xf32, #tpu.memory_space<vmem>>, vector<16xf32>,
      %parallel_loop3A_329 = arith.mulf %parallel_loop3A_282, %parallel_loop3A_316 : vector<16xf32>
      %parallel_loop3A_330 = arith.index_cast %parallel_loop3A_190 : i32 to index
      %parallel_loop3A_331 = arith.constant 48 : index
      %parallel_loop3A_332 = tpu.vector_load %arg7[%parallel_loop3A_330, %parallel_loop3A_331] {strides = array<i32>} : memref<128x64xf32, #tpu.memory_space<vmem>>, vector<16xf32>,
      tpu.vector_store %arg7[%parallel_loop3A_330, %parallel_loop3A_331], %parallel_loop3A_329 {strides = array<i32>} : memref<128x64xf32, #tpu.memory_space<vmem>>, vector<16xf32>,
    } {sc.loop_unroll_factor = 2 : i64, sc.parallel_access}
    %add3A_159 = arith.constant 768 : i32
    %add3A_160 = arith.addi %mul3A_2, %add3A_159 : i32
    %dma_start3A_161 = arith.constant 0 : i32
    %dma_start3A_162 = tpu.memref_slice %arg4[%add3A_160, %dma_start3A_161] : memref<32768x64xf32, #tpu.memory_space<hbm>> -> memref<128x64xf32, #tpu.memory_space<hbm>>
    %dma_start3A_163 = arith.constant 0 : i32
    %dma_start3A_164 = tpu.memref_slice %arg4[%add3A_160, %dma_start3A_163] : memref<32768x64xf32, #tpu.memory_space<hbm>> -> memref<128x64xf32, #tpu.memory_space<hbm>>
    tpu.enqueue_dma source(%arg7 : memref<128x64xf32, #tpu.memory_space<vmem>>) target(%dma_start3A_164 : memref<128x64xf32, #tpu.memory_space<hbm>>) target_semaphore(%arg12 : memref<!tpu.dma_semaphore, #tpu.memory_space<semaphore_mem>>)
    %dma_wait3A_165 = arith.constant 0 : i32
    %dma_wait3A_166 = tpu.memref_slice %arg2[%add3A_143, %dma_wait3A_165] : memref<32768x64xf32, #tpu.memory_space<hbm>> -> memref<128x64xf32, #tpu.memory_space<hbm>>
    %dma_wait3A_167 = arith.constant 0 : i32
    %dma_wait3A_168 = tpu.memref_slice %arg2[%add3A_143, %dma_wait3A_167] : memref<32768x64xf32, #tpu.memory_space<hbm>> -> memref<128x64xf32, #tpu.memory_space<hbm>>
    tpu.wait_dma2 semaphore(%arg11 : memref<!tpu.dma_semaphore, #tpu.memory_space<semaphore_mem>>) src(%dma_wait3A_168 : memref<128x64xf32, #tpu.memory_space<hbm>>) dst(%arg6 : memref<128x64xf32, #tpu.memory_space<vmem>>)
    %dma_wait3A_169 = arith.constant 0 : i32
    %dma_wait3A_170 = tpu.memref_slice %arg4[%add3A_137, %dma_wait3A_169] : memref<32768x64xf32, #tpu.memory_space<hbm>> -> memref<128x64xf32, #tpu.memory_space<hbm>>
    %dma_wait3A_171 = arith.constant 0 : i32
    %dma_wait3A_172 = tpu.memref_slice %arg4[%add3A_137, %dma_wait3A_171] : memref<32768x64xf32, #tpu.memory_space<hbm>> -> memref<128x64xf32, #tpu.memory_space<hbm>>
    tpu.wait_dma2 semaphore(%arg13 : memref<!tpu.dma_semaphore, #tpu.memory_space<semaphore_mem>>) src(%arg8 : memref<128x64xf32, #tpu.memory_space<vmem>>) dst(%dma_wait3A_172 : memref<128x64xf32, #tpu.memory_space<hbm>>)
    %parallel_loop3A_173 = arith.constant 0 : i32
    %parallel_loop3A_174 = arith.constant 128 : i32
    %parallel_loop3A_175 = arith.constant 1 : i32
    scf.for %parallel_loop3A_190 = %parallel_loop3A_173 to %parallel_loop3A_174 step %parallel_loop3A_175  : i32 {
      %parallel_loop3A_191 = arith.index_cast %parallel_loop3A_190 : i32 to index
      %parallel_loop3A_192 = arith.constant 0 : index
      %parallel_loop3A_193 = tpu.vector_load %arg6[%parallel_loop3A_191, %parallel_loop3A_192] {strides = array<i32>} : memref<128x64xf32, #tpu.memory_space<vmem>>, vector<16xf32>,
      %parallel_loop3A_194 = arith.index_cast %parallel_loop3A_190 : i32 to index
      %parallel_loop3A_195 = arith.constant 16 : index
      %parallel_loop3A_196 = tpu.vector_load %arg6[%parallel_loop3A_194, %parallel_loop3A_195] {strides = array<i32>} : memref<128x64xf32, #tpu.memory_space<vmem>>, vector<16xf32>,
      %parallel_loop3A_197 = arith.index_cast %parallel_loop3A_190 : i32 to index
      %parallel_loop3A_198 = arith.constant 32 : index
      %parallel_loop3A_199 = tpu.vector_load %arg6[%parallel_loop3A_197, %parallel_loop3A_198] {strides = array<i32>} : memref<128x64xf32, #tpu.memory_space<vmem>>, vector<16xf32>,
      %parallel_loop3A_200 = arith.index_cast %parallel_loop3A_190 : i32 to index
      %parallel_loop3A_201 = arith.constant 48 : index
      %parallel_loop3A_202 = tpu.vector_load %arg6[%parallel_loop3A_200, %parallel_loop3A_201] {strides = array<i32>} : memref<128x64xf32, #tpu.memory_space<vmem>>, vector<16xf32>,
      %parallel_loop3A_203 = arith.constant dense<true> : vector<16xi1>
      %parallel_loop3A_204, %parallel_loop3A_205, %parallel_loop3A_206 = tpu.sort %parallel_loop3A_193, %parallel_loop3A_193 masked %parallel_loop3A_203 {descending = true} : (vector<16xf32>, vector<16xf32>, vector<16xi1>) -> (vector<16xi1>, vector<16xf32>, vector<16xf32>)
      %parallel_loop3A_207 = arith.constant dense<true> : vector<16xi1>
      %parallel_loop3A_208, %parallel_loop3A_209, %parallel_loop3A_210 = tpu.sort %parallel_loop3A_196, %parallel_loop3A_196 masked %parallel_loop3A_207 {descending = true} : (vector<16xf32>, vector<16xf32>, vector<16xi1>) -> (vector<16xi1>, vector<16xf32>, vector<16xf32>)
      %parallel_loop3A_211 = arith.constant dense<true> : vector<16xi1>
      %parallel_loop3A_212, %parallel_loop3A_213, %parallel_loop3A_214 = tpu.sort %parallel_loop3A_199, %parallel_loop3A_199 masked %parallel_loop3A_211 {descending = true} : (vector<16xf32>, vector<16xf32>, vector<16xi1>) -> (vector<16xi1>, vector<16xf32>, vector<16xf32>)
      %parallel_loop3A_215 = arith.constant dense<true> : vector<16xi1>
      %parallel_loop3A_216, %parallel_loop3A_217, %parallel_loop3A_218 = tpu.sort %parallel_loop3A_202, %parallel_loop3A_202 masked %parallel_loop3A_215 {descending = true} : (vector<16xf32>, vector<16xf32>, vector<16xi1>) -> (vector<16xi1>, vector<16xf32>, vector<16xf32>)
      %parallel_loop3A_219 = arith.constant 15 : i32
      %parallel_loop3A_220 = vector.broadcast %parallel_loop3A_219 : i32 to vector<16xi32>
      %parallel_loop3A_221 = tpu.iota {dimensions = array<i32: 0>} : vector<16xi32>
      %parallel_loop3A_222 = arith.subi %parallel_loop3A_220, %parallel_loop3A_221 : vector<16xi32>
      %parallel_loop3A_223 = tpu.dynamic_gather %parallel_loop3A_209[%parallel_loop3A_222] in [0] : vector<16xf32>, vector<16xi32> -> vector<16xf32>
      %parallel_loop3A_224 = arith.select %lt3A_10, %parallel_loop3A_205, %parallel_loop3A_223 : vector<16xi1>, vector<16xf32>
      %parallel_loop3A_225 = arith.constant dense<true> : vector<16xi1>
      %parallel_loop3A_226, %parallel_loop3A_227, %parallel_loop3A_228 = tpu.sort %parallel_loop3A_224, %parallel_loop3A_224 masked %parallel_loop3A_225 {descending = true} : (vector<16xf32>, vector<16xf32>, vector<16xi1>) -> (vector<16xi1>, vector<16xf32>, vector<16xf32>)
      %parallel_loop3A_229 = arith.constant 15 : i32
      %parallel_loop3A_230 = vector.broadcast %parallel_loop3A_229 : i32 to vector<16xi32>
      %parallel_loop3A_231 = tpu.iota {dimensions = array<i32: 0>} : vector<16xi32>
      %parallel_loop3A_232 = arith.subi %parallel_loop3A_230, %parallel_loop3A_231 : vector<16xi32>
      %parallel_loop3A_233 = tpu.dynamic_gather %parallel_loop3A_217[%parallel_loop3A_232] in [0] : vector<16xf32>, vector<16xi32> -> vector<16xf32>
      %parallel_loop3A_234 = arith.select %lt3A_10, %parallel_loop3A_213, %parallel_loop3A_233 : vector<16xi1>, vector<16xf32>
      %parallel_loop3A_235 = arith.constant dense<true> : vector<16xi1>
      %parallel_loop3A_236, %parallel_loop3A_237, %parallel_loop3A_238 = tpu.sort %parallel_loop3A_234, %parallel_loop3A_234 masked %parallel_loop3A_235 {descending = true} : (vector<16xf32>, vector<16xf32>, vector<16xi1>) -> (vector<16xi1>, vector<16xf32>, vector<16xf32>)
      %parallel_loop3A_239 = arith.constant 15 : i32
      %parallel_loop3A_240 = vector.broadcast %parallel_loop3A_239 : i32 to vector<16xi32>
      %parallel_loop3A_241 = tpu.iota {dimensions = array<i32: 0>} : vector<16xi32>
      %parallel_loop3A_242 = arith.subi %parallel_loop3A_240, %parallel_loop3A_241 : vector<16xi32>
      %parallel_loop3A_243 = tpu.dynamic_gather %parallel_loop3A_237[%parallel_loop3A_242] in [0] : vector<16xf32>, vector<16xi32> -> vector<16xf32>
      %parallel_loop3A_244 = arith.select %lt3A_10, %parallel_loop3A_227, %parallel_loop3A_243 : vector<16xi1>, vector<16xf32>
      %parallel_loop3A_245 = arith.constant dense<true> : vector<16xi1>
      %parallel_loop3A_246, %parallel_loop3A_247, %parallel_loop3A_248 = tpu.sort %parallel_loop3A_244, %parallel_loop3A_244 masked %parallel_loop3A_245 {descending = true} : (vector<16xf32>, vector<16xf32>, vector<16xi1>) -> (vector<16xi1>, vector<16xf32>, vector<16xf32>)
      %parallel_loop3A_249 = vector.shape_cast %broadcast_in_dim3A_13 : vector<16xi32> to vector<16x1xi32>
      %parallel_loop3A_250 = vector.shape_cast %parallel_loop3A_249 : vector<16x1xi32> to vector<16xi32>
      %parallel_loop3A_251 = tpu.dynamic_gather %parallel_loop3A_247[%parallel_loop3A_250] in [0] : vector<16xf32>, vector<16xi32> -> vector<16xf32>
      %parallel_loop3A_252 = vector.shape_cast %broadcast_in_dim3A_11 : vector<16xi32> to vector<16x1xi32>
      %parallel_loop3A_253 = vector.shape_cast %parallel_loop3A_252 : vector<16x1xi32> to vector<16xi32>
      %parallel_loop3A_254 = tpu.dynamic_gather %parallel_loop3A_247[%parallel_loop3A_253] in [0] : vector<16xf32>, vector<16xi32> -> vector<16xf32>
      %parallel_loop3A_255 = arith.cmpf oge, %parallel_loop3A_193, %parallel_loop3A_254 : vector<16xf32>
      %parallel_loop3A_256 = arith.ori %ne3A_8, %parallel_loop3A_255 : vector<16xi1>
      %parallel_loop3A_257 = arith.subf %parallel_loop3A_193, %parallel_loop3A_251 : vector<16xf32>
      %parallel_loop3A_258 = math.exp %parallel_loop3A_257 : vector<16xf32>
      %parallel_loop3A_259 = arith.constant 0.000000e+00 : f32
      %parallel_loop3A_260 = vector.broadcast %parallel_loop3A_259 : f32 to vector<16xf32>
      %parallel_loop3A_261 = arith.select %parallel_loop3A_256, %parallel_loop3A_258, %parallel_loop3A_260 : vector<16xi1>, vector<16xf32>
      %parallel_loop3A_262 = arith.cmpf oge, %parallel_loop3A_196, %parallel_loop3A_254 : vector<16xf32>
      %parallel_loop3A_263 = arith.ori %ne3A_8, %parallel_loop3A_262 : vector<16xi1>
      %parallel_loop3A_264 = arith.subf %parallel_loop3A_196, %parallel_loop3A_251 : vector<16xf32>
      %parallel_loop3A_265 = math.exp %parallel_loop3A_264 : vector<16xf32>
      %parallel_loop3A_266 = arith.constant 0.000000e+00 : f32
      %parallel_loop3A_267 = vector.broadcast %parallel_loop3A_266 : f32 to vector<16xf32>
      %parallel_loop3A_268 = arith.select %parallel_loop3A_263, %parallel_loop3A_265, %parallel_loop3A_267 : vector<16xi1>, vector<16xf32>
      %parallel_loop3A_269 = arith.cmpf oge, %parallel_loop3A_199, %parallel_loop3A_254 : vector<16xf32>
      %parallel_loop3A_270 = arith.ori %ne3A_8, %parallel_loop3A_269 : vector<16xi1>
      %parallel_loop3A_271 = arith.subf %parallel_loop3A_199, %parallel_loop3A_251 : vector<16xf32>
      %parallel_loop3A_272 = math.exp %parallel_loop3A_271 : vector<16xf32>
      %parallel_loop3A_273 = arith.constant 0.000000e+00 : f32
      %parallel_loop3A_274 = vector.broadcast %parallel_loop3A_273 : f32 to vector<16xf32>
      %parallel_loop3A_275 = arith.select %parallel_loop3A_270, %parallel_loop3A_272, %parallel_loop3A_274 : vector<16xi1>, vector<16xf32>
      %parallel_loop3A_276 = arith.cmpf oge, %parallel_loop3A_202, %parallel_loop3A_254 : vector<16xf32>
      %parallel_loop3A_277 = arith.ori %ne3A_8, %parallel_loop3A_276 : vector<16xi1>
      %parallel_loop3A_278 = arith.subf %parallel_loop3A_202, %parallel_loop3A_251 : vector<16xf32>
      %parallel_loop3A_279 = math.exp %parallel_loop3A_278 : vector<16xf32>
      %parallel_loop3A_280 = arith.constant 0.000000e+00 : f32
      %parallel_loop3A_281 = vector.broadcast %parallel_loop3A_280 : f32 to vector<16xf32>
      %parallel_loop3A_282 = arith.select %parallel_loop3A_277, %parallel_loop3A_279, %parallel_loop3A_281 : vector<16xi1>, vector<16xf32>
      %parallel_loop3A_283 = arith.addf %parallel_loop3A_261, %parallel_loop3A_268 : vector<16xf32>
      %parallel_loop3A_284 = arith.addf %parallel_loop3A_275, %parallel_loop3A_282 : vector<16xf32>
      %parallel_loop3A_285 = arith.addf %parallel_loop3A_283, %parallel_loop3A_284 : vector<16xf32>
      %parallel_loop3A_286 = arith.constant 8 : i32
      %parallel_loop3A_287 = vector.broadcast %parallel_loop3A_286 : i32 to vector<16xi32>
      %parallel_loop3A_288 = arith.xori %iota3A, %parallel_loop3A_287 : vector<16xi32>
      %parallel_loop3A_289 = vector.shape_cast %parallel_loop3A_288 : vector<16xi32> to vector<16x1xi32>
      %parallel_loop3A_290 = vector.shape_cast %parallel_loop3A_289 : vector<16x1xi32> to vector<16xi32>
      %parallel_loop3A_291 = tpu.dynamic_gather %parallel_loop3A_285[%parallel_loop3A_290] in [0] : vector<16xf32>, vector<16xi32> -> vector<16xf32>
      %parallel_loop3A_292 = arith.addf %parallel_loop3A_285, %parallel_loop3A_291 : vector<16xf32>
      %parallel_loop3A_293 = arith.constant 4 : i32
      %parallel_loop3A_294 = vector.broadcast %parallel_loop3A_293 : i32 to vector<16xi32>
      %parallel_loop3A_295 = arith.xori %iota3A, %parallel_loop3A_294 : vector<16xi32>
      %parallel_loop3A_296 = vector.shape_cast %parallel_loop3A_295 : vector<16xi32> to vector<16x1xi32>
      %parallel_loop3A_297 = vector.shape_cast %parallel_loop3A_296 : vector<16x1xi32> to vector<16xi32>
      %parallel_loop3A_298 = tpu.dynamic_gather %parallel_loop3A_292[%parallel_loop3A_297] in [0] : vector<16xf32>, vector<16xi32> -> vector<16xf32>
      %parallel_loop3A_299 = arith.addf %parallel_loop3A_292, %parallel_loop3A_298 : vector<16xf32>
      %parallel_loop3A_300 = arith.constant 2 : i32
      %parallel_loop3A_301 = vector.broadcast %parallel_loop3A_300 : i32 to vector<16xi32>
      %parallel_loop3A_302 = arith.xori %iota3A, %parallel_loop3A_301 : vector<16xi32>
      %parallel_loop3A_303 = vector.shape_cast %parallel_loop3A_302 : vector<16xi32> to vector<16x1xi32>
      %parallel_loop3A_304 = vector.shape_cast %parallel_loop3A_303 : vector<16x1xi32> to vector<16xi32>
      %parallel_loop3A_305 = tpu.dynamic_gather %parallel_loop3A_299[%parallel_loop3A_304] in [0] : vector<16xf32>, vector<16xi32> -> vector<16xf32>
      %parallel_loop3A_306 = arith.addf %parallel_loop3A_299, %parallel_loop3A_305 : vector<16xf32>
      %parallel_loop3A_307 = arith.constant 1 : i32
      %parallel_loop3A_308 = vector.broadcast %parallel_loop3A_307 : i32 to vector<16xi32>
      %parallel_loop3A_309 = arith.xori %iota3A, %parallel_loop3A_308 : vector<16xi32>
      %parallel_loop3A_310 = vector.shape_cast %parallel_loop3A_309 : vector<16xi32> to vector<16x1xi32>
      %parallel_loop3A_311 = vector.shape_cast %parallel_loop3A_310 : vector<16x1xi32> to vector<16xi32>
      %parallel_loop3A_312 = tpu.dynamic_gather %parallel_loop3A_306[%parallel_loop3A_311] in [0] : vector<16xf32>, vector<16xi32> -> vector<16xf32>
      %parallel_loop3A_313 = arith.addf %parallel_loop3A_306, %parallel_loop3A_312 : vector<16xf32>
      %parallel_loop3A_314 = arith.constant 1.000000e+00 : f32
      %parallel_loop3A_315 = vector.broadcast %parallel_loop3A_314 : f32 to vector<16xf32>
      %parallel_loop3A_316 = arith.divf %parallel_loop3A_315, %parallel_loop3A_313 : vector<16xf32>
      %parallel_loop3A_317 = arith.mulf %parallel_loop3A_261, %parallel_loop3A_316 : vector<16xf32>
      %parallel_loop3A_318 = arith.index_cast %parallel_loop3A_190 : i32 to index
      %parallel_loop3A_319 = arith.constant 0 : index
      %parallel_loop3A_320 = tpu.vector_load %arg8[%parallel_loop3A_318, %parallel_loop3A_319] {strides = array<i32>} : memref<128x64xf32, #tpu.memory_space<vmem>>, vector<16xf32>,
      tpu.vector_store %arg8[%parallel_loop3A_318, %parallel_loop3A_319], %parallel_loop3A_317 {strides = array<i32>} : memref<128x64xf32, #tpu.memory_space<vmem>>, vector<16xf32>,
      %parallel_loop3A_321 = arith.mulf %parallel_loop3A_268, %parallel_loop3A_316 : vector<16xf32>
      %parallel_loop3A_322 = arith.index_cast %parallel_loop3A_190 : i32 to index
      %parallel_loop3A_323 = arith.constant 16 : index
      %parallel_loop3A_324 = tpu.vector_load %arg8[%parallel_loop3A_322, %parallel_loop3A_323] {strides = array<i32>} : memref<128x64xf32, #tpu.memory_space<vmem>>, vector<16xf32>,
      tpu.vector_store %arg8[%parallel_loop3A_322, %parallel_loop3A_323], %parallel_loop3A_321 {strides = array<i32>} : memref<128x64xf32, #tpu.memory_space<vmem>>, vector<16xf32>,
      %parallel_loop3A_325 = arith.mulf %parallel_loop3A_275, %parallel_loop3A_316 : vector<16xf32>
      %parallel_loop3A_326 = arith.index_cast %parallel_loop3A_190 : i32 to index
      %parallel_loop3A_327 = arith.constant 32 : index
      %parallel_loop3A_328 = tpu.vector_load %arg8[%parallel_loop3A_326, %parallel_loop3A_327] {strides = array<i32>} : memref<128x64xf32, #tpu.memory_space<vmem>>, vector<16xf32>,
      tpu.vector_store %arg8[%parallel_loop3A_326, %parallel_loop3A_327], %parallel_loop3A_325 {strides = array<i32>} : memref<128x64xf32, #tpu.memory_space<vmem>>, vector<16xf32>,
      %parallel_loop3A_329 = arith.mulf %parallel_loop3A_282, %parallel_loop3A_316 : vector<16xf32>
      %parallel_loop3A_330 = arith.index_cast %parallel_loop3A_190 : i32 to index
      %parallel_loop3A_331 = arith.constant 48 : index
      %parallel_loop3A_332 = tpu.vector_load %arg8[%parallel_loop3A_330, %parallel_loop3A_331] {strides = array<i32>} : memref<128x64xf32, #tpu.memory_space<vmem>>, vector<16xf32>,
      tpu.vector_store %arg8[%parallel_loop3A_330, %parallel_loop3A_331], %parallel_loop3A_329 {strides = array<i32>} : memref<128x64xf32, #tpu.memory_space<vmem>>, vector<16xf32>,
    } {sc.loop_unroll_factor = 2 : i64, sc.parallel_access}
    %add3A_176 = arith.constant 896 : i32
    %add3A_177 = arith.addi %mul3A_2, %add3A_176 : i32
    %dma_start3A_178 = arith.constant 0 : i32
    %dma_start3A_179 = tpu.memref_slice %arg4[%add3A_177, %dma_start3A_178] : memref<32768x64xf32, #tpu.memory_space<hbm>> -> memref<128x64xf32, #tpu.memory_space<hbm>>
    %dma_start3A_180 = arith.constant 0 : i32
    %dma_start3A_181 = tpu.memref_slice %arg4[%add3A_177, %dma_start3A_180] : memref<32768x64xf32, #tpu.memory_space<hbm>> -> memref<128x64xf32, #tpu.memory_space<hbm>>
    tpu.enqueue_dma source(%arg8 : memref<128x64xf32, #tpu.memory_space<vmem>>) target(%dma_start3A_181 : memref<128x64xf32, #tpu.memory_space<hbm>>) target_semaphore(%arg13 : memref<!tpu.dma_semaphore, #tpu.memory_space<semaphore_mem>>)
    %dma_wait3A_182 = arith.constant 0 : i32
    %dma_wait3A_183 = tpu.memref_slice %arg4[%add3A_160, %dma_wait3A_182] : memref<32768x64xf32, #tpu.memory_space<hbm>> -> memref<128x64xf32, #tpu.memory_space<hbm>>
    %dma_wait3A_184 = arith.constant 0 : i32
    %dma_wait3A_185 = tpu.memref_slice %arg4[%add3A_160, %dma_wait3A_184] : memref<32768x64xf32, #tpu.memory_space<hbm>> -> memref<128x64xf32, #tpu.memory_space<hbm>>
    tpu.wait_dma2 semaphore(%arg12 : memref<!tpu.dma_semaphore, #tpu.memory_space<semaphore_mem>>) src(%arg7 : memref<128x64xf32, #tpu.memory_space<vmem>>) dst(%dma_wait3A_185 : memref<128x64xf32, #tpu.memory_space<hbm>>)
    %dma_wait3A_186 = arith.constant 0 : i32
    %dma_wait3A_187 = tpu.memref_slice %arg4[%add3A_177, %dma_wait3A_186] : memref<32768x64xf32, #tpu.memory_space<hbm>> -> memref<128x64xf32, #tpu.memory_space<hbm>>
    %dma_wait3A_188 = arith.constant 0 : i32
    %dma_wait3A_189 = tpu.memref_slice %arg4[%add3A_177, %dma_wait3A_188] : memref<32768x64xf32, #tpu.memory_space<hbm>> -> memref<128x64xf32, #tpu.memory_space<hbm>>
    tpu.wait_dma2 semaphore(%arg13 : memref<!tpu.dma_semaphore, #tpu.memory_space<semaphore_mem>>) src(%arg8 : memref<128x64xf32, #tpu.memory_space<vmem>>) dst(%dma_wait3A_189 : memref<128x64xf32, #tpu.memory_space<hbm>>)
    return
  }
}

module attributes {stable_mosaic.version = 14 : i64} {
  func.func @_logits_body(%arg0: i32, %arg1: memref<1024x4096xf32, #tpu.memory_space<vmem>>, %arg2: memref<4096x64xf32, #tpu.memory_space<vmem>>, %arg3: memref<1x64xf32, #tpu.memory_space<vmem>>, %arg4: memref<1024x64xf32, #tpu.memory_space<vmem>>) attributes {dimension_semantics = [#tpu.dimension_semantics<arbitrary>], iteration_bounds = array<i64: 32>, scalar_prefetch = 0 : i64, scratch_operands = 0 : i64, tpu.core_type = #tpu.core_type<tc>, window_params = [{transform_indices = @transform_0, window_bounds = array<i64: 1024, 4096>}, {pipeline_mode = #tpu.pipeline_mode<synchronous>, transform_indices = @transform_1, window_bounds = array<i64: 4096, 64>}, {pipeline_mode = #tpu.pipeline_mode<synchronous>, transform_indices = @transform_2, window_bounds = array<i64: 1, 64>}, {transform_indices = @transform_3, window_bounds = array<i64: 1024, 64>}]} {
    %get3A = arith.constant 0 : index
    %get3A_0 = arith.constant 0 : index
    %get3A_1 = vector.load %arg1[%get3A, %get3A_0] : memref<1024x4096xf32, #tpu.memory_space<vmem>>, vector<1024x4096xf32>
    %get3A_2 = arith.constant 0 : index
    %get3A_3 = arith.constant 0 : index
    %get3A_4 = vector.load %arg2[%get3A_2, %get3A_3] : memref<4096x64xf32, #tpu.memory_space<vmem>>, vector<4096x64xf32>
    %dot_general3A = arith.constant dense<0.000000e+00> : vector<1024x64xf32>
    %dot_general3A_5 = tpu.matmul %get3A_1, %get3A_4, %dot_general3A {dimension_numbers = #tpu.dot_dimension_numbers<[1], [0], [0], [1], [0, 0, 1, 1], [], []>, transpose_lhs_hint = false} : vector<1024x4096xf32>, vector<4096x64xf32>, vector<1024x64xf32> -> vector<1024x64xf32>
    %get3A_6 = arith.constant 0 : index
    %get3A_7 = arith.constant 0 : index
    %get3A_8 = vector.load %arg3[%get3A_6, %get3A_7] : memref<1x64xf32, #tpu.memory_space<vmem>>, vector<1x64xf32>
    %add3A = vector.broadcast %get3A_8 : vector<1x64xf32> to vector<1024x64xf32>
    %add3A_9 = arith.addf %dot_general3A_5, %add3A : vector<1024x64xf32>
    %swap3A = arith.constant 0 : index
    %swap3A_10 = arith.constant 0 : index
    %swap3A_11 = vector.load %arg4[%swap3A, %swap3A_10] : memref<1024x64xf32, #tpu.memory_space<vmem>>, vector<1024x64xf32>
    tpu.vector_store %arg4[%swap3A, %swap3A_10], %add3A_9 {strides = array<i32>} : memref<1024x64xf32, #tpu.memory_space<vmem>>, vector<1024x64xf32>,
    return
  }
  func.func @transform_0(%arg0: i32) -> (i32, i32) {
    %add3A = arith.constant 0 : i32
    %add3A_0 = arith.addi %arg0, %add3A : i32
    %c0_i32 = arith.constant 0 : i32
    %c0_i32_1 = arith.constant 0 : i32
    return %add3A_0, %c0_i32 : i32, i32
  }
  func.func @transform_1(%arg0: i32) -> (i32, i32) {
    %c0_i32 = arith.constant 0 : i32
    %c0_i32_0 = arith.constant 0 : i32
    %c0_i32_1 = arith.constant 0 : i32
    return %c0_i32, %c0_i32_0 : i32, i32
  }
  func.func @transform_2(%arg0: i32) -> (i32, i32) {
    %c0_i32 = arith.constant 0 : i32
    %c0_i32_0 = arith.constant 0 : i32
    %c0_i32_1 = arith.constant 0 : i32
    return %c0_i32, %c0_i32_0 : i32, i32
  }
  func.func @transform_3(%arg0: i32) -> (i32, i32) {
    %c0_i32 = arith.constant 0 : i32
    %c0_i32_0 = arith.constant 0 : i32
    return %arg0, %c0_i32 : i32, i32
  }
}

</mosaic_0001>

<sc_bundles>
// kernel: kernel.4.cloned.1.call-start
scs
__scs_entry_jumppad:
0x0: {  	(pc) =	sbr.rel $0x88, $3  }
0x1: {  	(tag) =	ssettag $0x0;
	lr =	simm.s32 $0x1  }
0x2: {  	[smem:$0x3F9D] =	sst lr;
	_ =	strace $0xD0000000  }
0x3: {  	_ = 	snop  }
0x4: {  	_ = 	snop  }
0x5: {  	_ = 	snop  }
0x6: {  	_ = 	snop  }
0x7: {  	_ = 	snop  }
__scs_overlays_trampoline_lowered:
0x8: {  	[smem:$0x3FAC] =	sst s0  }
0x9: {  	[smem:$0x3FAD] =	sst s1  }
0xa: {  	[smem:$0x3FAE] =	sst s2  }
0xb: {  	[smem:$0x3FAF] =	sst s3  }
0xc: {  	[smem:$0x3FB0] =	sst s4  }
0xd: {  	[smem:$0x3FB1] =	sst s5  }
0xe: {  	[smem:$0x3FB2] =	sst s6  }
0xf: {  	[smem:$0x3FB3] =	sst s7  }
0x10: {  	[smem:$0x3FB4] =	sst s8  }
0x11: {  	[smem:$0x3FB5] =	sst s9;
	s0 =	simm.s32 @!p0 $0x0  }
0x12: {  	s1 =	sld [smem:$0x3F9B];
	s0 =	simm.s32 @p0 $0x1  }
0x13: {  	[smem:$0x3FB6] =	sst s0;
	s0 =	simm.s32 @!p1 $0x0  }
0x14: {  	s2 =	sld [smem:$0x3F9A];
	s0 =	simm.s32 @p1 $0x1  }
0x15: {  	[smem:$0x3FB7] =	sst s0;
	s0 =	simm.s32 @!p2 $0x0  }
0x16: {  	s3 =	sld [smem:$0x3FDB];
	s0 =	simm.s32 @p2 $0x1  }
0x17: {  	s4 =	simm.s32 $0x1BF5;
	[smem:$0x3FB9] =	sst s0  }
0x18: {  	s0 =	sld [smem:$0x3F9C];
	_ =	swait.ge [sflag:s4], $0x0  }
0x19: {  	s7 =	sld [smem:$0x3F9D]  }
0x1a: {  	s8 =	sadd.s32 $0xFFFFE003, lr  }
0x1b: {  	s9 =	sadd.s32 $0xFFFFFEF7, lr;
	s5 =	simm.s32 $0xFFFFFFFF;
	p2 =	slt.u32 s8, $0xFFFFF086  }
0x1c: {  	p1 =	slt.u32 s9, $0xF7A;
	s5 =	simm.s32 @!p2 $0x0  }
0x1d: {  	s5 =	simm.s32 @p1 $0x1;
	p0 =	seq.s32 s7, s2  }
0x1e: {  	s7 =	smul.u32 @!p0 $0xF7A, s2;
	p2 =	seq.s32 @!p0 s5, $0x0  }
0x1f: {  	s9 =	smul.u32 $0xF7A, s1;
	s8 =	simm.s32 @!p0 $0x1BF5;
	p2 =	por !p2, p0  }
0x20: {  	[sflag:s8] =	ssyncset.s32 @!p0 $0xFFFFF086;
	s6 =	sadd.s32 @!p0 s3, s7;
	s7 =	simm.s32 @!p0 $0x108  }
0x21: {  	s3 =	sadd.s32 s3, s9;
	s6 =	sadd.s32 @!p0 $0x88, s6;
	s7 =	simm.s32 @p2 $0x1082  }
0x22: {  	[simem:s7], [sflag:s8] =	dma.local @!p0 [hbm:s6], $0xF7A  }
0x23: {  	s9 =	sor.u32 $0xD0000000, s2;
	s6 =	simm.s32 $0x108;
	_ =	swait.ge @!p0 [sflag:s8], $0x0  }
0x24: {  	s3 =	sadd.s32 $0x88, s3;
	s6 =	simm.s32 @!p1 $0x1082;
	[sflag:s4] =	ssyncset.s32 $0xFFFFF086  }
0x25: {  	[simem:s6], [sflag:s4] =	dma.local [hbm:s3], $0xF7A  }
0x26: {  	[smem:$0x3F9D] =	sst s1;
	(tag) =	ssettag s2;
	_ =	strace s9  }
0x27: {  	s1 =	sld [smem:$0x3FAD]  }
0x28: {  	s2 =	sld [smem:$0x3FAE]  }
0x29: {  	s4 =	sld [smem:$0x3FB0]  }
0x2a: {  	p0 =	seq.s32 s5, $0x0;
	s5 =	sld [smem:$0x3FB1]  }
0x2b: {  	s6 =	sld [smem:$0x3FB2]  }
0x2c: {  	s7 =	sld [smem:$0x3FB3]  }
0x2d: {  	s3 =	simm.s32 $0x108;
	s8 =	sld [smem:$0x3FB4]  }
0x2e: {  	s3 =	simm.s32 @!p0 $0x1082;
	s9 =	sld [smem:$0x3FB5]  }
0x2f: {  	lr =	sadd.s32 s0, s3;
	s0 =	sld [smem:$0x3FAC]  }
0x30: {  	s3 =	sld [smem:$0x3FAF]  }
0x31: {  	[smem:$0x3FB8] =	sst s10  }
0x32: {  	s10 =	sld [smem:$0x3FB6];
	_ =	sdelay $0x3  }
0x33: {  	p0 =	seq.s32 s10, $0x1;
	s10 =	sld [smem:$0x3FB8];
	_ =	sdelay $0x3  }
0x34: {  	[smem:$0x3FB8] =	sst s10  }
0x35: {  	s10 =	sld [smem:$0x3FB7];
	_ =	sdelay $0x3  }
0x36: {  	p1 =	seq.s32 s10, $0x1;
	s10 =	sld [smem:$0x3FB8];
	_ =	sdelay $0x3  }
0x37: {  	[smem:$0x3FB8] =	sst s10  }
0x38: {  	s10 =	sld [smem:$0x3FB9]  }
0x39: {  	_ = 	snop;
	(pc) =	sbr.ind lr, $3  }
0x3a: {  	_ = 	snop  }
0x3b: {  	_ = 	snop  }
0x3c: {  	p2 =	seq.s32 s10, $0x1;
	s10 =	sld [smem:$0x3FB8]  }
0x3d: {  	_ =	shalt  }
0x3e: {  	_ =	shalt  }
0x3f: {  	_ =	shalt  }
0x40: {  	_ =	shalt  }
0x41: {  	_ =	shalt  }
0x42: {  	_ =	shalt  }
0x43: {  	_ =	shalt  }
0x44: {  	_ =	shalt  }
0x45: {  	_ =	shalt  }
0x46: {  	_ =	shalt  }
0x47: {  	_ =	shalt  }
0x48: {  	_ =	shalt  }
0x49: {  	_ =	shalt  }
0x4a: {  	_ =	shalt  }
0x4b: {  	_ =	shalt  }
0x4c: {  	_ =	shalt  }
0x4d: {  	_ =	shalt  }
0x4e: {  	_ =	shalt  }
0x4f: {  	_ =	shalt  }
0x50: {  	_ =	shalt  }
0x51: {  	_ =	shalt  }
0x52: {  	_ =	shalt  }
0x53: {  	_ =	shalt  }
0x54: {  	_ =	shalt  }
0x55: {  	_ =	shalt  }
0x56: {  	_ =	shalt  }
0x57: {  	_ =	shalt  }
0x58: {  	_ =	shalt  }
0x59: {  	_ =	shalt  }
0x5a: {  	_ =	shalt  }
0x5b: {  	_ =	shalt  }
0x5c: {  	_ =	shalt  }
0x5d: {  	_ =	shalt  }
0x5e: {  	_ =	shalt  }
0x5f: {  	_ =	shalt  }
0x60: {  	_ =	shalt  }
0x61: {  	_ =	shalt  }
0x62: {  	_ =	shalt  }
0x63: {  	_ =	shalt  }
0x64: {  	_ =	shalt  }
0x65: {  	_ =	shalt  }
0x66: {  	_ =	shalt  }
0x67: {  	_ =	shalt  }
0x68: {  	_ =	shalt  }
0x69: {  	_ =	shalt  }
0x6a: {  	_ =	shalt  }
0x6b: {  	_ =	shalt  }
0x6c: {  	_ =	shalt  }
0x6d: {  	_ =	shalt  }
0x6e: {  	_ =	shalt  }
0x6f: {  	_ =	shalt  }
0x70: {  	_ =	shalt  }
0x71: {  	_ =	shalt  }
0x72: {  	_ =	shalt  }
0x73: {  	_ =	shalt  }
0x74: {  	_ =	shalt  }
0x75: {  	_ =	shalt  }
0x76: {  	_ =	shalt  }
0x77: {  	_ =	shalt  }
0x78: {  	_ =	shalt  }
0x79: {  	_ =	shalt  }
0x7a: {  	_ =	shalt  }
0x7b: {  	_ =	shalt  }
0x7c: {  	_ =	shalt  }
0x7d: {  	_ =	shalt  }
0x7e: {  	_ =	shalt  }
0x7f: {  	_ =	shalt  }
0x80: {  	_ =	shalt  }
0x81: {  	_ =	shalt  }
0x82: {  	_ =	shalt  }
0x83: {  	_ =	shalt  }
0x84: {  	_ =	shalt  }
0x85: {  	_ =	shalt  }
0x86: {  	_ =	shalt  }
0x87: {  	_ =	shalt  }
.Lfunc_end0:
.L_simem_size_0:
called_computation_lowered:
.L_overlay_start_0:
0x88: {  	s2 =	sld [smem:$0x3FD9]  }
0x89: {  	s3 =	sld [smem:$0x3FFE];
	_ =	sdelay $0x1  }
0x8a: {  	s1 =	srdreg.scid  }
0x8b: {  	s0 =	sand.u32 $0x1, s1  }
0x8c: {  	s17 =	sshll.u32 s0, $0xA;
	s2 =	sadd.s32 s3, s2  }
0x8d: {  	s2 =	sadd.s32 s2, s17  }
0x8e: {  	[smem:$0x3FC4] =	sst s2  }
0x8f: {  	_ = 	snop  }
0x90: {  	s2 =	sld [smem:$0x3FD0];
	(tm) =	ssettm $0x1  }
0x91: {  	s18 =	sld [smem:$0x3FFB];
	_ =	sdelay $0x3  }
0x92: {  	_ =	strace s18  }
0x93: {  	s3 =	sld [smem:$0x3FFC];
	_ =	sdelay $0x3  }
0x94: {  	_ =	strace s3  }
0x95: {  	s3 =	sld [smem:$0x3FFD];
	_ =	sdelay $0x3  }
0x96: {  	_ =	strace s3  }
0x97: {  	_ =	strace $0x8FFFFFFF  }
0x98: {  	s19 =	sld [smem:$0x3FDB];
	_ =	sdelay $0x1  }
0x99: {  	s4 =	simm.s32 $_scs_section_size  }
0x9a: {  	s5 =	simm.s32 $_size__tile_overlayer_lowered;
	s6 =	simm.s32 $_tile_overlayer_lowered  }
0x9b: {  	s22 =	simm.s32 $0x1BFF;
	s21 =	sshll.u32 s6, $0x1;
	s3 =	sadd.s32 s4, s19  }
0x9c: {  	s7 =	simm.s32 $0x0;
	s20 =	sshll.u32 s5, $0x1;
	s5 =	sadd.s32 s21, s3  }
0x9d: {  	[timem:s7], [sflag:s22] =	dma.local [hbm:s5], s20  }
0x9e: {  	_ =	swait.ge [sflag:s22], s20  }
0x9f: {  	s4 =	ssub.s32 $0x0, s20;
	[sflag:s22] =	ssyncset.done $0x0  }
0xa0: {  	[sflag:s22] =	ssyncadd.s32 s4;
	_ =	sdelay $0x1  }
0xa1: {  	s23 =	simm.s32 $0x1B8B  }
0xa2: {  	_ =	swait.ge [sflag:s23], $0x1  }
0xa3: {  	[sflag:s23] =	ssyncset.done $0x0  }
0xa4: {  	s25 =	simm.s32 $0x1B8E;
	s24 =	sld [smem:$0x3FFE];
	[sflag:s23] =	ssyncadd.s32 $0xFFFFFFFF  }
0xa5: {  	s26 =	simm.s32 $execute0_lowered;
	[smem:$0x3FD2] =	sst s25  }
0xa6: {  	s5 =	sshll.u32 s26, $0x1;
	_ =	strace $0x80000046;
	[dreg:$0x1] =	wrdreg $0xFFFFFFFF  }
0xa7: {  	s28 =	simm.s32 $_size_execute0_lowered;
	s3 =	sadd.s32 s3, s5;
	[dreg:$0x0] =	wrdreg $0x0  }
0xa8: {  	s5 =	sshll.u32 s28, $0x1;
	[dreg:$0x2] =	wrdreg s3  }
0xa9: {  	[dreg:$0x3] =	wrdreg s5  }
0xaa: {  	[dreg:$0x4] =	wrdreg $0xC0  }
0xab: {  	_ =	task [dreg:s7], $0x5FFFF  }
0xac: {  	[dreg:$0x1] =	wrdreg $0xFFFFFFFF  }
0xad: {  	[dreg:$0x0] =	wrdreg $0x60  }
0xae: {  	[dreg:$0x2] =	wrdreg s24  }
0xaf: {  	[dreg:$0x3] =	wrdreg s2  }
0xb0: {  	[dreg:$0x4] =	wrdreg $0x9  }
0xb1: {  	_ =	task.clear_ibuf [dreg:s7], $0x5FFFF;
	_ =	strace $0x90000046  }
0xb2: {  	s29 =	simm.s32 $0x9;
	_ =	strace $0x80000048  }
0xb3: {  	_ =	swait.ge [sflag:s29], $0x1  }
0xb4: {  	[sflag:s29] =	ssyncadd.s32 $0xFFFFFFFF  }
0xb5: {  	_ =	strace $0x90000048  }
0xb6: {  	_ =	sfence  }
0xb7: {  	s30 =	sld [smem:$0x0];
	_ =	sdelay $0x2  }
0xb8: {  	s31 =	sshll.u32 s1, $0xD;
	s1 =	sshrl.u32 s1, $0x2  }
0xb9: {  	s3 =	sand.u32 $0x4000, s31;
	s1 =	sadd.s32 s1, s30  }
0xba: {  	s0 =	sor.u32 s3, s0;
	s1 =	sshll.u32 s1, $0x11  }
0xbb: {  	s0 =	sor.u32 s1, s0  }
0xbc: {  	s0 =	sadd.s32 $0x8F2B, s0  }
0xbd: {  	[sflag:s0] =	ssyncadd.remote.s32 $0x1  }
0xbe: {  	_ =	sfence.sel $0xFFFF  }
0xbf: {  	[dreg:$0x0] =	wrdreg $0xFFFFFFFF;
	(pc) =	sbr.abs _section_cstart, $3  }
0xc0: {  	[dreg:$0x1] =	wrdreg $0xFFFFFFFF  }
0xc1: {  	_ =	task.clear_ibuf [dreg:s7], $0x2FFFF;
	_ =	strace $0x9FFFFFFF  }
0xc2: {  	(tm) =	ssettm $0x7FFFFFFF  }
0xc3: {  	_ =	shalt  }
tec
execute0_lowered:
.L_overlay_start_1:
0x0: {  	(tag) =	ssettag $0x1  }
0x1: {  	s0 =	rddreg [dreg:$0x0]  }
0x2: {  	s3 =	simm.s32 $0x0;
	s1 =	srdreg.scid;
	s4 =	stileid.u32  }
0x3: {  	s22 =	simm.s32 $0x5;
	s23 =	simm.s32 $0x4000;
	s24 =	simm.s32 $0x1  }
0x4: {  	v0 =	vimm.s32 $0xBA98FEDC;
	v1 =	vimm.s32 $0x32107654;
	s28 =	simm.s32 $0xC000;
	s29 =	simm.s32 $0x3;
	s30 =	simm.s32 $0x4  }
0x5: {  	s31 =	simm.s32 $0x0;
	[smem:$0x7FF] =	sst s3;
	s1 =	sand.u32 $0x1, s1;
	v0 =	vunpack.c.l.s4.s8 v0;
	v1 =	vunpack.c.l.s4.s8 v1  }
0x6: {  	v4 =	vimm.s32 $0xFEDCBA98;
	v7 =	vimm.s32 $0x67452301;
	s4 =	sshll.u32 s4, $0xF;
	s17 =	sadd.s32 $0x800, s0;
	s2 =	ssub.s32 $0x2, s1  }
0x7: {  	s0 =	sadd.s32 $0x80800, s0;
	v4 =	vunpack.c.l.s4.s8 v4;
	s1 =	sshll.u32 s1, $0xE;
	s5 =	sshrl.u32 s2, $0x1;
	v0 =	vunpack.c.0.s8.s32 v0;
	v1 =	vunpack.c.0.s8.s32 v1  }
0x8: {  	v3 =	vimm.s32 $0x76543210;
	v5 =	vimm.s32 $0xDCFE98BA;
	v7 =	vunpack.c.l.s4.s8 v7;
	_ =	strace $0x80000047;
	s1 =	sor.u32 s1, s4;
	s2 =	ssub.s32 s2, s5  }
0x9: {  	v3 =	vunpack.c.l.s4.s8 v3;
	v4 =	vunpack.c.0.s8.s32 v4;
	s4 =	sadd.s32 s17, s1;
	s25 =	sor.u32 $0x800, s1;
	s10 =	sor.u32 $0x1000, s1;
	v6 =	vcombine.low v1, v0  }
0xa: {  	s12 =	sor.u32 $0x1800, s1;
	s6 =	sadd.s32 s0, s1;
	s26 =	sor.u32 $0x2000, s1;
	v0 =	vunpack.c.l.s4.s8 v5;
	v1 =	vimm.s32 $0x54761032;
	v5 =	vimm.s32 $0xEFCDAB89  }
0xb: {  	v2 =	vlaneseq.u32;
	s16 =	sor.u32 $0x2800, s1;
	s18 =	sor.u32 $0x3000, s1;
	s1 =	sor.u32 $0x3800, s1;
	v1 =	vunpack.c.l.s4.s8 v1;
	v5 =	vunpack.c.l.s4.s8 v5  }
0xc: {  	v7 =	vunpack.c.0.s8.s32 v7;
	v3 =	vunpack.c.0.s8.s32 v3;
	[dreg:$0x3] =	wrdreg s4;
	s5 =	sadd.s32 s17, s25;
	s7 =	sadd.s32 s17, s10;
	v4 =	vand.u32 $0xF, v4  }
0xd: {  	s8 =	sadd.s32 s0, s25;
	s9 =	sadd.s32 s17, s12;
	s10 =	sadd.s32 s0, s10;
	v0 =	vunpack.c.0.s8.s32 v0;
	v1 =	vunpack.c.0.s8.s32 v1;
	v5 =	vunpack.c.0.s8.s32 v5  }
0xe: {  	v2 =	vmul.u32 $0xFFFFFFFF, v2;
	s11 =	sadd.s32 s17, s26;
	s12 =	sadd.s32 s0, s12;
	s13 =	sadd.s32 s17, s16;
	v3 =	vcombine.low v4, v3  }
0xf: {  	vm0 =	vmmov $0xff;
	s14 =	sadd.s32 s0, s26;
	s15 =	sadd.s32 s17, s18;
	s16 =	sadd.s32 s0, s16;
	v8 =	vcombine.low v1, v0;
	v7 =	vcombine.low v7, v5  }
0x10: {  	s17 =	sadd.s32 s17, s1;
	s18 =	sadd.s32 s0, s18;
	s19 =	sadd.s32 s0, s1;
	v4 =	vand.u32 $0xF, v6;
	v0 =	vimm.s32 $0x0;
	v1 =	vadd.s32 $0xF, v2  }
0x11: {  	s20 =	smax.u32 s2, $0x1;
	s25 =	simm.s32 $0x8000;
	s26 =	simm.s32 $0x2;
	v2 =	vimm.s32 $0x7;
	v5 =	vand.u32 $0xF, v8;
	v6 =	vand.u32 $0xF, v7  }
.LBB2_1:
0x12: {  	s0 =	rddreg [dreg:$0x3]  }
0x13: {  	[tilespmem:s3], [sflag:$0x1] =	stream.linear.gather [hbm4b:s0+s3], $0x4000, $0x38;
	[tilespmem:$0x10080] =	vst v63  }
0x14: {  	s21 =	rddreg [dreg:$0x1];
	s1 =	simm.s32 $0x10000  }
0x15: {  	[tilespmem:s1], [sflag:$0x5] =	stream.linear.gather [hbm4b:s21+s3], $0x80, $0x38;
	[tilespmem:$0x10080] =	vst v63  }
0x16: {  	_ =	swait.ge [sflag:s22], $0x80  }
0x17: {  	[sflag:s22] =	ssyncset.done $0x0  }
0x18: {  	[sflag:s22] =	ssyncadd.s32 $0xFFFFFF80  }
0x19: {  	v19 =	vld [tilespmem:$0x10000];
	[tilespmem:s23], [sflag:$0x2] =	stream.linear.gather [hbm4b:s5+s3], $0x4000, $0x38  }
0x1a: {  	_ =	swait.ge [sflag:s24], $0x4000  }
0x1b: {  	[sflag:s24] =	ssyncset.done $0x0  }
0x1c: {  	s1 =	simm.s32 $0x80;
	[sflag:s24] =	ssyncadd.s32 $0xFFFFC000  }
0x1d: {  	v7 =	vld [tilespmem:s1+$0x0]  }
0x1e: {  	v8 =	vld [tilespmem:s1+$0x10];
	_ =	sdelay $0x2  }
0x1f: {  	v20 =	vld [tilespmem:s1+$0x30]  }
0x20: {  	v18 =	vld [tilespmem:s1+$0xFFFFFFB0];
	(xrf1) =	vsort.dscd.msk.f32 $0xffff, v7, v7  }
0x21: {  	v21 =	vld [tilespmem:s1+$0x20];
	(xrf1) =	vsort.dscd.msk.f32 $0xffff, v8, v8;
	_ =	sdelay $0x2  }
0x22: {  	(xrf1) =	vsort.dscd.msk.f32 $0xffff, v20, v20  }
0x23: {  	(xrf1) =	vsort.dscd.msk.f32 $0xffff, v18, v18  }
0x24: {  	v14 =	vld [tilespmem:s1+$0xFFFFFF90];
	(xrf1) =	vsort.dscd.msk.f32 $0xffff, v21, v21  }
0x25: {  	v17 =	vld [tilespmem:s1+$0xFFFFFF80]  }
0x26: {  	v15 =	vld [tilespmem:s1+$0xFFFFFFA0];
	_ =	sdelay $0x2  }
0x27: {  	(xrf1) =	vsort.dscd.msk.f32 $0xffff, v14, v14  }
0x28: {  	(xrf1) =	vsort.dscd.msk.f32 $0xffff, v17, v17  }
0x29: {  	(xrf1) =	vsort.dscd.msk.f32 $0xffff, v15, v15  }
0x2a: {  	v9, _, _ =	vpop (xrf1)  }
0x2b: {  	v10, _, _ =	vpop (xrf1)  }
0x2c: {  	v10 =	vperm.xlane v10, v1;
	_ =	sdelay $0x1  }
0x2d: {  	v11, _, _ =	vpop (xrf1)  }
0x2e: {  	v11 =	vperm.xlane v11, v1;
	v12, _, _ =	vpop (xrf1)  }
0x2f: {  	v9 =	vsel vm0, v9, v10;
	v10, _, _ =	vpop (xrf1)  }
0x30: {  	(xrf1) =	vsort.dscd.msk.f32 $0xffff, v9, v9;
	v10 =	vsel vm0, v10, v11  }
0x31: {  	(xrf1) =	vsort.dscd.msk.f32 $0xffff, v10, v10;
	_ =	sdelay $0x2  }
0x32: {  	s2 =	simm.s32 $0x180;
	v9, _, _ =	vpop (xrf1)  }
0x33: {  	v16 =	vld [tilespmem:s2+$0x0];
	v10 =	vperm.xlane v12, v1;
	v11, _, _ =	vpop (xrf1)  }
0x34: {  	v26 =	vld [tilespmem:s2+$0x10];
	v9 =	vperm.xlane v9, v1;
	v12, _, _ =	vpop (xrf1)  }
0x35: {  	v27 =	vld [tilespmem:s2+$0x30];
	v10 =	vsel vm0, v12, v10  }
0x36: {  	v35 =	vld [tilespmem:s2+$0xFFFFFFB0];
	v9 =	vsel vm0, v11, v9;
	(xrf1) =	vsort.dscd.msk.f32 $0xffff, v10, v10  }
0x37: {  	v28 =	vld [tilespmem:s2+$0x20];
	(xrf1) =	vsort.dscd.msk.f32 $0xffff, v9, v9  }
0x38: {  	v37 =	vld [tilespmem:s2+$0xFFFFFF90];
	(xrf1) =	vsort.dscd.msk.f32 $0xffff, v16, v16  }
0x39: {  	v38 =	vld [tilespmem:s2+$0xFFFFFF80];
	(xrf1) =	vsort.dscd.msk.f32 $0xffff, v26, v26  }
0x3a: {  	v36 =	vld [tilespmem:s2+$0xFFFFFFA0];
	(xrf1) =	vsort.dscd.msk.f32 $0xffff, v27, v27  }
0x3b: {  	(xrf1) =	vsort.dscd.msk.f32 $0xffff, v35, v35  }
0x3c: {  	(xrf1) =	vsort.dscd.msk.f32 $0xffff, v28, v28;
	v9, _, _ =	vpop (xrf1)  }
0x3d: {  	(xrf1) =	vsort.dscd.msk.f32 $0xffff, v37, v37;
	v10, _, _ =	vpop (xrf1)  }
0x3e: {  	(xrf1) =	vsort.dscd.msk.f32 $0xffff, v38, v38;
	v10 =	vperm.xlane v10, v1  }
0x3f: {  	(xrf1) =	vsort.dscd.msk.f32 $0xffff, v36, v36  }
0x40: {  	v9 =	vsel vm0, v9, v10  }
0x41: {  	(xrf1) =	vsort.dscd.msk.f32 $0xffff, v9, v9;
	_ =	sdelay $0x2  }
0x42: {  	v9, _, _ =	vpop (xrf1)  }
0x43: {  	v10, _, _ =	vpop (xrf1)  }
0x44: {  	v11, _, _ =	vpop (xrf1)  }
0x45: {  	v12, _, _ =	vpop (xrf1)  }
0x46: {  	v13, _, _ =	vpop (xrf1);
	v12 =	vperm.xlane v12, v1  }
0x47: {  	v9 =	vperm.xlane v9, v1;
	v22, _, _ =	vpop (xrf1)  }
0x48: {  	v23, _, _ =	vpop (xrf1)  }
0x49: {  	v9 =	vsel vm0, v10, v9;
	v10 =	vperm.xlane v13, v1;
	v13, _, _ =	vpop (xrf1)  }
0x4a: {  	s4 =	simm.s32 $0x280;
	(xrf1) =	vsort.dscd.msk.f32 $0xffff, v9, v9;
	v9 =	vsel vm0, v11, v12;
	v11 =	vperm.xlane v22, v1;
	v12, _, _ =	vpop (xrf1)  }
0x4b: {  	v10 =	vsel vm0, v23, v10;
	(xrf1) =	vsort.dscd.msk.f32 $0xffff, v9, v9;
	v23 =	vld [tilespmem:s4+$0x0];
	v9 =	vperm.xlane v13, v1;
	v13, _, _ =	vpop (xrf1)  }
0x4c: {  	v29 =	vld [tilespmem:s4+$0x10];
	(xrf1) =	vsort.dscd.msk.f32 $0xffff, v10, v10;
	v10 =	vsel vm0, v13, v11  }
0x4d: {  	v9 =	vsel vm0, v12, v9;
	(xrf1) =	vsort.dscd.msk.f32 $0xffff, v10, v10;
	v22, _, _ =	vpop (xrf1)  }
0x4e: {  	v33 =	vld [tilespmem:s4+$0x30];
	(xrf1) =	vsort.dscd.msk.f32 $0xffff, v9, v9;
	v10 =	vperm.xlane v22, v0;
	_ =	sdelay $0x1  }
0x4f: {  	(xrf1) =	vsort.dscd.msk.f32 $0xffff, v23, v23;
	v11 =	vsub.f32 v7, v10  }
0x50: {  	v9 =	vld [tilespmem:s4+$0xFFFFFFB0];
	(xrf1) =	vsort.dscd.msk.f32 $0xffff, v29, v29;
	v12 =	vsub.f32 v8, v10  }
0x51: {  	v13 =	vld [tilespmem:s4+$0x20];
	v30 =	vsub.f32 v21, v10;
	v24 =	vmul.f32 $1.442695020e+00, v11  }
0x52: {  	v25 =	vsub.f32 v20, v10;
	(xrf1) =	vsort.dscd.msk.f32 $0xffff, v33, v33;
	v31 =	vmul.f32 $1.442695020e+00, v12  }
0x53: {  	v11 =	vld [tilespmem:s4+$0xFFFFFF90];
	(erf) = vpow2.f32 v24;
	v24 =	vmul.f32 $1.442695020e+00, v30  }
0x54: {  	v25 =	vmul.f32 $1.442695020e+00, v25;
	v12 =	vld [tilespmem:s4+$0xFFFFFF80]  }
0x55: {  	v10 =	vld [tilespmem:s4+$0xFFFFFFA0];
	(xrf1) =	vsort.dscd.msk.f32 $0xffff, v9, v9;
	(erf) = vpow2.f32 v31  }
0x56: {  	(xrf1) =	vsort.dscd.msk.f32 $0xffff, v13, v13;
	(erf) = vpow2.f32 v25  }
0x57: {  	(erf) = vpow2.f32 v24;
	v24, _, _ =	vpop (xrf1)  }
0x58: {  	(xrf1) =	vsort.dscd.msk.f32 $0xffff, v11, v11;
	v25, _, _ =	vpop (xrf1)  }
0x59: {  	(xrf1) =	vsort.dscd.msk.f32 $0xffff, v12, v12;
	v30, _, _ =	vpop (xrf1)  }
0x5a: {  	(xrf1) =	vsort.dscd.msk.f32 $0xffff, v10, v10;
	v31, _, _ =	vpop (xrf1)  }
0x5b: {  	v22 =	vperm.xlane v22, v2;
	v30 =	vperm.xlane v30, v1;
	v32, _, _ =	vpop (xrf1)  }
0x5c: {  	v34 =	vpop (erf)  }
0x5d: {  	vm2 =	vge.f32 v20, v22;
	v25 =	vsel vm0, v25, v30;
	v20, _, _ =	vpop (xrf1)  }
0x5e: {  	vm5 =	vge.f32 v8, v22;
	(xrf1) =	vsort.dscd.msk.f32 $0xffff, v25, v25;
	v8, _, _ =	vpop (xrf1)  }
0x5f: {  	vm1 =	vne.s32 v19, $0x0;
	v39 =	vperm.xlane v24, v0;
	v31 =	vperm.xlane v31, v1;
	v30 =	vpop (erf)  }
0x60: {  	vm3 =	vge.f32 v21, v22;
	vm4 =	vge.f32 v7, v22;
	vm2 =	vmor vm1, vm2;
	v21, _, _ =	vpop (xrf1)  }
0x61: {  	v40 =	vsub.f32 v17, v39;
	v31 =	vsel vm0, v32, v31;
	v22 =	vperm.xlane v8, v1;
	v25 =	vpop (erf)  }
0x62: {  	(xrf1) =	vsort.dscd.msk.f32 $0xffff, v31, v31;
	v21 =	vperm.xlane v21, v1;
	v41 =	vpop (erf);
	v7 =	vnsel vm2, $0x0, v25;
	vm2 =	vmor vm1, vm4  }
0x63: {  	vm4 =	vmor vm1, vm5;
	v25, _, _ =	vpop (xrf1);
	v34 =	vnsel vm2, $0x0, v34;
	vm2 =	vmor vm1, vm3  }
0x64: {  	v20 =	vsel vm0, v20, v22;
	v32 =	vnsel vm4, $0x0, v30;
	v30, _, _ =	vpop (xrf1);
	v8 =	vnsel vm2, $0x0, v41  }
0x65: {  	v31 =	vadd.f32 v32, v34;
	v21 =	vsel vm0, v30, v21;
	v41 =	vadd.f32 v7, v8  }
0x66: {  	v19 =	vsub.f32 v18, v39;
	v40 =	vmul.f32 $1.442695020e+00, v40;
	(xrf1) =	vsort.dscd.msk.f32 $0xffff, v20, v20;
	v22, _, _ =	vpop (xrf1)  }
0x67: {  	v20 =	vperm.xlane v25, v1;
	v30 =	vsub.f32 v15, v39;
	v31 =	vadd.f32 v41, v31;
	v25, _, _ =	vpop (xrf1)  }
0x68: {  	v19 =	vmul.f32 $1.442695020e+00, v19;
	(xrf1) =	vsort.dscd.msk.f32 $0xffff, v21, v21;
	v22 =	vperm.xlane v22, v1;
	v21, _, _ =	vpop (xrf1)  }
0x69: {  	v30 =	vmul.f32 $1.442695020e+00, v30;
	v58 =	vperm.xlane v31, v3;
	v20 =	vsel vm0, v21, v20  }
0x6a: {  	(erf) = vpow2.f32 v40;
	v21 =	vsub.f32 v14, v39;
	(xrf1) =	vsort.dscd.msk.f32 $0xffff, v20, v20;
	v20 =	vsel vm0, v25, v22  }
0x6b: {  	(erf) = vpow2.f32 v30;
	v22 =	vadd.f32 v31, v58;
	(xrf1) =	vsort.dscd.msk.f32 $0xffff, v20, v20;
	v20 =	vperm.xlane v24, v2  }
0x6c: {  	s21 =	simm.s32 $0x380;
	(erf) = vpow2.f32 v19;
	v21 =	vmul.f32 $1.442695020e+00, v21;
	v19, _, _ =	vpop (xrf1)  }
0x6d: {  	v24 =	vperm.xlane v22, v4;
	v25 =	vperm.xlane v19, v0;
	vm2 =	vge.f32 v17, v20;
	v17 =	vld [tilespmem:s21+$0x0]  }
0x6e: {  	(erf) = vpow2.f32 v21;
	vm3 =	vge.f32 v14, v20;
	v14 =	vld [tilespmem:s21+$0x10]  }
0x6f: {  	v31 =	vperm.xlane v19, v2;
	v19 =	vld [tilespmem:s21+$0x30];
	v21 =	vadd.f32 v22, v24;
	v22 =	vsub.f32 v16, v25  }
0x70: {  	vm4 =	vge.f32 v15, v20;
	v40, _, _ =	vpop (xrf1);
	v15 =	vld [tilespmem:s21+$0xFFFFFFB0];
	v30 =	vsub.f32 v26, v25  }
0x71: {  	v42 =	vperm.xlane v40, v0;
	v60 =	vsub.f32 v27, v25;
	v22 =	vmul.f32 $1.442695020e+00, v22  }
0x72: {  	v24 =	vld [tilespmem:s21+$0x20];
	v25 =	vsub.f32 v28, v25;
	v59 =	vperm.xlane v21, v5;
	v30 =	vmul.f32 $1.442695020e+00, v30;
	(xrf1) =	vsort.dscd.msk.f32 $0xffff, v17, v17  }
0x73: {  	vm5 =	vge.f32 v18, v20;
	v20 =	vld [tilespmem:s21+$0xFFFFFF90];
	v41 =	vmul.f32 $1.442695020e+00, v60;
	(erf) = vpow2.f32 v22;
	(xrf1) =	vsort.dscd.msk.f32 $0xffff, v14, v14  }
0x74: {  	v62 =	vpop (erf);
	vm4 =	vmor vm1, vm4;
	v25 =	vmul.f32 $1.442695020e+00, v25;
	(erf) = vpow2.f32 v30;
	(xrf1) =	vsort.dscd.msk.f32 $0xffff, v19, v19  }
0x75: {  	v18 =	vld [tilespmem:s21+$0xFFFFFF80];
	vm5 =	vmor vm1, vm5;
	v40 =	vperm.xlane v40, v2;
	v43, _, _ =	vpop (xrf1);
	(erf) = vpow2.f32 v41;
	(xrf1) =	vsort.dscd.msk.f32 $0xffff, v15, v15  }
0x76: {  	v61 =	vsub.f32 v35, v42;
	v47 =	vpop (erf);
	v22 =	vadd.f32 v21, v59;
	v21 =	vld [tilespmem:s21+$0xFFFFFFA0];
	(erf) = vpow2.f32 v25  }
0x77: {  	vm3 =	vmor vm1, vm3;
	v45 =	vsub.f32 v37, v42;
	v44, _, _ =	vpop (xrf1);
	v30 =	vsub.f32 v38, v42;
	(xrf1) =	vsort.dscd.msk.f32 $0xffff, v24, v24  }
0x78: {  	v48 =	vpop (erf);
	v39 =	vmul.f32 $1.442695020e+00, v61;
	v44 =	vperm.xlane v44, v1;
	v42 =	vsub.f32 v36, v42;
	(xrf1) =	vsort.dscd.msk.f32 $0xffff, v20, v20  }
0x79: {  	vm2 =	vmor vm1, vm2;
	v53 =	vperm.xlane v22, v6;
	v25 =	vmul.f32 $1.442695020e+00, v30;
	v54 =	vpop (erf)  }
0x7a: {  	v45 =	vmul.f32 $1.442695020e+00, v45;
	v30 =	vsel vm0, v43, v44;
	v42 =	vmul.f32 $1.442695020e+00, v42;
	v46, _, _ =	vpop (xrf1);
	(xrf1) =	vsort.dscd.msk.f32 $0xffff, v18, v18  }
0x7b: {  	v49 =	vadd.f32 v22, v53;
	v22 =	vnsel vm3, $0x0, v54;
	(erf) = vpow2.f32 v25;
	v52, _, _ =	vpop (xrf1);
	(xrf1) =	vsort.dscd.msk.f32 $0xffff, v21, v21  }
0x7c: {  	vm3 =	vge.f32 v28, v31;
	v25 =	vnsel vm2, $0x0, v62;
	vm2 =	vge.f32 v27, v31;
	v55 =	vpop (erf)  }
0x7d: {  	v27 =	vnsel vm4, $0x0, v47;
	vm4 =	vge.f32 v16, v31;
	v63 =	vperm.xlane v46, v1;
	(xrf1) =	vsort.dscd.msk.f32 $0xffff, v30, v30;
	v56 =	vpop (erf)  }
0x7e: {  	vm2 =	vmor vm1, vm2;
	v59 =	vadd.f32 v22, v25;
	(erf) = vpow2.f32 v42;
	v28 =	vpop (erf)  }
0x7f: {  	v30 =	vnsel vm5, $0x0, v48;
	vm5 =	vge.f32 v26, v31;
	v16 =	vnsel vm2, $0x0, v28;
	v28 =	vpop (erf)  }
0x80: {  	v43 =	vsel vm0, v52, v63;
	v57 =	vadd.f32 v30, v27;
	vm2 =	vmor vm1, vm4;
	v58, _, _ =	vpop (xrf1)  }
0x81: {  	vm4 =	vmor vm1, vm5;
	v31 =	vnsel vm2, $0x0, v55;
	vm2 =	vmor vm1, vm3;
	v61, _, _ =	vpop (xrf1)  }
0x82: {  	v52 =	vadd.f32 v57, v59;
	v26 =	vnsel vm4, $0x0, v56;
	v28 =	vnsel vm2, $0x0, v28;
	v63, _, _ =	vpop (xrf1)  }
0x83: {  	(erf) = vpow2.f32 v39;
	v60 =	vadd.f32 v26, v31;
	v50 =	vadd.f32 v16, v28;
	v54, _, _ =	vpop (xrf1);
	(xrf1) =	vsort.dscd.msk.f32 $0xffff, v43, v43  }
0x84: {  	vm2 =	vge.f32 v38, v40;
	v38 =	vpop (erf);
	v62 =	vperm.xlane v61, v1;
	v53 =	vperm.xlane v63, v1  }
0x85: {  	v56 =	vperm.xlane v52, v3;
	(erf) = vpow2.f32 v45;
	v47 =	vadd.f32 v50, v60;
	v55, _, _ =	vpop (xrf1)  }
0x86: {  	(erf) = vrcp.f32 v49;
	v42 =	vsel vm0, v58, v62;
	v41 =	vsel vm0, v55, v53;
	v57, _, _ =	vpop (xrf1)  }
0x87: {  	(xrf1) =	vsort.dscd.msk.f32 $0xffff, v42, v42;
	v58 =	vperm.xlane v47, v3;
	v42 =	vperm.xlane v57, v1  }
0x88: {  	v39 =	vadd.f32 v52, v56;
	v44 =	vperm.xlane v54, v1;
	(xrf1) =	vsort.dscd.msk.f32 $0xffff, v41, v41;
	v59, _, _ =	vpop (xrf1)  }
0x89: {  	v60, _, _ =	vpop (xrf1);
	v43 =	vadd.f32 v47, v58;
	v41 =	vsel vm0, v59, v42  }
0x8a: {  	v62 =	vperm.xlane v39, v4;
	v61 =	vsel vm0, v60, v44  }
0x8b: {  	vm5 =	vge.f32 v35, v40;
	v46, _, _ =	vpop (xrf1);
	(xrf1) =	vsort.dscd.msk.f32 $0xffff, v61, v61;
	v63 =	vperm.xlane v43, v4  }
0x8c: {  	s0 =	simm.s32 $0x8180;
	s1 =	simm.s32 $0x8080;
	vm3 =	vge.f32 v37, v40;
	v47 =	vadd.f32 v39, v62;
	(xrf1) =	vsort.dscd.msk.f32 $0xffff, v41, v41;
	v41 =	vpop (erf)  }
0x8d: {  	s2 =	simm.s32 $0x8180;
	s4 =	simm.s32 $0x480;
	s21 =	simm.s32 $0x6;
	vm4 =	vge.f32 v36, v40;
	v35 =	vperm.xlane v46, v2;
	v45 =	vadd.f32 v43, v63;
	v43 =	vpop (erf)  }
.LBB2_2:
0x8e: {  	v48 =	vpop (erf);
	v49 =	vperm.xlane v47, v5;
	v40 =	vmov v9;
	v9 =	vmov v15  }
0x8f: {  	v36 =	vld [tilespmem:s4+$0x0];
	s21 =	sadd.s32 $0x2, s21;
	s0 =	sadd.s32 $0x100, s0;
	v50 =	vmovc v13;
	v13 =	vmovc v24;
	v42 =	vmov v10;
	v10 =	vmov v21;
	v44 =	vmov v11  }
0x90: {  	v46 =	vperm.xlane v46, v0;
	v11 =	vmov v20;
	v37 =	vld [tilespmem:s4+$0x10];
	p0 =	slt.u32 s21, $0x7E;
	v21 =	vperm.xlane v45, v5;
	v51 =	vpop (erf)  }
0x91: {  	v39 =	vld [tilespmem:s4+$0x30];
	v52, _, _ =	vpop (xrf1);
	v47 =	vadd.f32 v47, v49;
	v20 =	vmul.f32 v51, v34;
	v32 =	vmul.f32 v51, v32  }
0x92: {  	v49 =	vsub.f32 v23, v46;
	v15 =	vld [tilespmem:s4+$0xFFFFFFB0];
	v34 =	vperm.xlane v52, v0;
	v53 =	vadd.f32 v45, v21;
	v45 =	vmovc v12  }
0x93: {  	v54 =	vsub.f32 v29, v46;
	v55 =	vsub.f32 v50, v46;
	v24 =	vld [tilespmem:s4+$0x20];
	v56 =	vperm.xlane v47, v6;
	[tilespmem:s1+$0x0] =	vst v20  }
0x94: {  	v46 =	vsub.f32 v33, v46;
	v12 =	vmovc v18;
	v49 =	vmul.f32 $1.442695020e+00, v49;
	v21 =	vld [tilespmem:s4+$0xFFFFFFA0];
	v57 =	vsub.f32 v40, v34;
	[tilespmem:s1+$0x10] =	vst v32  }
0x95: {  	v61 =	vmul.f32 $1.442695020e+00, v54;
	v62 =	vsub.f32 v45, v34;
	v59 =	vsub.f32 v44, v34;
	v20 =	vld [tilespmem:s4+$0xFFFFFF90];
	v32, _, _ =	vpop (xrf1)  }
0x96: {  	v63 =	vmul.f32 $1.442695020e+00, v46;
	v34 =	vsub.f32 v42, v34;
	v60, _, _ =	vpop (xrf1);
	(erf) = vpow2.f32 v49  }
0x97: {  	v47 =	vadd.f32 v47, v56;
	v57 =	vmul.f32 $1.442695020e+00, v57;
	v18 =	vld [tilespmem:s4+$0xFFFFFF80];
	(xrf1) =	vsort.dscd.msk.f32 $0xffff, v36, v36;
	v49 =	vperm.xlane v60, v1  }
0x98: {  	v58 =	vmovc v22;
	v54 =	vmovc v25;
	v56 =	vmul.f32 $1.442695020e+00, v62;
	v60 =	vmov v27;
	(erf) = vpow2.f32 v61  }
0x99: {  	v22 =	vmul.f32 $1.442695020e+00, v55;
	v46 =	vmovc v30;
	(xrf1) =	vsort.dscd.msk.f32 $0xffff, v37, v37;
	v49 =	vsel vm0, v32, v49;
	(erf) = vpow2.f32 v63  }
0x9a: {  	v55 =	vmul.f32 $1.442695020e+00, v34;
	v34 =	vmov v31;
	(xrf1) =	vsort.dscd.msk.f32 $0xffff, v39, v39;
	v25, _, _ =	vpop (xrf1);
	(erf) = vrcp.f32 v47  }
0x9b: {  	vm4 =	vmor vm1, vm4;
	(xrf1) =	vsort.dscd.msk.f32 $0xffff, v15, v15;
	v25 =	vperm.xlane v25, v1;
	v27, _, _ =	vpop (xrf1);
	(erf) = vpow2.f32 v22  }
0x9c: {  	vm5 =	vmor vm1, vm5;
	v32 =	vmovc v26;
	v47 =	vmul.f32 $1.442695020e+00, v59;
	v22 =	vperm.xlane v53, v6;
	(xrf1) =	vsort.dscd.msk.f32 $0xffff, v24, v24  }
0x9d: {  	v59 =	vsel vm0, v27, v25;
	(erf) = vpow2.f32 v56;
	v25 =	vmul.f32 v51, v8;
	v8 =	vmovc v28  }
0x9e: {  	vm3 =	vmor vm1, vm3;
	v53 =	vadd.f32 v53, v22;
	v27 =	vmul.f32 v51, v7;
	(xrf1) =	vsort.dscd.msk.f32 $0xffff, v20, v20  }
0x9f: {  	vm2 =	vmor vm1, vm2;
	v51 =	vperm.xlane v52, v2;
	(xrf1) =	vsort.dscd.msk.f32 $0xffff, v18, v18;
	v26 =	vpop (erf);
	[tilespmem:s1+$0x20] =	vst v25  }
0xa0: {  	v22 =	vnsel vm3, $0x0, v48;
	v7 =	vmovc v16;
	v25 =	vnsel vm2, $0x0, v38;
	(xrf1) =	vsort.dscd.msk.f32 $0xffff, v21, v21;
	[tilespmem:s1+$0x30] =	vst v27  }
0xa1: {  	v30 =	vnsel vm5, $0x0, v43;
	vm2 =	vge.f32 v33, v35;
	v27 =	vnsel vm4, $0x0, v41;
	v28 =	vpop (erf)  }
0xa2: {  	vm3 =	vge.f32 v50, v35;
	vm2 =	vmor vm1, vm2;
	v33 =	vadd.f32 v30, v27;
	(xrf1) =	vsort.dscd.msk.f32 $0xffff, v49, v49;
	v16 =	vpop (erf)  }
0xa3: {  	vm5 =	vge.f32 v29, v35;
	vm4 =	vge.f32 v23, v35;
	v16 =	vnsel vm2, $0x0, v16;
	v23 =	vpop (erf)  }
0xa4: {  	vm2 =	vmor vm1, vm4;
	vm4 =	vmor vm1, vm5;
	v29 =	vpop (erf);
	v49 =	vmul.f32 v23, v46  }
0xa5: {  	v31 =	vnsel vm2, $0x0, v26;
	v26 =	vnsel vm4, $0x0, v28;
	vm2 =	vmor vm1, vm3;
	v41, _, _ =	vpop (xrf1)  }
0xa6: {  	v46 =	vmul.f32 v23, v54;
	v48 =	vmul.f32 v23, v60;
	v43 =	vadd.f32 v26, v31;
	v38 =	vpop (erf);
	[tilespmem:s1+$0xFFFFFFB0] =	vst v49  }
0xa7: {  	v23 =	vmul.f32 v23, v58;
	v28 =	vnsel vm2, $0x0, v29;
	v29 =	vadd.f32 v22, v25;
	v35, _, _ =	vpop (xrf1);
	(xrf1) =	vsort.dscd.msk.f32 $0xffff, v59, v59  }
0xa8: {  	v50 =	vadd.f32 v16, v28;
	v52 =	vperm.xlane v35, v1;
	v49, _, _ =	vpop (xrf1);
	(erf) = vpow2.f32 v55;
	[tilespmem:s1+$0xFFFFFFA0] =	vst v48  }
0xa9: {  	v29 =	vadd.f32 v33, v29;
	v48 =	vperm.xlane v49, v1;
	v49, _, _ =	vpop (xrf1);
	(erf) = vpow2.f32 v57;
	[tilespmem:s1+$0xFFFFFF80] =	vst v46  }
0xaa: {  	v33 =	vsel vm0, v41, v52;
	v35, _, _ =	vpop (xrf1);
	v41 =	vadd.f32 v50, v43;
	(erf) = vpow2.f32 v47;
	[tilespmem:s1+$0xFFFFFF90] =	vst v23;
	s1 =	smov.u32 s2;
	s2 =	smov.u32 s0  }
0xab: {  	v48 =	vsel vm0, v35, v48;
	(xrf1) =	vsort.dscd.msk.f32 $0xffff, v33, v33;
	v33 =	vperm.xlane v29, v3;
	(erf) = vrcp.f32 v53  }
0xac: {  	v23 =	vmov v17;
	v35 =	vperm.xlane v49, v1;
	v43, _, _ =	vpop (xrf1);
	(xrf1) =	vsort.dscd.msk.f32 $0xffff, v48, v48;
	v46 =	vperm.xlane v41, v3  }
0xad: {  	vm3 =	vge.f32 v44, v51;
	vm2 =	vge.f32 v45, v51;
	v47, _, _ =	vpop (xrf1);
	v33 =	vadd.f32 v29, v33  }
.Ltmp0:
0xae: {  	vm4 =	vge.f32 v42, v51;
	v44 =	vperm.xlane v43, v1;
	v17, _, _ =	vpop (xrf1);
	v42 =	vadd.f32 v41, v46;
	(pc) =	sbr.rel @p0 .LBB2_2-.Ltmp0, $4  }
0xaf: {  	vm5 =	vge.f32 v40, v51;
	v35 =	vsel vm0, v17, v35;
	v40 =	vperm.xlane v33, v4;
	v17 =	vmovc v36  }
0xb0: {  	v29 =	vmov v14;
	v36 =	vsel vm0, v47, v44;
	(xrf1) =	vsort.dscd.msk.f32 $0xffff, v35, v35;
	v46, _, _ =	vpop (xrf1);
	v44 =	vperm.xlane v42, v4  }
0xb1: {  	v14 =	vmov v37;
	(xrf1) =	vsort.dscd.msk.f32 $0xffff, v36, v36;
	v35 =	vperm.xlane v46, v2;
	v41 =	vpop (erf);
	v47 =	vadd.f32 v33, v40  }
0xb2: {  	s4 =	sadd.s32 $0x100, s4;
	v33 =	vmov v19;
	v19 =	vmov v39;
	v45 =	vadd.f32 v42, v44;
	v43 =	vpop (erf)  }
0xb3: {  	_ = 	snop  }
0xb4: {  	v36 =	vperm.xlane v46, v0;
	v37 =	vperm.xlane v47, v5  }
0xb5: {  	v40 =	vpop (erf);
	vm4 =	vmor vm1, vm4;
	vm5 =	vmor vm1, vm5;
	vm3 =	vmor vm1, vm3  }
0xb6: {  	v42 =	vperm.xlane v45, v5;
	v39 =	vpop (erf);
	v44 =	vsub.f32 v23, v36;
	v47 =	vadd.f32 v47, v37  }
0xb7: {  	v46, _, _ =	vpop (xrf1);
	v37 =	vmul.f32 v39, v34;
	v55 =	vsub.f32 v29, v36;
	v49 =	vsub.f32 v33, v36  }
0xb8: {  	v36 =	vsub.f32 v13, v36;
	v48 =	vperm.xlane v46, v0;
	v44 =	vmul.f32 $1.442695020e+00, v44  }
0xb9: {  	vm2 =	vmor vm1, vm2;
	v50 =	vperm.xlane v47, v6;
	v34 =	vmul.f32 $1.442695020e+00, v55;
	v56, _, _ =	vpop (xrf1)  }
0xba: {  	v42 =	vadd.f32 v45, v42;
	v49 =	vmul.f32 $1.442695020e+00, v49;
	v36 =	vmul.f32 $1.442695020e+00, v36;
	v59, _, _ =	vpop (xrf1)  }
0xbb: {  	(erf) = vpow2.f32 v44;
	v57 =	vadd.f32 v47, v50;
	v47 =	vperm.xlane v59, v1  }
0xbc: {  	v58 =	vsub.f32 v9, v48;
	v60 =	vsub.f32 v12, v48;
	(erf) = vpow2.f32 v34  }
0xbd: {  	v61 =	vsub.f32 v11, v48;
	(erf) = vpow2.f32 v49;
	v63 =	vsel vm0, v56, v47  }
0xbe: {  	v48 =	vsub.f32 v10, v48;
	v34 =	vnsel vm3, $0x0, v40;
	(erf) = vrcp.f32 v57;
	(xrf1) =	vsort.dscd.msk.f32 $0xffff, v63, v63  }
0xbf: {  	(erf) = vpow2.f32 v36;
	v36 =	vnsel vm2, $0x0, v38;
	vm2 =	vge.f32 v33, v35;
	v62, _, _ =	vpop (xrf1)  }
0xc0: {  	v33 =	vnsel vm4, $0x0, v41;
	v38 =	vnsel vm5, $0x0, v43;
	v50 =	vperm.xlane v62, v1  }
0xc1: {  	v51 =	vmul.f32 $1.442695020e+00, v58;
	v57 =	vadd.f32 v38, v33;
	v58 =	vadd.f32 v34, v36;
	v53, _, _ =	vpop (xrf1)  }
0xc2: {  	v52 =	vmul.f32 $1.442695020e+00, v60;
	vm3 =	vge.f32 v13, v35;
	v47 =	vsel vm0, v53, v50  }
0xc3: {  	v55 =	vmul.f32 $1.442695020e+00, v48;
	v45 =	vmul.f32 $1.442695020e+00, v61;
	(xrf1) =	vsort.dscd.msk.f32 $0xffff, v47, v47;
	v47 =	vadd.f32 v57, v58  }
0xc4: {  	vm4 =	vge.f32 v23, v35;
	vm5 =	vge.f32 v29, v35;
	v62 =	vperm.xlane v42, v6;
	v54 =	vpop (erf)  }
0xc5: {  	vm2 =	vmor vm1, vm2;
	(erf) = vpow2.f32 v52;
	v56 =	vpop (erf);
	v59 =	vperm.xlane v47, v3  }
0xc6: {  	v63 =	vperm.xlane v46, v2;
	(erf) = vpow2.f32 v55;
	v42 =	vadd.f32 v42, v62;
	v13 =	vpop (erf)  }
0xc7: {  	(erf) = vpow2.f32 v51;
	v13 =	vnsel vm2, $0x0, v13;
	v43 =	vadd.f32 v47, v59  }
0xc8: {  	v40 =	vpop (erf);
	vm2 =	vmor vm1, vm4;
	vm4 =	vmor vm1, vm5;
	(erf) = vpow2.f32 v45  }
0xc9: {  	vm5 =	vge.f32 v10, v63;
	v35 =	vnsel vm2, $0x0, v54;
	v52 =	vperm.xlane v43, v4  }
0xca: {  	v23 =	vpop (erf);
	vm2 =	vmor vm1, vm3;
	v29 =	vnsel vm4, $0x0, v56;
	(erf) = vrcp.f32 v42  }
0xcb: {  	vm3 =	vge.f32 v11, v63;
	v23 =	vnsel vm2, $0x0, v23;
	v43 =	vadd.f32 v43, v52  }
0xcc: {  	vm4 =	vge.f32 v9, v63;
	v60 =	vadd.f32 v29, v35;
	v61 =	vadd.f32 v13, v23;
	v54, _, _ =	vpop (xrf1)  }
0xcd: {  	vm5 =	vmor vm1, vm5;
	v10 =	vperm.xlane v43, v5;
	v55 =	vperm.xlane v54, v0  }
0xce: {  	vm2 =	vge.f32 v12, v63;
	vm4 =	vmor vm1, vm4;
	v49 =	vadd.f32 v61, v60  }
0xcf: {  	vm3 =	vmor vm1, vm3;
	v10 =	vadd.f32 v43, v10;
	v11 =	vsub.f32 v17, v55  }
0xd0: {  	v53 =	vperm.xlane v49, v3;
	v42 =	vperm.xlane v54, v2;
	v57 =	vsub.f32 v14, v55  }
0xd1: {  	vm2 =	vmor vm1, vm2;
	v56, _, _ =	vpop (xrf1);
	v60 =	vperm.xlane v10, v6;
	v11 =	vmul.f32 $1.442695020e+00, v11  }
0xd2: {  	v59 =	vsub.f32 v19, v55;
	v58 =	vperm.xlane v56, v0;
	v43 =	vmul.f32 $1.442695020e+00, v57  }
0xd3: {  	v12 =	vadd.f32 v49, v53;
	v10 =	vadd.f32 v10, v60;
	(erf) = vpow2.f32 v11  }
0xd4: {  	v46 =	vmul.f32 $1.442695020e+00, v59;
	v11 =	vsub.f32 v18, v58;
	(erf) = vpow2.f32 v43  }
0xd5: {  	v41 =	vsub.f32 v24, v55;
	v9 =	vperm.xlane v12, v4;
	v61 =	vsub.f32 v15, v58  }
0xd6: {  	v45 =	vsub.f32 v21, v58;
	(erf) = vpow2.f32 v46;
	v11 =	vmul.f32 $1.442695020e+00, v11  }
0xd7: {  	v41 =	vmul.f32 $1.442695020e+00, v41;
	v62 =	vsub.f32 v20, v58;
	(erf) = vrcp.f32 v10;
	v10 =	vpop (erf)  }
0xd8: {  	v9 =	vadd.f32 v12, v9;
	v63 =	vmul.f32 $1.442695020e+00, v61;
	v48 =	vmul.f32 $1.442695020e+00, v45;
	v12 =	vpop (erf)  }
0xd9: {  	v43 =	vmul.f32 $1.442695020e+00, v62;
	(erf) = vpow2.f32 v41;
	v10 =	vnsel vm2, $0x0, v10;
	v49 =	vpop (erf)  }
0xda: {  	vm2 =	vge.f32 v19, v42;
	(erf) = vpow2.f32 v11;
	v12 =	vnsel vm5, $0x0, v12;
	v11 =	vpop (erf)  }
0xdb: {  	v45 =	vnsel vm4, $0x0, v49;
	vm4 =	vge.f32 v17, v42;
	v47 =	vpop (erf);
	(erf) = vpow2.f32 v48  }
0xdc: {  	v11 =	vnsel vm3, $0x0, v11;
	vm3 =	vge.f32 v24, v42;
	v19 =	vpop (erf);
	(erf) = vpow2.f32 v63  }
0xdd: {  	v50 =	vadd.f32 v45, v12;
	v17 =	vadd.f32 v11, v10;
	v24 =	vpop (erf);
	(erf) = vpow2.f32 v43  }
0xde: {  	v44 =	vperm.xlane v56, v2;
	v56 =	vperm.xlane v9, v5;
	vm2 =	vmor vm1, vm2  }
0xdf: {  	vm5 =	vge.f32 v14, v42;
	vm3 =	vmor vm1, vm3;
	v17 =	vadd.f32 v50, v17;
	v51 =	vpop (erf)  }
0xe0: {  	v14 =	vnsel vm2, $0x0, v51;
	vm2 =	vmor vm1, vm4;
	vm4 =	vmor vm1, vm5  }
0xe1: {  	v42 =	vpop (erf);
	v55 =	vperm.xlane v17, v3;
	vm5 =	vge.f32 v15, v44;
	v19 =	vnsel vm2, $0x0, v19  }
0xe2: {  	v52 =	vpop (erf);
	v24 =	vnsel vm4, $0x0, v24;
	vm2 =	vge.f32 v18, v44;
	vm4 =	vge.f32 v21, v44  }
0xe3: {  	vm5 =	vmor vm1, vm5;
	v53 =	vnsel vm3, $0x0, v52;
	v54 =	vadd.f32 v24, v19;
	v57 =	vpop (erf)  }
0xe4: {  	v17 =	vadd.f32 v17, v55;
	vm3 =	vge.f32 v20, v44;
	v46 =	vadd.f32 v14, v53;
	v15 =	vpop (erf)  }
0xe5: {  	vm4 =	vmor vm1, vm4;
	vm2 =	vmor vm1, vm2;
	vm3 =	vmor vm1, vm3;
	v20 =	vpop (erf)  }
0xe6: {  	v58 =	vnsel vm2, $0x0, v57;
	v18 =	vperm.xlane v17, v4;
	v43 =	vadd.f32 v46, v54;
	v21 =	vpop (erf)  }
0xe7: {  	v15 =	vnsel vm4, $0x0, v15;
	v20 =	vnsel vm5, $0x0, v20;
	v21 =	vnsel vm3, $0x0, v21  }
0xe8: {  	v46 =	vperm.xlane v43, v3;
	v59 =	vadd.f32 v20, v15;
	v50 =	vadd.f32 v21, v58  }
0xe9: {  	v8 =	vmul.f32 v39, v8;
	v9 =	vadd.f32 v9, v56;
	v17 =	vadd.f32 v17, v18  }
0xea: {  	v18 =	vmul.f32 v40, v30;
	v30 =	vadd.f32 v43, v46;
	v60 =	vadd.f32 v59, v50  }
0xeb: {  	v61 =	vperm.xlane v9, v6;
	v62 =	vperm.xlane v17, v5  }
0xec: {  	v63 =	vperm.xlane v30, v4;
	v48 =	vperm.xlane v60, v3  }
0xed: {  	v7 =	vmul.f32 v39, v7;
	v9 =	vadd.f32 v9, v61;
	v17 =	vadd.f32 v17, v62  }
0xee: {  	[tilespmem:s1+$0x20] =	vst v8;
	v8 =	vmul.f32 v40, v27;
	v27 =	vadd.f32 v30, v63;
	v30 =	vadd.f32 v60, v48  }
0xef: {  	[tilespmem:s1+$0x30] =	vst v7;
	(erf) = vrcp.f32 v9;
	v7 =	vperm.xlane v17, v6  }
0xf0: {  	[tilespmem:s1+$0xFFFFFFB0] =	vst v18;
	v9 =	vperm.xlane v27, v5;
	v18 =	vperm.xlane v30, v4  }
0xf1: {  	v32 =	vmul.f32 v39, v32;
	v7 =	vadd.f32 v17, v7  }
0xf2: {  	[tilespmem:s1+$0xFFFFFFA0] =	vst v8;
	v8 =	vmul.f32 v47, v31;
	v9 =	vadd.f32 v27, v9;
	v18 =	vadd.f32 v30, v18  }
0xf3: {  	[tilespmem:s1+$0x0] =	vst v37;
	v16 =	vmul.f32 v47, v16;
	(erf) = vrcp.f32 v7  }
0xf4: {  	[tilespmem:s2+$0x0] =	vst v8;
	v7 =	vperm.xlane v9, v6;
	v8 =	vperm.xlane v18, v5  }
0xf5: {  	v22 =	vmul.f32 v40, v22;
	[tilespmem:s2+$0x30] =	vst v16;
	v16 =	vmul.f32 v42, v33  }
0xf6: {  	[tilespmem:s1+$0x10] =	vst v32;
	v25 =	vmul.f32 v40, v25;
	v7 =	vadd.f32 v9, v7;
	v8 =	vadd.f32 v18, v8  }
0xf7: {  	[tilespmem:s1+$0xFFFFFF90] =	vst v22;
	v22 =	vmul.f32 v47, v28  }
0xf8: {  	[tilespmem:s1+$0xFFFFFF80] =	vst v25;
	(erf) = vrcp.f32 v7;
	v7 =	vperm.xlane v8, v6  }
0xf9: {  	[tilespmem:s2+$0xFFFFFFA0] =	vst v16;
	v16 =	vpop (erf);
	v9 =	vmul.f32 v42, v36  }
0xfa: {  	[tilespmem:s2+$0x20] =	vst v22;
	v17 =	vmul.f32 v47, v26;
	v7 =	vadd.f32 v8, v7;
	v8 =	vmul.f32 v16, v29  }
0xfb: {  	[tilespmem:s2+$0xFFFFFF80] =	vst v9;
	v9 =	vmul.f32 v16, v35  }
0xfc: {  	s0 =	sadd.s32 $0x100, s0;
	[tilespmem:s2+$0x10] =	vst v17  }
0xfd: {  	[tilespmem:s0+$0x0] =	vst v9;
	(erf) = vrcp.f32 v7;
	v7 =	vmul.f32 v16, v13  }
0xfe: {  	v17 =	vmul.f32 v42, v38;
	[tilespmem:s0+$0x10] =	vst v8;
	v8 =	vpop (erf)  }
0xff: {  	v9 =	vmul.f32 v16, v23;
	[tilespmem:s0+$0x30] =	vst v7;
	v7 =	vmul.f32 v8, v12  }
0x100: {  	[tilespmem:s2+$0xFFFFFFB0] =	vst v17;
	v17 =	vmul.f32 v42, v34  }
0x101: {  	[tilespmem:s0+$0x20] =	vst v9;
	v9 =	vmul.f32 v8, v45  }
0x102: {  	[tilespmem:s2+$0xFFFFFF90] =	vst v17;
	v10 =	vmul.f32 v8, v10;
	v8 =	vmul.f32 v8, v11  }
0x103: {  	[tilespmem:s0+$0xFFFFFFA0] =	vst v7;
	v7 =	vpop (erf)  }
0x104: {  	[tilespmem:s0+$0xFFFFFF90] =	vst v8;
	v8 =	vmul.f32 v7, v24  }
0x105: {  	[tilespmem:s0+$0xFFFFFFB0] =	vst v9;
	v9 =	vmul.f32 v7, v19  }
0x106: {  	s21 =	sadd.s32 $0x100, s0;
	[tilespmem:s0+$0xFFFFFF80] =	vst v10  }
0x107: {  	[tilespmem:s21+$0x0] =	vst v9;
	v9 =	vmul.f32 v7, v53  }
0x108: {  	[tilespmem:s21+$0x10] =	vst v8;
	v7 =	vmul.f32 v7, v14;
	v8 =	vpop (erf)  }
0x109: {  	[tilespmem:s21+$0x20] =	vst v9;
	v9 =	vmul.f32 v8, v20  }
0x10a: {  	[tilespmem:s21+$0x30] =	vst v7;
	v7 =	vmul.f32 v8, v15  }
0x10b: {  	v10 =	vmul.f32 v8, v58;
	[tilespmem:s21+$0xFFFFFFB0] =	vst v9  }
0x10c: {  	v8 =	vmul.f32 v8, v21;
	[tilespmem:s21+$0xFFFFFFA0] =	vst v7  }
0x10d: {  	[tilespmem:s21+$0xFFFFFF80] =	vst v10  }
0x10e: {  	[tilespmem:s21+$0xFFFFFF90] =	vst v8  }
0x10f: {  	[hbm4b:s6+s3] =	stream.linear.scatter [tilespmem:s25], [sflag:$0x3], $0x4000, $0x38;
	[tilespmem:$0x10080] =	vst v63  }
0x110: {  	_ = 	snop  }
0x111: {  	[tilespmem:s3], [sflag:$0x1] =	stream.linear.gather [hbm4b:s7+s3], $0x4000, $0x38;
	[tilespmem:$0x10080] =	vst v63  }
0x112: {  	_ =	swait.ge [sflag:s26], $0x4000  }
0x113: {  	[sflag:s26] =	ssyncset.done $0x0  }
0x114: {  	s1 =	simm.s32 $0x4080;
	[sflag:s26] =	ssyncadd.s32 $0xFFFFC000  }
0x115: {  	v7 =	vld [tilespmem:s1+$0x0]  }
0x116: {  	v8 =	vld [tilespmem:s1+$0x10];
	_ =	sdelay $0x2  }
0x117: {  	v19 =	vld [tilespmem:s1+$0x30]  }
0x118: {  	v18 =	vld [tilespmem:s1+$0xFFFFFFB0];
	(xrf1) =	vsort.dscd.msk.f32 $0xffff, v7, v7  }
0x119: {  	v20 =	vld [tilespmem:s1+$0x20];
	(xrf1) =	vsort.dscd.msk.f32 $0xffff, v8, v8;
	_ =	sdelay $0x2  }
0x11a: {  	(xrf1) =	vsort.dscd.msk.f32 $0xffff, v19, v19  }
0x11b: {  	(xrf1) =	vsort.dscd.msk.f32 $0xffff, v18, v18  }
0x11c: {  	v14 =	vld [tilespmem:s1+$0xFFFFFF90];
	(xrf1) =	vsort.dscd.msk.f32 $0xffff, v20, v20  }
0x11d: {  	v17 =	vld [tilespmem:s1+$0xFFFFFF80]  }
0x11e: {  	v15 =	vld [tilespmem:s1+$0xFFFFFFA0];
	_ =	sdelay $0x2  }
0x11f: {  	(xrf1) =	vsort.dscd.msk.f32 $0xffff, v14, v14  }
0x120: {  	(xrf1) =	vsort.dscd.msk.f32 $0xffff, v17, v17  }
0x121: {  	(xrf1) =	vsort.dscd.msk.f32 $0xffff, v15, v15  }
0x122: {  	v9, _, _ =	vpop (xrf1)  }
0x123: {  	v10, _, _ =	vpop (xrf1)  }
0x124: {  	v10 =	vperm.xlane v10, v1;
	_ =	sdelay $0x1  }
0x125: {  	v11, _, _ =	vpop (xrf1)  }
0x126: {  	v11 =	vperm.xlane v11, v1;
	v12, _, _ =	vpop (xrf1)  }
0x127: {  	v9 =	vsel vm0, v9, v10;
	v10, _, _ =	vpop (xrf1)  }
0x128: {  	(xrf1) =	vsort.dscd.msk.f32 $0xffff, v9, v9;
	v10 =	vsel vm0, v10, v11  }
0x129: {  	(xrf1) =	vsort.dscd.msk.f32 $0xffff, v10, v10;
	_ =	sdelay $0x2  }
0x12a: {  	s2 =	simm.s32 $0x4180;
	v9, _, _ =	vpop (xrf1)  }
0x12b: {  	v16 =	vld [tilespmem:s2+$0x0];
	v10 =	vperm.xlane v12, v1;
	v11, _, _ =	vpop (xrf1)  }
0x12c: {  	v26 =	vld [tilespmem:s2+$0x10];
	v9 =	vperm.xlane v9, v1;
	v12, _, _ =	vpop (xrf1)  }
0x12d: {  	v27 =	vld [tilespmem:s2+$0x30];
	v10 =	vsel vm0, v12, v10  }
0x12e: {  	v35 =	vld [tilespmem:s2+$0xFFFFFFB0];
	v9 =	vsel vm0, v11, v9;
	(xrf1) =	vsort.dscd.msk.f32 $0xffff, v10, v10  }
0x12f: {  	v28 =	vld [tilespmem:s2+$0x20];
	(xrf1) =	vsort.dscd.msk.f32 $0xffff, v9, v9  }
0x130: {  	v37 =	vld [tilespmem:s2+$0xFFFFFF90];
	(xrf1) =	vsort.dscd.msk.f32 $0xffff, v16, v16  }
0x131: {  	v38 =	vld [tilespmem:s2+$0xFFFFFF80];
	(xrf1) =	vsort.dscd.msk.f32 $0xffff, v26, v26  }
0x132: {  	v36 =	vld [tilespmem:s2+$0xFFFFFFA0];
	(xrf1) =	vsort.dscd.msk.f32 $0xffff, v27, v27  }
0x133: {  	(xrf1) =	vsort.dscd.msk.f32 $0xffff, v35, v35  }
0x134: {  	(xrf1) =	vsort.dscd.msk.f32 $0xffff, v28, v28;
	v9, _, _ =	vpop (xrf1)  }
0x135: {  	(xrf1) =	vsort.dscd.msk.f32 $0xffff, v37, v37;
	v10, _, _ =	vpop (xrf1)  }
0x136: {  	(xrf1) =	vsort.dscd.msk.f32 $0xffff, v38, v38;
	v10 =	vperm.xlane v10, v1  }
0x137: {  	(xrf1) =	vsort.dscd.msk.f32 $0xffff, v36, v36  }
0x138: {  	v9 =	vsel vm0, v9, v10  }
0x139: {  	(xrf1) =	vsort.dscd.msk.f32 $0xffff, v9, v9;
	_ =	sdelay $0x2  }
0x13a: {  	v9, _, _ =	vpop (xrf1)  }
0x13b: {  	v10, _, _ =	vpop (xrf1)  }
0x13c: {  	v11, _, _ =	vpop (xrf1)  }
0x13d: {  	v12, _, _ =	vpop (xrf1)  }
0x13e: {  	v13, _, _ =	vpop (xrf1);
	v12 =	vperm.xlane v12, v1  }
0x13f: {  	v9 =	vperm.xlane v9, v1;
	v21, _, _ =	vpop (xrf1)  }
0x140: {  	v22, _, _ =	vpop (xrf1)  }
0x141: {  	v9 =	vsel vm0, v10, v9;
	v10 =	vperm.xlane v13, v1;
	v13, _, _ =	vpop (xrf1)  }
0x142: {  	s4 =	simm.s32 $0x4280;
	(xrf1) =	vsort.dscd.msk.f32 $0xffff, v9, v9;
	v9 =	vsel vm0, v11, v12;
	v11 =	vperm.xlane v21, v1;
	v12, _, _ =	vpop (xrf1)  }
0x143: {  	v23 =	vld [tilespmem:s4+$0x0];
	v10 =	vsel vm0, v22, v10;
	(xrf1) =	vsort.dscd.msk.f32 $0xffff, v9, v9;
	v9 =	vperm.xlane v13, v1;
	v13, _, _ =	vpop (xrf1)  }
0x144: {  	v29 =	vld [tilespmem:s4+$0x10];
	(xrf1) =	vsort.dscd.msk.f32 $0xffff, v10, v10;
	v10 =	vsel vm0, v13, v11  }
0x145: {  	v9 =	vsel vm0, v12, v9;
	(xrf1) =	vsort.dscd.msk.f32 $0xffff, v10, v10;
	v21, _, _ =	vpop (xrf1)  }
0x146: {  	v33 =	vld [tilespmem:s4+$0x30];
	(xrf1) =	vsort.dscd.msk.f32 $0xffff, v9, v9;
	v10 =	vperm.xlane v21, v0;
	_ =	sdelay $0x1  }
0x147: {  	v9 =	vld [tilespmem:s4+$0xFFFFFFB0];
	(xrf1) =	vsort.dscd.msk.f32 $0xffff, v23, v23;
	v11 =	vsub.f32 v7, v10  }
0x148: {  	v13 =	vld [tilespmem:s4+$0x20];
	(xrf1) =	vsort.dscd.msk.f32 $0xffff, v29, v29;
	v12 =	vsub.f32 v8, v10  }
0x149: {  	v25 =	vsub.f32 v20, v10;
	v22 =	vmul.f32 $1.442695020e+00, v11  }
0x14a: {  	v24 =	vsub.f32 v19, v10;
	(xrf1) =	vsort.dscd.msk.f32 $0xffff, v33, v33;
	v11 =	vld [tilespmem:s4+$0xFFFFFF90];
	v30 =	vmul.f32 $1.442695020e+00, v12  }
0x14b: {  	v12 =	vld [tilespmem:s4+$0xFFFFFF80];
	(erf) = vpow2.f32 v22;
	v22 =	vmul.f32 $1.442695020e+00, v25  }
0x14c: {  	v10 =	vld [tilespmem:s4+$0xFFFFFFA0];
	v24 =	vmul.f32 $1.442695020e+00, v24;
	(xrf1) =	vsort.dscd.msk.f32 $0xffff, v9, v9  }
0x14d: {  	(xrf1) =	vsort.dscd.msk.f32 $0xffff, v13, v13;
	(erf) = vpow2.f32 v30  }
0x14e: {  	(erf) = vpow2.f32 v24  }
0x14f: {  	(erf) = vpow2.f32 v22;
	v22, _, _ =	vpop (xrf1);
	(xrf1) =	vsort.dscd.msk.f32 $0xffff, v11, v11  }
0x150: {  	v24, _, _ =	vpop (xrf1);
	(xrf1) =	vsort.dscd.msk.f32 $0xffff, v12, v12  }
0x151: {  	v25, _, _ =	vpop (xrf1);
	(xrf1) =	vsort.dscd.msk.f32 $0xffff, v10, v10  }
0x152: {  	v30, _, _ =	vpop (xrf1)  }
0x153: {  	v21 =	vperm.xlane v21, v2;
	v25 =	vperm.xlane v25, v1;
	v31, _, _ =	vpop (xrf1)  }
0x154: {  	v45 =	vpop (erf)  }
0x155: {  	vm2 =	vge.f32 v19, v21;
	v19, _, _ =	vpop (xrf1)  }
0x156: {  	vm5 =	vge.f32 v8, v21;
	v24 =	vsel vm0, v24, v25;
	v8, _, _ =	vpop (xrf1)  }
0x157: {  	vm3 =	vge.f32 v20, v21;
	(xrf1) =	vsort.dscd.msk.f32 $0xffff, v24, v24;
	v25 =	vpop (erf)  }
0x158: {  	vm4 =	vge.f32 v7, v21;
	v46 =	vperm.xlane v22, v0;
	v30 =	vperm.xlane v30, v1;
	v20, _, _ =	vpop (xrf1)  }
0x159: {  	vm2 =	vmor vm1, vm2;
	v21 =	vperm.xlane v8, v1;
	v24 =	vpop (erf);
	v20 =	vperm.xlane v20, v1  }
0x15a: {  	v7 =	vnsel vm2, $0x0, v24;
	vm2 =	vmor vm1, vm4;
	vm4 =	vmor vm1, vm5;
	v24, _, _ =	vpop (xrf1)  }
0x15b: {  	v30 =	vsel vm0, v31, v30;
	v19 =	vsel vm0, v19, v21;
	v32 =	vnsel vm4, $0x0, v25;
	v25, _, _ =	vpop (xrf1)  }
0x15c: {  	(xrf1) =	vsort.dscd.msk.f32 $0xffff, v30, v30;
	v49 =	vpop (erf);
	v34 =	vnsel vm2, $0x0, v45;
	vm2 =	vmor vm1, vm3;
	v20 =	vsel vm0, v25, v20  }
0x15d: {  	v47 =	vsub.f32 v18, v46;
	(xrf1) =	vsort.dscd.msk.f32 $0xffff, v19, v19;
	v8 =	vnsel vm2, $0x0, v49;
	v21, _, _ =	vpop (xrf1)  }
0x15e: {  	v19 =	vperm.xlane v24, v1;
	v30 =	vadd.f32 v32, v34;
	v31 =	vadd.f32 v7, v8;
	v24, _, _ =	vpop (xrf1)  }
0x15f: {  	v48 =	vsub.f32 v17, v46;
	v25 =	vsub.f32 v15, v46;
	(xrf1) =	vsort.dscd.msk.f32 $0xffff, v20, v20;
	v20, _, _ =	vpop (xrf1)  }
0x160: {  	v30 =	vadd.f32 v31, v30;
	v21 =	vperm.xlane v21, v1;
	v19 =	vsel vm0, v20, v19  }
0x161: {  	v31 =	vmul.f32 $1.442695020e+00, v48;
	(xrf1) =	vsort.dscd.msk.f32 $0xffff, v19, v19;
	v19 =	vmul.f32 $1.442695020e+00, v47  }
0x162: {  	v25 =	vmul.f32 $1.442695020e+00, v25;
	v50 =	vperm.xlane v30, v3;
	v21 =	vsel vm0, v24, v21  }
0x163: {  	(erf) = vpow2.f32 v31;
	(xrf1) =	vsort.dscd.msk.f32 $0xffff, v21, v21;
	v21 =	vperm.xlane v22, v2  }
0x164: {  	s21 =	simm.s32 $0x4380;
	v20 =	vsub.f32 v14, v46;
	(erf) = vpow2.f32 v25  }
0x165: {  	v24 =	vadd.f32 v30, v50;
	(erf) = vpow2.f32 v19;
	vm2 =	vge.f32 v17, v21;
	v17 =	vld [tilespmem:s21+$0x0];
	v19, _, _ =	vpop (xrf1)  }
0x166: {  	v20 =	vmul.f32 $1.442695020e+00, v20;
	v25 =	vperm.xlane v19, v0  }
0x167: {  	v22 =	vperm.xlane v24, v4;
	vm3 =	vge.f32 v14, v21;
	v14 =	vld [tilespmem:s21+$0x10]  }
0x168: {  	(erf) = vpow2.f32 v20;
	v31 =	vperm.xlane v19, v2;
	v19 =	vld [tilespmem:s21+$0x30];
	v20 =	vsub.f32 v16, v25  }
0x169: {  	vm4 =	vge.f32 v15, v21;
	v15 =	vld [tilespmem:s21+$0xFFFFFFB0];
	v30 =	vsub.f32 v26, v25;
	v53 =	vsub.f32 v27, v25  }
0x16a: {  	vm5 =	vge.f32 v18, v21;
	v22 =	vadd.f32 v24, v22;
	(xrf1) =	vsort.dscd.msk.f32 $0xffff, v17, v17;
	v52 =	vmul.f32 $1.442695020e+00, v20  }
0x16b: {  	v24 =	vld [tilespmem:s21+$0x20];
	vm4 =	vmor vm1, vm4;
	v21 =	vmul.f32 $1.442695020e+00, v30;
	v30 =	vmul.f32 $1.442695020e+00, v53  }
0x16c: {  	v40, _, _ =	vpop (xrf1);
	v51 =	vperm.xlane v22, v5;
	v25 =	vsub.f32 v28, v25;
	v20 =	vld [tilespmem:s21+$0xFFFFFF90];
	(xrf1) =	vsort.dscd.msk.f32 $0xffff, v14, v14;
	(erf) = vpow2.f32 v52  }
0x16d: {  	vm5 =	vmor vm1, vm5;
	v54 =	vperm.xlane v40, v0;
	v56, _, _ =	vpop (xrf1);
	(xrf1) =	vsort.dscd.msk.f32 $0xffff, v19, v19;
	(erf) = vpow2.f32 v21  }
0x16e: {  	v18 =	vld [tilespmem:s21+$0xFFFFFF80];
	vm3 =	vmor vm1, vm3;
	v58, _, _ =	vpop (xrf1);
	v25 =	vmul.f32 $1.442695020e+00, v25;
	(xrf1) =	vsort.dscd.msk.f32 $0xffff, v15, v15;
	(erf) = vpow2.f32 v30  }
0x16f: {  	v40 =	vperm.xlane v40, v2;
	v22 =	vadd.f32 v22, v51;
	v55 =	vsub.f32 v35, v54;
	v21 =	vld [tilespmem:s21+$0xFFFFFFA0];
	v30 =	vpop (erf)  }
0x170: {  	v57 =	vsub.f32 v38, v54;
	v45 =	vsub.f32 v37, v54;
	(xrf1) =	vsort.dscd.msk.f32 $0xffff, v24, v24;
	v59, _, _ =	vpop (xrf1);
	(erf) = vpow2.f32 v25  }
0x171: {  	v43 =	vsub.f32 v36, v54;
	v44 =	vperm.xlane v58, v1;
	v39 =	vmul.f32 $1.442695020e+00, v55;
	v60 =	vpop (erf);
	(xrf1) =	vsort.dscd.msk.f32 $0xffff, v20, v20  }
0x172: {  	vm2 =	vmor vm1, vm2;
	v63 =	vperm.xlane v22, v6;
	v25 =	vmul.f32 $1.442695020e+00, v57;
	v62, _, _ =	vpop (xrf1)  }
0x173: {  	v43 =	vmul.f32 $1.442695020e+00, v43;
	v45 =	vmul.f32 $1.442695020e+00, v45;
	v41 =	vsel vm0, v56, v44;
	(xrf1) =	vsort.dscd.msk.f32 $0xffff, v18, v18;
	v52 =	vpop (erf)  }
0x174: {  	v49 =	vadd.f32 v22, v63;
	v61 =	vperm.xlane v59, v1;
	(erf) = vpow2.f32 v25;
	v53 =	vpop (erf);
	(xrf1) =	vsort.dscd.msk.f32 $0xffff, v21, v21  }
0x175: {  	v25 =	vnsel vm2, $0x0, v30;
	vm2 =	vge.f32 v27, v31;
	v27 =	vnsel vm4, $0x0, v60;
	v54 =	vpop (erf)  }
0x176: {  	v30 =	vnsel vm5, $0x0, v52;
	vm4 =	vge.f32 v16, v31;
	vm5 =	vge.f32 v26, v31;
	(xrf1) =	vsort.dscd.msk.f32 $0xffff, v41, v41;
	v55 =	vpop (erf)  }
0x177: {  	v42 =	vsel vm0, v62, v61;
	v22 =	vnsel vm3, $0x0, v53;
	vm3 =	vge.f32 v28, v31;
	v28 =	vpop (erf)  }
0x178: {  	vm2 =	vmor vm1, vm2;
	v56 =	vadd.f32 v30, v27;
	(erf) = vpow2.f32 v43;
	v57, _, _ =	vpop (xrf1)  }
0x179: {  	v58 =	vadd.f32 v22, v25;
	v16 =	vnsel vm2, $0x0, v28;
	vm2 =	vmor vm1, vm4;
	v28 =	vpop (erf)  }
0x17a: {  	vm4 =	vmor vm1, vm5;
	v60, _, _ =	vpop (xrf1);
	v31 =	vnsel vm2, $0x0, v54;
	vm2 =	vmor vm1, vm3  }
0x17b: {  	v51 =	vadd.f32 v56, v58;
	v26 =	vnsel vm4, $0x0, v55;
	v63, _, _ =	vpop (xrf1);
	v28 =	vnsel vm2, $0x0, v28  }
0x17c: {  	(erf) = vpow2.f32 v39;
	v59 =	vadd.f32 v26, v31;
	v53, _, _ =	vpop (xrf1);
	(xrf1) =	vsort.dscd.msk.f32 $0xffff, v42, v42;
	v61 =	vadd.f32 v16, v28  }
0x17d: {  	v62 =	vperm.xlane v60, v1;
	v52 =	vperm.xlane v63, v1;
	vm2 =	vge.f32 v38, v40;
	v38 =	vpop (erf)  }
0x17e: {  	v56 =	vperm.xlane v51, v3;
	(erf) = vpow2.f32 v45;
	v55, _, _ =	vpop (xrf1);
	v47 =	vadd.f32 v61, v59  }
0x17f: {  	(erf) = vrcp.f32 v49;
	v54 =	vsel vm0, v57, v62;
	v41 =	vsel vm0, v55, v52;
	v57, _, _ =	vpop (xrf1)  }
0x180: {  	(xrf1) =	vsort.dscd.msk.f32 $0xffff, v54, v54;
	v42 =	vperm.xlane v57, v1;
	v58 =	vperm.xlane v47, v3  }
0x181: {  	v39 =	vadd.f32 v51, v56;
	v44 =	vperm.xlane v53, v1;
	(xrf1) =	vsort.dscd.msk.f32 $0xffff, v41, v41;
	v59, _, _ =	vpop (xrf1)  }
0x182: {  	v60, _, _ =	vpop (xrf1);
	v41 =	vsel vm0, v59, v42;
	v43 =	vadd.f32 v47, v58  }
0x183: {  	v62 =	vperm.xlane v39, v4;
	v61 =	vsel vm0, v60, v44  }
0x184: {  	vm5 =	vge.f32 v35, v40;
	v46, _, _ =	vpop (xrf1);
	(xrf1) =	vsort.dscd.msk.f32 $0xffff, v61, v61;
	v63 =	vperm.xlane v43, v4  }
0x185: {  	s0 =	simm.s32 $0xC180;
	s1 =	simm.s32 $0xC080;
	vm3 =	vge.f32 v37, v40;
	v47 =	vadd.f32 v39, v62;
	(xrf1) =	vsort.dscd.msk.f32 $0xffff, v41, v41;
	v41 =	vpop (erf)  }
0x186: {  	s2 =	simm.s32 $0xC180;
	s4 =	simm.s32 $0x4480;
	s21 =	simm.s32 $0x6;
	vm4 =	vge.f32 v36, v40;
	v35 =	vperm.xlane v46, v2;
	v45 =	vadd.f32 v43, v63;
	v43 =	vpop (erf)  }
.LBB2_4:
0x187: {  	v48 =	vpop (erf);
	v49 =	vperm.xlane v47, v5;
	v40 =	vmov v9;
	v9 =	vmov v15  }
0x188: {  	v36 =	vld [tilespmem:s4+$0x0];
	s21 =	sadd.s32 $0x2, s21;
	s0 =	sadd.s32 $0x100, s0;
	v50 =	vmovc v13;
	v13 =	vmovc v24;
	v42 =	vmov v10;
	v10 =	vmov v21;
	v44 =	vmov v11  }
0x189: {  	v46 =	vperm.xlane v46, v0;
	v11 =	vmov v20;
	v37 =	vld [tilespmem:s4+$0x10];
	p0 =	slt.u32 s21, $0x7E;
	v21 =	vperm.xlane v45, v5;
	v51 =	vpop (erf)  }
0x18a: {  	v39 =	vld [tilespmem:s4+$0x30];
	v52, _, _ =	vpop (xrf1);
	v47 =	vadd.f32 v47, v49;
	v20 =	vmul.f32 v51, v34;
	v32 =	vmul.f32 v51, v32  }
0x18b: {  	v49 =	vsub.f32 v23, v46;
	v15 =	vld [tilespmem:s4+$0xFFFFFFB0];
	v34 =	vperm.xlane v52, v0;
	v53 =	vadd.f32 v45, v21;
	v45 =	vmovc v12  }
0x18c: {  	v54 =	vsub.f32 v29, v46;
	v55 =	vsub.f32 v50, v46;
	v24 =	vld [tilespmem:s4+$0x20];
	v56 =	vperm.xlane v47, v6;
	[tilespmem:s1+$0x0] =	vst v20  }
0x18d: {  	v46 =	vsub.f32 v33, v46;
	v12 =	vmovc v18;
	v49 =	vmul.f32 $1.442695020e+00, v49;
	v21 =	vld [tilespmem:s4+$0xFFFFFFA0];
	v57 =	vsub.f32 v40, v34;
	[tilespmem:s1+$0x10] =	vst v32  }
0x18e: {  	v61 =	vmul.f32 $1.442695020e+00, v54;
	v62 =	vsub.f32 v45, v34;
	v59 =	vsub.f32 v44, v34;
	v20 =	vld [tilespmem:s4+$0xFFFFFF90];
	v32, _, _ =	vpop (xrf1)  }
0x18f: {  	v63 =	vmul.f32 $1.442695020e+00, v46;
	v34 =	vsub.f32 v42, v34;
	v60, _, _ =	vpop (xrf1);
	(erf) = vpow2.f32 v49  }
0x190: {  	v47 =	vadd.f32 v47, v56;
	v57 =	vmul.f32 $1.442695020e+00, v57;
	v18 =	vld [tilespmem:s4+$0xFFFFFF80];
	(xrf1) =	vsort.dscd.msk.f32 $0xffff, v36, v36;
	v49 =	vperm.xlane v60, v1  }
0x191: {  	v58 =	vmovc v22;
	v54 =	vmovc v25;
	v56 =	vmul.f32 $1.442695020e+00, v62;
	v60 =	vmov v27;
	(erf) = vpow2.f32 v61  }
0x192: {  	v22 =	vmul.f32 $1.442695020e+00, v55;
	v46 =	vmovc v30;
	(xrf1) =	vsort.dscd.msk.f32 $0xffff, v37, v37;
	v49 =	vsel vm0, v32, v49;
	(erf) = vpow2.f32 v63  }
0x193: {  	v55 =	vmul.f32 $1.442695020e+00, v34;
	v34 =	vmov v31;
	(xrf1) =	vsort.dscd.msk.f32 $0xffff, v39, v39;
	v25, _, _ =	vpop (xrf1);
	(erf) = vrcp.f32 v47  }
0x194: {  	vm4 =	vmor vm1, vm4;
	(xrf1) =	vsort.dscd.msk.f32 $0xffff, v15, v15;
	v25 =	vperm.xlane v25, v1;
	v27, _, _ =	vpop (xrf1);
	(erf) = vpow2.f32 v22  }
0x195: {  	vm5 =	vmor vm1, vm5;
	v32 =	vmovc v26;
	v47 =	vmul.f32 $1.442695020e+00, v59;
	v22 =	vperm.xlane v53, v6;
	(xrf1) =	vsort.dscd.msk.f32 $0xffff, v24, v24  }
0x196: {  	v59 =	vsel vm0, v27, v25;
	(erf) = vpow2.f32 v56;
	v25 =	vmul.f32 v51, v8;
	v8 =	vmovc v28  }
0x197: {  	vm3 =	vmor vm1, vm3;
	v53 =	vadd.f32 v53, v22;
	v27 =	vmul.f32 v51, v7;
	(xrf1) =	vsort.dscd.msk.f32 $0xffff, v20, v20  }
0x198: {  	vm2 =	vmor vm1, vm2;
	v51 =	vperm.xlane v52, v2;
	(xrf1) =	vsort.dscd.msk.f32 $0xffff, v18, v18;
	v26 =	vpop (erf);
	[tilespmem:s1+$0x20] =	vst v25  }
0x199: {  	v22 =	vnsel vm3, $0x0, v48;
	v7 =	vmovc v16;
	v25 =	vnsel vm2, $0x0, v38;
	(xrf1) =	vsort.dscd.msk.f32 $0xffff, v21, v21;
	[tilespmem:s1+$0x30] =	vst v27  }
0x19a: {  	v30 =	vnsel vm5, $0x0, v43;
	vm2 =	vge.f32 v33, v35;
	v27 =	vnsel vm4, $0x0, v41;
	v28 =	vpop (erf)  }
0x19b: {  	vm3 =	vge.f32 v50, v35;
	vm2 =	vmor vm1, vm2;
	v33 =	vadd.f32 v30, v27;
	(xrf1) =	vsort.dscd.msk.f32 $0xffff, v49, v49;
	v16 =	vpop (erf)  }
0x19c: {  	vm5 =	vge.f32 v29, v35;
	vm4 =	vge.f32 v23, v35;
	v16 =	vnsel vm2, $0x0, v16;
	v23 =	vpop (erf)  }
0x19d: {  	vm2 =	vmor vm1, vm4;
	vm4 =	vmor vm1, vm5;
	v29 =	vpop (erf);
	v49 =	vmul.f32 v23, v46  }
0x19e: {  	v31 =	vnsel vm2, $0x0, v26;
	v26 =	vnsel vm4, $0x0, v28;
	vm2 =	vmor vm1, vm3;
	v41, _, _ =	vpop (xrf1)  }
0x19f: {  	v46 =	vmul.f32 v23, v54;
	v48 =	vmul.f32 v23, v60;
	v43 =	vadd.f32 v26, v31;
	v38 =	vpop (erf);
	[tilespmem:s1+$0xFFFFFFB0] =	vst v49  }
0x1a0: {  	v23 =	vmul.f32 v23, v58;
	v28 =	vnsel vm2, $0x0, v29;
	v29 =	vadd.f32 v22, v25;
	v35, _, _ =	vpop (xrf1);
	(xrf1) =	vsort.dscd.msk.f32 $0xffff, v59, v59  }
0x1a1: {  	v50 =	vadd.f32 v16, v28;
	v52 =	vperm.xlane v35, v1;
	v49, _, _ =	vpop (xrf1);
	(erf) = vpow2.f32 v55;
	[tilespmem:s1+$0xFFFFFFA0] =	vst v48  }
0x1a2: {  	v29 =	vadd.f32 v33, v29;
	v48 =	vperm.xlane v49, v1;
	v49, _, _ =	vpop (xrf1);
	(erf) = vpow2.f32 v57;
	[tilespmem:s1+$0xFFFFFF80] =	vst v46  }
0x1a3: {  	v33 =	vsel vm0, v41, v52;
	v35, _, _ =	vpop (xrf1);
	v41 =	vadd.f32 v50, v43;
	(erf) = vpow2.f32 v47;
	[tilespmem:s1+$0xFFFFFF90] =	vst v23;
	s1 =	smov.u32 s2;
	s2 =	smov.u32 s0  }
0x1a4: {  	v48 =	vsel vm0, v35, v48;
	(xrf1) =	vsort.dscd.msk.f32 $0xffff, v33, v33;
	v33 =	vperm.xlane v29, v3;
	(erf) = vrcp.f32 v53  }
0x1a5: {  	v23 =	vmov v17;
	v35 =	vperm.xlane v49, v1;
	v43, _, _ =	vpop (xrf1);
	(xrf1) =	vsort.dscd.msk.f32 $0xffff, v48, v48;
	v46 =	vperm.xlane v41, v3  }
0x1a6: {  	vm3 =	vge.f32 v44, v51;
	vm2 =	vge.f32 v45, v51;
	v47, _, _ =	vpop (xrf1);
	v33 =	vadd.f32 v29, v33  }
.Ltmp1:
0x1a7: {  	vm4 =	vge.f32 v42, v51;
	v44 =	vperm.xlane v43, v1;
	v17, _, _ =	vpop (xrf1);
	v42 =	vadd.f32 v41, v46;
	(pc) =	sbr.rel @p0 .LBB2_4-.Ltmp1, $4  }
0x1a8: {  	vm5 =	vge.f32 v40, v51;
	v35 =	vsel vm0, v17, v35;
	v40 =	vperm.xlane v33, v4;
	v17 =	vmovc v36  }
0x1a9: {  	v29 =	vmov v14;
	v36 =	vsel vm0, v47, v44;
	(xrf1) =	vsort.dscd.msk.f32 $0xffff, v35, v35;
	v46, _, _ =	vpop (xrf1);
	v44 =	vperm.xlane v42, v4  }
0x1aa: {  	v14 =	vmov v37;
	(xrf1) =	vsort.dscd.msk.f32 $0xffff, v36, v36;
	v35 =	vperm.xlane v46, v2;
	v41 =	vpop (erf);
	v47 =	vadd.f32 v33, v40  }
0x1ab: {  	s4 =	sadd.s32 $0x100, s4;
	v33 =	vmov v19;
	v19 =	vmov v39;
	v45 =	vadd.f32 v42, v44;
	v43 =	vpop (erf)  }
0x1ac: {  	_ = 	snop  }
0x1ad: {  	v36 =	vperm.xlane v46, v0;
	v37 =	vperm.xlane v47, v5  }
0x1ae: {  	v40 =	vpop (erf);
	vm4 =	vmor vm1, vm4;
	vm5 =	vmor vm1, vm5;
	vm3 =	vmor vm1, vm3  }
0x1af: {  	v42 =	vperm.xlane v45, v5;
	v39 =	vpop (erf);
	v44 =	vsub.f32 v23, v36;
	v47 =	vadd.f32 v47, v37  }
0x1b0: {  	v46, _, _ =	vpop (xrf1);
	v37 =	vmul.f32 v39, v34;
	v55 =	vsub.f32 v29, v36;
	v49 =	vsub.f32 v33, v36  }
0x1b1: {  	v36 =	vsub.f32 v13, v36;
	v48 =	vperm.xlane v46, v0;
	v44 =	vmul.f32 $1.442695020e+00, v44  }
0x1b2: {  	vm2 =	vmor vm1, vm2;
	v50 =	vperm.xlane v47, v6;
	v34 =	vmul.f32 $1.442695020e+00, v55;
	v56, _, _ =	vpop (xrf1)  }
0x1b3: {  	v42 =	vadd.f32 v45, v42;
	v49 =	vmul.f32 $1.442695020e+00, v49;
	v36 =	vmul.f32 $1.442695020e+00, v36;
	v59, _, _ =	vpop (xrf1)  }
0x1b4: {  	(erf) = vpow2.f32 v44;
	v57 =	vadd.f32 v47, v50;
	v47 =	vperm.xlane v59, v1  }
0x1b5: {  	v58 =	vsub.f32 v9, v48;
	v60 =	vsub.f32 v12, v48;
	(erf) = vpow2.f32 v34  }
0x1b6: {  	v61 =	vsub.f32 v11, v48;
	(erf) = vpow2.f32 v49;
	v63 =	vsel vm0, v56, v47  }
0x1b7: {  	v48 =	vsub.f32 v10, v48;
	v34 =	vnsel vm3, $0x0, v40;
	(erf) = vrcp.f32 v57;
	(xrf1) =	vsort.dscd.msk.f32 $0xffff, v63, v63  }
0x1b8: {  	(erf) = vpow2.f32 v36;
	v36 =	vnsel vm2, $0x0, v38;
	vm2 =	vge.f32 v33, v35;
	v62, _, _ =	vpop (xrf1)  }
0x1b9: {  	v33 =	vnsel vm4, $0x0, v41;
	v38 =	vnsel vm5, $0x0, v43;
	v50 =	vperm.xlane v62, v1  }
0x1ba: {  	v51 =	vmul.f32 $1.442695020e+00, v58;
	v57 =	vadd.f32 v38, v33;
	v58 =	vadd.f32 v34, v36;
	v53, _, _ =	vpop (xrf1)  }
0x1bb: {  	v52 =	vmul.f32 $1.442695020e+00, v60;
	vm3 =	vge.f32 v13, v35;
	v47 =	vsel vm0, v53, v50  }
0x1bc: {  	v55 =	vmul.f32 $1.442695020e+00, v48;
	v45 =	vmul.f32 $1.442695020e+00, v61;
	(xrf1) =	vsort.dscd.msk.f32 $0xffff, v47, v47;
	v47 =	vadd.f32 v57, v58  }
0x1bd: {  	vm4 =	vge.f32 v23, v35;
	vm5 =	vge.f32 v29, v35;
	v62 =	vperm.xlane v42, v6;
	v54 =	vpop (erf)  }
0x1be: {  	vm2 =	vmor vm1, vm2;
	(erf) = vpow2.f32 v52;
	v56 =	vpop (erf);
	v59 =	vperm.xlane v47, v3  }
0x1bf: {  	v63 =	vperm.xlane v46, v2;
	(erf) = vpow2.f32 v55;
	v42 =	vadd.f32 v42, v62;
	v13 =	vpop (erf)  }
0x1c0: {  	(erf) = vpow2.f32 v51;
	v13 =	vnsel vm2, $0x0, v13;
	v43 =	vadd.f32 v47, v59  }
0x1c1: {  	v40 =	vpop (erf);
	vm2 =	vmor vm1, vm4;
	vm4 =	vmor vm1, vm5;
	(erf) = vpow2.f32 v45  }
0x1c2: {  	vm5 =	vge.f32 v10, v63;
	v35 =	vnsel vm2, $0x0, v54;
	v52 =	vperm.xlane v43, v4  }
0x1c3: {  	v23 =	vpop (erf);
	vm2 =	vmor vm1, vm3;
	v29 =	vnsel vm4, $0x0, v56;
	(erf) = vrcp.f32 v42  }
0x1c4: {  	vm3 =	vge.f32 v11, v63;
	v23 =	vnsel vm2, $0x0, v23;
	v43 =	vadd.f32 v43, v52  }
0x1c5: {  	vm4 =	vge.f32 v9, v63;
	v60 =	vadd.f32 v29, v35;
	v61 =	vadd.f32 v13, v23;
	v54, _, _ =	vpop (xrf1)  }
0x1c6: {  	vm5 =	vmor vm1, vm5;
	v10 =	vperm.xlane v43, v5;
	v55 =	vperm.xlane v54, v0  }
0x1c7: {  	vm2 =	vge.f32 v12, v63;
	vm4 =	vmor vm1, vm4;
	v49 =	vadd.f32 v61, v60  }
0x1c8: {  	vm3 =	vmor vm1, vm3;
	v10 =	vadd.f32 v43, v10;
	v11 =	vsub.f32 v17, v55  }
0x1c9: {  	v53 =	vperm.xlane v49, v3;
	v42 =	vperm.xlane v54, v2;
	v57 =	vsub.f32 v14, v55  }
0x1ca: {  	vm2 =	vmor vm1, vm2;
	v56, _, _ =	vpop (xrf1);
	v60 =	vperm.xlane v10, v6;
	v11 =	vmul.f32 $1.442695020e+00, v11  }
0x1cb: {  	v59 =	vsub.f32 v19, v55;
	v58 =	vperm.xlane v56, v0;
	v43 =	vmul.f32 $1.442695020e+00, v57  }
0x1cc: {  	v12 =	vadd.f32 v49, v53;
	v10 =	vadd.f32 v10, v60;
	(erf) = vpow2.f32 v11  }
0x1cd: {  	v46 =	vmul.f32 $1.442695020e+00, v59;
	v11 =	vsub.f32 v18, v58;
	(erf) = vpow2.f32 v43  }
0x1ce: {  	v41 =	vsub.f32 v24, v55;
	v9 =	vperm.xlane v12, v4;
	v61 =	vsub.f32 v15, v58  }
0x1cf: {  	v45 =	vsub.f32 v21, v58;
	(erf) = vpow2.f32 v46;
	v11 =	vmul.f32 $1.442695020e+00, v11  }
0x1d0: {  	v41 =	vmul.f32 $1.442695020e+00, v41;
	v62 =	vsub.f32 v20, v58;
	(erf) = vrcp.f32 v10;
	v10 =	vpop (erf)  }
0x1d1: {  	v9 =	vadd.f32 v12, v9;
	v63 =	vmul.f32 $1.442695020e+00, v61;
	v48 =	vmul.f32 $1.442695020e+00, v45;
	v12 =	vpop (erf)  }
0x1d2: {  	v43 =	vmul.f32 $1.442695020e+00, v62;
	(erf) = vpow2.f32 v41;
	v10 =	vnsel vm2, $0x0, v10;
	v49 =	vpop (erf)  }
0x1d3: {  	vm2 =	vge.f32 v19, v42;
	(erf) = vpow2.f32 v11;
	v12 =	vnsel vm5, $0x0, v12;
	v11 =	vpop (erf)  }
0x1d4: {  	v45 =	vnsel vm4, $0x0, v49;
	vm4 =	vge.f32 v17, v42;
	v47 =	vpop (erf);
	(erf) = vpow2.f32 v48  }
0x1d5: {  	v11 =	vnsel vm3, $0x0, v11;
	vm3 =	vge.f32 v24, v42;
	v19 =	vpop (erf);
	(erf) = vpow2.f32 v63  }
0x1d6: {  	v50 =	vadd.f32 v45, v12;
	v17 =	vadd.f32 v11, v10;
	v24 =	vpop (erf);
	(erf) = vpow2.f32 v43  }
0x1d7: {  	v44 =	vperm.xlane v56, v2;
	v56 =	vperm.xlane v9, v5;
	vm2 =	vmor vm1, vm2  }
0x1d8: {  	vm5 =	vge.f32 v14, v42;
	vm3 =	vmor vm1, vm3;
	v17 =	vadd.f32 v50, v17;
	v51 =	vpop (erf)  }
0x1d9: {  	v14 =	vnsel vm2, $0x0, v51;
	vm2 =	vmor vm1, vm4;
	vm4 =	vmor vm1, vm5  }
0x1da: {  	v42 =	vpop (erf);
	v55 =	vperm.xlane v17, v3;
	vm5 =	vge.f32 v15, v44;
	v19 =	vnsel vm2, $0x0, v19  }
0x1db: {  	v52 =	vpop (erf);
	v24 =	vnsel vm4, $0x0, v24;
	vm2 =	vge.f32 v18, v44;
	vm4 =	vge.f32 v21, v44  }
0x1dc: {  	vm5 =	vmor vm1, vm5;
	v53 =	vnsel vm3, $0x0, v52;
	v54 =	vadd.f32 v24, v19;
	v57 =	vpop (erf)  }
0x1dd: {  	v17 =	vadd.f32 v17, v55;
	vm3 =	vge.f32 v20, v44;
	v46 =	vadd.f32 v14, v53;
	v15 =	vpop (erf)  }
0x1de: {  	vm4 =	vmor vm1, vm4;
	vm2 =	vmor vm1, vm2;
	vm3 =	vmor vm1, vm3;
	v20 =	vpop (erf)  }
0x1df: {  	v58 =	vnsel vm2, $0x0, v57;
	v18 =	vperm.xlane v17, v4;
	v43 =	vadd.f32 v46, v54;
	v21 =	vpop (erf)  }
0x1e0: {  	v15 =	vnsel vm4, $0x0, v15;
	v20 =	vnsel vm5, $0x0, v20;
	v21 =	vnsel vm3, $0x0, v21  }
0x1e1: {  	v46 =	vperm.xlane v43, v3;
	v59 =	vadd.f32 v20, v15;
	v50 =	vadd.f32 v21, v58  }
0x1e2: {  	v8 =	vmul.f32 v39, v8;
	v9 =	vadd.f32 v9, v56;
	v17 =	vadd.f32 v17, v18  }
0x1e3: {  	v18 =	vmul.f32 v40, v30;
	v30 =	vadd.f32 v43, v46;
	v60 =	vadd.f32 v59, v50  }
0x1e4: {  	v61 =	vperm.xlane v9, v6;
	v62 =	vperm.xlane v17, v5  }
0x1e5: {  	v63 =	vperm.xlane v30, v4;
	v48 =	vperm.xlane v60, v3  }
0x1e6: {  	v7 =	vmul.f32 v39, v7;
	v9 =	vadd.f32 v9, v61;
	v17 =	vadd.f32 v17, v62  }
0x1e7: {  	[tilespmem:s1+$0x20] =	vst v8;
	v8 =	vmul.f32 v40, v27;
	v27 =	vadd.f32 v30, v63;
	v30 =	vadd.f32 v60, v48  }
0x1e8: {  	[tilespmem:s1+$0x30] =	vst v7;
	(erf) = vrcp.f32 v9;
	v7 =	vperm.xlane v17, v6  }
0x1e9: {  	[tilespmem:s1+$0xFFFFFFB0] =	vst v18;
	v9 =	vperm.xlane v27, v5;
	v18 =	vperm.xlane v30, v4  }
0x1ea: {  	v32 =	vmul.f32 v39, v32;
	v7 =	vadd.f32 v17, v7  }
0x1eb: {  	[tilespmem:s1+$0xFFFFFFA0] =	vst v8;
	v8 =	vmul.f32 v47, v31;
	v9 =	vadd.f32 v27, v9;
	v18 =	vadd.f32 v30, v18  }
0x1ec: {  	[tilespmem:s1+$0x0] =	vst v37;
	v16 =	vmul.f32 v47, v16;
	(erf) = vrcp.f32 v7  }
0x1ed: {  	[tilespmem:s2+$0x0] =	vst v8;
	v7 =	vperm.xlane v9, v6;
	v8 =	vperm.xlane v18, v5  }
0x1ee: {  	v22 =	vmul.f32 v40, v22;
	[tilespmem:s2+$0x30] =	vst v16;
	v16 =	vmul.f32 v42, v33  }
0x1ef: {  	[tilespmem:s1+$0x10] =	vst v32;
	v25 =	vmul.f32 v40, v25;
	v7 =	vadd.f32 v9, v7;
	v8 =	vadd.f32 v18, v8  }
0x1f0: {  	[tilespmem:s1+$0xFFFFFF90] =	vst v22;
	v22 =	vmul.f32 v47, v28  }
0x1f1: {  	[tilespmem:s1+$0xFFFFFF80] =	vst v25;
	(erf) = vrcp.f32 v7;
	v7 =	vperm.xlane v8, v6  }
0x1f2: {  	[tilespmem:s2+$0xFFFFFFA0] =	vst v16;
	v16 =	vpop (erf);
	v9 =	vmul.f32 v42, v36  }
0x1f3: {  	[tilespmem:s2+$0x20] =	vst v22;
	v17 =	vmul.f32 v47, v26;
	v7 =	vadd.f32 v8, v7;
	v8 =	vmul.f32 v16, v29  }
0x1f4: {  	[tilespmem:s2+$0xFFFFFF80] =	vst v9;
	v9 =	vmul.f32 v16, v35  }
0x1f5: {  	s0 =	sadd.s32 $0x100, s0;
	[tilespmem:s2+$0x10] =	vst v17  }
0x1f6: {  	[tilespmem:s0+$0x0] =	vst v9;
	(erf) = vrcp.f32 v7;
	v7 =	vmul.f32 v16, v13  }
0x1f7: {  	v17 =	vmul.f32 v42, v38;
	[tilespmem:s0+$0x10] =	vst v8;
	v8 =	vpop (erf)  }
0x1f8: {  	v9 =	vmul.f32 v16, v23;
	[tilespmem:s0+$0x30] =	vst v7;
	v7 =	vmul.f32 v8, v12  }
0x1f9: {  	[tilespmem:s2+$0xFFFFFFB0] =	vst v17;
	v17 =	vmul.f32 v42, v34  }
0x1fa: {  	[tilespmem:s0+$0x20] =	vst v9;
	v9 =	vmul.f32 v8, v45  }
0x1fb: {  	[tilespmem:s2+$0xFFFFFF90] =	vst v17;
	v10 =	vmul.f32 v8, v10;
	v8 =	vmul.f32 v8, v11  }
0x1fc: {  	[tilespmem:s0+$0xFFFFFFA0] =	vst v7;
	v7 =	vpop (erf)  }
0x1fd: {  	[tilespmem:s0+$0xFFFFFF90] =	vst v8;
	v8 =	vmul.f32 v7, v24  }
0x1fe: {  	[tilespmem:s0+$0xFFFFFFB0] =	vst v9;
	v9 =	vmul.f32 v7, v19  }
0x1ff: {  	s21 =	sadd.s32 $0x100, s0;
	[tilespmem:s0+$0xFFFFFF80] =	vst v10  }
0x200: {  	[tilespmem:s21+$0x0] =	vst v9;
	v9 =	vmul.f32 v7, v53  }
0x201: {  	[tilespmem:s21+$0x10] =	vst v8;
	v7 =	vmul.f32 v7, v14;
	v8 =	vpop (erf)  }
0x202: {  	[tilespmem:s21+$0x20] =	vst v9;
	v9 =	vmul.f32 v8, v20  }
0x203: {  	[tilespmem:s21+$0x30] =	vst v7;
	v7 =	vmul.f32 v8, v15  }
0x204: {  	v10 =	vmul.f32 v8, v58;
	[tilespmem:s21+$0xFFFFFFB0] =	vst v9  }
0x205: {  	v8 =	vmul.f32 v8, v21;
	[tilespmem:s21+$0xFFFFFFA0] =	vst v7  }
0x206: {  	[tilespmem:s21+$0xFFFFFF80] =	vst v10  }
0x207: {  	[tilespmem:s21+$0xFFFFFF90] =	vst v8  }
0x208: {  	[hbm4b:s8+s3] =	stream.linear.scatter [tilespmem:s28], [sflag:$0x4], $0x4000, $0x38;
	[tilespmem:$0x10080] =	vst v63  }
0x209: {  	_ = 	snop  }
0x20a: {  	[tilespmem:s23], [sflag:$0x2] =	stream.linear.gather [hbm4b:s9+s3], $0x4000, $0x38;
	[tilespmem:$0x10080] =	vst v63  }
0x20b: {  	_ =	swait.ge [sflag:s24], $0x4000  }
0x20c: {  	[sflag:s24] =	ssyncset.done $0x0  }
0x20d: {  	[sflag:s24] =	ssyncadd.s32 $0xFFFFC000  }
0x20e: {  	_ =	swait.ge [sflag:s29], $0x4000  }
0x20f: {  	[sflag:s29] =	ssyncset.done $0x0  }
0x210: {  	s1 =	simm.s32 $0x80;
	[sflag:s29] =	ssyncadd.s32 $0xFFFFC000  }
0x211: {  	v7 =	vld [tilespmem:s1+$0x0]  }
0x212: {  	v8 =	vld [tilespmem:s1+$0x10];
	_ =	sdelay $0x2  }
0x213: {  	v19 =	vld [tilespmem:s1+$0x30]  }
0x214: {  	v18 =	vld [tilespmem:s1+$0xFFFFFFB0];
	(xrf1) =	vsort.dscd.msk.f32 $0xffff, v7, v7  }
0x215: {  	v20 =	vld [tilespmem:s1+$0x20];
	(xrf1) =	vsort.dscd.msk.f32 $0xffff, v8, v8;
	_ =	sdelay $0x2  }
0x216: {  	(xrf1) =	vsort.dscd.msk.f32 $0xffff, v19, v19  }
0x217: {  	(xrf1) =	vsort.dscd.msk.f32 $0xffff, v18, v18  }
0x218: {  	v14 =	vld [tilespmem:s1+$0xFFFFFF90];
	(xrf1) =	vsort.dscd.msk.f32 $0xffff, v20, v20  }
0x219: {  	v17 =	vld [tilespmem:s1+$0xFFFFFF80]  }
0x21a: {  	v15 =	vld [tilespmem:s1+$0xFFFFFFA0];
	_ =	sdelay $0x2  }
0x21b: {  	(xrf1) =	vsort.dscd.msk.f32 $0xffff, v14, v14  }
0x21c: {  	(xrf1) =	vsort.dscd.msk.f32 $0xffff, v17, v17  }
0x21d: {  	(xrf1) =	vsort.dscd.msk.f32 $0xffff, v15, v15  }
0x21e: {  	v9, _, _ =	vpop (xrf1)  }
0x21f: {  	v10, _, _ =	vpop (xrf1)  }
0x220: {  	v10 =	vperm.xlane v10, v1;
	_ =	sdelay $0x1  }
0x221: {  	v11, _, _ =	vpop (xrf1)  }
0x222: {  	v11 =	vperm.xlane v11, v1;
	v12, _, _ =	vpop (xrf1)  }
0x223: {  	v9 =	vsel vm0, v9, v10;
	v10, _, _ =	vpop (xrf1)  }
0x224: {  	(xrf1) =	vsort.dscd.msk.f32 $0xffff, v9, v9;
	v10 =	vsel vm0, v10, v11  }
0x225: {  	(xrf1) =	vsort.dscd.msk.f32 $0xffff, v10, v10;
	_ =	sdelay $0x2  }
0x226: {  	s2 =	simm.s32 $0x180;
	v9, _, _ =	vpop (xrf1)  }
0x227: {  	v16 =	vld [tilespmem:s2+$0x0];
	v10 =	vperm.xlane v12, v1;
	v11, _, _ =	vpop (xrf1)  }
0x228: {  	v26 =	vld [tilespmem:s2+$0x10];
	v9 =	vperm.xlane v9, v1;
	v12, _, _ =	vpop (xrf1)  }
0x229: {  	v27 =	vld [tilespmem:s2+$0x30];
	v10 =	vsel vm0, v12, v10  }
0x22a: {  	v35 =	vld [tilespmem:s2+$0xFFFFFFB0];
	v9 =	vsel vm0, v11, v9;
	(xrf1) =	vsort.dscd.msk.f32 $0xffff, v10, v10  }
0x22b: {  	v28 =	vld [tilespmem:s2+$0x20];
	(xrf1) =	vsort.dscd.msk.f32 $0xffff, v9, v9  }
0x22c: {  	v37 =	vld [tilespmem:s2+$0xFFFFFF90];
	(xrf1) =	vsort.dscd.msk.f32 $0xffff, v16, v16  }
0x22d: {  	v38 =	vld [tilespmem:s2+$0xFFFFFF80];
	(xrf1) =	vsort.dscd.msk.f32 $0xffff, v26, v26  }
0x22e: {  	v36 =	vld [tilespmem:s2+$0xFFFFFFA0];
	(xrf1) =	vsort.dscd.msk.f32 $0xffff, v27, v27  }
0x22f: {  	(xrf1) =	vsort.dscd.msk.f32 $0xffff, v35, v35  }
0x230: {  	(xrf1) =	vsort.dscd.msk.f32 $0xffff, v28, v28;
	v9, _, _ =	vpop (xrf1)  }
0x231: {  	(xrf1) =	vsort.dscd.msk.f32 $0xffff, v37, v37;
	v10, _, _ =	vpop (xrf1)  }
0x232: {  	(xrf1) =	vsort.dscd.msk.f32 $0xffff, v38, v38;
	v10 =	vperm.xlane v10, v1  }
0x233: {  	(xrf1) =	vsort.dscd.msk.f32 $0xffff, v36, v36  }
0x234: {  	v9 =	vsel vm0, v9, v10  }
0x235: {  	(xrf1) =	vsort.dscd.msk.f32 $0xffff, v9, v9;
	_ =	sdelay $0x2  }
0x236: {  	v9, _, _ =	vpop (xrf1)  }
0x237: {  	v10, _, _ =	vpop (xrf1)  }
0x238: {  	v11, _, _ =	vpop (xrf1)  }
0x239: {  	v12, _, _ =	vpop (xrf1)  }
0x23a: {  	v13, _, _ =	vpop (xrf1);
	v12 =	vperm.xlane v12, v1  }
0x23b: {  	v9 =	vperm.xlane v9, v1;
	v21, _, _ =	vpop (xrf1)  }
0x23c: {  	v22, _, _ =	vpop (xrf1)  }
0x23d: {  	v9 =	vsel vm0, v10, v9;
	v10 =	vperm.xlane v13, v1;
	v13, _, _ =	vpop (xrf1)  }
0x23e: {  	s4 =	simm.s32 $0x280;
	(xrf1) =	vsort.dscd.msk.f32 $0xffff, v9, v9;
	v9 =	vsel vm0, v11, v12;
	v11 =	vperm.xlane v21, v1;
	v12, _, _ =	vpop (xrf1)  }
0x23f: {  	v23 =	vld [tilespmem:s4+$0x0];
	v10 =	vsel vm0, v22, v10;
	(xrf1) =	vsort.dscd.msk.f32 $0xffff, v9, v9;
	v9 =	vperm.xlane v13, v1;
	v13, _, _ =	vpop (xrf1)  }
0x240: {  	v29 =	vld [tilespmem:s4+$0x10];
	(xrf1) =	vsort.dscd.msk.f32 $0xffff, v10, v10;
	v10 =	vsel vm0, v13, v11  }
0x241: {  	v9 =	vsel vm0, v12, v9;
	(xrf1) =	vsort.dscd.msk.f32 $0xffff, v10, v10;
	v21, _, _ =	vpop (xrf1)  }
0x242: {  	v33 =	vld [tilespmem:s4+$0x30];
	(xrf1) =	vsort.dscd.msk.f32 $0xffff, v9, v9;
	v10 =	vperm.xlane v21, v0;
	_ =	sdelay $0x1  }
0x243: {  	v9 =	vld [tilespmem:s4+$0xFFFFFFB0];
	(xrf1) =	vsort.dscd.msk.f32 $0xffff, v23, v23;
	v11 =	vsub.f32 v7, v10  }
0x244: {  	v13 =	vld [tilespmem:s4+$0x20];
	(xrf1) =	vsort.dscd.msk.f32 $0xffff, v29, v29;
	v12 =	vsub.f32 v8, v10  }
0x245: {  	v25 =	vsub.f32 v20, v10;
	v22 =	vmul.f32 $1.442695020e+00, v11  }
0x246: {  	v24 =	vsub.f32 v19, v10;
	(xrf1) =	vsort.dscd.msk.f32 $0xffff, v33, v33;
	v11 =	vld [tilespmem:s4+$0xFFFFFF90];
	v30 =	vmul.f32 $1.442695020e+00, v12  }
0x247: {  	v12 =	vld [tilespmem:s4+$0xFFFFFF80];
	(erf) = vpow2.f32 v22;
	v22 =	vmul.f32 $1.442695020e+00, v25  }
0x248: {  	v10 =	vld [tilespmem:s4+$0xFFFFFFA0];
	v24 =	vmul.f32 $1.442695020e+00, v24;
	(xrf1) =	vsort.dscd.msk.f32 $0xffff, v9, v9  }
0x249: {  	(xrf1) =	vsort.dscd.msk.f32 $0xffff, v13, v13;
	(erf) = vpow2.f32 v30  }
0x24a: {  	(erf) = vpow2.f32 v24  }
0x24b: {  	(erf) = vpow2.f32 v22;
	v22, _, _ =	vpop (xrf1);
	(xrf1) =	vsort.dscd.msk.f32 $0xffff, v11, v11  }
0x24c: {  	v24, _, _ =	vpop (xrf1);
	(xrf1) =	vsort.dscd.msk.f32 $0xffff, v12, v12  }
0x24d: {  	v25, _, _ =	vpop (xrf1);
	(xrf1) =	vsort.dscd.msk.f32 $0xffff, v10, v10  }
0x24e: {  	v30, _, _ =	vpop (xrf1)  }
0x24f: {  	v21 =	vperm.xlane v21, v2;
	v25 =	vperm.xlane v25, v1;
	v31, _, _ =	vpop (xrf1)  }
0x250: {  	v45 =	vpop (erf)  }
0x251: {  	vm2 =	vge.f32 v19, v21;
	v19, _, _ =	vpop (xrf1)  }
0x252: {  	vm5 =	vge.f32 v8, v21;
	v24 =	vsel vm0, v24, v25;
	v8, _, _ =	vpop (xrf1)  }
0x253: {  	vm3 =	vge.f32 v20, v21;
	(xrf1) =	vsort.dscd.msk.f32 $0xffff, v24, v24;
	v25 =	vpop (erf)  }
0x254: {  	vm4 =	vge.f32 v7, v21;
	v46 =	vperm.xlane v22, v0;
	v30 =	vperm.xlane v30, v1;
	v20, _, _ =	vpop (xrf1)  }
0x255: {  	vm2 =	vmor vm1, vm2;
	v21 =	vperm.xlane v8, v1;
	v24 =	vpop (erf);
	v20 =	vperm.xlane v20, v1  }
0x256: {  	v7 =	vnsel vm2, $0x0, v24;
	vm2 =	vmor vm1, vm4;
	vm4 =	vmor vm1, vm5;
	v24, _, _ =	vpop (xrf1)  }
0x257: {  	v30 =	vsel vm0, v31, v30;
	v19 =	vsel vm0, v19, v21;
	v32 =	vnsel vm4, $0x0, v25;
	v25, _, _ =	vpop (xrf1)  }
0x258: {  	(xrf1) =	vsort.dscd.msk.f32 $0xffff, v30, v30;
	v49 =	vpop (erf);
	v34 =	vnsel vm2, $0x0, v45;
	vm2 =	vmor vm1, vm3;
	v20 =	vsel vm0, v25, v20  }
0x259: {  	v47 =	vsub.f32 v18, v46;
	(xrf1) =	vsort.dscd.msk.f32 $0xffff, v19, v19;
	v8 =	vnsel vm2, $0x0, v49;
	v21, _, _ =	vpop (xrf1)  }
0x25a: {  	v19 =	vperm.xlane v24, v1;
	v30 =	vadd.f32 v32, v34;
	v31 =	vadd.f32 v7, v8;
	v24, _, _ =	vpop (xrf1)  }
0x25b: {  	v48 =	vsub.f32 v17, v46;
	v25 =	vsub.f32 v15, v46;
	(xrf1) =	vsort.dscd.msk.f32 $0xffff, v20, v20;
	v20, _, _ =	vpop (xrf1)  }
0x25c: {  	v30 =	vadd.f32 v31, v30;
	v21 =	vperm.xlane v21, v1;
	v19 =	vsel vm0, v20, v19  }
0x25d: {  	v31 =	vmul.f32 $1.442695020e+00, v48;
	(xrf1) =	vsort.dscd.msk.f32 $0xffff, v19, v19;
	v19 =	vmul.f32 $1.442695020e+00, v47  }
0x25e: {  	v25 =	vmul.f32 $1.442695020e+00, v25;
	v50 =	vperm.xlane v30, v3;
	v21 =	vsel vm0, v24, v21  }
0x25f: {  	(erf) = vpow2.f32 v31;
	(xrf1) =	vsort.dscd.msk.f32 $0xffff, v21, v21;
	v21 =	vperm.xlane v22, v2  }
0x260: {  	s21 =	simm.s32 $0x380;
	v20 =	vsub.f32 v14, v46;
	(erf) = vpow2.f32 v25  }
0x261: {  	v24 =	vadd.f32 v30, v50;
	(erf) = vpow2.f32 v19;
	vm2 =	vge.f32 v17, v21;
	v17 =	vld [tilespmem:s21+$0x0];
	v19, _, _ =	vpop (xrf1)  }
0x262: {  	v20 =	vmul.f32 $1.442695020e+00, v20;
	v25 =	vperm.xlane v19, v0  }
0x263: {  	v22 =	vperm.xlane v24, v4;
	vm3 =	vge.f32 v14, v21;
	v14 =	vld [tilespmem:s21+$0x10]  }
0x264: {  	(erf) = vpow2.f32 v20;
	v31 =	vperm.xlane v19, v2;
	v19 =	vld [tilespmem:s21+$0x30];
	v20 =	vsub.f32 v16, v25  }
0x265: {  	vm4 =	vge.f32 v15, v21;
	v15 =	vld [tilespmem:s21+$0xFFFFFFB0];
	v30 =	vsub.f32 v26, v25;
	v53 =	vsub.f32 v27, v25  }
0x266: {  	vm5 =	vge.f32 v18, v21;
	v22 =	vadd.f32 v24, v22;
	(xrf1) =	vsort.dscd.msk.f32 $0xffff, v17, v17;
	v52 =	vmul.f32 $1.442695020e+00, v20  }
0x267: {  	v24 =	vld [tilespmem:s21+$0x20];
	vm4 =	vmor vm1, vm4;
	v21 =	vmul.f32 $1.442695020e+00, v30;
	v30 =	vmul.f32 $1.442695020e+00, v53  }
0x268: {  	v40, _, _ =	vpop (xrf1);
	v51 =	vperm.xlane v22, v5;
	v25 =	vsub.f32 v28, v25;
	v20 =	vld [tilespmem:s21+$0xFFFFFF90];
	(xrf1) =	vsort.dscd.msk.f32 $0xffff, v14, v14;
	(erf) = vpow2.f32 v52  }
0x269: {  	vm5 =	vmor vm1, vm5;
	v54 =	vperm.xlane v40, v0;
	v56, _, _ =	vpop (xrf1);
	(xrf1) =	vsort.dscd.msk.f32 $0xffff, v19, v19;
	(erf) = vpow2.f32 v21  }
0x26a: {  	v18 =	vld [tilespmem:s21+$0xFFFFFF80];
	vm3 =	vmor vm1, vm3;
	v58, _, _ =	vpop (xrf1);
	v25 =	vmul.f32 $1.442695020e+00, v25;
	(xrf1) =	vsort.dscd.msk.f32 $0xffff, v15, v15;
	(erf) = vpow2.f32 v30  }
0x26b: {  	v40 =	vperm.xlane v40, v2;
	v22 =	vadd.f32 v22, v51;
	v55 =	vsub.f32 v35, v54;
	v21 =	vld [tilespmem:s21+$0xFFFFFFA0];
	v30 =	vpop (erf)  }
0x26c: {  	v57 =	vsub.f32 v38, v54;
	v45 =	vsub.f32 v37, v54;
	(xrf1) =	vsort.dscd.msk.f32 $0xffff, v24, v24;
	v59, _, _ =	vpop (xrf1);
	(erf) = vpow2.f32 v25  }
0x26d: {  	v43 =	vsub.f32 v36, v54;
	v44 =	vperm.xlane v58, v1;
	v39 =	vmul.f32 $1.442695020e+00, v55;
	v60 =	vpop (erf);
	(xrf1) =	vsort.dscd.msk.f32 $0xffff, v20, v20  }
0x26e: {  	vm2 =	vmor vm1, vm2;
	v63 =	vperm.xlane v22, v6;
	v25 =	vmul.f32 $1.442695020e+00, v57;
	v62, _, _ =	vpop (xrf1)  }
0x26f: {  	v43 =	vmul.f32 $1.442695020e+00, v43;
	v45 =	vmul.f32 $1.442695020e+00, v45;
	v41 =	vsel vm0, v56, v44;
	(xrf1) =	vsort.dscd.msk.f32 $0xffff, v18, v18;
	v52 =	vpop (erf)  }
0x270: {  	v49 =	vadd.f32 v22, v63;
	v61 =	vperm.xlane v59, v1;
	(erf) = vpow2.f32 v25;
	v53 =	vpop (erf);
	(xrf1) =	vsort.dscd.msk.f32 $0xffff, v21, v21  }
0x271: {  	v25 =	vnsel vm2, $0x0, v30;
	vm2 =	vge.f32 v27, v31;
	v27 =	vnsel vm4, $0x0, v60;
	v54 =	vpop (erf)  }
0x272: {  	v30 =	vnsel vm5, $0x0, v52;
	vm4 =	vge.f32 v16, v31;
	vm5 =	vge.f32 v26, v31;
	(xrf1) =	vsort.dscd.msk.f32 $0xffff, v41, v41;
	v55 =	vpop (erf)  }
0x273: {  	v42 =	vsel vm0, v62, v61;
	v22 =	vnsel vm3, $0x0, v53;
	vm3 =	vge.f32 v28, v31;
	v28 =	vpop (erf)  }
0x274: {  	vm2 =	vmor vm1, vm2;
	v56 =	vadd.f32 v30, v27;
	(erf) = vpow2.f32 v43;
	v57, _, _ =	vpop (xrf1)  }
0x275: {  	v58 =	vadd.f32 v22, v25;
	v16 =	vnsel vm2, $0x0, v28;
	vm2 =	vmor vm1, vm4;
	v28 =	vpop (erf)  }
0x276: {  	vm4 =	vmor vm1, vm5;
	v60, _, _ =	vpop (xrf1);
	v31 =	vnsel vm2, $0x0, v54;
	vm2 =	vmor vm1, vm3  }
0x277: {  	v51 =	vadd.f32 v56, v58;
	v26 =	vnsel vm4, $0x0, v55;
	v63, _, _ =	vpop (xrf1);
	v28 =	vnsel vm2, $0x0, v28  }
0x278: {  	(erf) = vpow2.f32 v39;
	v59 =	vadd.f32 v26, v31;
	v53, _, _ =	vpop (xrf1);
	(xrf1) =	vsort.dscd.msk.f32 $0xffff, v42, v42;
	v61 =	vadd.f32 v16, v28  }
0x279: {  	v62 =	vperm.xlane v60, v1;
	v52 =	vperm.xlane v63, v1;
	vm2 =	vge.f32 v38, v40;
	v38 =	vpop (erf)  }
0x27a: {  	v56 =	vperm.xlane v51, v3;
	(erf) = vpow2.f32 v45;
	v55, _, _ =	vpop (xrf1);
	v47 =	vadd.f32 v61, v59  }
0x27b: {  	(erf) = vrcp.f32 v49;
	v54 =	vsel vm0, v57, v62;
	v41 =	vsel vm0, v55, v52;
	v57, _, _ =	vpop (xrf1)  }
0x27c: {  	(xrf1) =	vsort.dscd.msk.f32 $0xffff, v54, v54;
	v42 =	vperm.xlane v57, v1;
	v58 =	vperm.xlane v47, v3  }
0x27d: {  	v39 =	vadd.f32 v51, v56;
	v44 =	vperm.xlane v53, v1;
	(xrf1) =	vsort.dscd.msk.f32 $0xffff, v41, v41;
	v59, _, _ =	vpop (xrf1)  }
0x27e: {  	v60, _, _ =	vpop (xrf1);
	v41 =	vsel vm0, v59, v42;
	v43 =	vadd.f32 v47, v58  }
0x27f: {  	v62 =	vperm.xlane v39, v4;
	v61 =	vsel vm0, v60, v44  }
0x280: {  	vm5 =	vge.f32 v35, v40;
	v46, _, _ =	vpop (xrf1);
	(xrf1) =	vsort.dscd.msk.f32 $0xffff, v61, v61;
	v63 =	vperm.xlane v43, v4  }
0x281: {  	s0 =	simm.s32 $0x8180;
	s1 =	simm.s32 $0x8080;
	vm3 =	vge.f32 v37, v40;
	v47 =	vadd.f32 v39, v62;
	(xrf1) =	vsort.dscd.msk.f32 $0xffff, v41, v41;
	v41 =	vpop (erf)  }
0x282: {  	s2 =	simm.s32 $0x8180;
	s4 =	simm.s32 $0x480;
	s21 =	simm.s32 $0x6;
	vm4 =	vge.f32 v36, v40;
	v35 =	vperm.xlane v46, v2;
	v45 =	vadd.f32 v43, v63;
	v43 =	vpop (erf)  }
.LBB2_6:
0x283: {  	v48 =	vpop (erf);
	v49 =	vperm.xlane v47, v5;
	v40 =	vmov v9;
	v9 =	vmov v15  }
0x284: {  	v36 =	vld [tilespmem:s4+$0x0];
	s21 =	sadd.s32 $0x2, s21;
	s0 =	sadd.s32 $0x100, s0;
	v50 =	vmovc v13;
	v13 =	vmovc v24;
	v42 =	vmov v10;
	v10 =	vmov v21;
	v44 =	vmov v11  }
0x285: {  	v46 =	vperm.xlane v46, v0;
	v11 =	vmov v20;
	v37 =	vld [tilespmem:s4+$0x10];
	p0 =	slt.u32 s21, $0x7E;
	v21 =	vperm.xlane v45, v5;
	v51 =	vpop (erf)  }
0x286: {  	v39 =	vld [tilespmem:s4+$0x30];
	v52, _, _ =	vpop (xrf1);
	v47 =	vadd.f32 v47, v49;
	v20 =	vmul.f32 v51, v34;
	v32 =	vmul.f32 v51, v32  }
0x287: {  	v49 =	vsub.f32 v23, v46;
	v15 =	vld [tilespmem:s4+$0xFFFFFFB0];
	v34 =	vperm.xlane v52, v0;
	v53 =	vadd.f32 v45, v21;
	v45 =	vmovc v12  }
0x288: {  	v54 =	vsub.f32 v29, v46;
	v55 =	vsub.f32 v50, v46;
	v24 =	vld [tilespmem:s4+$0x20];
	v56 =	vperm.xlane v47, v6;
	[tilespmem:s1+$0x0] =	vst v20  }
0x289: {  	v46 =	vsub.f32 v33, v46;
	v12 =	vmovc v18;
	v49 =	vmul.f32 $1.442695020e+00, v49;
	v21 =	vld [tilespmem:s4+$0xFFFFFFA0];
	v57 =	vsub.f32 v40, v34;
	[tilespmem:s1+$0x10] =	vst v32  }
0x28a: {  	v61 =	vmul.f32 $1.442695020e+00, v54;
	v62 =	vsub.f32 v45, v34;
	v59 =	vsub.f32 v44, v34;
	v20 =	vld [tilespmem:s4+$0xFFFFFF90];
	v32, _, _ =	vpop (xrf1)  }
0x28b: {  	v63 =	vmul.f32 $1.442695020e+00, v46;
	v34 =	vsub.f32 v42, v34;
	v60, _, _ =	vpop (xrf1);
	(erf) = vpow2.f32 v49  }
0x28c: {  	v47 =	vadd.f32 v47, v56;
	v57 =	vmul.f32 $1.442695020e+00, v57;
	v18 =	vld [tilespmem:s4+$0xFFFFFF80];
	(xrf1) =	vsort.dscd.msk.f32 $0xffff, v36, v36;
	v49 =	vperm.xlane v60, v1  }
0x28d: {  	v58 =	vmovc v22;
	v54 =	vmovc v25;
	v56 =	vmul.f32 $1.442695020e+00, v62;
	v60 =	vmov v27;
	(erf) = vpow2.f32 v61  }
0x28e: {  	v22 =	vmul.f32 $1.442695020e+00, v55;
	v46 =	vmovc v30;
	(xrf1) =	vsort.dscd.msk.f32 $0xffff, v37, v37;
	v49 =	vsel vm0, v32, v49;
	(erf) = vpow2.f32 v63  }
0x28f: {  	v55 =	vmul.f32 $1.442695020e+00, v34;
	v34 =	vmov v31;
	(xrf1) =	vsort.dscd.msk.f32 $0xffff, v39, v39;
	v25, _, _ =	vpop (xrf1);
	(erf) = vrcp.f32 v47  }
0x290: {  	vm4 =	vmor vm1, vm4;
	(xrf1) =	vsort.dscd.msk.f32 $0xffff, v15, v15;
	v25 =	vperm.xlane v25, v1;
	v27, _, _ =	vpop (xrf1);
	(erf) = vpow2.f32 v22  }
0x291: {  	vm5 =	vmor vm1, vm5;
	v32 =	vmovc v26;
	v47 =	vmul.f32 $1.442695020e+00, v59;
	v22 =	vperm.xlane v53, v6;
	(xrf1) =	vsort.dscd.msk.f32 $0xffff, v24, v24  }
0x292: {  	v59 =	vsel vm0, v27, v25;
	(erf) = vpow2.f32 v56;
	v25 =	vmul.f32 v51, v8;
	v8 =	vmovc v28  }
0x293: {  	vm3 =	vmor vm1, vm3;
	v53 =	vadd.f32 v53, v22;
	v27 =	vmul.f32 v51, v7;
	(xrf1) =	vsort.dscd.msk.f32 $0xffff, v20, v20  }
0x294: {  	vm2 =	vmor vm1, vm2;
	v51 =	vperm.xlane v52, v2;
	(xrf1) =	vsort.dscd.msk.f32 $0xffff, v18, v18;
	v26 =	vpop (erf);
	[tilespmem:s1+$0x20] =	vst v25  }
0x295: {  	v22 =	vnsel vm3, $0x0, v48;
	v7 =	vmovc v16;
	v25 =	vnsel vm2, $0x0, v38;
	(xrf1) =	vsort.dscd.msk.f32 $0xffff, v21, v21;
	[tilespmem:s1+$0x30] =	vst v27  }
0x296: {  	v30 =	vnsel vm5, $0x0, v43;
	vm2 =	vge.f32 v33, v35;
	v27 =	vnsel vm4, $0x0, v41;
	v28 =	vpop (erf)  }
0x297: {  	vm3 =	vge.f32 v50, v35;
	vm2 =	vmor vm1, vm2;
	v33 =	vadd.f32 v30, v27;
	(xrf1) =	vsort.dscd.msk.f32 $0xffff, v49, v49;
	v16 =	vpop (erf)  }
0x298: {  	vm5 =	vge.f32 v29, v35;
	vm4 =	vge.f32 v23, v35;
	v16 =	vnsel vm2, $0x0, v16;
	v23 =	vpop (erf)  }
0x299: {  	vm2 =	vmor vm1, vm4;
	vm4 =	vmor vm1, vm5;
	v29 =	vpop (erf);
	v49 =	vmul.f32 v23, v46  }
0x29a: {  	v31 =	vnsel vm2, $0x0, v26;
	v26 =	vnsel vm4, $0x0, v28;
	vm2 =	vmor vm1, vm3;
	v41, _, _ =	vpop (xrf1)  }
0x29b: {  	v46 =	vmul.f32 v23, v54;
	v48 =	vmul.f32 v23, v60;
	v43 =	vadd.f32 v26, v31;
	v38 =	vpop (erf);
	[tilespmem:s1+$0xFFFFFFB0] =	vst v49  }
0x29c: {  	v23 =	vmul.f32 v23, v58;
	v28 =	vnsel vm2, $0x0, v29;
	v29 =	vadd.f32 v22, v25;
	v35, _, _ =	vpop (xrf1);
	(xrf1) =	vsort.dscd.msk.f32 $0xffff, v59, v59  }
0x29d: {  	v50 =	vadd.f32 v16, v28;
	v52 =	vperm.xlane v35, v1;
	v49, _, _ =	vpop (xrf1);
	(erf) = vpow2.f32 v55;
	[tilespmem:s1+$0xFFFFFFA0] =	vst v48  }
0x29e: {  	v29 =	vadd.f32 v33, v29;
	v48 =	vperm.xlane v49, v1;
	v49, _, _ =	vpop (xrf1);
	(erf) = vpow2.f32 v57;
	[tilespmem:s1+$0xFFFFFF80] =	vst v46  }
0x29f: {  	v33 =	vsel vm0, v41, v52;
	v35, _, _ =	vpop (xrf1);
	v41 =	vadd.f32 v50, v43;
	(erf) = vpow2.f32 v47;
	[tilespmem:s1+$0xFFFFFF90] =	vst v23;
	s1 =	smov.u32 s2;
	s2 =	smov.u32 s0  }
0x2a0: {  	v48 =	vsel vm0, v35, v48;
	(xrf1) =	vsort.dscd.msk.f32 $0xffff, v33, v33;
	v33 =	vperm.xlane v29, v3;
	(erf) = vrcp.f32 v53  }
0x2a1: {  	v23 =	vmov v17;
	v35 =	vperm.xlane v49, v1;
	v43, _, _ =	vpop (xrf1);
	(xrf1) =	vsort.dscd.msk.f32 $0xffff, v48, v48;
	v46 =	vperm.xlane v41, v3  }
0x2a2: {  	vm3 =	vge.f32 v44, v51;
	vm2 =	vge.f32 v45, v51;
	v47, _, _ =	vpop (xrf1);
	v33 =	vadd.f32 v29, v33  }
.Ltmp2:
0x2a3: {  	vm4 =	vge.f32 v42, v51;
	v44 =	vperm.xlane v43, v1;
	v17, _, _ =	vpop (xrf1);
	v42 =	vadd.f32 v41, v46;
	(pc) =	sbr.rel @p0 .LBB2_6-.Ltmp2, $4  }
0x2a4: {  	vm5 =	vge.f32 v40, v51;
	v35 =	vsel vm0, v17, v35;
	v40 =	vperm.xlane v33, v4;
	v17 =	vmovc v36  }
0x2a5: {  	v29 =	vmov v14;
	v36 =	vsel vm0, v47, v44;
	(xrf1) =	vsort.dscd.msk.f32 $0xffff, v35, v35;
	v46, _, _ =	vpop (xrf1);
	v44 =	vperm.xlane v42, v4  }
0x2a6: {  	v14 =	vmov v37;
	(xrf1) =	vsort.dscd.msk.f32 $0xffff, v36, v36;
	v35 =	vperm.xlane v46, v2;
	v41 =	vpop (erf);
	v47 =	vadd.f32 v33, v40  }
0x2a7: {  	s4 =	sadd.s32 $0x100, s4;
	v33 =	vmov v19;
	v19 =	vmov v39;
	v45 =	vadd.f32 v42, v44;
	v43 =	vpop (erf)  }
0x2a8: {  	_ = 	snop  }
0x2a9: {  	v36 =	vperm.xlane v46, v0;
	v37 =	vperm.xlane v47, v5  }
0x2aa: {  	v40 =	vpop (erf);
	vm4 =	vmor vm1, vm4;
	vm5 =	vmor vm1, vm5;
	vm3 =	vmor vm1, vm3  }
0x2ab: {  	v42 =	vperm.xlane v45, v5;
	v39 =	vpop (erf);
	v44 =	vsub.f32 v23, v36;
	v47 =	vadd.f32 v47, v37  }
0x2ac: {  	v46, _, _ =	vpop (xrf1);
	v37 =	vmul.f32 v39, v34;
	v55 =	vsub.f32 v29, v36;
	v49 =	vsub.f32 v33, v36  }
0x2ad: {  	v36 =	vsub.f32 v13, v36;
	v48 =	vperm.xlane v46, v0;
	v44 =	vmul.f32 $1.442695020e+00, v44  }
0x2ae: {  	vm2 =	vmor vm1, vm2;
	v50 =	vperm.xlane v47, v6;
	v34 =	vmul.f32 $1.442695020e+00, v55;
	v56, _, _ =	vpop (xrf1)  }
0x2af: {  	v42 =	vadd.f32 v45, v42;
	v49 =	vmul.f32 $1.442695020e+00, v49;
	v36 =	vmul.f32 $1.442695020e+00, v36;
	v59, _, _ =	vpop (xrf1)  }
0x2b0: {  	(erf) = vpow2.f32 v44;
	v57 =	vadd.f32 v47, v50;
	v47 =	vperm.xlane v59, v1  }
0x2b1: {  	v58 =	vsub.f32 v9, v48;
	v60 =	vsub.f32 v12, v48;
	(erf) = vpow2.f32 v34  }
0x2b2: {  	v61 =	vsub.f32 v11, v48;
	(erf) = vpow2.f32 v49;
	v63 =	vsel vm0, v56, v47  }
0x2b3: {  	v48 =	vsub.f32 v10, v48;
	v34 =	vnsel vm3, $0x0, v40;
	(erf) = vrcp.f32 v57;
	(xrf1) =	vsort.dscd.msk.f32 $0xffff, v63, v63  }
0x2b4: {  	(erf) = vpow2.f32 v36;
	v36 =	vnsel vm2, $0x0, v38;
	vm2 =	vge.f32 v33, v35;
	v62, _, _ =	vpop (xrf1)  }
0x2b5: {  	v33 =	vnsel vm4, $0x0, v41;
	v38 =	vnsel vm5, $0x0, v43;
	v50 =	vperm.xlane v62, v1  }
0x2b6: {  	v51 =	vmul.f32 $1.442695020e+00, v58;
	v57 =	vadd.f32 v38, v33;
	v58 =	vadd.f32 v34, v36;
	v53, _, _ =	vpop (xrf1)  }
0x2b7: {  	v52 =	vmul.f32 $1.442695020e+00, v60;
	vm3 =	vge.f32 v13, v35;
	v47 =	vsel vm0, v53, v50  }
0x2b8: {  	v55 =	vmul.f32 $1.442695020e+00, v48;
	v45 =	vmul.f32 $1.442695020e+00, v61;
	(xrf1) =	vsort.dscd.msk.f32 $0xffff, v47, v47;
	v47 =	vadd.f32 v57, v58  }
0x2b9: {  	vm4 =	vge.f32 v23, v35;
	vm5 =	vge.f32 v29, v35;
	v62 =	vperm.xlane v42, v6;
	v54 =	vpop (erf)  }
0x2ba: {  	vm2 =	vmor vm1, vm2;
	(erf) = vpow2.f32 v52;
	v56 =	vpop (erf);
	v59 =	vperm.xlane v47, v3  }
0x2bb: {  	v63 =	vperm.xlane v46, v2;
	(erf) = vpow2.f32 v55;
	v42 =	vadd.f32 v42, v62;
	v13 =	vpop (erf)  }
0x2bc: {  	(erf) = vpow2.f32 v51;
	v13 =	vnsel vm2, $0x0, v13;
	v43 =	vadd.f32 v47, v59  }
0x2bd: {  	v40 =	vpop (erf);
	vm2 =	vmor vm1, vm4;
	vm4 =	vmor vm1, vm5;
	(erf) = vpow2.f32 v45  }
0x2be: {  	vm5 =	vge.f32 v10, v63;
	v35 =	vnsel vm2, $0x0, v54;
	v52 =	vperm.xlane v43, v4  }
0x2bf: {  	v23 =	vpop (erf);
	vm2 =	vmor vm1, vm3;
	v29 =	vnsel vm4, $0x0, v56;
	(erf) = vrcp.f32 v42  }
0x2c0: {  	vm3 =	vge.f32 v11, v63;
	v23 =	vnsel vm2, $0x0, v23;
	v43 =	vadd.f32 v43, v52  }
0x2c1: {  	vm4 =	vge.f32 v9, v63;
	v60 =	vadd.f32 v29, v35;
	v61 =	vadd.f32 v13, v23;
	v54, _, _ =	vpop (xrf1)  }
0x2c2: {  	vm5 =	vmor vm1, vm5;
	v10 =	vperm.xlane v43, v5;
	v55 =	vperm.xlane v54, v0  }
0x2c3: {  	vm2 =	vge.f32 v12, v63;
	vm4 =	vmor vm1, vm4;
	v49 =	vadd.f32 v61, v60  }
0x2c4: {  	vm3 =	vmor vm1, vm3;
	v10 =	vadd.f32 v43, v10;
	v11 =	vsub.f32 v17, v55  }
0x2c5: {  	v53 =	vperm.xlane v49, v3;
	v42 =	vperm.xlane v54, v2;
	v57 =	vsub.f32 v14, v55  }
0x2c6: {  	vm2 =	vmor vm1, vm2;
	v56, _, _ =	vpop (xrf1);
	v60 =	vperm.xlane v10, v6;
	v11 =	vmul.f32 $1.442695020e+00, v11  }
0x2c7: {  	v59 =	vsub.f32 v19, v55;
	v58 =	vperm.xlane v56, v0;
	v43 =	vmul.f32 $1.442695020e+00, v57  }
0x2c8: {  	v12 =	vadd.f32 v49, v53;
	v10 =	vadd.f32 v10, v60;
	(erf) = vpow2.f32 v11  }
0x2c9: {  	v46 =	vmul.f32 $1.442695020e+00, v59;
	v11 =	vsub.f32 v18, v58;
	(erf) = vpow2.f32 v43  }
0x2ca: {  	v41 =	vsub.f32 v24, v55;
	v9 =	vperm.xlane v12, v4;
	v61 =	vsub.f32 v15, v58  }
0x2cb: {  	v45 =	vsub.f32 v21, v58;
	(erf) = vpow2.f32 v46;
	v11 =	vmul.f32 $1.442695020e+00, v11  }
0x2cc: {  	v41 =	vmul.f32 $1.442695020e+00, v41;
	v62 =	vsub.f32 v20, v58;
	(erf) = vrcp.f32 v10;
	v10 =	vpop (erf)  }
0x2cd: {  	v9 =	vadd.f32 v12, v9;
	v63 =	vmul.f32 $1.442695020e+00, v61;
	v48 =	vmul.f32 $1.442695020e+00, v45;
	v12 =	vpop (erf)  }
0x2ce: {  	v43 =	vmul.f32 $1.442695020e+00, v62;
	(erf) = vpow2.f32 v41;
	v10 =	vnsel vm2, $0x0, v10;
	v49 =	vpop (erf)  }
0x2cf: {  	vm2 =	vge.f32 v19, v42;
	(erf) = vpow2.f32 v11;
	v12 =	vnsel vm5, $0x0, v12;
	v11 =	vpop (erf)  }
0x2d0: {  	v45 =	vnsel vm4, $0x0, v49;
	vm4 =	vge.f32 v17, v42;
	v47 =	vpop (erf);
	(erf) = vpow2.f32 v48  }
0x2d1: {  	v11 =	vnsel vm3, $0x0, v11;
	vm3 =	vge.f32 v24, v42;
	v19 =	vpop (erf);
	(erf) = vpow2.f32 v63  }
0x2d2: {  	v50 =	vadd.f32 v45, v12;
	v17 =	vadd.f32 v11, v10;
	v24 =	vpop (erf);
	(erf) = vpow2.f32 v43  }
0x2d3: {  	v44 =	vperm.xlane v56, v2;
	v56 =	vperm.xlane v9, v5;
	vm2 =	vmor vm1, vm2  }
0x2d4: {  	vm5 =	vge.f32 v14, v42;
	vm3 =	vmor vm1, vm3;
	v17 =	vadd.f32 v50, v17;
	v51 =	vpop (erf)  }
0x2d5: {  	v14 =	vnsel vm2, $0x0, v51;
	vm2 =	vmor vm1, vm4;
	vm4 =	vmor vm1, vm5  }
0x2d6: {  	v42 =	vpop (erf);
	v55 =	vperm.xlane v17, v3;
	vm5 =	vge.f32 v15, v44;
	v19 =	vnsel vm2, $0x0, v19  }
0x2d7: {  	v52 =	vpop (erf);
	v24 =	vnsel vm4, $0x0, v24;
	vm2 =	vge.f32 v18, v44;
	vm4 =	vge.f32 v21, v44  }
0x2d8: {  	vm5 =	vmor vm1, vm5;
	v53 =	vnsel vm3, $0x0, v52;
	v54 =	vadd.f32 v24, v19;
	v57 =	vpop (erf)  }
0x2d9: {  	v17 =	vadd.f32 v17, v55;
	vm3 =	vge.f32 v20, v44;
	v46 =	vadd.f32 v14, v53;
	v15 =	vpop (erf)  }
0x2da: {  	vm4 =	vmor vm1, vm4;
	vm2 =	vmor vm1, vm2;
	vm3 =	vmor vm1, vm3;
	v20 =	vpop (erf)  }
0x2db: {  	v58 =	vnsel vm2, $0x0, v57;
	v18 =	vperm.xlane v17, v4;
	v43 =	vadd.f32 v46, v54;
	v21 =	vpop (erf)  }
0x2dc: {  	v15 =	vnsel vm4, $0x0, v15;
	v20 =	vnsel vm5, $0x0, v20;
	v21 =	vnsel vm3, $0x0, v21  }
0x2dd: {  	v46 =	vperm.xlane v43, v3;
	v59 =	vadd.f32 v20, v15;
	v50 =	vadd.f32 v21, v58  }
0x2de: {  	v8 =	vmul.f32 v39, v8;
	v9 =	vadd.f32 v9, v56;
	v17 =	vadd.f32 v17, v18  }
0x2df: {  	v18 =	vmul.f32 v40, v30;
	v30 =	vadd.f32 v43, v46;
	v60 =	vadd.f32 v59, v50  }
0x2e0: {  	v61 =	vperm.xlane v9, v6;
	v62 =	vperm.xlane v17, v5  }
0x2e1: {  	v63 =	vperm.xlane v30, v4;
	v48 =	vperm.xlane v60, v3  }
0x2e2: {  	v7 =	vmul.f32 v39, v7;
	v9 =	vadd.f32 v9, v61;
	v17 =	vadd.f32 v17, v62  }
0x2e3: {  	[tilespmem:s1+$0x20] =	vst v8;
	v8 =	vmul.f32 v40, v27;
	v27 =	vadd.f32 v30, v63;
	v30 =	vadd.f32 v60, v48  }
0x2e4: {  	[tilespmem:s1+$0x30] =	vst v7;
	(erf) = vrcp.f32 v9;
	v7 =	vperm.xlane v17, v6  }
0x2e5: {  	[tilespmem:s1+$0xFFFFFFB0] =	vst v18;
	v9 =	vperm.xlane v27, v5;
	v18 =	vperm.xlane v30, v4  }
0x2e6: {  	v32 =	vmul.f32 v39, v32;
	v7 =	vadd.f32 v17, v7  }
0x2e7: {  	[tilespmem:s1+$0xFFFFFFA0] =	vst v8;
	v8 =	vmul.f32 v47, v31;
	v9 =	vadd.f32 v27, v9;
	v18 =	vadd.f32 v30, v18  }
0x2e8: {  	[tilespmem:s1+$0x0] =	vst v37;
	v16 =	vmul.f32 v47, v16;
	(erf) = vrcp.f32 v7  }
0x2e9: {  	[tilespmem:s2+$0x0] =	vst v8;
	v7 =	vperm.xlane v9, v6;
	v8 =	vperm.xlane v18, v5  }
0x2ea: {  	v22 =	vmul.f32 v40, v22;
	[tilespmem:s2+$0x30] =	vst v16;
	v16 =	vmul.f32 v42, v33  }
0x2eb: {  	[tilespmem:s1+$0x10] =	vst v32;
	v25 =	vmul.f32 v40, v25;
	v7 =	vadd.f32 v9, v7;
	v8 =	vadd.f32 v18, v8  }
0x2ec: {  	[tilespmem:s1+$0xFFFFFF90] =	vst v22;
	v22 =	vmul.f32 v47, v28  }
0x2ed: {  	[tilespmem:s1+$0xFFFFFF80] =	vst v25;
	(erf) = vrcp.f32 v7;
	v7 =	vperm.xlane v8, v6  }
0x2ee: {  	[tilespmem:s2+$0xFFFFFFA0] =	vst v16;
	v16 =	vpop (erf);
	v9 =	vmul.f32 v42, v36  }
0x2ef: {  	[tilespmem:s2+$0x20] =	vst v22;
	v17 =	vmul.f32 v47, v26;
	v7 =	vadd.f32 v8, v7;
	v8 =	vmul.f32 v16, v29  }
0x2f0: {  	[tilespmem:s2+$0xFFFFFF80] =	vst v9;
	v9 =	vmul.f32 v16, v35  }
0x2f1: {  	s0 =	sadd.s32 $0x100, s0;
	[tilespmem:s2+$0x10] =	vst v17  }
0x2f2: {  	[tilespmem:s0+$0x0] =	vst v9;
	(erf) = vrcp.f32 v7;
	v7 =	vmul.f32 v16, v13  }
0x2f3: {  	v17 =	vmul.f32 v42, v38;
	[tilespmem:s0+$0x10] =	vst v8;
	v8 =	vpop (erf)  }
0x2f4: {  	v9 =	vmul.f32 v16, v23;
	[tilespmem:s0+$0x30] =	vst v7;
	v7 =	vmul.f32 v8, v12  }
0x2f5: {  	[tilespmem:s2+$0xFFFFFFB0] =	vst v17;
	v17 =	vmul.f32 v42, v34  }
0x2f6: {  	[tilespmem:s0+$0x20] =	vst v9;
	v9 =	vmul.f32 v8, v45  }
0x2f7: {  	[tilespmem:s2+$0xFFFFFF90] =	vst v17;
	v10 =	vmul.f32 v8, v10;
	v8 =	vmul.f32 v8, v11  }
0x2f8: {  	[tilespmem:s0+$0xFFFFFFA0] =	vst v7;
	v7 =	vpop (erf)  }
0x2f9: {  	[tilespmem:s0+$0xFFFFFF90] =	vst v8;
	v8 =	vmul.f32 v7, v24  }
0x2fa: {  	[tilespmem:s0+$0xFFFFFFB0] =	vst v9;
	v9 =	vmul.f32 v7, v19  }
0x2fb: {  	s21 =	sadd.s32 $0x100, s0;
	[tilespmem:s0+$0xFFFFFF80] =	vst v10  }
0x2fc: {  	[tilespmem:s21+$0x0] =	vst v9;
	v9 =	vmul.f32 v7, v53  }
0x2fd: {  	[tilespmem:s21+$0x10] =	vst v8;
	v7 =	vmul.f32 v7, v14;
	v8 =	vpop (erf)  }
0x2fe: {  	[tilespmem:s21+$0x20] =	vst v9;
	v9 =	vmul.f32 v8, v20  }
0x2ff: {  	[tilespmem:s21+$0x30] =	vst v7;
	v7 =	vmul.f32 v8, v15  }
0x300: {  	v10 =	vmul.f32 v8, v58;
	[tilespmem:s21+$0xFFFFFFB0] =	vst v9  }
0x301: {  	v8 =	vmul.f32 v8, v21;
	[tilespmem:s21+$0xFFFFFFA0] =	vst v7  }
0x302: {  	[tilespmem:s21+$0xFFFFFF80] =	vst v10  }
0x303: {  	[tilespmem:s21+$0xFFFFFF90] =	vst v8  }
0x304: {  	[hbm4b:s10+s3] =	stream.linear.scatter [tilespmem:s25], [sflag:$0x3], $0x4000, $0x38;
	[tilespmem:$0x10080] =	vst v63  }
0x305: {  	_ = 	snop  }
0x306: {  	[tilespmem:s3], [sflag:$0x1] =	stream.linear.gather [hbm4b:s11+s3], $0x4000, $0x38;
	[tilespmem:$0x10080] =	vst v63  }
0x307: {  	_ =	swait.ge [sflag:s26], $0x4000  }
0x308: {  	[sflag:s26] =	ssyncset.done $0x0  }
0x309: {  	[sflag:s26] =	ssyncadd.s32 $0xFFFFC000  }
0x30a: {  	_ =	swait.ge [sflag:s30], $0x4000  }
0x30b: {  	[sflag:s30] =	ssyncset.done $0x0  }
0x30c: {  	s1 =	simm.s32 $0x4080;
	[sflag:s30] =	ssyncadd.s32 $0xFFFFC000  }
0x30d: {  	v7 =	vld [tilespmem:s1+$0x0]  }
0x30e: {  	v8 =	vld [tilespmem:s1+$0x10];
	_ =	sdelay $0x2  }
0x30f: {  	v19 =	vld [tilespmem:s1+$0x30]  }
0x310: {  	v18 =	vld [tilespmem:s1+$0xFFFFFFB0];
	(xrf1) =	vsort.dscd.msk.f32 $0xffff, v7, v7  }
0x311: {  	v20 =	vld [tilespmem:s1+$0x20];
	(xrf1) =	vsort.dscd.msk.f32 $0xffff, v8, v8;
	_ =	sdelay $0x2  }
0x312: {  	(xrf1) =	vsort.dscd.msk.f32 $0xffff, v19, v19  }
0x313: {  	(xrf1) =	vsort.dscd.msk.f32 $0xffff, v18, v18  }
0x314: {  	v14 =	vld [tilespmem:s1+$0xFFFFFF90];
	(xrf1) =	vsort.dscd.msk.f32 $0xffff, v20, v20  }
0x315: {  	v17 =	vld [tilespmem:s1+$0xFFFFFF80]  }
0x316: {  	v15 =	vld [tilespmem:s1+$0xFFFFFFA0];
	_ =	sdelay $0x2  }
0x317: {  	(xrf1) =	vsort.dscd.msk.f32 $0xffff, v14, v14  }
0x318: {  	(xrf1) =	vsort.dscd.msk.f32 $0xffff, v17, v17  }
0x319: {  	(xrf1) =	vsort.dscd.msk.f32 $0xffff, v15, v15  }
0x31a: {  	v9, _, _ =	vpop (xrf1)  }
0x31b: {  	v10, _, _ =	vpop (xrf1)  }
0x31c: {  	v10 =	vperm.xlane v10, v1;
	_ =	sdelay $0x1  }
0x31d: {  	v11, _, _ =	vpop (xrf1)  }
0x31e: {  	v11 =	vperm.xlane v11, v1;
	v12, _, _ =	vpop (xrf1)  }
0x31f: {  	v9 =	vsel vm0, v9, v10;
	v10, _, _ =	vpop (xrf1)  }
0x320: {  	(xrf1) =	vsort.dscd.msk.f32 $0xffff, v9, v9;
	v10 =	vsel vm0, v10, v11  }
0x321: {  	(xrf1) =	vsort.dscd.msk.f32 $0xffff, v10, v10;
	_ =	sdelay $0x2  }
0x322: {  	s2 =	simm.s32 $0x4180;
	v9, _, _ =	vpop (xrf1)  }
0x323: {  	v16 =	vld [tilespmem:s2+$0x0];
	v10 =	vperm.xlane v12, v1;
	v11, _, _ =	vpop (xrf1)  }
0x324: {  	v26 =	vld [tilespmem:s2+$0x10];
	v9 =	vperm.xlane v9, v1;
	v12, _, _ =	vpop (xrf1)  }
0x325: {  	v27 =	vld [tilespmem:s2+$0x30];
	v10 =	vsel vm0, v12, v10  }
0x326: {  	v35 =	vld [tilespmem:s2+$0xFFFFFFB0];
	v9 =	vsel vm0, v11, v9;
	(xrf1) =	vsort.dscd.msk.f32 $0xffff, v10, v10  }
0x327: {  	v28 =	vld [tilespmem:s2+$0x20];
	(xrf1) =	vsort.dscd.msk.f32 $0xffff, v9, v9  }
0x328: {  	v37 =	vld [tilespmem:s2+$0xFFFFFF90];
	(xrf1) =	vsort.dscd.msk.f32 $0xffff, v16, v16  }
0x329: {  	v38 =	vld [tilespmem:s2+$0xFFFFFF80];
	(xrf1) =	vsort.dscd.msk.f32 $0xffff, v26, v26  }
0x32a: {  	v36 =	vld [tilespmem:s2+$0xFFFFFFA0];
	(xrf1) =	vsort.dscd.msk.f32 $0xffff, v27, v27  }
0x32b: {  	(xrf1) =	vsort.dscd.msk.f32 $0xffff, v35, v35  }
0x32c: {  	(xrf1) =	vsort.dscd.msk.f32 $0xffff, v28, v28;
	v9, _, _ =	vpop (xrf1)  }
0x32d: {  	(xrf1) =	vsort.dscd.msk.f32 $0xffff, v37, v37;
	v10, _, _ =	vpop (xrf1)  }
0x32e: {  	(xrf1) =	vsort.dscd.msk.f32 $0xffff, v38, v38;
	v10 =	vperm.xlane v10, v1  }
0x32f: {  	(xrf1) =	vsort.dscd.msk.f32 $0xffff, v36, v36  }
0x330: {  	v9 =	vsel vm0, v9, v10  }
0x331: {  	(xrf1) =	vsort.dscd.msk.f32 $0xffff, v9, v9;
	_ =	sdelay $0x2  }
0x332: {  	v9, _, _ =	vpop (xrf1)  }
0x333: {  	v10, _, _ =	vpop (xrf1)  }
0x334: {  	v11, _, _ =	vpop (xrf1)  }
0x335: {  	v12, _, _ =	vpop (xrf1)  }
0x336: {  	v13, _, _ =	vpop (xrf1);
	v12 =	vperm.xlane v12, v1  }
0x337: {  	v9 =	vperm.xlane v9, v1;
	v21, _, _ =	vpop (xrf1)  }
0x338: {  	v22, _, _ =	vpop (xrf1)  }
0x339: {  	v9 =	vsel vm0, v10, v9;
	v10 =	vperm.xlane v13, v1;
	v13, _, _ =	vpop (xrf1)  }
0x33a: {  	s4 =	simm.s32 $0x4280;
	(xrf1) =	vsort.dscd.msk.f32 $0xffff, v9, v9;
	v9 =	vsel vm0, v11, v12;
	v11 =	vperm.xlane v21, v1;
	v12, _, _ =	vpop (xrf1)  }
0x33b: {  	v23 =	vld [tilespmem:s4+$0x0];
	v10 =	vsel vm0, v22, v10;
	(xrf1) =	vsort.dscd.msk.f32 $0xffff, v9, v9;
	v9 =	vperm.xlane v13, v1;
	v13, _, _ =	vpop (xrf1)  }
0x33c: {  	v29 =	vld [tilespmem:s4+$0x10];
	(xrf1) =	vsort.dscd.msk.f32 $0xffff, v10, v10;
	v10 =	vsel vm0, v13, v11  }
0x33d: {  	v9 =	vsel vm0, v12, v9;
	(xrf1) =	vsort.dscd.msk.f32 $0xffff, v10, v10;
	v21, _, _ =	vpop (xrf1)  }
0x33e: {  	v33 =	vld [tilespmem:s4+$0x30];
	(xrf1) =	vsort.dscd.msk.f32 $0xffff, v9, v9;
	v10 =	vperm.xlane v21, v0;
	_ =	sdelay $0x1  }
0x33f: {  	v9 =	vld [tilespmem:s4+$0xFFFFFFB0];
	(xrf1) =	vsort.dscd.msk.f32 $0xffff, v23, v23;
	v11 =	vsub.f32 v7, v10  }
0x340: {  	v13 =	vld [tilespmem:s4+$0x20];
	(xrf1) =	vsort.dscd.msk.f32 $0xffff, v29, v29;
	v12 =	vsub.f32 v8, v10  }
0x341: {  	v25 =	vsub.f32 v20, v10;
	v22 =	vmul.f32 $1.442695020e+00, v11  }
0x342: {  	v24 =	vsub.f32 v19, v10;
	(xrf1) =	vsort.dscd.msk.f32 $0xffff, v33, v33;
	v11 =	vld [tilespmem:s4+$0xFFFFFF90];
	v30 =	vmul.f32 $1.442695020e+00, v12  }
0x343: {  	v12 =	vld [tilespmem:s4+$0xFFFFFF80];
	(erf) = vpow2.f32 v22;
	v22 =	vmul.f32 $1.442695020e+00, v25  }
0x344: {  	v10 =	vld [tilespmem:s4+$0xFFFFFFA0];
	v24 =	vmul.f32 $1.442695020e+00, v24;
	(xrf1) =	vsort.dscd.msk.f32 $0xffff, v9, v9  }
0x345: {  	(xrf1) =	vsort.dscd.msk.f32 $0xffff, v13, v13;
	(erf) = vpow2.f32 v30  }
0x346: {  	(erf) = vpow2.f32 v24  }
0x347: {  	(erf) = vpow2.f32 v22;
	v22, _, _ =	vpop (xrf1);
	(xrf1) =	vsort.dscd.msk.f32 $0xffff, v11, v11  }
0x348: {  	v24, _, _ =	vpop (xrf1);
	(xrf1) =	vsort.dscd.msk.f32 $0xffff, v12, v12  }
0x349: {  	v25, _, _ =	vpop (xrf1);
	(xrf1) =	vsort.dscd.msk.f32 $0xffff, v10, v10  }
0x34a: {  	v30, _, _ =	vpop (xrf1)  }
0x34b: {  	v21 =	vperm.xlane v21, v2;
	v25 =	vperm.xlane v25, v1;
	v31, _, _ =	vpop (xrf1)  }
0x34c: {  	v45 =	vpop (erf)  }
0x34d: {  	vm2 =	vge.f32 v19, v21;
	v19, _, _ =	vpop (xrf1)  }
0x34e: {  	vm5 =	vge.f32 v8, v21;
	v24 =	vsel vm0, v24, v25;
	v8, _, _ =	vpop (xrf1)  }
0x34f: {  	vm3 =	vge.f32 v20, v21;
	(xrf1) =	vsort.dscd.msk.f32 $0xffff, v24, v24;
	v25 =	vpop (erf)  }
0x350: {  	vm4 =	vge.f32 v7, v21;
	v46 =	vperm.xlane v22, v0;
	v30 =	vperm.xlane v30, v1;
	v20, _, _ =	vpop (xrf1)  }
0x351: {  	vm2 =	vmor vm1, vm2;
	v21 =	vperm.xlane v8, v1;
	v24 =	vpop (erf);
	v20 =	vperm.xlane v20, v1  }
0x352: {  	v7 =	vnsel vm2, $0x0, v24;
	vm2 =	vmor vm1, vm4;
	vm4 =	vmor vm1, vm5;
	v24, _, _ =	vpop (xrf1)  }
0x353: {  	v30 =	vsel vm0, v31, v30;
	v19 =	vsel vm0, v19, v21;
	v32 =	vnsel vm4, $0x0, v25;
	v25, _, _ =	vpop (xrf1)  }
0x354: {  	(xrf1) =	vsort.dscd.msk.f32 $0xffff, v30, v30;
	v49 =	vpop (erf);
	v34 =	vnsel vm2, $0x0, v45;
	vm2 =	vmor vm1, vm3;
	v20 =	vsel vm0, v25, v20  }
0x355: {  	v47 =	vsub.f32 v18, v46;
	(xrf1) =	vsort.dscd.msk.f32 $0xffff, v19, v19;
	v8 =	vnsel vm2, $0x0, v49;
	v21, _, _ =	vpop (xrf1)  }
0x356: {  	v19 =	vperm.xlane v24, v1;
	v30 =	vadd.f32 v32, v34;
	v31 =	vadd.f32 v7, v8;
	v24, _, _ =	vpop (xrf1)  }
0x357: {  	v48 =	vsub.f32 v17, v46;
	v25 =	vsub.f32 v15, v46;
	(xrf1) =	vsort.dscd.msk.f32 $0xffff, v20, v20;
	v20, _, _ =	vpop (xrf1)  }
0x358: {  	v30 =	vadd.f32 v31, v30;
	v21 =	vperm.xlane v21, v1;
	v19 =	vsel vm0, v20, v19  }
0x359: {  	v31 =	vmul.f32 $1.442695020e+00, v48;
	(xrf1) =	vsort.dscd.msk.f32 $0xffff, v19, v19;
	v19 =	vmul.f32 $1.442695020e+00, v47  }
0x35a: {  	v25 =	vmul.f32 $1.442695020e+00, v25;
	v50 =	vperm.xlane v30, v3;
	v21 =	vsel vm0, v24, v21  }
0x35b: {  	(erf) = vpow2.f32 v31;
	(xrf1) =	vsort.dscd.msk.f32 $0xffff, v21, v21;
	v21 =	vperm.xlane v22, v2  }
0x35c: {  	s21 =	simm.s32 $0x4380;
	v20 =	vsub.f32 v14, v46;
	(erf) = vpow2.f32 v25  }
0x35d: {  	v24 =	vadd.f32 v30, v50;
	(erf) = vpow2.f32 v19;
	vm2 =	vge.f32 v17, v21;
	v17 =	vld [tilespmem:s21+$0x0];
	v19, _, _ =	vpop (xrf1)  }
0x35e: {  	v20 =	vmul.f32 $1.442695020e+00, v20;
	v25 =	vperm.xlane v19, v0  }
0x35f: {  	v22 =	vperm.xlane v24, v4;
	vm3 =	vge.f32 v14, v21;
	v14 =	vld [tilespmem:s21+$0x10]  }
0x360: {  	(erf) = vpow2.f32 v20;
	v31 =	vperm.xlane v19, v2;
	v19 =	vld [tilespmem:s21+$0x30];
	v20 =	vsub.f32 v16, v25  }
0x361: {  	vm4 =	vge.f32 v15, v21;
	v15 =	vld [tilespmem:s21+$0xFFFFFFB0];
	v30 =	vsub.f32 v26, v25;
	v53 =	vsub.f32 v27, v25  }
0x362: {  	vm5 =	vge.f32 v18, v21;
	v22 =	vadd.f32 v24, v22;
	(xrf1) =	vsort.dscd.msk.f32 $0xffff, v17, v17;
	v52 =	vmul.f32 $1.442695020e+00, v20  }
0x363: {  	v24 =	vld [tilespmem:s21+$0x20];
	vm4 =	vmor vm1, vm4;
	v21 =	vmul.f32 $1.442695020e+00, v30;
	v30 =	vmul.f32 $1.442695020e+00, v53  }
0x364: {  	v40, _, _ =	vpop (xrf1);
	v51 =	vperm.xlane v22, v5;
	v25 =	vsub.f32 v28, v25;
	v20 =	vld [tilespmem:s21+$0xFFFFFF90];
	(xrf1) =	vsort.dscd.msk.f32 $0xffff, v14, v14;
	(erf) = vpow2.f32 v52  }
0x365: {  	vm5 =	vmor vm1, vm5;
	v54 =	vperm.xlane v40, v0;
	v56, _, _ =	vpop (xrf1);
	(xrf1) =	vsort.dscd.msk.f32 $0xffff, v19, v19;
	(erf) = vpow2.f32 v21  }
0x366: {  	v18 =	vld [tilespmem:s21+$0xFFFFFF80];
	vm3 =	vmor vm1, vm3;
	v58, _, _ =	vpop (xrf1);
	v25 =	vmul.f32 $1.442695020e+00, v25;
	(xrf1) =	vsort.dscd.msk.f32 $0xffff, v15, v15;
	(erf) = vpow2.f32 v30  }
0x367: {  	v40 =	vperm.xlane v40, v2;
	v22 =	vadd.f32 v22, v51;
	v55 =	vsub.f32 v35, v54;
	v21 =	vld [tilespmem:s21+$0xFFFFFFA0];
	v30 =	vpop (erf)  }
0x368: {  	v57 =	vsub.f32 v38, v54;
	v45 =	vsub.f32 v37, v54;
	(xrf1) =	vsort.dscd.msk.f32 $0xffff, v24, v24;
	v59, _, _ =	vpop (xrf1);
	(erf) = vpow2.f32 v25  }
0x369: {  	v43 =	vsub.f32 v36, v54;
	v44 =	vperm.xlane v58, v1;
	v39 =	vmul.f32 $1.442695020e+00, v55;
	v60 =	vpop (erf);
	(xrf1) =	vsort.dscd.msk.f32 $0xffff, v20, v20  }
0x36a: {  	vm2 =	vmor vm1, vm2;
	v63 =	vperm.xlane v22, v6;
	v25 =	vmul.f32 $1.442695020e+00, v57;
	v62, _, _ =	vpop (xrf1)  }
0x36b: {  	v43 =	vmul.f32 $1.442695020e+00, v43;
	v45 =	vmul.f32 $1.442695020e+00, v45;
	v41 =	vsel vm0, v56, v44;
	(xrf1) =	vsort.dscd.msk.f32 $0xffff, v18, v18;
	v52 =	vpop (erf)  }
0x36c: {  	v49 =	vadd.f32 v22, v63;
	v61 =	vperm.xlane v59, v1;
	(erf) = vpow2.f32 v25;
	v53 =	vpop (erf);
	(xrf1) =	vsort.dscd.msk.f32 $0xffff, v21, v21  }
0x36d: {  	v25 =	vnsel vm2, $0x0, v30;
	vm2 =	vge.f32 v27, v31;
	v27 =	vnsel vm4, $0x0, v60;
	v54 =	vpop (erf)  }
0x36e: {  	v30 =	vnsel vm5, $0x0, v52;
	vm4 =	vge.f32 v16, v31;
	vm5 =	vge.f32 v26, v31;
	(xrf1) =	vsort.dscd.msk.f32 $0xffff, v41, v41;
	v55 =	vpop (erf)  }
0x36f: {  	v42 =	vsel vm0, v62, v61;
	v22 =	vnsel vm3, $0x0, v53;
	vm3 =	vge.f32 v28, v31;
	v28 =	vpop (erf)  }
0x370: {  	vm2 =	vmor vm1, vm2;
	v56 =	vadd.f32 v30, v27;
	(erf) = vpow2.f32 v43;
	v57, _, _ =	vpop (xrf1)  }
0x371: {  	v58 =	vadd.f32 v22, v25;
	v16 =	vnsel vm2, $0x0, v28;
	vm2 =	vmor vm1, vm4;
	v28 =	vpop (erf)  }
0x372: {  	vm4 =	vmor vm1, vm5;
	v60, _, _ =	vpop (xrf1);
	v31 =	vnsel vm2, $0x0, v54;
	vm2 =	vmor vm1, vm3  }
0x373: {  	v51 =	vadd.f32 v56, v58;
	v26 =	vnsel vm4, $0x0, v55;
	v63, _, _ =	vpop (xrf1);
	v28 =	vnsel vm2, $0x0, v28  }
0x374: {  	(erf) = vpow2.f32 v39;
	v59 =	vadd.f32 v26, v31;
	v53, _, _ =	vpop (xrf1);
	(xrf1) =	vsort.dscd.msk.f32 $0xffff, v42, v42;
	v61 =	vadd.f32 v16, v28  }
0x375: {  	v62 =	vperm.xlane v60, v1;
	v52 =	vperm.xlane v63, v1;
	vm2 =	vge.f32 v38, v40;
	v38 =	vpop (erf)  }
0x376: {  	v56 =	vperm.xlane v51, v3;
	(erf) = vpow2.f32 v45;
	v55, _, _ =	vpop (xrf1);
	v47 =	vadd.f32 v61, v59  }
0x377: {  	(erf) = vrcp.f32 v49;
	v54 =	vsel vm0, v57, v62;
	v41 =	vsel vm0, v55, v52;
	v57, _, _ =	vpop (xrf1)  }
0x378: {  	(xrf1) =	vsort.dscd.msk.f32 $0xffff, v54, v54;
	v42 =	vperm.xlane v57, v1;
	v58 =	vperm.xlane v47, v3  }
0x379: {  	v39 =	vadd.f32 v51, v56;
	v44 =	vperm.xlane v53, v1;
	(xrf1) =	vsort.dscd.msk.f32 $0xffff, v41, v41;
	v59, _, _ =	vpop (xrf1)  }
0x37a: {  	v60, _, _ =	vpop (xrf1);
	v41 =	vsel vm0, v59, v42;
	v43 =	vadd.f32 v47, v58  }
0x37b: {  	v62 =	vperm.xlane v39, v4;
	v61 =	vsel vm0, v60, v44  }
0x37c: {  	vm5 =	vge.f32 v35, v40;
	v46, _, _ =	vpop (xrf1);
	(xrf1) =	vsort.dscd.msk.f32 $0xffff, v61, v61;
	v63 =	vperm.xlane v43, v4  }
0x37d: {  	s0 =	simm.s32 $0xC180;
	s1 =	simm.s32 $0xC080;
	vm3 =	vge.f32 v37, v40;
	v47 =	vadd.f32 v39, v62;
	(xrf1) =	vsort.dscd.msk.f32 $0xffff, v41, v41;
	v41 =	vpop (erf)  }
0x37e: {  	s2 =	simm.s32 $0xC180;
	s4 =	simm.s32 $0x4480;
	s21 =	simm.s32 $0x6;
	vm4 =	vge.f32 v36, v40;
	v35 =	vperm.xlane v46, v2;
	v45 =	vadd.f32 v43, v63;
	v43 =	vpop (erf)  }
.LBB2_8:
0x37f: {  	v48 =	vpop (erf);
	v49 =	vperm.xlane v47, v5;
	v40 =	vmov v9;
	v9 =	vmov v15  }
0x380: {  	v36 =	vld [tilespmem:s4+$0x0];
	s21 =	sadd.s32 $0x2, s21;
	s0 =	sadd.s32 $0x100, s0;
	v50 =	vmovc v13;
	v13 =	vmovc v24;
	v42 =	vmov v10;
	v10 =	vmov v21;
	v44 =	vmov v11  }
0x381: {  	v46 =	vperm.xlane v46, v0;
	v11 =	vmov v20;
	v37 =	vld [tilespmem:s4+$0x10];
	p0 =	slt.u32 s21, $0x7E;
	v21 =	vperm.xlane v45, v5;
	v51 =	vpop (erf)  }
0x382: {  	v39 =	vld [tilespmem:s4+$0x30];
	v52, _, _ =	vpop (xrf1);
	v47 =	vadd.f32 v47, v49;
	v20 =	vmul.f32 v51, v34;
	v32 =	vmul.f32 v51, v32  }
0x383: {  	v49 =	vsub.f32 v23, v46;
	v15 =	vld [tilespmem:s4+$0xFFFFFFB0];
	v34 =	vperm.xlane v52, v0;
	v53 =	vadd.f32 v45, v21;
	v45 =	vmovc v12  }
0x384: {  	v54 =	vsub.f32 v29, v46;
	v55 =	vsub.f32 v50, v46;
	v24 =	vld [tilespmem:s4+$0x20];
	v56 =	vperm.xlane v47, v6;
	[tilespmem:s1+$0x0] =	vst v20  }
0x385: {  	v46 =	vsub.f32 v33, v46;
	v12 =	vmovc v18;
	v49 =	vmul.f32 $1.442695020e+00, v49;
	v21 =	vld [tilespmem:s4+$0xFFFFFFA0];
	v57 =	vsub.f32 v40, v34;
	[tilespmem:s1+$0x10] =	vst v32  }
0x386: {  	v61 =	vmul.f32 $1.442695020e+00, v54;
	v62 =	vsub.f32 v45, v34;
	v59 =	vsub.f32 v44, v34;
	v20 =	vld [tilespmem:s4+$0xFFFFFF90];
	v32, _, _ =	vpop (xrf1)  }
0x387: {  	v63 =	vmul.f32 $1.442695020e+00, v46;
	v34 =	vsub.f32 v42, v34;
	v60, _, _ =	vpop (xrf1);
	(erf) = vpow2.f32 v49  }
0x388: {  	v47 =	vadd.f32 v47, v56;
	v57 =	vmul.f32 $1.442695020e+00, v57;
	v18 =	vld [tilespmem:s4+$0xFFFFFF80];
	(xrf1) =	vsort.dscd.msk.f32 $0xffff, v36, v36;
	v49 =	vperm.xlane v60, v1  }
0x389: {  	v58 =	vmovc v22;
	v54 =	vmovc v25;
	v56 =	vmul.f32 $1.442695020e+00, v62;
	v60 =	vmov v27;
	(erf) = vpow2.f32 v61  }
0x38a: {  	v22 =	vmul.f32 $1.442695020e+00, v55;
	v46 =	vmovc v30;
	(xrf1) =	vsort.dscd.msk.f32 $0xffff, v37, v37;
	v49 =	vsel vm0, v32, v49;
	(erf) = vpow2.f32 v63  }
0x38b: {  	v55 =	vmul.f32 $1.442695020e+00, v34;
	v34 =	vmov v31;
	(xrf1) =	vsort.dscd.msk.f32 $0xffff, v39, v39;
	v25, _, _ =	vpop (xrf1);
	(erf) = vrcp.f32 v47  }
0x38c: {  	vm4 =	vmor vm1, vm4;
	(xrf1) =	vsort.dscd.msk.f32 $0xffff, v15, v15;
	v25 =	vperm.xlane v25, v1;
	v27, _, _ =	vpop (xrf1);
	(erf) = vpow2.f32 v22  }
0x38d: {  	vm5 =	vmor vm1, vm5;
	v32 =	vmovc v26;
	v47 =	vmul.f32 $1.442695020e+00, v59;
	v22 =	vperm.xlane v53, v6;
	(xrf1) =	vsort.dscd.msk.f32 $0xffff, v24, v24  }
0x38e: {  	v59 =	vsel vm0, v27, v25;
	(erf) = vpow2.f32 v56;
	v25 =	vmul.f32 v51, v8;
	v8 =	vmovc v28  }
0x38f: {  	vm3 =	vmor vm1, vm3;
	v53 =	vadd.f32 v53, v22;
	v27 =	vmul.f32 v51, v7;
	(xrf1) =	vsort.dscd.msk.f32 $0xffff, v20, v20  }
0x390: {  	vm2 =	vmor vm1, vm2;
	v51 =	vperm.xlane v52, v2;
	(xrf1) =	vsort.dscd.msk.f32 $0xffff, v18, v18;
	v26 =	vpop (erf);
	[tilespmem:s1+$0x20] =	vst v25  }
0x391: {  	v22 =	vnsel vm3, $0x0, v48;
	v7 =	vmovc v16;
	v25 =	vnsel vm2, $0x0, v38;
	(xrf1) =	vsort.dscd.msk.f32 $0xffff, v21, v21;
	[tilespmem:s1+$0x30] =	vst v27  }
0x392: {  	v30 =	vnsel vm5, $0x0, v43;
	vm2 =	vge.f32 v33, v35;
	v27 =	vnsel vm4, $0x0, v41;
	v28 =	vpop (erf)  }
0x393: {  	vm3 =	vge.f32 v50, v35;
	vm2 =	vmor vm1, vm2;
	v33 =	vadd.f32 v30, v27;
	(xrf1) =	vsort.dscd.msk.f32 $0xffff, v49, v49;
	v16 =	vpop (erf)  }
0x394: {  	vm5 =	vge.f32 v29, v35;
	vm4 =	vge.f32 v23, v35;
	v16 =	vnsel vm2, $0x0, v16;
	v23 =	vpop (erf)  }
0x395: {  	vm2 =	vmor vm1, vm4;
	vm4 =	vmor vm1, vm5;
	v29 =	vpop (erf);
	v49 =	vmul.f32 v23, v46  }
0x396: {  	v31 =	vnsel vm2, $0x0, v26;
	v26 =	vnsel vm4, $0x0, v28;
	vm2 =	vmor vm1, vm3;
	v41, _, _ =	vpop (xrf1)  }
0x397: {  	v46 =	vmul.f32 v23, v54;
	v48 =	vmul.f32 v23, v60;
	v43 =	vadd.f32 v26, v31;
	v38 =	vpop (erf);
	[tilespmem:s1+$0xFFFFFFB0] =	vst v49  }
0x398: {  	v23 =	vmul.f32 v23, v58;
	v28 =	vnsel vm2, $0x0, v29;
	v29 =	vadd.f32 v22, v25;
	v35, _, _ =	vpop (xrf1);
	(xrf1) =	vsort.dscd.msk.f32 $0xffff, v59, v59  }
0x399: {  	v50 =	vadd.f32 v16, v28;
	v52 =	vperm.xlane v35, v1;
	v49, _, _ =	vpop (xrf1);
	(erf) = vpow2.f32 v55;
	[tilespmem:s1+$0xFFFFFFA0] =	vst v48  }
0x39a: {  	v29 =	vadd.f32 v33, v29;
	v48 =	vperm.xlane v49, v1;
	v49, _, _ =	vpop (xrf1);
	(erf) = vpow2.f32 v57;
	[tilespmem:s1+$0xFFFFFF80] =	vst v46  }
0x39b: {  	v33 =	vsel vm0, v41, v52;
	v35, _, _ =	vpop (xrf1);
	v41 =	vadd.f32 v50, v43;
	(erf) = vpow2.f32 v47;
	[tilespmem:s1+$0xFFFFFF90] =	vst v23;
	s1 =	smov.u32 s2;
	s2 =	smov.u32 s0  }
0x39c: {  	v48 =	vsel vm0, v35, v48;
	(xrf1) =	vsort.dscd.msk.f32 $0xffff, v33, v33;
	v33 =	vperm.xlane v29, v3;
	(erf) = vrcp.f32 v53  }
0x39d: {  	v23 =	vmov v17;
	v35 =	vperm.xlane v49, v1;
	v43, _, _ =	vpop (xrf1);
	(xrf1) =	vsort.dscd.msk.f32 $0xffff, v48, v48;
	v46 =	vperm.xlane v41, v3  }
0x39e: {  	vm3 =	vge.f32 v44, v51;
	vm2 =	vge.f32 v45, v51;
	v47, _, _ =	vpop (xrf1);
	v33 =	vadd.f32 v29, v33  }
.Ltmp3:
0x39f: {  	vm4 =	vge.f32 v42, v51;
	v44 =	vperm.xlane v43, v1;
	v17, _, _ =	vpop (xrf1);
	v42 =	vadd.f32 v41, v46;
	(pc) =	sbr.rel @p0 .LBB2_8-.Ltmp3, $4  }
0x3a0: {  	vm5 =	vge.f32 v40, v51;
	v35 =	vsel vm0, v17, v35;
	v40 =	vperm.xlane v33, v4;
	v17 =	vmovc v36  }
0x3a1: {  	v29 =	vmov v14;
	v36 =	vsel vm0, v47, v44;
	(xrf1) =	vsort.dscd.msk.f32 $0xffff, v35, v35;
	v46, _, _ =	vpop (xrf1);
	v44 =	vperm.xlane v42, v4  }
0x3a2: {  	v14 =	vmov v37;
	(xrf1) =	vsort.dscd.msk.f32 $0xffff, v36, v36;
	v35 =	vperm.xlane v46, v2;
	v41 =	vpop (erf);
	v47 =	vadd.f32 v33, v40  }
0x3a3: {  	s4 =	sadd.s32 $0x100, s4;
	v33 =	vmov v19;
	v19 =	vmov v39;
	v45 =	vadd.f32 v42, v44;
	v43 =	vpop (erf)  }
0x3a4: {  	_ = 	snop  }
0x3a5: {  	v36 =	vperm.xlane v46, v0;
	v37 =	vperm.xlane v47, v5  }
0x3a6: {  	v40 =	vpop (erf);
	vm4 =	vmor vm1, vm4;
	vm5 =	vmor vm1, vm5;
	vm3 =	vmor vm1, vm3  }
0x3a7: {  	v42 =	vperm.xlane v45, v5;
	v39 =	vpop (erf);
	v44 =	vsub.f32 v23, v36;
	v47 =	vadd.f32 v47, v37  }
0x3a8: {  	v46, _, _ =	vpop (xrf1);
	v37 =	vmul.f32 v39, v34;
	v55 =	vsub.f32 v29, v36;
	v49 =	vsub.f32 v33, v36  }
0x3a9: {  	v36 =	vsub.f32 v13, v36;
	v48 =	vperm.xlane v46, v0;
	v44 =	vmul.f32 $1.442695020e+00, v44  }
0x3aa: {  	vm2 =	vmor vm1, vm2;
	v50 =	vperm.xlane v47, v6;
	v34 =	vmul.f32 $1.442695020e+00, v55;
	v56, _, _ =	vpop (xrf1)  }
0x3ab: {  	v42 =	vadd.f32 v45, v42;
	v49 =	vmul.f32 $1.442695020e+00, v49;
	v36 =	vmul.f32 $1.442695020e+00, v36;
	v59, _, _ =	vpop (xrf1)  }
0x3ac: {  	(erf) = vpow2.f32 v44;
	v57 =	vadd.f32 v47, v50;
	v47 =	vperm.xlane v59, v1  }
0x3ad: {  	v58 =	vsub.f32 v9, v48;
	v60 =	vsub.f32 v12, v48;
	(erf) = vpow2.f32 v34  }
0x3ae: {  	v61 =	vsub.f32 v11, v48;
	(erf) = vpow2.f32 v49;
	v63 =	vsel vm0, v56, v47  }
0x3af: {  	v48 =	vsub.f32 v10, v48;
	v34 =	vnsel vm3, $0x0, v40;
	(erf) = vrcp.f32 v57;
	(xrf1) =	vsort.dscd.msk.f32 $0xffff, v63, v63  }
0x3b0: {  	(erf) = vpow2.f32 v36;
	v36 =	vnsel vm2, $0x0, v38;
	vm2 =	vge.f32 v33, v35;
	v62, _, _ =	vpop (xrf1)  }
0x3b1: {  	v33 =	vnsel vm4, $0x0, v41;
	v38 =	vnsel vm5, $0x0, v43;
	v50 =	vperm.xlane v62, v1  }
0x3b2: {  	v51 =	vmul.f32 $1.442695020e+00, v58;
	v57 =	vadd.f32 v38, v33;
	v58 =	vadd.f32 v34, v36;
	v53, _, _ =	vpop (xrf1)  }
0x3b3: {  	v52 =	vmul.f32 $1.442695020e+00, v60;
	vm3 =	vge.f32 v13, v35;
	v47 =	vsel vm0, v53, v50  }
0x3b4: {  	v55 =	vmul.f32 $1.442695020e+00, v48;
	v45 =	vmul.f32 $1.442695020e+00, v61;
	(xrf1) =	vsort.dscd.msk.f32 $0xffff, v47, v47;
	v47 =	vadd.f32 v57, v58  }
0x3b5: {  	vm4 =	vge.f32 v23, v35;
	vm5 =	vge.f32 v29, v35;
	v62 =	vperm.xlane v42, v6;
	v54 =	vpop (erf)  }
0x3b6: {  	vm2 =	vmor vm1, vm2;
	(erf) = vpow2.f32 v52;
	v56 =	vpop (erf);
	v59 =	vperm.xlane v47, v3  }
0x3b7: {  	v63 =	vperm.xlane v46, v2;
	(erf) = vpow2.f32 v55;
	v42 =	vadd.f32 v42, v62;
	v13 =	vpop (erf)  }
0x3b8: {  	(erf) = vpow2.f32 v51;
	v13 =	vnsel vm2, $0x0, v13;
	v43 =	vadd.f32 v47, v59  }
0x3b9: {  	v40 =	vpop (erf);
	vm2 =	vmor vm1, vm4;
	vm4 =	vmor vm1, vm5;
	(erf) = vpow2.f32 v45  }
0x3ba: {  	vm5 =	vge.f32 v10, v63;
	v35 =	vnsel vm2, $0x0, v54;
	v52 =	vperm.xlane v43, v4  }
0x3bb: {  	v23 =	vpop (erf);
	vm2 =	vmor vm1, vm3;
	v29 =	vnsel vm4, $0x0, v56;
	(erf) = vrcp.f32 v42  }
0x3bc: {  	vm3 =	vge.f32 v11, v63;
	v23 =	vnsel vm2, $0x0, v23;
	v43 =	vadd.f32 v43, v52  }
0x3bd: {  	vm4 =	vge.f32 v9, v63;
	v60 =	vadd.f32 v29, v35;
	v61 =	vadd.f32 v13, v23;
	v54, _, _ =	vpop (xrf1)  }
0x3be: {  	vm5 =	vmor vm1, vm5;
	v10 =	vperm.xlane v43, v5;
	v55 =	vperm.xlane v54, v0  }
0x3bf: {  	vm2 =	vge.f32 v12, v63;
	vm4 =	vmor vm1, vm4;
	v49 =	vadd.f32 v61, v60  }
0x3c0: {  	vm3 =	vmor vm1, vm3;
	v10 =	vadd.f32 v43, v10;
	v11 =	vsub.f32 v17, v55  }
0x3c1: {  	v53 =	vperm.xlane v49, v3;
	v42 =	vperm.xlane v54, v2;
	v57 =	vsub.f32 v14, v55  }
0x3c2: {  	vm2 =	vmor vm1, vm2;
	v56, _, _ =	vpop (xrf1);
	v60 =	vperm.xlane v10, v6;
	v11 =	vmul.f32 $1.442695020e+00, v11  }
0x3c3: {  	v59 =	vsub.f32 v19, v55;
	v58 =	vperm.xlane v56, v0;
	v43 =	vmul.f32 $1.442695020e+00, v57  }
0x3c4: {  	v12 =	vadd.f32 v49, v53;
	v10 =	vadd.f32 v10, v60;
	(erf) = vpow2.f32 v11  }
0x3c5: {  	v46 =	vmul.f32 $1.442695020e+00, v59;
	v11 =	vsub.f32 v18, v58;
	(erf) = vpow2.f32 v43  }
0x3c6: {  	v41 =	vsub.f32 v24, v55;
	v9 =	vperm.xlane v12, v4;
	v61 =	vsub.f32 v15, v58  }
0x3c7: {  	v45 =	vsub.f32 v21, v58;
	(erf) = vpow2.f32 v46;
	v11 =	vmul.f32 $1.442695020e+00, v11  }
0x3c8: {  	v41 =	vmul.f32 $1.442695020e+00, v41;
	v62 =	vsub.f32 v20, v58;
	(erf) = vrcp.f32 v10;
	v10 =	vpop (erf)  }
0x3c9: {  	v9 =	vadd.f32 v12, v9;
	v63 =	vmul.f32 $1.442695020e+00, v61;
	v48 =	vmul.f32 $1.442695020e+00, v45;
	v12 =	vpop (erf)  }
0x3ca: {  	v43 =	vmul.f32 $1.442695020e+00, v62;
	(erf) = vpow2.f32 v41;
	v10 =	vnsel vm2, $0x0, v10;
	v49 =	vpop (erf)  }
0x3cb: {  	vm2 =	vge.f32 v19, v42;
	(erf) = vpow2.f32 v11;
	v12 =	vnsel vm5, $0x0, v12;
	v11 =	vpop (erf)  }
0x3cc: {  	v45 =	vnsel vm4, $0x0, v49;
	vm4 =	vge.f32 v17, v42;
	v47 =	vpop (erf);
	(erf) = vpow2.f32 v48  }
0x3cd: {  	v11 =	vnsel vm3, $0x0, v11;
	vm3 =	vge.f32 v24, v42;
	v19 =	vpop (erf);
	(erf) = vpow2.f32 v63  }
0x3ce: {  	v50 =	vadd.f32 v45, v12;
	v17 =	vadd.f32 v11, v10;
	v24 =	vpop (erf);
	(erf) = vpow2.f32 v43  }
0x3cf: {  	v44 =	vperm.xlane v56, v2;
	v56 =	vperm.xlane v9, v5;
	vm2 =	vmor vm1, vm2  }
0x3d0: {  	vm5 =	vge.f32 v14, v42;
	vm3 =	vmor vm1, vm3;
	v17 =	vadd.f32 v50, v17;
	v51 =	vpop (erf)  }
0x3d1: {  	v14 =	vnsel vm2, $0x0, v51;
	vm2 =	vmor vm1, vm4;
	vm4 =	vmor vm1, vm5  }
0x3d2: {  	v42 =	vpop (erf);
	v55 =	vperm.xlane v17, v3;
	vm5 =	vge.f32 v15, v44;
	v19 =	vnsel vm2, $0x0, v19  }
0x3d3: {  	v52 =	vpop (erf);
	v24 =	vnsel vm4, $0x0, v24;
	vm2 =	vge.f32 v18, v44;
	vm4 =	vge.f32 v21, v44  }
0x3d4: {  	vm5 =	vmor vm1, vm5;
	v53 =	vnsel vm3, $0x0, v52;
	v54 =	vadd.f32 v24, v19;
	v57 =	vpop (erf)  }
0x3d5: {  	v17 =	vadd.f32 v17, v55;
	vm3 =	vge.f32 v20, v44;
	v46 =	vadd.f32 v14, v53;
	v15 =	vpop (erf)  }
0x3d6: {  	vm4 =	vmor vm1, vm4;
	vm2 =	vmor vm1, vm2;
	vm3 =	vmor vm1, vm3;
	v20 =	vpop (erf)  }
0x3d7: {  	v58 =	vnsel vm2, $0x0, v57;
	v18 =	vperm.xlane v17, v4;
	v43 =	vadd.f32 v46, v54;
	v21 =	vpop (erf)  }
0x3d8: {  	v15 =	vnsel vm4, $0x0, v15;
	v20 =	vnsel vm5, $0x0, v20;
	v21 =	vnsel vm3, $0x0, v21  }
0x3d9: {  	v46 =	vperm.xlane v43, v3;
	v59 =	vadd.f32 v20, v15;
	v50 =	vadd.f32 v21, v58  }
0x3da: {  	v8 =	vmul.f32 v39, v8;
	v9 =	vadd.f32 v9, v56;
	v17 =	vadd.f32 v17, v18  }
0x3db: {  	v18 =	vmul.f32 v40, v30;
	v30 =	vadd.f32 v43, v46;
	v60 =	vadd.f32 v59, v50  }
0x3dc: {  	v61 =	vperm.xlane v9, v6;
	v62 =	vperm.xlane v17, v5  }
0x3dd: {  	v63 =	vperm.xlane v30, v4;
	v48 =	vperm.xlane v60, v3  }
0x3de: {  	v7 =	vmul.f32 v39, v7;
	v9 =	vadd.f32 v9, v61;
	v17 =	vadd.f32 v17, v62  }
0x3df: {  	[tilespmem:s1+$0x20] =	vst v8;
	v8 =	vmul.f32 v40, v27;
	v27 =	vadd.f32 v30, v63;
	v30 =	vadd.f32 v60, v48  }
0x3e0: {  	[tilespmem:s1+$0x30] =	vst v7;
	(erf) = vrcp.f32 v9;
	v7 =	vperm.xlane v17, v6  }
0x3e1: {  	[tilespmem:s1+$0xFFFFFFB0] =	vst v18;
	v9 =	vperm.xlane v27, v5;
	v18 =	vperm.xlane v30, v4  }
0x3e2: {  	v32 =	vmul.f32 v39, v32;
	v7 =	vadd.f32 v17, v7  }
0x3e3: {  	[tilespmem:s1+$0xFFFFFFA0] =	vst v8;
	v8 =	vmul.f32 v47, v31;
	v9 =	vadd.f32 v27, v9;
	v18 =	vadd.f32 v30, v18  }
0x3e4: {  	[tilespmem:s1+$0x0] =	vst v37;
	v16 =	vmul.f32 v47, v16;
	(erf) = vrcp.f32 v7  }
0x3e5: {  	[tilespmem:s2+$0x0] =	vst v8;
	v7 =	vperm.xlane v9, v6;
	v8 =	vperm.xlane v18, v5  }
0x3e6: {  	v22 =	vmul.f32 v40, v22;
	[tilespmem:s2+$0x30] =	vst v16;
	v16 =	vmul.f32 v42, v33  }
0x3e7: {  	[tilespmem:s1+$0x10] =	vst v32;
	v25 =	vmul.f32 v40, v25;
	v7 =	vadd.f32 v9, v7;
	v8 =	vadd.f32 v18, v8  }
0x3e8: {  	[tilespmem:s1+$0xFFFFFF90] =	vst v22;
	v22 =	vmul.f32 v47, v28  }
0x3e9: {  	[tilespmem:s1+$0xFFFFFF80] =	vst v25;
	(erf) = vrcp.f32 v7;
	v7 =	vperm.xlane v8, v6  }
0x3ea: {  	[tilespmem:s2+$0xFFFFFFA0] =	vst v16;
	v16 =	vpop (erf);
	v9 =	vmul.f32 v42, v36  }
0x3eb: {  	[tilespmem:s2+$0x20] =	vst v22;
	v17 =	vmul.f32 v47, v26;
	v7 =	vadd.f32 v8, v7;
	v8 =	vmul.f32 v16, v29  }
0x3ec: {  	[tilespmem:s2+$0xFFFFFF80] =	vst v9;
	v9 =	vmul.f32 v16, v35  }
0x3ed: {  	s0 =	sadd.s32 $0x100, s0;
	[tilespmem:s2+$0x10] =	vst v17  }
0x3ee: {  	[tilespmem:s0+$0x0] =	vst v9;
	(erf) = vrcp.f32 v7;
	v7 =	vmul.f32 v16, v13  }
0x3ef: {  	v17 =	vmul.f32 v42, v38;
	[tilespmem:s0+$0x10] =	vst v8;
	v8 =	vpop (erf)  }
0x3f0: {  	v9 =	vmul.f32 v16, v23;
	[tilespmem:s0+$0x30] =	vst v7;
	v7 =	vmul.f32 v8, v12  }
0x3f1: {  	[tilespmem:s2+$0xFFFFFFB0] =	vst v17;
	v17 =	vmul.f32 v42, v34  }
0x3f2: {  	[tilespmem:s0+$0x20] =	vst v9;
	v9 =	vmul.f32 v8, v45  }
0x3f3: {  	[tilespmem:s2+$0xFFFFFF90] =	vst v17;
	v10 =	vmul.f32 v8, v10;
	v8 =	vmul.f32 v8, v11  }
0x3f4: {  	[tilespmem:s0+$0xFFFFFFA0] =	vst v7;
	v7 =	vpop (erf)  }
0x3f5: {  	[tilespmem:s0+$0xFFFFFF90] =	vst v8;
	v8 =	vmul.f32 v7, v24  }
0x3f6: {  	[tilespmem:s0+$0xFFFFFFB0] =	vst v9;
	v9 =	vmul.f32 v7, v19  }
0x3f7: {  	s21 =	sadd.s32 $0x100, s0;
	[tilespmem:s0+$0xFFFFFF80] =	vst v10  }
0x3f8: {  	[tilespmem:s21+$0x0] =	vst v9;
	v9 =	vmul.f32 v7, v53  }
0x3f9: {  	[tilespmem:s21+$0x10] =	vst v8;
	v7 =	vmul.f32 v7, v14;
	v8 =	vpop (erf)  }
0x3fa: {  	[tilespmem:s21+$0x20] =	vst v9;
	v9 =	vmul.f32 v8, v20  }
0x3fb: {  	[tilespmem:s21+$0x30] =	vst v7;
	v7 =	vmul.f32 v8, v15  }
0x3fc: {  	v10 =	vmul.f32 v8, v58;
	[tilespmem:s21+$0xFFFFFFB0] =	vst v9  }
0x3fd: {  	v8 =	vmul.f32 v8, v21;
	[tilespmem:s21+$0xFFFFFFA0] =	vst v7  }
0x3fe: {  	[tilespmem:s21+$0xFFFFFF80] =	vst v10  }
0x3ff: {  	[tilespmem:s21+$0xFFFFFF90] =	vst v8  }
0x400: {  	[hbm4b:s12+s3] =	stream.linear.scatter [tilespmem:s28], [sflag:$0x4], $0x4000, $0x38;
	[tilespmem:$0x10080] =	vst v63  }
0x401: {  	_ = 	snop  }
0x402: {  	[tilespmem:s23], [sflag:$0x2] =	stream.linear.gather [hbm4b:s13+s3], $0x4000, $0x38;
	[tilespmem:$0x10080] =	vst v63  }
0x403: {  	_ =	swait.ge [sflag:s24], $0x4000  }
0x404: {  	[sflag:s24] =	ssyncset.done $0x0  }
0x405: {  	[sflag:s24] =	ssyncadd.s32 $0xFFFFC000  }
0x406: {  	_ =	swait.ge [sflag:s29], $0x4000  }
0x407: {  	[sflag:s29] =	ssyncset.done $0x0  }
0x408: {  	s1 =	simm.s32 $0x80;
	[sflag:s29] =	ssyncadd.s32 $0xFFFFC000  }
0x409: {  	v7 =	vld [tilespmem:s1+$0x0]  }
0x40a: {  	v8 =	vld [tilespmem:s1+$0x10];
	_ =	sdelay $0x2  }
0x40b: {  	v19 =	vld [tilespmem:s1+$0x30]  }
0x40c: {  	v18 =	vld [tilespmem:s1+$0xFFFFFFB0];
	(xrf1) =	vsort.dscd.msk.f32 $0xffff, v7, v7  }
0x40d: {  	v20 =	vld [tilespmem:s1+$0x20];
	(xrf1) =	vsort.dscd.msk.f32 $0xffff, v8, v8;
	_ =	sdelay $0x2  }
0x40e: {  	(xrf1) =	vsort.dscd.msk.f32 $0xffff, v19, v19  }
0x40f: {  	(xrf1) =	vsort.dscd.msk.f32 $0xffff, v18, v18  }
0x410: {  	v14 =	vld [tilespmem:s1+$0xFFFFFF90];
	(xrf1) =	vsort.dscd.msk.f32 $0xffff, v20, v20  }
0x411: {  	v17 =	vld [tilespmem:s1+$0xFFFFFF80]  }
0x412: {  	v15 =	vld [tilespmem:s1+$0xFFFFFFA0];
	_ =	sdelay $0x2  }
0x413: {  	(xrf1) =	vsort.dscd.msk.f32 $0xffff, v14, v14  }
0x414: {  	(xrf1) =	vsort.dscd.msk.f32 $0xffff, v17, v17  }
0x415: {  	(xrf1) =	vsort.dscd.msk.f32 $0xffff, v15, v15  }
0x416: {  	v9, _, _ =	vpop (xrf1)  }
0x417: {  	v10, _, _ =	vpop (xrf1)  }
0x418: {  	v10 =	vperm.xlane v10, v1;
	_ =	sdelay $0x1  }
0x419: {  	v11, _, _ =	vpop (xrf1)  }
0x41a: {  	v11 =	vperm.xlane v11, v1;
	v12, _, _ =	vpop (xrf1)  }
0x41b: {  	v9 =	vsel vm0, v9, v10;
	v10, _, _ =	vpop (xrf1)  }
0x41c: {  	(xrf1) =	vsort.dscd.msk.f32 $0xffff, v9, v9;
	v10 =	vsel vm0, v10, v11  }
0x41d: {  	(xrf1) =	vsort.dscd.msk.f32 $0xffff, v10, v10;
	_ =	sdelay $0x2  }
0x41e: {  	s2 =	simm.s32 $0x180;
	v9, _, _ =	vpop (xrf1)  }
0x41f: {  	v16 =	vld [tilespmem:s2+$0x0];
	v10 =	vperm.xlane v12, v1;
	v11, _, _ =	vpop (xrf1)  }
0x420: {  	v26 =	vld [tilespmem:s2+$0x10];
	v9 =	vperm.xlane v9, v1;
	v12, _, _ =	vpop (xrf1)  }
0x421: {  	v27 =	vld [tilespmem:s2+$0x30];
	v10 =	vsel vm0, v12, v10  }
0x422: {  	v35 =	vld [tilespmem:s2+$0xFFFFFFB0];
	v9 =	vsel vm0, v11, v9;
	(xrf1) =	vsort.dscd.msk.f32 $0xffff, v10, v10  }
0x423: {  	v28 =	vld [tilespmem:s2+$0x20];
	(xrf1) =	vsort.dscd.msk.f32 $0xffff, v9, v9  }
0x424: {  	v37 =	vld [tilespmem:s2+$0xFFFFFF90];
	(xrf1) =	vsort.dscd.msk.f32 $0xffff, v16, v16  }
0x425: {  	v38 =	vld [tilespmem:s2+$0xFFFFFF80];
	(xrf1) =	vsort.dscd.msk.f32 $0xffff, v26, v26  }
0x426: {  	v36 =	vld [tilespmem:s2+$0xFFFFFFA0];
	(xrf1) =	vsort.dscd.msk.f32 $0xffff, v27, v27  }
0x427: {  	(xrf1) =	vsort.dscd.msk.f32 $0xffff, v35, v35  }
0x428: {  	(xrf1) =	vsort.dscd.msk.f32 $0xffff, v28, v28;
	v9, _, _ =	vpop (xrf1)  }
0x429: {  	(xrf1) =	vsort.dscd.msk.f32 $0xffff, v37, v37;
	v10, _, _ =	vpop (xrf1)  }
0x42a: {  	(xrf1) =	vsort.dscd.msk.f32 $0xffff, v38, v38;
	v10 =	vperm.xlane v10, v1  }
0x42b: {  	(xrf1) =	vsort.dscd.msk.f32 $0xffff, v36, v36  }
0x42c: {  	v9 =	vsel vm0, v9, v10  }
0x42d: {  	(xrf1) =	vsort.dscd.msk.f32 $0xffff, v9, v9;
	_ =	sdelay $0x2  }
0x42e: {  	v9, _, _ =	vpop (xrf1)  }
0x42f: {  	v10, _, _ =	vpop (xrf1)  }
0x430: {  	v11, _, _ =	vpop (xrf1)  }
0x431: {  	v12, _, _ =	vpop (xrf1)  }
0x432: {  	v13, _, _ =	vpop (xrf1);
	v12 =	vperm.xlane v12, v1  }
0x433: {  	v9 =	vperm.xlane v9, v1;
	v21, _, _ =	vpop (xrf1)  }
0x434: {  	v22, _, _ =	vpop (xrf1)  }
0x435: {  	v9 =	vsel vm0, v10, v9;
	v10 =	vperm.xlane v13, v1;
	v13, _, _ =	vpop (xrf1)  }
0x436: {  	s4 =	simm.s32 $0x280;
	(xrf1) =	vsort.dscd.msk.f32 $0xffff, v9, v9;
	v9 =	vsel vm0, v11, v12;
	v11 =	vperm.xlane v21, v1;
	v12, _, _ =	vpop (xrf1)  }
0x437: {  	v23 =	vld [tilespmem:s4+$0x0];
	v10 =	vsel vm0, v22, v10;
	(xrf1) =	vsort.dscd.msk.f32 $0xffff, v9, v9;
	v9 =	vperm.xlane v13, v1;
	v13, _, _ =	vpop (xrf1)  }
0x438: {  	v29 =	vld [tilespmem:s4+$0x10];
	(xrf1) =	vsort.dscd.msk.f32 $0xffff, v10, v10;
	v10 =	vsel vm0, v13, v11  }
0x439: {  	v9 =	vsel vm0, v12, v9;
	(xrf1) =	vsort.dscd.msk.f32 $0xffff, v10, v10;
	v21, _, _ =	vpop (xrf1)  }
0x43a: {  	v33 =	vld [tilespmem:s4+$0x30];
	(xrf1) =	vsort.dscd.msk.f32 $0xffff, v9, v9;
	v10 =	vperm.xlane v21, v0;
	_ =	sdelay $0x1  }
0x43b: {  	v9 =	vld [tilespmem:s4+$0xFFFFFFB0];
	(xrf1) =	vsort.dscd.msk.f32 $0xffff, v23, v23;
	v11 =	vsub.f32 v7, v10  }
0x43c: {  	v13 =	vld [tilespmem:s4+$0x20];
	(xrf1) =	vsort.dscd.msk.f32 $0xffff, v29, v29;
	v12 =	vsub.f32 v8, v10  }
0x43d: {  	v25 =	vsub.f32 v20, v10;
	v22 =	vmul.f32 $1.442695020e+00, v11  }
0x43e: {  	v24 =	vsub.f32 v19, v10;
	(xrf1) =	vsort.dscd.msk.f32 $0xffff, v33, v33;
	v11 =	vld [tilespmem:s4+$0xFFFFFF90];
	v30 =	vmul.f32 $1.442695020e+00, v12  }
0x43f: {  	v12 =	vld [tilespmem:s4+$0xFFFFFF80];
	(erf) = vpow2.f32 v22;
	v22 =	vmul.f32 $1.442695020e+00, v25  }
0x440: {  	v10 =	vld [tilespmem:s4+$0xFFFFFFA0];
	v24 =	vmul.f32 $1.442695020e+00, v24;
	(xrf1) =	vsort.dscd.msk.f32 $0xffff, v9, v9  }
0x441: {  	(xrf1) =	vsort.dscd.msk.f32 $0xffff, v13, v13;
	(erf) = vpow2.f32 v30  }
0x442: {  	(erf) = vpow2.f32 v24  }
0x443: {  	(erf) = vpow2.f32 v22;
	v22, _, _ =	vpop (xrf1);
	(xrf1) =	vsort.dscd.msk.f32 $0xffff, v11, v11  }
0x444: {  	v24, _, _ =	vpop (xrf1);
	(xrf1) =	vsort.dscd.msk.f32 $0xffff, v12, v12  }
0x445: {  	v25, _, _ =	vpop (xrf1);
	(xrf1) =	vsort.dscd.msk.f32 $0xffff, v10, v10  }
0x446: {  	v30, _, _ =	vpop (xrf1)  }
0x447: {  	v21 =	vperm.xlane v21, v2;
	v25 =	vperm.xlane v25, v1;
	v31, _, _ =	vpop (xrf1)  }
0x448: {  	v45 =	vpop (erf)  }
0x449: {  	vm2 =	vge.f32 v19, v21;
	v19, _, _ =	vpop (xrf1)  }
0x44a: {  	vm5 =	vge.f32 v8, v21;
	v24 =	vsel vm0, v24, v25;
	v8, _, _ =	vpop (xrf1)  }
0x44b: {  	vm3 =	vge.f32 v20, v21;
	(xrf1) =	vsort.dscd.msk.f32 $0xffff, v24, v24;
	v25 =	vpop (erf)  }
0x44c: {  	vm4 =	vge.f32 v7, v21;
	v46 =	vperm.xlane v22, v0;
	v30 =	vperm.xlane v30, v1;
	v20, _, _ =	vpop (xrf1)  }
0x44d: {  	vm2 =	vmor vm1, vm2;
	v21 =	vperm.xlane v8, v1;
	v24 =	vpop (erf);
	v20 =	vperm.xlane v20, v1  }
0x44e: {  	v7 =	vnsel vm2, $0x0, v24;
	vm2 =	vmor vm1, vm4;
	vm4 =	vmor vm1, vm5;
	v24, _, _ =	vpop (xrf1)  }
0x44f: {  	v30 =	vsel vm0, v31, v30;
	v19 =	vsel vm0, v19, v21;
	v32 =	vnsel vm4, $0x0, v25;
	v25, _, _ =	vpop (xrf1)  }
0x450: {  	(xrf1) =	vsort.dscd.msk.f32 $0xffff, v30, v30;
	v49 =	vpop (erf);
	v34 =	vnsel vm2, $0x0, v45;
	vm2 =	vmor vm1, vm3;
	v20 =	vsel vm0, v25, v20  }
0x451: {  	v47 =	vsub.f32 v18, v46;
	(xrf1) =	vsort.dscd.msk.f32 $0xffff, v19, v19;
	v8 =	vnsel vm2, $0x0, v49;
	v21, _, _ =	vpop (xrf1)  }
0x452: {  	v19 =	vperm.xlane v24, v1;
	v30 =	vadd.f32 v32, v34;
	v31 =	vadd.f32 v7, v8;
	v24, _, _ =	vpop (xrf1)  }
0x453: {  	v48 =	vsub.f32 v17, v46;
	v25 =	vsub.f32 v15, v46;
	(xrf1) =	vsort.dscd.msk.f32 $0xffff, v20, v20;
	v20, _, _ =	vpop (xrf1)  }
0x454: {  	v30 =	vadd.f32 v31, v30;
	v21 =	vperm.xlane v21, v1;
	v19 =	vsel vm0, v20, v19  }
0x455: {  	v31 =	vmul.f32 $1.442695020e+00, v48;
	(xrf1) =	vsort.dscd.msk.f32 $0xffff, v19, v19;
	v19 =	vmul.f32 $1.442695020e+00, v47  }
0x456: {  	v25 =	vmul.f32 $1.442695020e+00, v25;
	v50 =	vperm.xlane v30, v3;
	v21 =	vsel vm0, v24, v21  }
0x457: {  	(erf) = vpow2.f32 v31;
	(xrf1) =	vsort.dscd.msk.f32 $0xffff, v21, v21;
	v21 =	vperm.xlane v22, v2  }
0x458: {  	s21 =	simm.s32 $0x380;
	v20 =	vsub.f32 v14, v46;
	(erf) = vpow2.f32 v25  }
0x459: {  	v24 =	vadd.f32 v30, v50;
	(erf) = vpow2.f32 v19;
	vm2 =	vge.f32 v17, v21;
	v17 =	vld [tilespmem:s21+$0x0];
	v19, _, _ =	vpop (xrf1)  }
0x45a: {  	v20 =	vmul.f32 $1.442695020e+00, v20;
	v25 =	vperm.xlane v19, v0  }
0x45b: {  	v22 =	vperm.xlane v24, v4;
	vm3 =	vge.f32 v14, v21;
	v14 =	vld [tilespmem:s21+$0x10]  }
0x45c: {  	(erf) = vpow2.f32 v20;
	v31 =	vperm.xlane v19, v2;
	v19 =	vld [tilespmem:s21+$0x30];
	v20 =	vsub.f32 v16, v25  }
0x45d: {  	vm4 =	vge.f32 v15, v21;
	v15 =	vld [tilespmem:s21+$0xFFFFFFB0];
	v30 =	vsub.f32 v26, v25;
	v53 =	vsub.f32 v27, v25  }
0x45e: {  	vm5 =	vge.f32 v18, v21;
	v22 =	vadd.f32 v24, v22;
	(xrf1) =	vsort.dscd.msk.f32 $0xffff, v17, v17;
	v52 =	vmul.f32 $1.442695020e+00, v20  }
0x45f: {  	v24 =	vld [tilespmem:s21+$0x20];
	vm4 =	vmor vm1, vm4;
	v21 =	vmul.f32 $1.442695020e+00, v30;
	v30 =	vmul.f32 $1.442695020e+00, v53  }
0x460: {  	v40, _, _ =	vpop (xrf1);
	v51 =	vperm.xlane v22, v5;
	v25 =	vsub.f32 v28, v25;
	v20 =	vld [tilespmem:s21+$0xFFFFFF90];
	(xrf1) =	vsort.dscd.msk.f32 $0xffff, v14, v14;
	(erf) = vpow2.f32 v52  }
0x461: {  	vm5 =	vmor vm1, vm5;
	v54 =	vperm.xlane v40, v0;
	v56, _, _ =	vpop (xrf1);
	(xrf1) =	vsort.dscd.msk.f32 $0xffff, v19, v19;
	(erf) = vpow2.f32 v21  }
0x462: {  	v18 =	vld [tilespmem:s21+$0xFFFFFF80];
	vm3 =	vmor vm1, vm3;
	v58, _, _ =	vpop (xrf1);
	v25 =	vmul.f32 $1.442695020e+00, v25;
	(xrf1) =	vsort.dscd.msk.f32 $0xffff, v15, v15;
	(erf) = vpow2.f32 v30  }
0x463: {  	v40 =	vperm.xlane v40, v2;
	v22 =	vadd.f32 v22, v51;
	v55 =	vsub.f32 v35, v54;
	v21 =	vld [tilespmem:s21+$0xFFFFFFA0];
	v30 =	vpop (erf)  }
0x464: {  	v57 =	vsub.f32 v38, v54;
	v45 =	vsub.f32 v37, v54;
	(xrf1) =	vsort.dscd.msk.f32 $0xffff, v24, v24;
	v59, _, _ =	vpop (xrf1);
	(erf) = vpow2.f32 v25  }
0x465: {  	v43 =	vsub.f32 v36, v54;
	v44 =	vperm.xlane v58, v1;
	v39 =	vmul.f32 $1.442695020e+00, v55;
	v60 =	vpop (erf);
	(xrf1) =	vsort.dscd.msk.f32 $0xffff, v20, v20  }
0x466: {  	vm2 =	vmor vm1, vm2;
	v63 =	vperm.xlane v22, v6;
	v25 =	vmul.f32 $1.442695020e+00, v57;
	v62, _, _ =	vpop (xrf1)  }
0x467: {  	v43 =	vmul.f32 $1.442695020e+00, v43;
	v45 =	vmul.f32 $1.442695020e+00, v45;
	v41 =	vsel vm0, v56, v44;
	(xrf1) =	vsort.dscd.msk.f32 $0xffff, v18, v18;
	v52 =	vpop (erf)  }
0x468: {  	v49 =	vadd.f32 v22, v63;
	v61 =	vperm.xlane v59, v1;
	(erf) = vpow2.f32 v25;
	v53 =	vpop (erf);
	(xrf1) =	vsort.dscd.msk.f32 $0xffff, v21, v21  }
0x469: {  	v25 =	vnsel vm2, $0x0, v30;
	vm2 =	vge.f32 v27, v31;
	v27 =	vnsel vm4, $0x0, v60;
	v54 =	vpop (erf)  }
0x46a: {  	v30 =	vnsel vm5, $0x0, v52;
	vm4 =	vge.f32 v16, v31;
	vm5 =	vge.f32 v26, v31;
	(xrf1) =	vsort.dscd.msk.f32 $0xffff, v41, v41;
	v55 =	vpop (erf)  }
0x46b: {  	v42 =	vsel vm0, v62, v61;
	v22 =	vnsel vm3, $0x0, v53;
	vm3 =	vge.f32 v28, v31;
	v28 =	vpop (erf)  }
0x46c: {  	vm2 =	vmor vm1, vm2;
	v56 =	vadd.f32 v30, v27;
	(erf) = vpow2.f32 v43;
	v57, _, _ =	vpop (xrf1)  }
0x46d: {  	v58 =	vadd.f32 v22, v25;
	v16 =	vnsel vm2, $0x0, v28;
	vm2 =	vmor vm1, vm4;
	v28 =	vpop (erf)  }
0x46e: {  	vm4 =	vmor vm1, vm5;
	v60, _, _ =	vpop (xrf1);
	v31 =	vnsel vm2, $0x0, v54;
	vm2 =	vmor vm1, vm3  }
0x46f: {  	v51 =	vadd.f32 v56, v58;
	v26 =	vnsel vm4, $0x0, v55;
	v63, _, _ =	vpop (xrf1);
	v28 =	vnsel vm2, $0x0, v28  }
0x470: {  	(erf) = vpow2.f32 v39;
	v59 =	vadd.f32 v26, v31;
	v53, _, _ =	vpop (xrf1);
	(xrf1) =	vsort.dscd.msk.f32 $0xffff, v42, v42;
	v61 =	vadd.f32 v16, v28  }
0x471: {  	v62 =	vperm.xlane v60, v1;
	v52 =	vperm.xlane v63, v1;
	vm2 =	vge.f32 v38, v40;
	v38 =	vpop (erf)  }
0x472: {  	v56 =	vperm.xlane v51, v3;
	(erf) = vpow2.f32 v45;
	v55, _, _ =	vpop (xrf1);
	v47 =	vadd.f32 v61, v59  }
0x473: {  	(erf) = vrcp.f32 v49;
	v54 =	vsel vm0, v57, v62;
	v41 =	vsel vm0, v55, v52;
	v57, _, _ =	vpop (xrf1)  }
0x474: {  	(xrf1) =	vsort.dscd.msk.f32 $0xffff, v54, v54;
	v42 =	vperm.xlane v57, v1;
	v58 =	vperm.xlane v47, v3  }
0x475: {  	v39 =	vadd.f32 v51, v56;
	v44 =	vperm.xlane v53, v1;
	(xrf1) =	vsort.dscd.msk.f32 $0xffff, v41, v41;
	v59, _, _ =	vpop (xrf1)  }
0x476: {  	v60, _, _ =	vpop (xrf1);
	v41 =	vsel vm0, v59, v42;
	v43 =	vadd.f32 v47, v58  }
0x477: {  	v62 =	vperm.xlane v39, v4;
	v61 =	vsel vm0, v60, v44  }
0x478: {  	vm5 =	vge.f32 v35, v40;
	v46, _, _ =	vpop (xrf1);
	(xrf1) =	vsort.dscd.msk.f32 $0xffff, v61, v61;
	v63 =	vperm.xlane v43, v4  }
0x479: {  	s0 =	simm.s32 $0x8180;
	s1 =	simm.s32 $0x8080;
	vm3 =	vge.f32 v37, v40;
	v47 =	vadd.f32 v39, v62;
	(xrf1) =	vsort.dscd.msk.f32 $0xffff, v41, v41;
	v41 =	vpop (erf)  }
0x47a: {  	s2 =	simm.s32 $0x8180;
	s4 =	simm.s32 $0x480;
	s21 =	simm.s32 $0x6;
	vm4 =	vge.f32 v36, v40;
	v35 =	vperm.xlane v46, v2;
	v45 =	vadd.f32 v43, v63;
	v43 =	vpop (erf)  }
.LBB2_10:
0x47b: {  	v48 =	vpop (erf);
	v49 =	vperm.xlane v47, v5;
	v40 =	vmov v9;
	v9 =	vmov v15  }
0x47c: {  	v36 =	vld [tilespmem:s4+$0x0];
	s21 =	sadd.s32 $0x2, s21;
	s0 =	sadd.s32 $0x100, s0;
	v50 =	vmovc v13;
	v13 =	vmovc v24;
	v42 =	vmov v10;
	v10 =	vmov v21;
	v44 =	vmov v11  }
0x47d: {  	v46 =	vperm.xlane v46, v0;
	v11 =	vmov v20;
	v37 =	vld [tilespmem:s4+$0x10];
	p0 =	slt.u32 s21, $0x7E;
	v21 =	vperm.xlane v45, v5;
	v51 =	vpop (erf)  }
0x47e: {  	v39 =	vld [tilespmem:s4+$0x30];
	v52, _, _ =	vpop (xrf1);
	v47 =	vadd.f32 v47, v49;
	v20 =	vmul.f32 v51, v34;
	v32 =	vmul.f32 v51, v32  }
0x47f: {  	v49 =	vsub.f32 v23, v46;
	v15 =	vld [tilespmem:s4+$0xFFFFFFB0];
	v34 =	vperm.xlane v52, v0;
	v53 =	vadd.f32 v45, v21;
	v45 =	vmovc v12  }
0x480: {  	v54 =	vsub.f32 v29, v46;
	v55 =	vsub.f32 v50, v46;
	v24 =	vld [tilespmem:s4+$0x20];
	v56 =	vperm.xlane v47, v6;
	[tilespmem:s1+$0x0] =	vst v20  }
0x481: {  	v46 =	vsub.f32 v33, v46;
	v12 =	vmovc v18;
	v49 =	vmul.f32 $1.442695020e+00, v49;
	v21 =	vld [tilespmem:s4+$0xFFFFFFA0];
	v57 =	vsub.f32 v40, v34;
	[tilespmem:s1+$0x10] =	vst v32  }
0x482: {  	v61 =	vmul.f32 $1.442695020e+00, v54;
	v62 =	vsub.f32 v45, v34;
	v59 =	vsub.f32 v44, v34;
	v20 =	vld [tilespmem:s4+$0xFFFFFF90];
	v32, _, _ =	vpop (xrf1)  }
0x483: {  	v63 =	vmul.f32 $1.442695020e+00, v46;
	v34 =	vsub.f32 v42, v34;
	v60, _, _ =	vpop (xrf1);
	(erf) = vpow2.f32 v49  }
0x484: {  	v47 =	vadd.f32 v47, v56;
	v57 =	vmul.f32 $1.442695020e+00, v57;
	v18 =	vld [tilespmem:s4+$0xFFFFFF80];
	(xrf1) =	vsort.dscd.msk.f32 $0xffff, v36, v36;
	v49 =	vperm.xlane v60, v1  }
0x485: {  	v58 =	vmovc v22;
	v54 =	vmovc v25;
	v56 =	vmul.f32 $1.442695020e+00, v62;
	v60 =	vmov v27;
	(erf) = vpow2.f32 v61  }
0x486: {  	v22 =	vmul.f32 $1.442695020e+00, v55;
	v46 =	vmovc v30;
	(xrf1) =	vsort.dscd.msk.f32 $0xffff, v37, v37;
	v49 =	vsel vm0, v32, v49;
	(erf) = vpow2.f32 v63  }
0x487: {  	v55 =	vmul.f32 $1.442695020e+00, v34;
	v34 =	vmov v31;
	(xrf1) =	vsort.dscd.msk.f32 $0xffff, v39, v39;
	v25, _, _ =	vpop (xrf1);
	(erf) = vrcp.f32 v47  }
0x488: {  	vm4 =	vmor vm1, vm4;
	(xrf1) =	vsort.dscd.msk.f32 $0xffff, v15, v15;
	v25 =	vperm.xlane v25, v1;
	v27, _, _ =	vpop (xrf1);
	(erf) = vpow2.f32 v22  }
0x489: {  	vm5 =	vmor vm1, vm5;
	v32 =	vmovc v26;
	v47 =	vmul.f32 $1.442695020e+00, v59;
	v22 =	vperm.xlane v53, v6;
	(xrf1) =	vsort.dscd.msk.f32 $0xffff, v24, v24  }
0x48a: {  	v59 =	vsel vm0, v27, v25;
	(erf) = vpow2.f32 v56;
	v25 =	vmul.f32 v51, v8;
	v8 =	vmovc v28  }
0x48b: {  	vm3 =	vmor vm1, vm3;
	v53 =	vadd.f32 v53, v22;
	v27 =	vmul.f32 v51, v7;
	(xrf1) =	vsort.dscd.msk.f32 $0xffff, v20, v20  }
0x48c: {  	vm2 =	vmor vm1, vm2;
	v51 =	vperm.xlane v52, v2;
	(xrf1) =	vsort.dscd.msk.f32 $0xffff, v18, v18;
	v26 =	vpop (erf);
	[tilespmem:s1+$0x20] =	vst v25  }
0x48d: {  	v22 =	vnsel vm3, $0x0, v48;
	v7 =	vmovc v16;
	v25 =	vnsel vm2, $0x0, v38;
	(xrf1) =	vsort.dscd.msk.f32 $0xffff, v21, v21;
	[tilespmem:s1+$0x30] =	vst v27  }
0x48e: {  	v30 =	vnsel vm5, $0x0, v43;
	vm2 =	vge.f32 v33, v35;
	v27 =	vnsel vm4, $0x0, v41;
	v28 =	vpop (erf)  }
0x48f: {  	vm3 =	vge.f32 v50, v35;
	vm2 =	vmor vm1, vm2;
	v33 =	vadd.f32 v30, v27;
	(xrf1) =	vsort.dscd.msk.f32 $0xffff, v49, v49;
	v16 =	vpop (erf)  }
0x490: {  	vm5 =	vge.f32 v29, v35;
	vm4 =	vge.f32 v23, v35;
	v16 =	vnsel vm2, $0x0, v16;
	v23 =	vpop (erf)  }
0x491: {  	vm2 =	vmor vm1, vm4;
	vm4 =	vmor vm1, vm5;
	v29 =	vpop (erf);
	v49 =	vmul.f32 v23, v46  }
0x492: {  	v31 =	vnsel vm2, $0x0, v26;
	v26 =	vnsel vm4, $0x0, v28;
	vm2 =	vmor vm1, vm3;
	v41, _, _ =	vpop (xrf1)  }
0x493: {  	v46 =	vmul.f32 v23, v54;
	v48 =	vmul.f32 v23, v60;
	v43 =	vadd.f32 v26, v31;
	v38 =	vpop (erf);
	[tilespmem:s1+$0xFFFFFFB0] =	vst v49  }
0x494: {  	v23 =	vmul.f32 v23, v58;
	v28 =	vnsel vm2, $0x0, v29;
	v29 =	vadd.f32 v22, v25;
	v35, _, _ =	vpop (xrf1);
	(xrf1) =	vsort.dscd.msk.f32 $0xffff, v59, v59  }
0x495: {  	v50 =	vadd.f32 v16, v28;
	v52 =	vperm.xlane v35, v1;
	v49, _, _ =	vpop (xrf1);
	(erf) = vpow2.f32 v55;
	[tilespmem:s1+$0xFFFFFFA0] =	vst v48  }
0x496: {  	v29 =	vadd.f32 v33, v29;
	v48 =	vperm.xlane v49, v1;
	v49, _, _ =	vpop (xrf1);
	(erf) = vpow2.f32 v57;
	[tilespmem:s1+$0xFFFFFF80] =	vst v46  }
0x497: {  	v33 =	vsel vm0, v41, v52;
	v35, _, _ =	vpop (xrf1);
	v41 =	vadd.f32 v50, v43;
	(erf) = vpow2.f32 v47;
	[tilespmem:s1+$0xFFFFFF90] =	vst v23;
	s1 =	smov.u32 s2;
	s2 =	smov.u32 s0  }
0x498: {  	v48 =	vsel vm0, v35, v48;
	(xrf1) =	vsort.dscd.msk.f32 $0xffff, v33, v33;
	v33 =	vperm.xlane v29, v3;
	(erf) = vrcp.f32 v53  }
0x499: {  	v23 =	vmov v17;
	v35 =	vperm.xlane v49, v1;
	v43, _, _ =	vpop (xrf1);
	(xrf1) =	vsort.dscd.msk.f32 $0xffff, v48, v48;
	v46 =	vperm.xlane v41, v3  }
0x49a: {  	vm3 =	vge.f32 v44, v51;
	vm2 =	vge.f32 v45, v51;
	v47, _, _ =	vpop (xrf1);
	v33 =	vadd.f32 v29, v33  }
.Ltmp4:
0x49b: {  	vm4 =	vge.f32 v42, v51;
	v44 =	vperm.xlane v43, v1;
	v17, _, _ =	vpop (xrf1);
	v42 =	vadd.f32 v41, v46;
	(pc) =	sbr.rel @p0 .LBB2_10-.Ltmp4, $4  }
0x49c: {  	vm5 =	vge.f32 v40, v51;
	v35 =	vsel vm0, v17, v35;
	v40 =	vperm.xlane v33, v4;
	v17 =	vmovc v36  }
0x49d: {  	v29 =	vmov v14;
	v36 =	vsel vm0, v47, v44;
	(xrf1) =	vsort.dscd.msk.f32 $0xffff, v35, v35;
	v46, _, _ =	vpop (xrf1);
	v44 =	vperm.xlane v42, v4  }
0x49e: {  	v14 =	vmov v37;
	(xrf1) =	vsort.dscd.msk.f32 $0xffff, v36, v36;
	v35 =	vperm.xlane v46, v2;
	v41 =	vpop (erf);
	v47 =	vadd.f32 v33, v40  }
0x49f: {  	s4 =	sadd.s32 $0x100, s4;
	v33 =	vmov v19;
	v19 =	vmov v39;
	v45 =	vadd.f32 v42, v44;
	v43 =	vpop (erf)  }
0x4a0: {  	_ = 	snop  }
0x4a1: {  	v36 =	vperm.xlane v46, v0;
	v37 =	vperm.xlane v47, v5  }
0x4a2: {  	v40 =	vpop (erf);
	vm4 =	vmor vm1, vm4;
	vm5 =	vmor vm1, vm5;
	vm3 =	vmor vm1, vm3  }
0x4a3: {  	v42 =	vperm.xlane v45, v5;
	v39 =	vpop (erf);
	v44 =	vsub.f32 v23, v36;
	v47 =	vadd.f32 v47, v37  }
0x4a4: {  	v46, _, _ =	vpop (xrf1);
	v37 =	vmul.f32 v39, v34;
	v55 =	vsub.f32 v29, v36;
	v49 =	vsub.f32 v33, v36  }
0x4a5: {  	v36 =	vsub.f32 v13, v36;
	v48 =	vperm.xlane v46, v0;
	v44 =	vmul.f32 $1.442695020e+00, v44  }
0x4a6: {  	vm2 =	vmor vm1, vm2;
	v50 =	vperm.xlane v47, v6;
	v34 =	vmul.f32 $1.442695020e+00, v55;
	v56, _, _ =	vpop (xrf1)  }
0x4a7: {  	v42 =	vadd.f32 v45, v42;
	v49 =	vmul.f32 $1.442695020e+00, v49;
	v36 =	vmul.f32 $1.442695020e+00, v36;
	v59, _, _ =	vpop (xrf1)  }
0x4a8: {  	(erf) = vpow2.f32 v44;
	v57 =	vadd.f32 v47, v50;
	v47 =	vperm.xlane v59, v1  }
0x4a9: {  	v58 =	vsub.f32 v9, v48;
	v60 =	vsub.f32 v12, v48;
	(erf) = vpow2.f32 v34  }
0x4aa: {  	v61 =	vsub.f32 v11, v48;
	(erf) = vpow2.f32 v49;
	v63 =	vsel vm0, v56, v47  }
0x4ab: {  	v48 =	vsub.f32 v10, v48;
	v34 =	vnsel vm3, $0x0, v40;
	(erf) = vrcp.f32 v57;
	(xrf1) =	vsort.dscd.msk.f32 $0xffff, v63, v63  }
0x4ac: {  	(erf) = vpow2.f32 v36;
	v36 =	vnsel vm2, $0x0, v38;
	vm2 =	vge.f32 v33, v35;
	v62, _, _ =	vpop (xrf1)  }
0x4ad: {  	v33 =	vnsel vm4, $0x0, v41;
	v38 =	vnsel vm5, $0x0, v43;
	v50 =	vperm.xlane v62, v1  }
0x4ae: {  	v51 =	vmul.f32 $1.442695020e+00, v58;
	v57 =	vadd.f32 v38, v33;
	v58 =	vadd.f32 v34, v36;
	v53, _, _ =	vpop (xrf1)  }
0x4af: {  	v52 =	vmul.f32 $1.442695020e+00, v60;
	vm3 =	vge.f32 v13, v35;
	v47 =	vsel vm0, v53, v50  }
0x4b0: {  	v55 =	vmul.f32 $1.442695020e+00, v48;
	v45 =	vmul.f32 $1.442695020e+00, v61;
	(xrf1) =	vsort.dscd.msk.f32 $0xffff, v47, v47;
	v47 =	vadd.f32 v57, v58  }
0x4b1: {  	vm4 =	vge.f32 v23, v35;
	vm5 =	vge.f32 v29, v35;
	v62 =	vperm.xlane v42, v6;
	v54 =	vpop (erf)  }
0x4b2: {  	vm2 =	vmor vm1, vm2;
	(erf) = vpow2.f32 v52;
	v56 =	vpop (erf);
	v59 =	vperm.xlane v47, v3  }
0x4b3: {  	v63 =	vperm.xlane v46, v2;
	(erf) = vpow2.f32 v55;
	v42 =	vadd.f32 v42, v62;
	v13 =	vpop (erf)  }
0x4b4: {  	(erf) = vpow2.f32 v51;
	v13 =	vnsel vm2, $0x0, v13;
	v43 =	vadd.f32 v47, v59  }
0x4b5: {  	v40 =	vpop (erf);
	vm2 =	vmor vm1, vm4;
	vm4 =	vmor vm1, vm5;
	(erf) = vpow2.f32 v45  }
0x4b6: {  	vm5 =	vge.f32 v10, v63;
	v35 =	vnsel vm2, $0x0, v54;
	v52 =	vperm.xlane v43, v4  }
0x4b7: {  	v23 =	vpop (erf);
	vm2 =	vmor vm1, vm3;
	v29 =	vnsel vm4, $0x0, v56;
	(erf) = vrcp.f32 v42  }
0x4b8: {  	vm3 =	vge.f32 v11, v63;
	v23 =	vnsel vm2, $0x0, v23;
	v43 =	vadd.f32 v43, v52  }
0x4b9: {  	vm4 =	vge.f32 v9, v63;
	v60 =	vadd.f32 v29, v35;
	v61 =	vadd.f32 v13, v23;
	v54, _, _ =	vpop (xrf1)  }
0x4ba: {  	vm5 =	vmor vm1, vm5;
	v10 =	vperm.xlane v43, v5;
	v55 =	vperm.xlane v54, v0  }
0x4bb: {  	vm2 =	vge.f32 v12, v63;
	vm4 =	vmor vm1, vm4;
	v49 =	vadd.f32 v61, v60  }
0x4bc: {  	vm3 =	vmor vm1, vm3;
	v10 =	vadd.f32 v43, v10;
	v11 =	vsub.f32 v17, v55  }
0x4bd: {  	v53 =	vperm.xlane v49, v3;
	v42 =	vperm.xlane v54, v2;
	v57 =	vsub.f32 v14, v55  }
0x4be: {  	vm2 =	vmor vm1, vm2;
	v56, _, _ =	vpop (xrf1);
	v60 =	vperm.xlane v10, v6;
	v11 =	vmul.f32 $1.442695020e+00, v11  }
0x4bf: {  	v59 =	vsub.f32 v19, v55;
	v58 =	vperm.xlane v56, v0;
	v43 =	vmul.f32 $1.442695020e+00, v57  }
0x4c0: {  	v12 =	vadd.f32 v49, v53;
	v10 =	vadd.f32 v10, v60;
	(erf) = vpow2.f32 v11  }
0x4c1: {  	v46 =	vmul.f32 $1.442695020e+00, v59;
	v11 =	vsub.f32 v18, v58;
	(erf) = vpow2.f32 v43  }
0x4c2: {  	v41 =	vsub.f32 v24, v55;
	v9 =	vperm.xlane v12, v4;
	v61 =	vsub.f32 v15, v58  }
0x4c3: {  	v45 =	vsub.f32 v21, v58;
	(erf) = vpow2.f32 v46;
	v11 =	vmul.f32 $1.442695020e+00, v11  }
0x4c4: {  	v41 =	vmul.f32 $1.442695020e+00, v41;
	v62 =	vsub.f32 v20, v58;
	(erf) = vrcp.f32 v10;
	v10 =	vpop (erf)  }
0x4c5: {  	v9 =	vadd.f32 v12, v9;
	v63 =	vmul.f32 $1.442695020e+00, v61;
	v48 =	vmul.f32 $1.442695020e+00, v45;
	v12 =	vpop (erf)  }
0x4c6: {  	v43 =	vmul.f32 $1.442695020e+00, v62;
	(erf) = vpow2.f32 v41;
	v10 =	vnsel vm2, $0x0, v10;
	v49 =	vpop (erf)  }
0x4c7: {  	vm2 =	vge.f32 v19, v42;
	(erf) = vpow2.f32 v11;
	v12 =	vnsel vm5, $0x0, v12;
	v11 =	vpop (erf)  }
0x4c8: {  	v45 =	vnsel vm4, $0x0, v49;
	vm4 =	vge.f32 v17, v42;
	v47 =	vpop (erf);
	(erf) = vpow2.f32 v48  }
0x4c9: {  	v11 =	vnsel vm3, $0x0, v11;
	vm3 =	vge.f32 v24, v42;
	v19 =	vpop (erf);
	(erf) = vpow2.f32 v63  }
0x4ca: {  	v50 =	vadd.f32 v45, v12;
	v17 =	vadd.f32 v11, v10;
	v24 =	vpop (erf);
	(erf) = vpow2.f32 v43  }
0x4cb: {  	v44 =	vperm.xlane v56, v2;
	v56 =	vperm.xlane v9, v5;
	vm2 =	vmor vm1, vm2  }
0x4cc: {  	vm5 =	vge.f32 v14, v42;
	vm3 =	vmor vm1, vm3;
	v17 =	vadd.f32 v50, v17;
	v51 =	vpop (erf)  }
0x4cd: {  	v14 =	vnsel vm2, $0x0, v51;
	vm2 =	vmor vm1, vm4;
	vm4 =	vmor vm1, vm5  }
0x4ce: {  	v42 =	vpop (erf);
	v55 =	vperm.xlane v17, v3;
	vm5 =	vge.f32 v15, v44;
	v19 =	vnsel vm2, $0x0, v19  }
0x4cf: {  	v52 =	vpop (erf);
	v24 =	vnsel vm4, $0x0, v24;
	vm2 =	vge.f32 v18, v44;
	vm4 =	vge.f32 v21, v44  }
0x4d0: {  	vm5 =	vmor vm1, vm5;
	v53 =	vnsel vm3, $0x0, v52;
	v54 =	vadd.f32 v24, v19;
	v57 =	vpop (erf)  }
0x4d1: {  	v17 =	vadd.f32 v17, v55;
	vm3 =	vge.f32 v20, v44;
	v46 =	vadd.f32 v14, v53;
	v15 =	vpop (erf)  }
0x4d2: {  	vm4 =	vmor vm1, vm4;
	vm2 =	vmor vm1, vm2;
	vm3 =	vmor vm1, vm3;
	v20 =	vpop (erf)  }
0x4d3: {  	v58 =	vnsel vm2, $0x0, v57;
	v18 =	vperm.xlane v17, v4;
	v43 =	vadd.f32 v46, v54;
	v21 =	vpop (erf)  }
0x4d4: {  	v15 =	vnsel vm4, $0x0, v15;
	v20 =	vnsel vm5, $0x0, v20;
	v21 =	vnsel vm3, $0x0, v21  }
0x4d5: {  	v46 =	vperm.xlane v43, v3;
	v59 =	vadd.f32 v20, v15;
	v50 =	vadd.f32 v21, v58  }
0x4d6: {  	v8 =	vmul.f32 v39, v8;
	v9 =	vadd.f32 v9, v56;
	v17 =	vadd.f32 v17, v18  }
0x4d7: {  	v18 =	vmul.f32 v40, v30;
	v30 =	vadd.f32 v43, v46;
	v60 =	vadd.f32 v59, v50  }
0x4d8: {  	v61 =	vperm.xlane v9, v6;
	v62 =	vperm.xlane v17, v5  }
0x4d9: {  	v63 =	vperm.xlane v30, v4;
	v48 =	vperm.xlane v60, v3  }
0x4da: {  	v7 =	vmul.f32 v39, v7;
	v9 =	vadd.f32 v9, v61;
	v17 =	vadd.f32 v17, v62  }
0x4db: {  	[tilespmem:s1+$0x20] =	vst v8;
	v8 =	vmul.f32 v40, v27;
	v27 =	vadd.f32 v30, v63;
	v30 =	vadd.f32 v60, v48  }
0x4dc: {  	[tilespmem:s1+$0x30] =	vst v7;
	(erf) = vrcp.f32 v9;
	v7 =	vperm.xlane v17, v6  }
0x4dd: {  	[tilespmem:s1+$0xFFFFFFB0] =	vst v18;
	v9 =	vperm.xlane v27, v5;
	v18 =	vperm.xlane v30, v4  }
0x4de: {  	v32 =	vmul.f32 v39, v32;
	v7 =	vadd.f32 v17, v7  }
0x4df: {  	[tilespmem:s1+$0xFFFFFFA0] =	vst v8;
	v8 =	vmul.f32 v47, v31;
	v9 =	vadd.f32 v27, v9;
	v18 =	vadd.f32 v30, v18  }
0x4e0: {  	[tilespmem:s1+$0x0] =	vst v37;
	v16 =	vmul.f32 v47, v16;
	(erf) = vrcp.f32 v7  }
0x4e1: {  	[tilespmem:s2+$0x0] =	vst v8;
	v7 =	vperm.xlane v9, v6;
	v8 =	vperm.xlane v18, v5  }
0x4e2: {  	v22 =	vmul.f32 v40, v22;
	[tilespmem:s2+$0x30] =	vst v16;
	v16 =	vmul.f32 v42, v33  }
0x4e3: {  	[tilespmem:s1+$0x10] =	vst v32;
	v25 =	vmul.f32 v40, v25;
	v7 =	vadd.f32 v9, v7;
	v8 =	vadd.f32 v18, v8  }
0x4e4: {  	[tilespmem:s1+$0xFFFFFF90] =	vst v22;
	v22 =	vmul.f32 v47, v28  }
0x4e5: {  	[tilespmem:s1+$0xFFFFFF80] =	vst v25;
	(erf) = vrcp.f32 v7;
	v7 =	vperm.xlane v8, v6  }
0x4e6: {  	[tilespmem:s2+$0xFFFFFFA0] =	vst v16;
	v16 =	vpop (erf);
	v9 =	vmul.f32 v42, v36  }
0x4e7: {  	[tilespmem:s2+$0x20] =	vst v22;
	v17 =	vmul.f32 v47, v26;
	v7 =	vadd.f32 v8, v7;
	v8 =	vmul.f32 v16, v29  }
0x4e8: {  	[tilespmem:s2+$0xFFFFFF80] =	vst v9;
	v9 =	vmul.f32 v16, v35  }
0x4e9: {  	s0 =	sadd.s32 $0x100, s0;
	[tilespmem:s2+$0x10] =	vst v17  }
0x4ea: {  	[tilespmem:s0+$0x0] =	vst v9;
	(erf) = vrcp.f32 v7;
	v7 =	vmul.f32 v16, v13  }
0x4eb: {  	v17 =	vmul.f32 v42, v38;
	[tilespmem:s0+$0x10] =	vst v8;
	v8 =	vpop (erf)  }
0x4ec: {  	v9 =	vmul.f32 v16, v23;
	[tilespmem:s0+$0x30] =	vst v7;
	v7 =	vmul.f32 v8, v12  }
0x4ed: {  	[tilespmem:s2+$0xFFFFFFB0] =	vst v17;
	v17 =	vmul.f32 v42, v34  }
0x4ee: {  	[tilespmem:s0+$0x20] =	vst v9;
	v9 =	vmul.f32 v8, v45  }
0x4ef: {  	[tilespmem:s2+$0xFFFFFF90] =	vst v17;
	v10 =	vmul.f32 v8, v10;
	v8 =	vmul.f32 v8, v11  }
0x4f0: {  	[tilespmem:s0+$0xFFFFFFA0] =	vst v7;
	v7 =	vpop (erf)  }
0x4f1: {  	[tilespmem:s0+$0xFFFFFF90] =	vst v8;
	v8 =	vmul.f32 v7, v24  }
0x4f2: {  	[tilespmem:s0+$0xFFFFFFB0] =	vst v9;
	v9 =	vmul.f32 v7, v19  }
0x4f3: {  	s21 =	sadd.s32 $0x100, s0;
	[tilespmem:s0+$0xFFFFFF80] =	vst v10  }
0x4f4: {  	[tilespmem:s21+$0x0] =	vst v9;
	v9 =	vmul.f32 v7, v53  }
0x4f5: {  	[tilespmem:s21+$0x10] =	vst v8;
	v7 =	vmul.f32 v7, v14;
	v8 =	vpop (erf)  }
0x4f6: {  	[tilespmem:s21+$0x20] =	vst v9;
	v9 =	vmul.f32 v8, v20  }
0x4f7: {  	[tilespmem:s21+$0x30] =	vst v7;
	v7 =	vmul.f32 v8, v15  }
0x4f8: {  	v10 =	vmul.f32 v8, v58;
	[tilespmem:s21+$0xFFFFFFB0] =	vst v9  }
0x4f9: {  	v8 =	vmul.f32 v8, v21;
	[tilespmem:s21+$0xFFFFFFA0] =	vst v7  }
0x4fa: {  	[tilespmem:s21+$0xFFFFFF80] =	vst v10  }
0x4fb: {  	[tilespmem:s21+$0xFFFFFF90] =	vst v8  }
0x4fc: {  	[hbm4b:s14+s3] =	stream.linear.scatter [tilespmem:s25], [sflag:$0x3], $0x4000, $0x38;
	[tilespmem:$0x10080] =	vst v63  }
0x4fd: {  	_ = 	snop  }
0x4fe: {  	[tilespmem:s3], [sflag:$0x1] =	stream.linear.gather [hbm4b:s15+s3], $0x4000, $0x38;
	[tilespmem:$0x10080] =	vst v63  }
0x4ff: {  	_ =	swait.ge [sflag:s26], $0x4000  }
0x500: {  	[sflag:s26] =	ssyncset.done $0x0  }
0x501: {  	[sflag:s26] =	ssyncadd.s32 $0xFFFFC000  }
0x502: {  	_ =	swait.ge [sflag:s30], $0x4000  }
0x503: {  	[sflag:s30] =	ssyncset.done $0x0  }
0x504: {  	s1 =	simm.s32 $0x4080;
	[sflag:s30] =	ssyncadd.s32 $0xFFFFC000  }
0x505: {  	v7 =	vld [tilespmem:s1+$0x0]  }
0x506: {  	v8 =	vld [tilespmem:s1+$0x10];
	_ =	sdelay $0x2  }
0x507: {  	v19 =	vld [tilespmem:s1+$0x30]  }
0x508: {  	v18 =	vld [tilespmem:s1+$0xFFFFFFB0];
	(xrf1) =	vsort.dscd.msk.f32 $0xffff, v7, v7  }
0x509: {  	v20 =	vld [tilespmem:s1+$0x20];
	(xrf1) =	vsort.dscd.msk.f32 $0xffff, v8, v8;
	_ =	sdelay $0x2  }
0x50a: {  	(xrf1) =	vsort.dscd.msk.f32 $0xffff, v19, v19  }
0x50b: {  	(xrf1) =	vsort.dscd.msk.f32 $0xffff, v18, v18  }
0x50c: {  	v14 =	vld [tilespmem:s1+$0xFFFFFF90];
	(xrf1) =	vsort.dscd.msk.f32 $0xffff, v20, v20  }
0x50d: {  	v17 =	vld [tilespmem:s1+$0xFFFFFF80]  }
0x50e: {  	v15 =	vld [tilespmem:s1+$0xFFFFFFA0];
	_ =	sdelay $0x2  }
0x50f: {  	(xrf1) =	vsort.dscd.msk.f32 $0xffff, v14, v14  }
0x510: {  	(xrf1) =	vsort.dscd.msk.f32 $0xffff, v17, v17  }
0x511: {  	(xrf1) =	vsort.dscd.msk.f32 $0xffff, v15, v15  }
0x512: {  	v9, _, _ =	vpop (xrf1)  }
0x513: {  	v10, _, _ =	vpop (xrf1)  }
0x514: {  	v10 =	vperm.xlane v10, v1;
	_ =	sdelay $0x1  }
0x515: {  	v11, _, _ =	vpop (xrf1)  }
0x516: {  	v11 =	vperm.xlane v11, v1;
	v12, _, _ =	vpop (xrf1)  }
0x517: {  	v9 =	vsel vm0, v9, v10;
	v10, _, _ =	vpop (xrf1)  }
0x518: {  	(xrf1) =	vsort.dscd.msk.f32 $0xffff, v9, v9;
	v10 =	vsel vm0, v10, v11  }
0x519: {  	(xrf1) =	vsort.dscd.msk.f32 $0xffff, v10, v10;
	_ =	sdelay $0x2  }
0x51a: {  	s2 =	simm.s32 $0x4180;
	v9, _, _ =	vpop (xrf1)  }
0x51b: {  	v16 =	vld [tilespmem:s2+$0x0];
	v10 =	vperm.xlane v12, v1;
	v11, _, _ =	vpop (xrf1)  }
0x51c: {  	v26 =	vld [tilespmem:s2+$0x10];
	v9 =	vperm.xlane v9, v1;
	v12, _, _ =	vpop (xrf1)  }
0x51d: {  	v27 =	vld [tilespmem:s2+$0x30];
	v10 =	vsel vm0, v12, v10  }
0x51e: {  	v35 =	vld [tilespmem:s2+$0xFFFFFFB0];
	v9 =	vsel vm0, v11, v9;
	(xrf1) =	vsort.dscd.msk.f32 $0xffff, v10, v10  }
0x51f: {  	v28 =	vld [tilespmem:s2+$0x20];
	(xrf1) =	vsort.dscd.msk.f32 $0xffff, v9, v9  }
0x520: {  	v37 =	vld [tilespmem:s2+$0xFFFFFF90];
	(xrf1) =	vsort.dscd.msk.f32 $0xffff, v16, v16  }
0x521: {  	v38 =	vld [tilespmem:s2+$0xFFFFFF80];
	(xrf1) =	vsort.dscd.msk.f32 $0xffff, v26, v26  }
0x522: {  	v36 =	vld [tilespmem:s2+$0xFFFFFFA0];
	(xrf1) =	vsort.dscd.msk.f32 $0xffff, v27, v27  }
0x523: {  	(xrf1) =	vsort.dscd.msk.f32 $0xffff, v35, v35  }
0x524: {  	(xrf1) =	vsort.dscd.msk.f32 $0xffff, v28, v28;
	v9, _, _ =	vpop (xrf1)  }
0x525: {  	(xrf1) =	vsort.dscd.msk.f32 $0xffff, v37, v37;
	v10, _, _ =	vpop (xrf1)  }
0x526: {  	(xrf1) =	vsort.dscd.msk.f32 $0xffff, v38, v38;
	v10 =	vperm.xlane v10, v1  }
0x527: {  	(xrf1) =	vsort.dscd.msk.f32 $0xffff, v36, v36  }
0x528: {  	v9 =	vsel vm0, v9, v10  }
0x529: {  	(xrf1) =	vsort.dscd.msk.f32 $0xffff, v9, v9;
	_ =	sdelay $0x2  }
0x52a: {  	v9, _, _ =	vpop (xrf1)  }
0x52b: {  	v10, _, _ =	vpop (xrf1)  }
0x52c: {  	v11, _, _ =	vpop (xrf1)  }
0x52d: {  	v12, _, _ =	vpop (xrf1)  }
0x52e: {  	v13, _, _ =	vpop (xrf1);
	v12 =	vperm.xlane v12, v1  }
0x52f: {  	v9 =	vperm.xlane v9, v1;
	v21, _, _ =	vpop (xrf1)  }
0x530: {  	v22, _, _ =	vpop (xrf1)  }
0x531: {  	v9 =	vsel vm0, v10, v9;
	v10 =	vperm.xlane v13, v1;
	v13, _, _ =	vpop (xrf1)  }
0x532: {  	s4 =	simm.s32 $0x4280;
	(xrf1) =	vsort.dscd.msk.f32 $0xffff, v9, v9;
	v9 =	vsel vm0, v11, v12;
	v11 =	vperm.xlane v21, v1;
	v12, _, _ =	vpop (xrf1)  }
0x533: {  	v23 =	vld [tilespmem:s4+$0x0];
	v10 =	vsel vm0, v22, v10;
	(xrf1) =	vsort.dscd.msk.f32 $0xffff, v9, v9;
	v9 =	vperm.xlane v13, v1;
	v13, _, _ =	vpop (xrf1)  }
0x534: {  	v29 =	vld [tilespmem:s4+$0x10];
	(xrf1) =	vsort.dscd.msk.f32 $0xffff, v10, v10;
	v10 =	vsel vm0, v13, v11  }
0x535: {  	v9 =	vsel vm0, v12, v9;
	(xrf1) =	vsort.dscd.msk.f32 $0xffff, v10, v10;
	v21, _, _ =	vpop (xrf1)  }
0x536: {  	v33 =	vld [tilespmem:s4+$0x30];
	(xrf1) =	vsort.dscd.msk.f32 $0xffff, v9, v9;
	v10 =	vperm.xlane v21, v0;
	_ =	sdelay $0x1  }
0x537: {  	v9 =	vld [tilespmem:s4+$0xFFFFFFB0];
	(xrf1) =	vsort.dscd.msk.f32 $0xffff, v23, v23;
	v11 =	vsub.f32 v7, v10  }
0x538: {  	v13 =	vld [tilespmem:s4+$0x20];
	(xrf1) =	vsort.dscd.msk.f32 $0xffff, v29, v29;
	v12 =	vsub.f32 v8, v10  }
0x539: {  	v25 =	vsub.f32 v20, v10;
	v22 =	vmul.f32 $1.442695020e+00, v11  }
0x53a: {  	v24 =	vsub.f32 v19, v10;
	(xrf1) =	vsort.dscd.msk.f32 $0xffff, v33, v33;
	v11 =	vld [tilespmem:s4+$0xFFFFFF90];
	v30 =	vmul.f32 $1.442695020e+00, v12  }
0x53b: {  	v12 =	vld [tilespmem:s4+$0xFFFFFF80];
	(erf) = vpow2.f32 v22;
	v22 =	vmul.f32 $1.442695020e+00, v25  }
0x53c: {  	v10 =	vld [tilespmem:s4+$0xFFFFFFA0];
	v24 =	vmul.f32 $1.442695020e+00, v24;
	(xrf1) =	vsort.dscd.msk.f32 $0xffff, v9, v9  }
0x53d: {  	(xrf1) =	vsort.dscd.msk.f32 $0xffff, v13, v13;
	(erf) = vpow2.f32 v30  }
0x53e: {  	(erf) = vpow2.f32 v24  }
0x53f: {  	(erf) = vpow2.f32 v22;
	v22, _, _ =	vpop (xrf1);
	(xrf1) =	vsort.dscd.msk.f32 $0xffff, v11, v11  }
0x540: {  	v24, _, _ =	vpop (xrf1);
	(xrf1) =	vsort.dscd.msk.f32 $0xffff, v12, v12  }
0x541: {  	v25, _, _ =	vpop (xrf1);
	(xrf1) =	vsort.dscd.msk.f32 $0xffff, v10, v10  }
0x542: {  	v30, _, _ =	vpop (xrf1)  }
0x543: {  	v21 =	vperm.xlane v21, v2;
	v25 =	vperm.xlane v25, v1;
	v31, _, _ =	vpop (xrf1)  }
0x544: {  	v45 =	vpop (erf)  }
0x545: {  	vm2 =	vge.f32 v19, v21;
	v19, _, _ =	vpop (xrf1)  }
0x546: {  	vm5 =	vge.f32 v8, v21;
	v24 =	vsel vm0, v24, v25;
	v8, _, _ =	vpop (xrf1)  }
0x547: {  	vm3 =	vge.f32 v20, v21;
	(xrf1) =	vsort.dscd.msk.f32 $0xffff, v24, v24;
	v25 =	vpop (erf)  }
0x548: {  	vm4 =	vge.f32 v7, v21;
	v46 =	vperm.xlane v22, v0;
	v30 =	vperm.xlane v30, v1;
	v20, _, _ =	vpop (xrf1)  }
0x549: {  	vm2 =	vmor vm1, vm2;
	v21 =	vperm.xlane v8, v1;
	v24 =	vpop (erf);
	v20 =	vperm.xlane v20, v1  }
0x54a: {  	v7 =	vnsel vm2, $0x0, v24;
	vm2 =	vmor vm1, vm4;
	vm4 =	vmor vm1, vm5;
	v24, _, _ =	vpop (xrf1)  }
0x54b: {  	v30 =	vsel vm0, v31, v30;
	v19 =	vsel vm0, v19, v21;
	v32 =	vnsel vm4, $0x0, v25;
	v25, _, _ =	vpop (xrf1)  }
0x54c: {  	(xrf1) =	vsort.dscd.msk.f32 $0xffff, v30, v30;
	v49 =	vpop (erf);
	v34 =	vnsel vm2, $0x0, v45;
	vm2 =	vmor vm1, vm3;
	v20 =	vsel vm0, v25, v20  }
0x54d: {  	v47 =	vsub.f32 v18, v46;
	(xrf1) =	vsort.dscd.msk.f32 $0xffff, v19, v19;
	v8 =	vnsel vm2, $0x0, v49;
	v21, _, _ =	vpop (xrf1)  }
0x54e: {  	v19 =	vperm.xlane v24, v1;
	v30 =	vadd.f32 v32, v34;
	v31 =	vadd.f32 v7, v8;
	v24, _, _ =	vpop (xrf1)  }
0x54f: {  	v48 =	vsub.f32 v17, v46;
	v25 =	vsub.f32 v15, v46;
	(xrf1) =	vsort.dscd.msk.f32 $0xffff, v20, v20;
	v20, _, _ =	vpop (xrf1)  }
0x550: {  	v30 =	vadd.f32 v31, v30;
	v21 =	vperm.xlane v21, v1;
	v19 =	vsel vm0, v20, v19  }
0x551: {  	v31 =	vmul.f32 $1.442695020e+00, v48;
	(xrf1) =	vsort.dscd.msk.f32 $0xffff, v19, v19;
	v19 =	vmul.f32 $1.442695020e+00, v47  }
0x552: {  	v25 =	vmul.f32 $1.442695020e+00, v25;
	v50 =	vperm.xlane v30, v3;
	v21 =	vsel vm0, v24, v21  }
0x553: {  	(erf) = vpow2.f32 v31;
	(xrf1) =	vsort.dscd.msk.f32 $0xffff, v21, v21;
	v21 =	vperm.xlane v22, v2  }
0x554: {  	s21 =	simm.s32 $0x4380;
	v20 =	vsub.f32 v14, v46;
	(erf) = vpow2.f32 v25  }
0x555: {  	v24 =	vadd.f32 v30, v50;
	(erf) = vpow2.f32 v19;
	vm2 =	vge.f32 v17, v21;
	v17 =	vld [tilespmem:s21+$0x0];
	v19, _, _ =	vpop (xrf1)  }
0x556: {  	v20 =	vmul.f32 $1.442695020e+00, v20;
	v25 =	vperm.xlane v19, v0  }
0x557: {  	v22 =	vperm.xlane v24, v4;
	vm3 =	vge.f32 v14, v21;
	v14 =	vld [tilespmem:s21+$0x10]  }
0x558: {  	(erf) = vpow2.f32 v20;
	v31 =	vperm.xlane v19, v2;
	v19 =	vld [tilespmem:s21+$0x30];
	v20 =	vsub.f32 v16, v25  }
0x559: {  	vm4 =	vge.f32 v15, v21;
	v15 =	vld [tilespmem:s21+$0xFFFFFFB0];
	v30 =	vsub.f32 v26, v25;
	v53 =	vsub.f32 v27, v25  }
0x55a: {  	vm5 =	vge.f32 v18, v21;
	v22 =	vadd.f32 v24, v22;
	(xrf1) =	vsort.dscd.msk.f32 $0xffff, v17, v17;
	v52 =	vmul.f32 $1.442695020e+00, v20  }
0x55b: {  	v24 =	vld [tilespmem:s21+$0x20];
	vm4 =	vmor vm1, vm4;
	v21 =	vmul.f32 $1.442695020e+00, v30;
	v30 =	vmul.f32 $1.442695020e+00, v53  }
0x55c: {  	v40, _, _ =	vpop (xrf1);
	v51 =	vperm.xlane v22, v5;
	v25 =	vsub.f32 v28, v25;
	v20 =	vld [tilespmem:s21+$0xFFFFFF90];
	(xrf1) =	vsort.dscd.msk.f32 $0xffff, v14, v14;
	(erf) = vpow2.f32 v52  }
0x55d: {  	vm5 =	vmor vm1, vm5;
	v54 =	vperm.xlane v40, v0;
	v56, _, _ =	vpop (xrf1);
	(xrf1) =	vsort.dscd.msk.f32 $0xffff, v19, v19;
	(erf) = vpow2.f32 v21  }
0x55e: {  	v18 =	vld [tilespmem:s21+$0xFFFFFF80];
	vm3 =	vmor vm1, vm3;
	v58, _, _ =	vpop (xrf1);
	v25 =	vmul.f32 $1.442695020e+00, v25;
	(xrf1) =	vsort.dscd.msk.f32 $0xffff, v15, v15;
	(erf) = vpow2.f32 v30  }
0x55f: {  	v40 =	vperm.xlane v40, v2;
	v22 =	vadd.f32 v22, v51;
	v55 =	vsub.f32 v35, v54;
	v21 =	vld [tilespmem:s21+$0xFFFFFFA0];
	v30 =	vpop (erf)  }
0x560: {  	v57 =	vsub.f32 v38, v54;
	v45 =	vsub.f32 v37, v54;
	(xrf1) =	vsort.dscd.msk.f32 $0xffff, v24, v24;
	v59, _, _ =	vpop (xrf1);
	(erf) = vpow2.f32 v25  }
0x561: {  	v43 =	vsub.f32 v36, v54;
	v44 =	vperm.xlane v58, v1;
	v39 =	vmul.f32 $1.442695020e+00, v55;
	v60 =	vpop (erf);
	(xrf1) =	vsort.dscd.msk.f32 $0xffff, v20, v20  }
0x562: {  	vm2 =	vmor vm1, vm2;
	v63 =	vperm.xlane v22, v6;
	v25 =	vmul.f32 $1.442695020e+00, v57;
	v62, _, _ =	vpop (xrf1)  }
0x563: {  	v43 =	vmul.f32 $1.442695020e+00, v43;
	v45 =	vmul.f32 $1.442695020e+00, v45;
	v41 =	vsel vm0, v56, v44;
	(xrf1) =	vsort.dscd.msk.f32 $0xffff, v18, v18;
	v52 =	vpop (erf)  }
0x564: {  	v49 =	vadd.f32 v22, v63;
	v61 =	vperm.xlane v59, v1;
	(erf) = vpow2.f32 v25;
	v53 =	vpop (erf);
	(xrf1) =	vsort.dscd.msk.f32 $0xffff, v21, v21  }
0x565: {  	v25 =	vnsel vm2, $0x0, v30;
	vm2 =	vge.f32 v27, v31;
	v27 =	vnsel vm4, $0x0, v60;
	v54 =	vpop (erf)  }
0x566: {  	v30 =	vnsel vm5, $0x0, v52;
	vm4 =	vge.f32 v16, v31;
	vm5 =	vge.f32 v26, v31;
	(xrf1) =	vsort.dscd.msk.f32 $0xffff, v41, v41;
	v55 =	vpop (erf)  }
0x567: {  	v42 =	vsel vm0, v62, v61;
	v22 =	vnsel vm3, $0x0, v53;
	vm3 =	vge.f32 v28, v31;
	v28 =	vpop (erf)  }
0x568: {  	vm2 =	vmor vm1, vm2;
	v56 =	vadd.f32 v30, v27;
	(erf) = vpow2.f32 v43;
	v57, _, _ =	vpop (xrf1)  }
0x569: {  	v58 =	vadd.f32 v22, v25;
	v16 =	vnsel vm2, $0x0, v28;
	vm2 =	vmor vm1, vm4;
	v28 =	vpop (erf)  }
0x56a: {  	vm4 =	vmor vm1, vm5;
	v60, _, _ =	vpop (xrf1);
	v31 =	vnsel vm2, $0x0, v54;
	vm2 =	vmor vm1, vm3  }
0x56b: {  	v51 =	vadd.f32 v56, v58;
	v26 =	vnsel vm4, $0x0, v55;
	v63, _, _ =	vpop (xrf1);
	v28 =	vnsel vm2, $0x0, v28  }
0x56c: {  	(erf) = vpow2.f32 v39;
	v59 =	vadd.f32 v26, v31;
	v53, _, _ =	vpop (xrf1);
	(xrf1) =	vsort.dscd.msk.f32 $0xffff, v42, v42;
	v61 =	vadd.f32 v16, v28  }
0x56d: {  	v62 =	vperm.xlane v60, v1;
	v52 =	vperm.xlane v63, v1;
	vm2 =	vge.f32 v38, v40;
	v38 =	vpop (erf)  }
0x56e: {  	v56 =	vperm.xlane v51, v3;
	(erf) = vpow2.f32 v45;
	v55, _, _ =	vpop (xrf1);
	v47 =	vadd.f32 v61, v59  }
0x56f: {  	(erf) = vrcp.f32 v49;
	v54 =	vsel vm0, v57, v62;
	v41 =	vsel vm0, v55, v52;
	v57, _, _ =	vpop (xrf1)  }
0x570: {  	(xrf1) =	vsort.dscd.msk.f32 $0xffff, v54, v54;
	v42 =	vperm.xlane v57, v1;
	v58 =	vperm.xlane v47, v3  }
0x571: {  	v39 =	vadd.f32 v51, v56;
	v44 =	vperm.xlane v53, v1;
	(xrf1) =	vsort.dscd.msk.f32 $0xffff, v41, v41;
	v59, _, _ =	vpop (xrf1)  }
0x572: {  	v60, _, _ =	vpop (xrf1);
	v41 =	vsel vm0, v59, v42;
	v43 =	vadd.f32 v47, v58  }
0x573: {  	v62 =	vperm.xlane v39, v4;
	v61 =	vsel vm0, v60, v44  }
0x574: {  	vm5 =	vge.f32 v35, v40;
	v46, _, _ =	vpop (xrf1);
	(xrf1) =	vsort.dscd.msk.f32 $0xffff, v61, v61;
	v63 =	vperm.xlane v43, v4  }
0x575: {  	s0 =	simm.s32 $0xC180;
	s1 =	simm.s32 $0xC080;
	vm3 =	vge.f32 v37, v40;
	v47 =	vadd.f32 v39, v62;
	(xrf1) =	vsort.dscd.msk.f32 $0xffff, v41, v41;
	v41 =	vpop (erf)  }
0x576: {  	s2 =	simm.s32 $0xC180;
	s4 =	simm.s32 $0x4480;
	s21 =	simm.s32 $0x6;
	vm4 =	vge.f32 v36, v40;
	v35 =	vperm.xlane v46, v2;
	v45 =	vadd.f32 v43, v63;
	v43 =	vpop (erf)  }
.LBB2_12:
0x577: {  	v48 =	vpop (erf);
	v49 =	vperm.xlane v47, v5;
	v40 =	vmov v9;
	v9 =	vmov v15  }
0x578: {  	v36 =	vld [tilespmem:s4+$0x0];
	s21 =	sadd.s32 $0x2, s21;
	s0 =	sadd.s32 $0x100, s0;
	v50 =	vmovc v13;
	v13 =	vmovc v24;
	v42 =	vmov v10;
	v10 =	vmov v21;
	v44 =	vmov v11  }
0x579: {  	v46 =	vperm.xlane v46, v0;
	v11 =	vmov v20;
	v37 =	vld [tilespmem:s4+$0x10];
	p0 =	slt.u32 s21, $0x7E;
	v21 =	vperm.xlane v45, v5;
	v51 =	vpop (erf)  }
0x57a: {  	v39 =	vld [tilespmem:s4+$0x30];
	v52, _, _ =	vpop (xrf1);
	v47 =	vadd.f32 v47, v49;
	v20 =	vmul.f32 v51, v34;
	v32 =	vmul.f32 v51, v32  }
0x57b: {  	v49 =	vsub.f32 v23, v46;
	v15 =	vld [tilespmem:s4+$0xFFFFFFB0];
	v34 =	vperm.xlane v52, v0;
	v53 =	vadd.f32 v45, v21;
	v45 =	vmovc v12  }
0x57c: {  	v54 =	vsub.f32 v29, v46;
	v55 =	vsub.f32 v50, v46;
	v24 =	vld [tilespmem:s4+$0x20];
	v56 =	vperm.xlane v47, v6;
	[tilespmem:s1+$0x0] =	vst v20  }
0x57d: {  	v46 =	vsub.f32 v33, v46;
	v12 =	vmovc v18;
	v49 =	vmul.f32 $1.442695020e+00, v49;
	v21 =	vld [tilespmem:s4+$0xFFFFFFA0];
	v57 =	vsub.f32 v40, v34;
	[tilespmem:s1+$0x10] =	vst v32  }
0x57e: {  	v61 =	vmul.f32 $1.442695020e+00, v54;
	v62 =	vsub.f32 v45, v34;
	v59 =	vsub.f32 v44, v34;
	v20 =	vld [tilespmem:s4+$0xFFFFFF90];
	v32, _, _ =	vpop (xrf1)  }
0x57f: {  	v63 =	vmul.f32 $1.442695020e+00, v46;
	v34 =	vsub.f32 v42, v34;
	v60, _, _ =	vpop (xrf1);
	(erf) = vpow2.f32 v49  }
0x580: {  	v47 =	vadd.f32 v47, v56;
	v57 =	vmul.f32 $1.442695020e+00, v57;
	v18 =	vld [tilespmem:s4+$0xFFFFFF80];
	(xrf1) =	vsort.dscd.msk.f32 $0xffff, v36, v36;
	v49 =	vperm.xlane v60, v1  }
0x581: {  	v58 =	vmovc v22;
	v54 =	vmovc v25;
	v56 =	vmul.f32 $1.442695020e+00, v62;
	v60 =	vmov v27;
	(erf) = vpow2.f32 v61  }
0x582: {  	v22 =	vmul.f32 $1.442695020e+00, v55;
	v46 =	vmovc v30;
	(xrf1) =	vsort.dscd.msk.f32 $0xffff, v37, v37;
	v49 =	vsel vm0, v32, v49;
	(erf) = vpow2.f32 v63  }
0x583: {  	v55 =	vmul.f32 $1.442695020e+00, v34;
	v34 =	vmov v31;
	(xrf1) =	vsort.dscd.msk.f32 $0xffff, v39, v39;
	v25, _, _ =	vpop (xrf1);
	(erf) = vrcp.f32 v47  }
0x584: {  	vm4 =	vmor vm1, vm4;
	(xrf1) =	vsort.dscd.msk.f32 $0xffff, v15, v15;
	v25 =	vperm.xlane v25, v1;
	v27, _, _ =	vpop (xrf1);
	(erf) = vpow2.f32 v22  }
0x585: {  	vm5 =	vmor vm1, vm5;
	v32 =	vmovc v26;
	v47 =	vmul.f32 $1.442695020e+00, v59;
	v22 =	vperm.xlane v53, v6;
	(xrf1) =	vsort.dscd.msk.f32 $0xffff, v24, v24  }
0x586: {  	v59 =	vsel vm0, v27, v25;
	(erf) = vpow2.f32 v56;
	v25 =	vmul.f32 v51, v8;
	v8 =	vmovc v28  }
0x587: {  	vm3 =	vmor vm1, vm3;
	v53 =	vadd.f32 v53, v22;
	v27 =	vmul.f32 v51, v7;
	(xrf1) =	vsort.dscd.msk.f32 $0xffff, v20, v20  }
0x588: {  	vm2 =	vmor vm1, vm2;
	v51 =	vperm.xlane v52, v2;
	(xrf1) =	vsort.dscd.msk.f32 $0xffff, v18, v18;
	v26 =	vpop (erf);
	[tilespmem:s1+$0x20] =	vst v25  }
0x589: {  	v22 =	vnsel vm3, $0x0, v48;
	v7 =	vmovc v16;
	v25 =	vnsel vm2, $0x0, v38;
	(xrf1) =	vsort.dscd.msk.f32 $0xffff, v21, v21;
	[tilespmem:s1+$0x30] =	vst v27  }
0x58a: {  	v30 =	vnsel vm5, $0x0, v43;
	vm2 =	vge.f32 v33, v35;
	v27 =	vnsel vm4, $0x0, v41;
	v28 =	vpop (erf)  }
0x58b: {  	vm3 =	vge.f32 v50, v35;
	vm2 =	vmor vm1, vm2;
	v33 =	vadd.f32 v30, v27;
	(xrf1) =	vsort.dscd.msk.f32 $0xffff, v49, v49;
	v16 =	vpop (erf)  }
0x58c: {  	vm5 =	vge.f32 v29, v35;
	vm4 =	vge.f32 v23, v35;
	v16 =	vnsel vm2, $0x0, v16;
	v23 =	vpop (erf)  }
0x58d: {  	vm2 =	vmor vm1, vm4;
	vm4 =	vmor vm1, vm5;
	v29 =	vpop (erf);
	v49 =	vmul.f32 v23, v46  }
0x58e: {  	v31 =	vnsel vm2, $0x0, v26;
	v26 =	vnsel vm4, $0x0, v28;
	vm2 =	vmor vm1, vm3;
	v41, _, _ =	vpop (xrf1)  }
0x58f: {  	v46 =	vmul.f32 v23, v54;
	v48 =	vmul.f32 v23, v60;
	v43 =	vadd.f32 v26, v31;
	v38 =	vpop (erf);
	[tilespmem:s1+$0xFFFFFFB0] =	vst v49  }
0x590: {  	v23 =	vmul.f32 v23, v58;
	v28 =	vnsel vm2, $0x0, v29;
	v29 =	vadd.f32 v22, v25;
	v35, _, _ =	vpop (xrf1);
	(xrf1) =	vsort.dscd.msk.f32 $0xffff, v59, v59  }
0x591: {  	v50 =	vadd.f32 v16, v28;
	v52 =	vperm.xlane v35, v1;
	v49, _, _ =	vpop (xrf1);
	(erf) = vpow2.f32 v55;
	[tilespmem:s1+$0xFFFFFFA0] =	vst v48  }
0x592: {  	v29 =	vadd.f32 v33, v29;
	v48 =	vperm.xlane v49, v1;
	v49, _, _ =	vpop (xrf1);
	(erf) = vpow2.f32 v57;
	[tilespmem:s1+$0xFFFFFF80] =	vst v46  }
0x593: {  	v33 =	vsel vm0, v41, v52;
	v35, _, _ =	vpop (xrf1);
	v41 =	vadd.f32 v50, v43;
	(erf) = vpow2.f32 v47;
	[tilespmem:s1+$0xFFFFFF90] =	vst v23;
	s1 =	smov.u32 s2;
	s2 =	smov.u32 s0  }
0x594: {  	v48 =	vsel vm0, v35, v48;
	(xrf1) =	vsort.dscd.msk.f32 $0xffff, v33, v33;
	v33 =	vperm.xlane v29, v3;
	(erf) = vrcp.f32 v53  }
0x595: {  	v23 =	vmov v17;
	v35 =	vperm.xlane v49, v1;
	v43, _, _ =	vpop (xrf1);
	(xrf1) =	vsort.dscd.msk.f32 $0xffff, v48, v48;
	v46 =	vperm.xlane v41, v3  }
0x596: {  	vm3 =	vge.f32 v44, v51;
	vm2 =	vge.f32 v45, v51;
	v47, _, _ =	vpop (xrf1);
	v33 =	vadd.f32 v29, v33  }
.Ltmp5:
0x597: {  	vm4 =	vge.f32 v42, v51;
	v44 =	vperm.xlane v43, v1;
	v17, _, _ =	vpop (xrf1);
	v42 =	vadd.f32 v41, v46;
	(pc) =	sbr.rel @p0 .LBB2_12-.Ltmp5, $4  }
0x598: {  	vm5 =	vge.f32 v40, v51;
	v35 =	vsel vm0, v17, v35;
	v40 =	vperm.xlane v33, v4;
	v17 =	vmovc v36  }
0x599: {  	v29 =	vmov v14;
	v36 =	vsel vm0, v47, v44;
	(xrf1) =	vsort.dscd.msk.f32 $0xffff, v35, v35;
	v46, _, _ =	vpop (xrf1);
	v44 =	vperm.xlane v42, v4  }
0x59a: {  	v14 =	vmov v37;
	(xrf1) =	vsort.dscd.msk.f32 $0xffff, v36, v36;
	v35 =	vperm.xlane v46, v2;
	v41 =	vpop (erf);
	v47 =	vadd.f32 v33, v40  }
0x59b: {  	s4 =	sadd.s32 $0x100, s4;
	v33 =	vmov v19;
	v19 =	vmov v39;
	v45 =	vadd.f32 v42, v44;
	v43 =	vpop (erf)  }
0x59c: {  	_ = 	snop  }
0x59d: {  	v36 =	vperm.xlane v46, v0;
	v37 =	vperm.xlane v47, v5  }
0x59e: {  	v40 =	vpop (erf);
	vm4 =	vmor vm1, vm4;
	vm5 =	vmor vm1, vm5;
	vm3 =	vmor vm1, vm3  }
0x59f: {  	v42 =	vperm.xlane v45, v5;
	v39 =	vpop (erf);
	v44 =	vsub.f32 v23, v36;
	v47 =	vadd.f32 v47, v37  }
0x5a0: {  	v46, _, _ =	vpop (xrf1);
	v37 =	vmul.f32 v39, v34;
	v55 =	vsub.f32 v29, v36;
	v49 =	vsub.f32 v33, v36  }
0x5a1: {  	v36 =	vsub.f32 v13, v36;
	v48 =	vperm.xlane v46, v0;
	v44 =	vmul.f32 $1.442695020e+00, v44  }
0x5a2: {  	vm2 =	vmor vm1, vm2;
	v50 =	vperm.xlane v47, v6;
	v34 =	vmul.f32 $1.442695020e+00, v55;
	v56, _, _ =	vpop (xrf1)  }
0x5a3: {  	v42 =	vadd.f32 v45, v42;
	v49 =	vmul.f32 $1.442695020e+00, v49;
	v36 =	vmul.f32 $1.442695020e+00, v36;
	v59, _, _ =	vpop (xrf1)  }
0x5a4: {  	(erf) = vpow2.f32 v44;
	v57 =	vadd.f32 v47, v50;
	v47 =	vperm.xlane v59, v1  }
0x5a5: {  	v58 =	vsub.f32 v9, v48;
	v60 =	vsub.f32 v12, v48;
	(erf) = vpow2.f32 v34  }
0x5a6: {  	v61 =	vsub.f32 v11, v48;
	(erf) = vpow2.f32 v49;
	v63 =	vsel vm0, v56, v47  }
0x5a7: {  	v48 =	vsub.f32 v10, v48;
	v34 =	vnsel vm3, $0x0, v40;
	(erf) = vrcp.f32 v57;
	(xrf1) =	vsort.dscd.msk.f32 $0xffff, v63, v63  }
0x5a8: {  	(erf) = vpow2.f32 v36;
	v36 =	vnsel vm2, $0x0, v38;
	vm2 =	vge.f32 v33, v35;
	v62, _, _ =	vpop (xrf1)  }
0x5a9: {  	v33 =	vnsel vm4, $0x0, v41;
	v38 =	vnsel vm5, $0x0, v43;
	v50 =	vperm.xlane v62, v1  }
0x5aa: {  	v51 =	vmul.f32 $1.442695020e+00, v58;
	v57 =	vadd.f32 v38, v33;
	v58 =	vadd.f32 v34, v36;
	v53, _, _ =	vpop (xrf1)  }
0x5ab: {  	v52 =	vmul.f32 $1.442695020e+00, v60;
	vm3 =	vge.f32 v13, v35;
	v47 =	vsel vm0, v53, v50  }
0x5ac: {  	v55 =	vmul.f32 $1.442695020e+00, v48;
	v45 =	vmul.f32 $1.442695020e+00, v61;
	(xrf1) =	vsort.dscd.msk.f32 $0xffff, v47, v47;
	v47 =	vadd.f32 v57, v58  }
0x5ad: {  	vm4 =	vge.f32 v23, v35;
	vm5 =	vge.f32 v29, v35;
	v62 =	vperm.xlane v42, v6;
	v54 =	vpop (erf)  }
0x5ae: {  	vm2 =	vmor vm1, vm2;
	(erf) = vpow2.f32 v52;
	v56 =	vpop (erf);
	v59 =	vperm.xlane v47, v3  }
0x5af: {  	v63 =	vperm.xlane v46, v2;
	(erf) = vpow2.f32 v55;
	v42 =	vadd.f32 v42, v62;
	v13 =	vpop (erf)  }
0x5b0: {  	(erf) = vpow2.f32 v51;
	v13 =	vnsel vm2, $0x0, v13;
	v43 =	vadd.f32 v47, v59  }
0x5b1: {  	v40 =	vpop (erf);
	vm2 =	vmor vm1, vm4;
	vm4 =	vmor vm1, vm5;
	(erf) = vpow2.f32 v45  }
0x5b2: {  	vm5 =	vge.f32 v10, v63;
	v35 =	vnsel vm2, $0x0, v54;
	v52 =	vperm.xlane v43, v4  }
0x5b3: {  	v23 =	vpop (erf);
	vm2 =	vmor vm1, vm3;
	v29 =	vnsel vm4, $0x0, v56;
	(erf) = vrcp.f32 v42  }
0x5b4: {  	vm3 =	vge.f32 v11, v63;
	v23 =	vnsel vm2, $0x0, v23;
	v43 =	vadd.f32 v43, v52  }
0x5b5: {  	vm4 =	vge.f32 v9, v63;
	v60 =	vadd.f32 v29, v35;
	v61 =	vadd.f32 v13, v23;
	v54, _, _ =	vpop (xrf1)  }
0x5b6: {  	vm5 =	vmor vm1, vm5;
	v10 =	vperm.xlane v43, v5;
	v55 =	vperm.xlane v54, v0  }
0x5b7: {  	vm2 =	vge.f32 v12, v63;
	vm4 =	vmor vm1, vm4;
	v49 =	vadd.f32 v61, v60  }
0x5b8: {  	vm3 =	vmor vm1, vm3;
	v10 =	vadd.f32 v43, v10;
	v11 =	vsub.f32 v17, v55  }
0x5b9: {  	v53 =	vperm.xlane v49, v3;
	v42 =	vperm.xlane v54, v2;
	v57 =	vsub.f32 v14, v55  }
0x5ba: {  	vm2 =	vmor vm1, vm2;
	v56, _, _ =	vpop (xrf1);
	v60 =	vperm.xlane v10, v6;
	v11 =	vmul.f32 $1.442695020e+00, v11  }
0x5bb: {  	v59 =	vsub.f32 v19, v55;
	v58 =	vperm.xlane v56, v0;
	v43 =	vmul.f32 $1.442695020e+00, v57  }
0x5bc: {  	v12 =	vadd.f32 v49, v53;
	v10 =	vadd.f32 v10, v60;
	(erf) = vpow2.f32 v11  }
0x5bd: {  	v46 =	vmul.f32 $1.442695020e+00, v59;
	v11 =	vsub.f32 v18, v58;
	(erf) = vpow2.f32 v43  }
0x5be: {  	v41 =	vsub.f32 v24, v55;
	v9 =	vperm.xlane v12, v4;
	v61 =	vsub.f32 v15, v58  }
0x5bf: {  	v45 =	vsub.f32 v21, v58;
	(erf) = vpow2.f32 v46;
	v11 =	vmul.f32 $1.442695020e+00, v11  }
0x5c0: {  	v41 =	vmul.f32 $1.442695020e+00, v41;
	v62 =	vsub.f32 v20, v58;
	(erf) = vrcp.f32 v10;
	v10 =	vpop (erf)  }
0x5c1: {  	v9 =	vadd.f32 v12, v9;
	v63 =	vmul.f32 $1.442695020e+00, v61;
	v48 =	vmul.f32 $1.442695020e+00, v45;
	v12 =	vpop (erf)  }
0x5c2: {  	v43 =	vmul.f32 $1.442695020e+00, v62;
	(erf) = vpow2.f32 v41;
	v10 =	vnsel vm2, $0x0, v10;
	v49 =	vpop (erf)  }
0x5c3: {  	vm2 =	vge.f32 v19, v42;
	(erf) = vpow2.f32 v11;
	v12 =	vnsel vm5, $0x0, v12;
	v11 =	vpop (erf)  }
0x5c4: {  	v45 =	vnsel vm4, $0x0, v49;
	vm4 =	vge.f32 v17, v42;
	v47 =	vpop (erf);
	(erf) = vpow2.f32 v48  }
0x5c5: {  	v11 =	vnsel vm3, $0x0, v11;
	vm3 =	vge.f32 v24, v42;
	v19 =	vpop (erf);
	(erf) = vpow2.f32 v63  }
0x5c6: {  	v50 =	vadd.f32 v45, v12;
	v17 =	vadd.f32 v11, v10;
	v24 =	vpop (erf);
	(erf) = vpow2.f32 v43  }
0x5c7: {  	v44 =	vperm.xlane v56, v2;
	v56 =	vperm.xlane v9, v5;
	vm2 =	vmor vm1, vm2  }
0x5c8: {  	vm5 =	vge.f32 v14, v42;
	vm3 =	vmor vm1, vm3;
	v17 =	vadd.f32 v50, v17;
	v51 =	vpop (erf)  }
0x5c9: {  	v14 =	vnsel vm2, $0x0, v51;
	vm2 =	vmor vm1, vm4;
	vm4 =	vmor vm1, vm5  }
0x5ca: {  	v42 =	vpop (erf);
	v55 =	vperm.xlane v17, v3;
	vm5 =	vge.f32 v15, v44;
	v19 =	vnsel vm2, $0x0, v19  }
0x5cb: {  	v52 =	vpop (erf);
	v24 =	vnsel vm4, $0x0, v24;
	vm2 =	vge.f32 v18, v44;
	vm4 =	vge.f32 v21, v44  }
0x5cc: {  	vm5 =	vmor vm1, vm5;
	v53 =	vnsel vm3, $0x0, v52;
	v54 =	vadd.f32 v24, v19;
	v57 =	vpop (erf)  }
0x5cd: {  	v17 =	vadd.f32 v17, v55;
	vm3 =	vge.f32 v20, v44;
	v46 =	vadd.f32 v14, v53;
	v15 =	vpop (erf)  }
0x5ce: {  	vm4 =	vmor vm1, vm4;
	vm2 =	vmor vm1, vm2;
	vm3 =	vmor vm1, vm3;
	v20 =	vpop (erf)  }
0x5cf: {  	v58 =	vnsel vm2, $0x0, v57;
	v18 =	vperm.xlane v17, v4;
	v43 =	vadd.f32 v46, v54;
	v21 =	vpop (erf)  }
0x5d0: {  	v15 =	vnsel vm4, $0x0, v15;
	v20 =	vnsel vm5, $0x0, v20;
	v21 =	vnsel vm3, $0x0, v21  }
0x5d1: {  	v46 =	vperm.xlane v43, v3;
	v59 =	vadd.f32 v20, v15;
	v50 =	vadd.f32 v21, v58  }
0x5d2: {  	v8 =	vmul.f32 v39, v8;
	v9 =	vadd.f32 v9, v56;
	v17 =	vadd.f32 v17, v18  }
0x5d3: {  	v18 =	vmul.f32 v40, v30;
	v30 =	vadd.f32 v43, v46;
	v60 =	vadd.f32 v59, v50  }
0x5d4: {  	v61 =	vperm.xlane v9, v6;
	v62 =	vperm.xlane v17, v5  }
0x5d5: {  	v63 =	vperm.xlane v30, v4;
	v48 =	vperm.xlane v60, v3  }
0x5d6: {  	v7 =	vmul.f32 v39, v7;
	v9 =	vadd.f32 v9, v61;
	v17 =	vadd.f32 v17, v62  }
0x5d7: {  	[tilespmem:s1+$0x20] =	vst v8;
	v8 =	vmul.f32 v40, v27;
	v27 =	vadd.f32 v30, v63;
	v30 =	vadd.f32 v60, v48  }
0x5d8: {  	[tilespmem:s1+$0x30] =	vst v7;
	(erf) = vrcp.f32 v9;
	v7 =	vperm.xlane v17, v6  }
0x5d9: {  	[tilespmem:s1+$0xFFFFFFB0] =	vst v18;
	v9 =	vperm.xlane v27, v5;
	v18 =	vperm.xlane v30, v4  }
0x5da: {  	v32 =	vmul.f32 v39, v32;
	v7 =	vadd.f32 v17, v7  }
0x5db: {  	[tilespmem:s1+$0xFFFFFFA0] =	vst v8;
	v8 =	vmul.f32 v47, v31;
	v9 =	vadd.f32 v27, v9;
	v18 =	vadd.f32 v30, v18  }
0x5dc: {  	[tilespmem:s1+$0x0] =	vst v37;
	v16 =	vmul.f32 v47, v16;
	(erf) = vrcp.f32 v7  }
0x5dd: {  	[tilespmem:s2+$0x0] =	vst v8;
	v7 =	vperm.xlane v9, v6;
	v8 =	vperm.xlane v18, v5  }
0x5de: {  	v22 =	vmul.f32 v40, v22;
	[tilespmem:s2+$0x30] =	vst v16;
	v16 =	vmul.f32 v42, v33  }
0x5df: {  	[tilespmem:s1+$0x10] =	vst v32;
	v25 =	vmul.f32 v40, v25;
	v7 =	vadd.f32 v9, v7;
	v8 =	vadd.f32 v18, v8  }
0x5e0: {  	[tilespmem:s1+$0xFFFFFF90] =	vst v22;
	v22 =	vmul.f32 v47, v28  }
0x5e1: {  	[tilespmem:s1+$0xFFFFFF80] =	vst v25;
	(erf) = vrcp.f32 v7;
	v7 =	vperm.xlane v8, v6  }
0x5e2: {  	[tilespmem:s2+$0xFFFFFFA0] =	vst v16;
	v16 =	vpop (erf);
	v9 =	vmul.f32 v42, v36  }
0x5e3: {  	[tilespmem:s2+$0x20] =	vst v22;
	v17 =	vmul.f32 v47, v26;
	v7 =	vadd.f32 v8, v7;
	v8 =	vmul.f32 v16, v29  }
0x5e4: {  	[tilespmem:s2+$0xFFFFFF80] =	vst v9;
	v9 =	vmul.f32 v16, v35  }
0x5e5: {  	s0 =	sadd.s32 $0x100, s0;
	[tilespmem:s2+$0x10] =	vst v17  }
0x5e6: {  	[tilespmem:s0+$0x0] =	vst v9;
	(erf) = vrcp.f32 v7;
	v7 =	vmul.f32 v16, v13  }
0x5e7: {  	v17 =	vmul.f32 v42, v38;
	[tilespmem:s0+$0x10] =	vst v8;
	v8 =	vpop (erf)  }
0x5e8: {  	v9 =	vmul.f32 v16, v23;
	[tilespmem:s0+$0x30] =	vst v7;
	v7 =	vmul.f32 v8, v12  }
0x5e9: {  	[tilespmem:s2+$0xFFFFFFB0] =	vst v17;
	v17 =	vmul.f32 v42, v34  }
0x5ea: {  	[tilespmem:s0+$0x20] =	vst v9;
	v9 =	vmul.f32 v8, v45  }
0x5eb: {  	[tilespmem:s2+$0xFFFFFF90] =	vst v17;
	v10 =	vmul.f32 v8, v10;
	v8 =	vmul.f32 v8, v11  }
0x5ec: {  	[tilespmem:s0+$0xFFFFFFA0] =	vst v7;
	v7 =	vpop (erf)  }
0x5ed: {  	[tilespmem:s0+$0xFFFFFF90] =	vst v8;
	v8 =	vmul.f32 v7, v24  }
0x5ee: {  	[tilespmem:s0+$0xFFFFFFB0] =	vst v9;
	v9 =	vmul.f32 v7, v19  }
0x5ef: {  	s21 =	sadd.s32 $0x100, s0;
	[tilespmem:s0+$0xFFFFFF80] =	vst v10  }
0x5f0: {  	[tilespmem:s21+$0x0] =	vst v9;
	v9 =	vmul.f32 v7, v53  }
0x5f1: {  	[tilespmem:s21+$0x10] =	vst v8;
	v7 =	vmul.f32 v7, v14;
	v8 =	vpop (erf)  }
0x5f2: {  	[tilespmem:s21+$0x20] =	vst v9;
	v9 =	vmul.f32 v8, v20  }
0x5f3: {  	[tilespmem:s21+$0x30] =	vst v7;
	v7 =	vmul.f32 v8, v15  }
0x5f4: {  	v10 =	vmul.f32 v8, v58;
	[tilespmem:s21+$0xFFFFFFB0] =	vst v9  }
0x5f5: {  	v8 =	vmul.f32 v8, v21;
	[tilespmem:s21+$0xFFFFFFA0] =	vst v7  }
0x5f6: {  	[tilespmem:s21+$0xFFFFFF80] =	vst v10  }
0x5f7: {  	[tilespmem:s21+$0xFFFFFF90] =	vst v8  }
0x5f8: {  	[hbm4b:s16+s3] =	stream.linear.scatter [tilespmem:s28], [sflag:$0x4], $0x4000, $0x38;
	[tilespmem:$0x10080] =	vst v63  }
0x5f9: {  	_ = 	snop  }
0x5fa: {  	[tilespmem:s23], [sflag:$0x2] =	stream.linear.gather [hbm4b:s17+s3], $0x4000, $0x38;
	[tilespmem:$0x10080] =	vst v63  }
0x5fb: {  	_ =	swait.ge [sflag:s24], $0x4000  }
0x5fc: {  	[sflag:s24] =	ssyncset.done $0x0  }
0x5fd: {  	[sflag:s24] =	ssyncadd.s32 $0xFFFFC000  }
0x5fe: {  	_ =	swait.ge [sflag:s29], $0x4000  }
0x5ff: {  	[sflag:s29] =	ssyncset.done $0x0  }
0x600: {  	s1 =	simm.s32 $0x80;
	[sflag:s29] =	ssyncadd.s32 $0xFFFFC000  }
0x601: {  	v7 =	vld [tilespmem:s1+$0x0]  }
0x602: {  	v8 =	vld [tilespmem:s1+$0x10];
	_ =	sdelay $0x2  }
0x603: {  	v19 =	vld [tilespmem:s1+$0x30]  }
0x604: {  	v18 =	vld [tilespmem:s1+$0xFFFFFFB0];
	(xrf1) =	vsort.dscd.msk.f32 $0xffff, v7, v7  }
0x605: {  	v20 =	vld [tilespmem:s1+$0x20];
	(xrf1) =	vsort.dscd.msk.f32 $0xffff, v8, v8;
	_ =	sdelay $0x2  }
0x606: {  	(xrf1) =	vsort.dscd.msk.f32 $0xffff, v19, v19  }
0x607: {  	(xrf1) =	vsort.dscd.msk.f32 $0xffff, v18, v18  }
0x608: {  	v14 =	vld [tilespmem:s1+$0xFFFFFF90];
	(xrf1) =	vsort.dscd.msk.f32 $0xffff, v20, v20  }
0x609: {  	v17 =	vld [tilespmem:s1+$0xFFFFFF80]  }
0x60a: {  	v15 =	vld [tilespmem:s1+$0xFFFFFFA0];
	_ =	sdelay $0x2  }
0x60b: {  	(xrf1) =	vsort.dscd.msk.f32 $0xffff, v14, v14  }
0x60c: {  	(xrf1) =	vsort.dscd.msk.f32 $0xffff, v17, v17  }
0x60d: {  	(xrf1) =	vsort.dscd.msk.f32 $0xffff, v15, v15  }
0x60e: {  	v9, _, _ =	vpop (xrf1)  }
0x60f: {  	v10, _, _ =	vpop (xrf1)  }
0x610: {  	v10 =	vperm.xlane v10, v1;
	_ =	sdelay $0x1  }
0x611: {  	v11, _, _ =	vpop (xrf1)  }
0x612: {  	v11 =	vperm.xlane v11, v1;
	v12, _, _ =	vpop (xrf1)  }
0x613: {  	v9 =	vsel vm0, v9, v10;
	v10, _, _ =	vpop (xrf1)  }
0x614: {  	(xrf1) =	vsort.dscd.msk.f32 $0xffff, v9, v9;
	v10 =	vsel vm0, v10, v11  }
0x615: {  	(xrf1) =	vsort.dscd.msk.f32 $0xffff, v10, v10;
	_ =	sdelay $0x2  }
0x616: {  	s2 =	simm.s32 $0x180;
	v9, _, _ =	vpop (xrf1)  }
0x617: {  	v16 =	vld [tilespmem:s2+$0x0];
	v10 =	vperm.xlane v12, v1;
	v11, _, _ =	vpop (xrf1)  }
0x618: {  	v26 =	vld [tilespmem:s2+$0x10];
	v9 =	vperm.xlane v9, v1;
	v12, _, _ =	vpop (xrf1)  }
0x619: {  	v27 =	vld [tilespmem:s2+$0x30];
	v10 =	vsel vm0, v12, v10  }
0x61a: {  	v35 =	vld [tilespmem:s2+$0xFFFFFFB0];
	v9 =	vsel vm0, v11, v9;
	(xrf1) =	vsort.dscd.msk.f32 $0xffff, v10, v10  }
0x61b: {  	v28 =	vld [tilespmem:s2+$0x20];
	(xrf1) =	vsort.dscd.msk.f32 $0xffff, v9, v9  }
0x61c: {  	v37 =	vld [tilespmem:s2+$0xFFFFFF90];
	(xrf1) =	vsort.dscd.msk.f32 $0xffff, v16, v16  }
0x61d: {  	v38 =	vld [tilespmem:s2+$0xFFFFFF80];
	(xrf1) =	vsort.dscd.msk.f32 $0xffff, v26, v26  }
0x61e: {  	v36 =	vld [tilespmem:s2+$0xFFFFFFA0];
	(xrf1) =	vsort.dscd.msk.f32 $0xffff, v27, v27  }
0x61f: {  	(xrf1) =	vsort.dscd.msk.f32 $0xffff, v35, v35  }
0x620: {  	(xrf1) =	vsort.dscd.msk.f32 $0xffff, v28, v28;
	v9, _, _ =	vpop (xrf1)  }
0x621: {  	(xrf1) =	vsort.dscd.msk.f32 $0xffff, v37, v37;
	v10, _, _ =	vpop (xrf1)  }
0x622: {  	(xrf1) =	vsort.dscd.msk.f32 $0xffff, v38, v38;
	v10 =	vperm.xlane v10, v1  }
0x623: {  	(xrf1) =	vsort.dscd.msk.f32 $0xffff, v36, v36  }
0x624: {  	v9 =	vsel vm0, v9, v10  }
0x625: {  	(xrf1) =	vsort.dscd.msk.f32 $0xffff, v9, v9;
	_ =	sdelay $0x2  }
0x626: {  	v9, _, _ =	vpop (xrf1)  }
0x627: {  	v10, _, _ =	vpop (xrf1)  }
0x628: {  	v11, _, _ =	vpop (xrf1)  }
0x629: {  	v12, _, _ =	vpop (xrf1)  }
0x62a: {  	v13, _, _ =	vpop (xrf1);
	v12 =	vperm.xlane v12, v1  }
0x62b: {  	v9 =	vperm.xlane v9, v1;
	v21, _, _ =	vpop (xrf1)  }
0x62c: {  	v22, _, _ =	vpop (xrf1)  }
0x62d: {  	v9 =	vsel vm0, v10, v9;
	v10 =	vperm.xlane v13, v1;
	v13, _, _ =	vpop (xrf1)  }
0x62e: {  	s4 =	simm.s32 $0x280;
	(xrf1) =	vsort.dscd.msk.f32 $0xffff, v9, v9;
	v9 =	vsel vm0, v11, v12;
	v11 =	vperm.xlane v21, v1;
	v12, _, _ =	vpop (xrf1)  }
0x62f: {  	v23 =	vld [tilespmem:s4+$0x0];
	v10 =	vsel vm0, v22, v10;
	(xrf1) =	vsort.dscd.msk.f32 $0xffff, v9, v9;
	v9 =	vperm.xlane v13, v1;
	v13, _, _ =	vpop (xrf1)  }
0x630: {  	v29 =	vld [tilespmem:s4+$0x10];
	(xrf1) =	vsort.dscd.msk.f32 $0xffff, v10, v10;
	v10 =	vsel vm0, v13, v11  }
0x631: {  	v9 =	vsel vm0, v12, v9;
	(xrf1) =	vsort.dscd.msk.f32 $0xffff, v10, v10;
	v21, _, _ =	vpop (xrf1)  }
0x632: {  	v33 =	vld [tilespmem:s4+$0x30];
	(xrf1) =	vsort.dscd.msk.f32 $0xffff, v9, v9;
	v10 =	vperm.xlane v21, v0;
	_ =	sdelay $0x1  }
0x633: {  	v9 =	vld [tilespmem:s4+$0xFFFFFFB0];
	(xrf1) =	vsort.dscd.msk.f32 $0xffff, v23, v23;
	v11 =	vsub.f32 v7, v10  }
0x634: {  	v13 =	vld [tilespmem:s4+$0x20];
	(xrf1) =	vsort.dscd.msk.f32 $0xffff, v29, v29;
	v12 =	vsub.f32 v8, v10  }
0x635: {  	v25 =	vsub.f32 v20, v10;
	v22 =	vmul.f32 $1.442695020e+00, v11  }
0x636: {  	v24 =	vsub.f32 v19, v10;
	(xrf1) =	vsort.dscd.msk.f32 $0xffff, v33, v33;
	v11 =	vld [tilespmem:s4+$0xFFFFFF90];
	v30 =	vmul.f32 $1.442695020e+00, v12  }
0x637: {  	v12 =	vld [tilespmem:s4+$0xFFFFFF80];
	(erf) = vpow2.f32 v22;
	v22 =	vmul.f32 $1.442695020e+00, v25  }
0x638: {  	v10 =	vld [tilespmem:s4+$0xFFFFFFA0];
	v24 =	vmul.f32 $1.442695020e+00, v24;
	(xrf1) =	vsort.dscd.msk.f32 $0xffff, v9, v9  }
0x639: {  	(xrf1) =	vsort.dscd.msk.f32 $0xffff, v13, v13;
	(erf) = vpow2.f32 v30  }
0x63a: {  	(erf) = vpow2.f32 v24  }
0x63b: {  	(erf) = vpow2.f32 v22;
	v22, _, _ =	vpop (xrf1);
	(xrf1) =	vsort.dscd.msk.f32 $0xffff, v11, v11  }
0x63c: {  	v24, _, _ =	vpop (xrf1);
	(xrf1) =	vsort.dscd.msk.f32 $0xffff, v12, v12  }
0x63d: {  	v25, _, _ =	vpop (xrf1);
	(xrf1) =	vsort.dscd.msk.f32 $0xffff, v10, v10  }
0x63e: {  	v30, _, _ =	vpop (xrf1)  }
0x63f: {  	v21 =	vperm.xlane v21, v2;
	v25 =	vperm.xlane v25, v1;
	v31, _, _ =	vpop (xrf1)  }
0x640: {  	v45 =	vpop (erf)  }
0x641: {  	vm2 =	vge.f32 v19, v21;
	v19, _, _ =	vpop (xrf1)  }
0x642: {  	vm5 =	vge.f32 v8, v21;
	v24 =	vsel vm0, v24, v25;
	v8, _, _ =	vpop (xrf1)  }
0x643: {  	vm3 =	vge.f32 v20, v21;
	(xrf1) =	vsort.dscd.msk.f32 $0xffff, v24, v24;
	v25 =	vpop (erf)  }
0x644: {  	vm4 =	vge.f32 v7, v21;
	v46 =	vperm.xlane v22, v0;
	v30 =	vperm.xlane v30, v1;
	v20, _, _ =	vpop (xrf1)  }
0x645: {  	vm2 =	vmor vm1, vm2;
	v21 =	vperm.xlane v8, v1;
	v24 =	vpop (erf);
	v20 =	vperm.xlane v20, v1  }
0x646: {  	v7 =	vnsel vm2, $0x0, v24;
	vm2 =	vmor vm1, vm4;
	vm4 =	vmor vm1, vm5;
	v24, _, _ =	vpop (xrf1)  }
0x647: {  	v30 =	vsel vm0, v31, v30;
	v19 =	vsel vm0, v19, v21;
	v32 =	vnsel vm4, $0x0, v25;
	v25, _, _ =	vpop (xrf1)  }
0x648: {  	(xrf1) =	vsort.dscd.msk.f32 $0xffff, v30, v30;
	v49 =	vpop (erf);
	v34 =	vnsel vm2, $0x0, v45;
	vm2 =	vmor vm1, vm3;
	v20 =	vsel vm0, v25, v20  }
0x649: {  	v47 =	vsub.f32 v18, v46;
	(xrf1) =	vsort.dscd.msk.f32 $0xffff, v19, v19;
	v8 =	vnsel vm2, $0x0, v49;
	v21, _, _ =	vpop (xrf1)  }
0x64a: {  	v19 =	vperm.xlane v24, v1;
	v30 =	vadd.f32 v32, v34;
	v31 =	vadd.f32 v7, v8;
	v24, _, _ =	vpop (xrf1)  }
0x64b: {  	v48 =	vsub.f32 v17, v46;
	v25 =	vsub.f32 v15, v46;
	(xrf1) =	vsort.dscd.msk.f32 $0xffff, v20, v20;
	v20, _, _ =	vpop (xrf1)  }
0x64c: {  	v30 =	vadd.f32 v31, v30;
	v21 =	vperm.xlane v21, v1;
	v19 =	vsel vm0, v20, v19  }
0x64d: {  	v31 =	vmul.f32 $1.442695020e+00, v48;
	(xrf1) =	vsort.dscd.msk.f32 $0xffff, v19, v19;
	v19 =	vmul.f32 $1.442695020e+00, v47  }
0x64e: {  	v25 =	vmul.f32 $1.442695020e+00, v25;
	v50 =	vperm.xlane v30, v3;
	v21 =	vsel vm0, v24, v21  }
0x64f: {  	(erf) = vpow2.f32 v31;
	(xrf1) =	vsort.dscd.msk.f32 $0xffff, v21, v21;
	v21 =	vperm.xlane v22, v2  }
0x650: {  	s21 =	simm.s32 $0x380;
	v20 =	vsub.f32 v14, v46;
	(erf) = vpow2.f32 v25  }
0x651: {  	v24 =	vadd.f32 v30, v50;
	(erf) = vpow2.f32 v19;
	vm2 =	vge.f32 v17, v21;
	v17 =	vld [tilespmem:s21+$0x0];
	v19, _, _ =	vpop (xrf1)  }
0x652: {  	v20 =	vmul.f32 $1.442695020e+00, v20;
	v25 =	vperm.xlane v19, v0  }
0x653: {  	v22 =	vperm.xlane v24, v4;
	vm3 =	vge.f32 v14, v21;
	v14 =	vld [tilespmem:s21+$0x10]  }
0x654: {  	(erf) = vpow2.f32 v20;
	v31 =	vperm.xlane v19, v2;
	v19 =	vld [tilespmem:s21+$0x30];
	v20 =	vsub.f32 v16, v25  }
0x655: {  	vm4 =	vge.f32 v15, v21;
	v15 =	vld [tilespmem:s21+$0xFFFFFFB0];
	v30 =	vsub.f32 v26, v25;
	v53 =	vsub.f32 v27, v25  }
0x656: {  	vm5 =	vge.f32 v18, v21;
	v22 =	vadd.f32 v24, v22;
	(xrf1) =	vsort.dscd.msk.f32 $0xffff, v17, v17;
	v52 =	vmul.f32 $1.442695020e+00, v20  }
0x657: {  	v24 =	vld [tilespmem:s21+$0x20];
	vm4 =	vmor vm1, vm4;
	v21 =	vmul.f32 $1.442695020e+00, v30;
	v30 =	vmul.f32 $1.442695020e+00, v53  }
0x658: {  	v40, _, _ =	vpop (xrf1);
	v51 =	vperm.xlane v22, v5;
	v25 =	vsub.f32 v28, v25;
	v20 =	vld [tilespmem:s21+$0xFFFFFF90];
	(xrf1) =	vsort.dscd.msk.f32 $0xffff, v14, v14;
	(erf) = vpow2.f32 v52  }
0x659: {  	vm5 =	vmor vm1, vm5;
	v54 =	vperm.xlane v40, v0;
	v56, _, _ =	vpop (xrf1);
	(xrf1) =	vsort.dscd.msk.f32 $0xffff, v19, v19;
	(erf) = vpow2.f32 v21  }
0x65a: {  	v18 =	vld [tilespmem:s21+$0xFFFFFF80];
	vm3 =	vmor vm1, vm3;
	v58, _, _ =	vpop (xrf1);
	v25 =	vmul.f32 $1.442695020e+00, v25;
	(xrf1) =	vsort.dscd.msk.f32 $0xffff, v15, v15;
	(erf) = vpow2.f32 v30  }
0x65b: {  	v40 =	vperm.xlane v40, v2;
	v22 =	vadd.f32 v22, v51;
	v55 =	vsub.f32 v35, v54;
	v21 =	vld [tilespmem:s21+$0xFFFFFFA0];
	v30 =	vpop (erf)  }
0x65c: {  	v57 =	vsub.f32 v38, v54;
	v45 =	vsub.f32 v37, v54;
	(xrf1) =	vsort.dscd.msk.f32 $0xffff, v24, v24;
	v59, _, _ =	vpop (xrf1);
	(erf) = vpow2.f32 v25  }
0x65d: {  	v43 =	vsub.f32 v36, v54;
	v44 =	vperm.xlane v58, v1;
	v39 =	vmul.f32 $1.442695020e+00, v55;
	v60 =	vpop (erf);
	(xrf1) =	vsort.dscd.msk.f32 $0xffff, v20, v20  }
0x65e: {  	vm2 =	vmor vm1, vm2;
	v63 =	vperm.xlane v22, v6;
	v25 =	vmul.f32 $1.442695020e+00, v57;
	v62, _, _ =	vpop (xrf1)  }
0x65f: {  	v43 =	vmul.f32 $1.442695020e+00, v43;
	v45 =	vmul.f32 $1.442695020e+00, v45;
	v41 =	vsel vm0, v56, v44;
	(xrf1) =	vsort.dscd.msk.f32 $0xffff, v18, v18;
	v52 =	vpop (erf)  }
0x660: {  	v49 =	vadd.f32 v22, v63;
	v61 =	vperm.xlane v59, v1;
	(erf) = vpow2.f32 v25;
	v53 =	vpop (erf);
	(xrf1) =	vsort.dscd.msk.f32 $0xffff, v21, v21  }
0x661: {  	v25 =	vnsel vm2, $0x0, v30;
	vm2 =	vge.f32 v27, v31;
	v27 =	vnsel vm4, $0x0, v60;
	v54 =	vpop (erf)  }
0x662: {  	v30 =	vnsel vm5, $0x0, v52;
	vm4 =	vge.f32 v16, v31;
	vm5 =	vge.f32 v26, v31;
	(xrf1) =	vsort.dscd.msk.f32 $0xffff, v41, v41;
	v55 =	vpop (erf)  }
0x663: {  	v42 =	vsel vm0, v62, v61;
	v22 =	vnsel vm3, $0x0, v53;
	vm3 =	vge.f32 v28, v31;
	v28 =	vpop (erf)  }
0x664: {  	vm2 =	vmor vm1, vm2;
	v56 =	vadd.f32 v30, v27;
	(erf) = vpow2.f32 v43;
	v57, _, _ =	vpop (xrf1)  }
0x665: {  	v58 =	vadd.f32 v22, v25;
	v16 =	vnsel vm2, $0x0, v28;
	vm2 =	vmor vm1, vm4;
	v28 =	vpop (erf)  }
0x666: {  	vm4 =	vmor vm1, vm5;
	v60, _, _ =	vpop (xrf1);
	v31 =	vnsel vm2, $0x0, v54;
	vm2 =	vmor vm1, vm3  }
0x667: {  	v51 =	vadd.f32 v56, v58;
	v26 =	vnsel vm4, $0x0, v55;
	v63, _, _ =	vpop (xrf1);
	v28 =	vnsel vm2, $0x0, v28  }
0x668: {  	(erf) = vpow2.f32 v39;
	v59 =	vadd.f32 v26, v31;
	v53, _, _ =	vpop (xrf1);
	(xrf1) =	vsort.dscd.msk.f32 $0xffff, v42, v42;
	v61 =	vadd.f32 v16, v28  }
0x669: {  	v62 =	vperm.xlane v60, v1;
	v52 =	vperm.xlane v63, v1;
	vm2 =	vge.f32 v38, v40;
	v38 =	vpop (erf)  }
0x66a: {  	v56 =	vperm.xlane v51, v3;
	(erf) = vpow2.f32 v45;
	v55, _, _ =	vpop (xrf1);
	v47 =	vadd.f32 v61, v59  }
0x66b: {  	(erf) = vrcp.f32 v49;
	v54 =	vsel vm0, v57, v62;
	v41 =	vsel vm0, v55, v52;
	v57, _, _ =	vpop (xrf1)  }
0x66c: {  	(xrf1) =	vsort.dscd.msk.f32 $0xffff, v54, v54;
	v42 =	vperm.xlane v57, v1;
	v58 =	vperm.xlane v47, v3  }
0x66d: {  	v39 =	vadd.f32 v51, v56;
	v44 =	vperm.xlane v53, v1;
	(xrf1) =	vsort.dscd.msk.f32 $0xffff, v41, v41;
	v59, _, _ =	vpop (xrf1)  }
0x66e: {  	v60, _, _ =	vpop (xrf1);
	v41 =	vsel vm0, v59, v42;
	v43 =	vadd.f32 v47, v58  }
0x66f: {  	v62 =	vperm.xlane v39, v4;
	v61 =	vsel vm0, v60, v44  }
0x670: {  	vm5 =	vge.f32 v35, v40;
	v46, _, _ =	vpop (xrf1);
	(xrf1) =	vsort.dscd.msk.f32 $0xffff, v61, v61;
	v63 =	vperm.xlane v43, v4  }
0x671: {  	s0 =	simm.s32 $0x8180;
	s1 =	simm.s32 $0x8080;
	vm3 =	vge.f32 v37, v40;
	v47 =	vadd.f32 v39, v62;
	(xrf1) =	vsort.dscd.msk.f32 $0xffff, v41, v41;
	v41 =	vpop (erf)  }
0x672: {  	s2 =	simm.s32 $0x8180;
	s4 =	simm.s32 $0x480;
	s21 =	simm.s32 $0x6;
	vm4 =	vge.f32 v36, v40;
	v35 =	vperm.xlane v46, v2;
	v45 =	vadd.f32 v43, v63;
	v43 =	vpop (erf)  }
.LBB2_14:
0x673: {  	v48 =	vpop (erf);
	v49 =	vperm.xlane v47, v5;
	v40 =	vmov v9;
	v9 =	vmov v15  }
0x674: {  	v36 =	vld [tilespmem:s4+$0x0];
	s21 =	sadd.s32 $0x2, s21;
	s0 =	sadd.s32 $0x100, s0;
	v50 =	vmovc v13;
	v13 =	vmovc v24;
	v42 =	vmov v10;
	v10 =	vmov v21;
	v44 =	vmov v11  }
0x675: {  	v46 =	vperm.xlane v46, v0;
	v11 =	vmov v20;
	v37 =	vld [tilespmem:s4+$0x10];
	p0 =	slt.u32 s21, $0x7E;
	v21 =	vperm.xlane v45, v5;
	v51 =	vpop (erf)  }
0x676: {  	v39 =	vld [tilespmem:s4+$0x30];
	v52, _, _ =	vpop (xrf1);
	v47 =	vadd.f32 v47, v49;
	v20 =	vmul.f32 v51, v34;
	v32 =	vmul.f32 v51, v32  }
0x677: {  	v49 =	vsub.f32 v23, v46;
	v15 =	vld [tilespmem:s4+$0xFFFFFFB0];
	v34 =	vperm.xlane v52, v0;
	v53 =	vadd.f32 v45, v21;
	v45 =	vmovc v12  }
0x678: {  	v54 =	vsub.f32 v29, v46;
	v55 =	vsub.f32 v50, v46;
	v24 =	vld [tilespmem:s4+$0x20];
	v56 =	vperm.xlane v47, v6;
	[tilespmem:s1+$0x0] =	vst v20  }
0x679: {  	v46 =	vsub.f32 v33, v46;
	v12 =	vmovc v18;
	v49 =	vmul.f32 $1.442695020e+00, v49;
	v21 =	vld [tilespmem:s4+$0xFFFFFFA0];
	v57 =	vsub.f32 v40, v34;
	[tilespmem:s1+$0x10] =	vst v32  }
0x67a: {  	v61 =	vmul.f32 $1.442695020e+00, v54;
	v62 =	vsub.f32 v45, v34;
	v59 =	vsub.f32 v44, v34;
	v20 =	vld [tilespmem:s4+$0xFFFFFF90];
	v32, _, _ =	vpop (xrf1)  }
0x67b: {  	v63 =	vmul.f32 $1.442695020e+00, v46;
	v34 =	vsub.f32 v42, v34;
	v60, _, _ =	vpop (xrf1);
	(erf) = vpow2.f32 v49  }
0x67c: {  	v47 =	vadd.f32 v47, v56;
	v57 =	vmul.f32 $1.442695020e+00, v57;
	v18 =	vld [tilespmem:s4+$0xFFFFFF80];
	(xrf1) =	vsort.dscd.msk.f32 $0xffff, v36, v36;
	v49 =	vperm.xlane v60, v1  }
0x67d: {  	v58 =	vmovc v22;
	v54 =	vmovc v25;
	v56 =	vmul.f32 $1.442695020e+00, v62;
	v60 =	vmov v27;
	(erf) = vpow2.f32 v61  }
0x67e: {  	v22 =	vmul.f32 $1.442695020e+00, v55;
	v46 =	vmovc v30;
	(xrf1) =	vsort.dscd.msk.f32 $0xffff, v37, v37;
	v49 =	vsel vm0, v32, v49;
	(erf) = vpow2.f32 v63  }
0x67f: {  	v55 =	vmul.f32 $1.442695020e+00, v34;
	v34 =	vmov v31;
	(xrf1) =	vsort.dscd.msk.f32 $0xffff, v39, v39;
	v25, _, _ =	vpop (xrf1);
	(erf) = vrcp.f32 v47  }
0x680: {  	vm4 =	vmor vm1, vm4;
	(xrf1) =	vsort.dscd.msk.f32 $0xffff, v15, v15;
	v25 =	vperm.xlane v25, v1;
	v27, _, _ =	vpop (xrf1);
	(erf) = vpow2.f32 v22  }
0x681: {  	vm5 =	vmor vm1, vm5;
	v32 =	vmovc v26;
	v47 =	vmul.f32 $1.442695020e+00, v59;
	v22 =	vperm.xlane v53, v6;
	(xrf1) =	vsort.dscd.msk.f32 $0xffff, v24, v24  }
0x682: {  	v59 =	vsel vm0, v27, v25;
	(erf) = vpow2.f32 v56;
	v25 =	vmul.f32 v51, v8;
	v8 =	vmovc v28  }
0x683: {  	vm3 =	vmor vm1, vm3;
	v53 =	vadd.f32 v53, v22;
	v27 =	vmul.f32 v51, v7;
	(xrf1) =	vsort.dscd.msk.f32 $0xffff, v20, v20  }
0x684: {  	vm2 =	vmor vm1, vm2;
	v51 =	vperm.xlane v52, v2;
	(xrf1) =	vsort.dscd.msk.f32 $0xffff, v18, v18;
	v26 =	vpop (erf);
	[tilespmem:s1+$0x20] =	vst v25  }
0x685: {  	v22 =	vnsel vm3, $0x0, v48;
	v7 =	vmovc v16;
	v25 =	vnsel vm2, $0x0, v38;
	(xrf1) =	vsort.dscd.msk.f32 $0xffff, v21, v21;
	[tilespmem:s1+$0x30] =	vst v27  }
0x686: {  	v30 =	vnsel vm5, $0x0, v43;
	vm2 =	vge.f32 v33, v35;
	v27 =	vnsel vm4, $0x0, v41;
	v28 =	vpop (erf)  }
0x687: {  	vm3 =	vge.f32 v50, v35;
	vm2 =	vmor vm1, vm2;
	v33 =	vadd.f32 v30, v27;
	(xrf1) =	vsort.dscd.msk.f32 $0xffff, v49, v49;
	v16 =	vpop (erf)  }
0x688: {  	vm5 =	vge.f32 v29, v35;
	vm4 =	vge.f32 v23, v35;
	v16 =	vnsel vm2, $0x0, v16;
	v23 =	vpop (erf)  }
0x689: {  	vm2 =	vmor vm1, vm4;
	vm4 =	vmor vm1, vm5;
	v29 =	vpop (erf);
	v49 =	vmul.f32 v23, v46  }
0x68a: {  	v31 =	vnsel vm2, $0x0, v26;
	v26 =	vnsel vm4, $0x0, v28;
	vm2 =	vmor vm1, vm3;
	v41, _, _ =	vpop (xrf1)  }
0x68b: {  	v46 =	vmul.f32 v23, v54;
	v48 =	vmul.f32 v23, v60;
	v43 =	vadd.f32 v26, v31;
	v38 =	vpop (erf);
	[tilespmem:s1+$0xFFFFFFB0] =	vst v49  }
0x68c: {  	v23 =	vmul.f32 v23, v58;
	v28 =	vnsel vm2, $0x0, v29;
	v29 =	vadd.f32 v22, v25;
	v35, _, _ =	vpop (xrf1);
	(xrf1) =	vsort.dscd.msk.f32 $0xffff, v59, v59  }
0x68d: {  	v50 =	vadd.f32 v16, v28;
	v52 =	vperm.xlane v35, v1;
	v49, _, _ =	vpop (xrf1);
	(erf) = vpow2.f32 v55;
	[tilespmem:s1+$0xFFFFFFA0] =	vst v48  }
0x68e: {  	v29 =	vadd.f32 v33, v29;
	v48 =	vperm.xlane v49, v1;
	v49, _, _ =	vpop (xrf1);
	(erf) = vpow2.f32 v57;
	[tilespmem:s1+$0xFFFFFF80] =	vst v46  }
0x68f: {  	v33 =	vsel vm0, v41, v52;
	v35, _, _ =	vpop (xrf1);
	v41 =	vadd.f32 v50, v43;
	(erf) = vpow2.f32 v47;
	[tilespmem:s1+$0xFFFFFF90] =	vst v23;
	s1 =	smov.u32 s2;
	s2 =	smov.u32 s0  }
0x690: {  	v48 =	vsel vm0, v35, v48;
	(xrf1) =	vsort.dscd.msk.f32 $0xffff, v33, v33;
	v33 =	vperm.xlane v29, v3;
	(erf) = vrcp.f32 v53  }
0x691: {  	v23 =	vmov v17;
	v35 =	vperm.xlane v49, v1;
	v43, _, _ =	vpop (xrf1);
	(xrf1) =	vsort.dscd.msk.f32 $0xffff, v48, v48;
	v46 =	vperm.xlane v41, v3  }
0x692: {  	vm3 =	vge.f32 v44, v51;
	vm2 =	vge.f32 v45, v51;
	v47, _, _ =	vpop (xrf1);
	v33 =	vadd.f32 v29, v33  }
.Ltmp6:
0x693: {  	vm4 =	vge.f32 v42, v51;
	v44 =	vperm.xlane v43, v1;
	v17, _, _ =	vpop (xrf1);
	v42 =	vadd.f32 v41, v46;
	(pc) =	sbr.rel @p0 .LBB2_14-.Ltmp6, $4  }
0x694: {  	vm5 =	vge.f32 v40, v51;
	v35 =	vsel vm0, v17, v35;
	v40 =	vperm.xlane v33, v4;
	v17 =	vmovc v36  }
0x695: {  	v29 =	vmov v14;
	v36 =	vsel vm0, v47, v44;
	(xrf1) =	vsort.dscd.msk.f32 $0xffff, v35, v35;
	v46, _, _ =	vpop (xrf1);
	v44 =	vperm.xlane v42, v4  }
0x696: {  	v14 =	vmov v37;
	(xrf1) =	vsort.dscd.msk.f32 $0xffff, v36, v36;
	v35 =	vperm.xlane v46, v2;
	v41 =	vpop (erf);
	v47 =	vadd.f32 v33, v40  }
0x697: {  	s4 =	sadd.s32 $0x100, s4;
	v33 =	vmov v19;
	v19 =	vmov v39;
	v45 =	vadd.f32 v42, v44;
	v43 =	vpop (erf)  }
0x698: {  	_ = 	snop  }
0x699: {  	v36 =	vperm.xlane v46, v0;
	v37 =	vperm.xlane v47, v5  }
0x69a: {  	v40 =	vpop (erf);
	vm4 =	vmor vm1, vm4;
	vm5 =	vmor vm1, vm5;
	vm3 =	vmor vm1, vm3  }
0x69b: {  	v42 =	vperm.xlane v45, v5;
	v39 =	vpop (erf);
	v44 =	vsub.f32 v23, v36;
	v47 =	vadd.f32 v47, v37  }
0x69c: {  	v46, _, _ =	vpop (xrf1);
	v37 =	vmul.f32 v39, v34;
	v55 =	vsub.f32 v29, v36;
	v49 =	vsub.f32 v33, v36  }
0x69d: {  	v36 =	vsub.f32 v13, v36;
	v48 =	vperm.xlane v46, v0;
	v44 =	vmul.f32 $1.442695020e+00, v44  }
0x69e: {  	vm2 =	vmor vm1, vm2;
	v50 =	vperm.xlane v47, v6;
	v34 =	vmul.f32 $1.442695020e+00, v55;
	v56, _, _ =	vpop (xrf1)  }
0x69f: {  	v42 =	vadd.f32 v45, v42;
	v49 =	vmul.f32 $1.442695020e+00, v49;
	v36 =	vmul.f32 $1.442695020e+00, v36;
	v59, _, _ =	vpop (xrf1)  }
0x6a0: {  	(erf) = vpow2.f32 v44;
	v57 =	vadd.f32 v47, v50;
	v47 =	vperm.xlane v59, v1  }
0x6a1: {  	v58 =	vsub.f32 v9, v48;
	v60 =	vsub.f32 v12, v48;
	(erf) = vpow2.f32 v34  }
0x6a2: {  	v61 =	vsub.f32 v11, v48;
	(erf) = vpow2.f32 v49;
	v63 =	vsel vm0, v56, v47  }
0x6a3: {  	v48 =	vsub.f32 v10, v48;
	v34 =	vnsel vm3, $0x0, v40;
	(erf) = vrcp.f32 v57;
	(xrf1) =	vsort.dscd.msk.f32 $0xffff, v63, v63  }
0x6a4: {  	(erf) = vpow2.f32 v36;
	v36 =	vnsel vm2, $0x0, v38;
	vm2 =	vge.f32 v33, v35;
	v62, _, _ =	vpop (xrf1)  }
0x6a5: {  	v33 =	vnsel vm4, $0x0, v41;
	v38 =	vnsel vm5, $0x0, v43;
	v50 =	vperm.xlane v62, v1  }
0x6a6: {  	v51 =	vmul.f32 $1.442695020e+00, v58;
	v57 =	vadd.f32 v38, v33;
	v58 =	vadd.f32 v34, v36;
	v53, _, _ =	vpop (xrf1)  }
0x6a7: {  	v52 =	vmul.f32 $1.442695020e+00, v60;
	vm3 =	vge.f32 v13, v35;
	v47 =	vsel vm0, v53, v50  }
0x6a8: {  	v55 =	vmul.f32 $1.442695020e+00, v48;
	v45 =	vmul.f32 $1.442695020e+00, v61;
	(xrf1) =	vsort.dscd.msk.f32 $0xffff, v47, v47;
	v47 =	vadd.f32 v57, v58  }
0x6a9: {  	vm4 =	vge.f32 v23, v35;
	vm5 =	vge.f32 v29, v35;
	v62 =	vperm.xlane v42, v6;
	v54 =	vpop (erf)  }
0x6aa: {  	vm2 =	vmor vm1, vm2;
	(erf) = vpow2.f32 v52;
	v56 =	vpop (erf);
	v59 =	vperm.xlane v47, v3  }
0x6ab: {  	v63 =	vperm.xlane v46, v2;
	(erf) = vpow2.f32 v55;
	v42 =	vadd.f32 v42, v62;
	v13 =	vpop (erf)  }
0x6ac: {  	(erf) = vpow2.f32 v51;
	v13 =	vnsel vm2, $0x0, v13;
	v43 =	vadd.f32 v47, v59  }
0x6ad: {  	v40 =	vpop (erf);
	vm2 =	vmor vm1, vm4;
	vm4 =	vmor vm1, vm5;
	(erf) = vpow2.f32 v45  }
0x6ae: {  	vm5 =	vge.f32 v10, v63;
	v35 =	vnsel vm2, $0x0, v54;
	v52 =	vperm.xlane v43, v4  }
0x6af: {  	v23 =	vpop (erf);
	vm2 =	vmor vm1, vm3;
	v29 =	vnsel vm4, $0x0, v56;
	(erf) = vrcp.f32 v42  }
0x6b0: {  	vm3 =	vge.f32 v11, v63;
	v23 =	vnsel vm2, $0x0, v23;
	v43 =	vadd.f32 v43, v52  }
0x6b1: {  	vm4 =	vge.f32 v9, v63;
	v60 =	vadd.f32 v29, v35;
	v61 =	vadd.f32 v13, v23;
	v54, _, _ =	vpop (xrf1)  }
0x6b2: {  	vm5 =	vmor vm1, vm5;
	v10 =	vperm.xlane v43, v5;
	v55 =	vperm.xlane v54, v0  }
0x6b3: {  	vm2 =	vge.f32 v12, v63;
	vm4 =	vmor vm1, vm4;
	v49 =	vadd.f32 v61, v60  }
0x6b4: {  	vm3 =	vmor vm1, vm3;
	v10 =	vadd.f32 v43, v10;
	v11 =	vsub.f32 v17, v55  }
0x6b5: {  	v53 =	vperm.xlane v49, v3;
	v42 =	vperm.xlane v54, v2;
	v57 =	vsub.f32 v14, v55  }
0x6b6: {  	vm2 =	vmor vm1, vm2;
	v56, _, _ =	vpop (xrf1);
	v60 =	vperm.xlane v10, v6;
	v11 =	vmul.f32 $1.442695020e+00, v11  }
0x6b7: {  	v59 =	vsub.f32 v19, v55;
	v58 =	vperm.xlane v56, v0;
	v43 =	vmul.f32 $1.442695020e+00, v57  }
0x6b8: {  	v12 =	vadd.f32 v49, v53;
	v10 =	vadd.f32 v10, v60;
	(erf) = vpow2.f32 v11  }
0x6b9: {  	v46 =	vmul.f32 $1.442695020e+00, v59;
	v11 =	vsub.f32 v18, v58;
	(erf) = vpow2.f32 v43  }
0x6ba: {  	v41 =	vsub.f32 v24, v55;
	v9 =	vperm.xlane v12, v4;
	v61 =	vsub.f32 v15, v58  }
0x6bb: {  	v45 =	vsub.f32 v21, v58;
	(erf) = vpow2.f32 v46;
	v11 =	vmul.f32 $1.442695020e+00, v11  }
0x6bc: {  	v41 =	vmul.f32 $1.442695020e+00, v41;
	v62 =	vsub.f32 v20, v58;
	(erf) = vrcp.f32 v10;
	v10 =	vpop (erf)  }
0x6bd: {  	v9 =	vadd.f32 v12, v9;
	v63 =	vmul.f32 $1.442695020e+00, v61;
	v48 =	vmul.f32 $1.442695020e+00, v45;
	v12 =	vpop (erf)  }
0x6be: {  	v43 =	vmul.f32 $1.442695020e+00, v62;
	(erf) = vpow2.f32 v41;
	v10 =	vnsel vm2, $0x0, v10;
	v49 =	vpop (erf)  }
0x6bf: {  	vm2 =	vge.f32 v19, v42;
	(erf) = vpow2.f32 v11;
	v12 =	vnsel vm5, $0x0, v12;
	v11 =	vpop (erf)  }
0x6c0: {  	v45 =	vnsel vm4, $0x0, v49;
	vm4 =	vge.f32 v17, v42;
	v47 =	vpop (erf);
	(erf) = vpow2.f32 v48  }
0x6c1: {  	v11 =	vnsel vm3, $0x0, v11;
	vm3 =	vge.f32 v24, v42;
	v19 =	vpop (erf);
	(erf) = vpow2.f32 v63  }
0x6c2: {  	v50 =	vadd.f32 v45, v12;
	v17 =	vadd.f32 v11, v10;
	v24 =	vpop (erf);
	(erf) = vpow2.f32 v43  }
0x6c3: {  	v44 =	vperm.xlane v56, v2;
	v56 =	vperm.xlane v9, v5;
	vm2 =	vmor vm1, vm2  }
0x6c4: {  	vm5 =	vge.f32 v14, v42;
	vm3 =	vmor vm1, vm3;
	v17 =	vadd.f32 v50, v17;
	v51 =	vpop (erf)  }
0x6c5: {  	v14 =	vnsel vm2, $0x0, v51;
	vm2 =	vmor vm1, vm4;
	vm4 =	vmor vm1, vm5  }
0x6c6: {  	v42 =	vpop (erf);
	v55 =	vperm.xlane v17, v3;
	vm5 =	vge.f32 v15, v44;
	v19 =	vnsel vm2, $0x0, v19  }
0x6c7: {  	v52 =	vpop (erf);
	v24 =	vnsel vm4, $0x0, v24;
	vm2 =	vge.f32 v18, v44;
	vm4 =	vge.f32 v21, v44  }
0x6c8: {  	vm5 =	vmor vm1, vm5;
	v53 =	vnsel vm3, $0x0, v52;
	v54 =	vadd.f32 v24, v19;
	v57 =	vpop (erf)  }
0x6c9: {  	v17 =	vadd.f32 v17, v55;
	vm3 =	vge.f32 v20, v44;
	v46 =	vadd.f32 v14, v53;
	v15 =	vpop (erf)  }
0x6ca: {  	vm4 =	vmor vm1, vm4;
	vm2 =	vmor vm1, vm2;
	vm3 =	vmor vm1, vm3;
	v20 =	vpop (erf)  }
0x6cb: {  	v58 =	vnsel vm2, $0x0, v57;
	v18 =	vperm.xlane v17, v4;
	v43 =	vadd.f32 v46, v54;
	v21 =	vpop (erf)  }
0x6cc: {  	v15 =	vnsel vm4, $0x0, v15;
	v20 =	vnsel vm5, $0x0, v20;
	v21 =	vnsel vm3, $0x0, v21  }
0x6cd: {  	v46 =	vperm.xlane v43, v3;
	v59 =	vadd.f32 v20, v15;
	v50 =	vadd.f32 v21, v58  }
0x6ce: {  	v8 =	vmul.f32 v39, v8;
	v9 =	vadd.f32 v9, v56;
	v17 =	vadd.f32 v17, v18  }
0x6cf: {  	v18 =	vmul.f32 v40, v30;
	v30 =	vadd.f32 v43, v46;
	v60 =	vadd.f32 v59, v50  }
0x6d0: {  	v61 =	vperm.xlane v9, v6;
	v62 =	vperm.xlane v17, v5  }
0x6d1: {  	v63 =	vperm.xlane v30, v4;
	v48 =	vperm.xlane v60, v3  }
0x6d2: {  	v7 =	vmul.f32 v39, v7;
	v9 =	vadd.f32 v9, v61;
	v17 =	vadd.f32 v17, v62  }
0x6d3: {  	[tilespmem:s1+$0x20] =	vst v8;
	v8 =	vmul.f32 v40, v27;
	v27 =	vadd.f32 v30, v63;
	v30 =	vadd.f32 v60, v48  }
0x6d4: {  	[tilespmem:s1+$0x30] =	vst v7;
	(erf) = vrcp.f32 v9;
	v7 =	vperm.xlane v17, v6  }
0x6d5: {  	[tilespmem:s1+$0xFFFFFFB0] =	vst v18;
	v9 =	vperm.xlane v27, v5;
	v18 =	vperm.xlane v30, v4  }
0x6d6: {  	v32 =	vmul.f32 v39, v32;
	v7 =	vadd.f32 v17, v7  }
0x6d7: {  	[tilespmem:s1+$0xFFFFFFA0] =	vst v8;
	v8 =	vmul.f32 v47, v31;
	v9 =	vadd.f32 v27, v9;
	v18 =	vadd.f32 v30, v18  }
0x6d8: {  	[tilespmem:s1+$0x0] =	vst v37;
	v16 =	vmul.f32 v47, v16;
	(erf) = vrcp.f32 v7  }
0x6d9: {  	[tilespmem:s2+$0x0] =	vst v8;
	v7 =	vperm.xlane v9, v6;
	v8 =	vperm.xlane v18, v5  }
0x6da: {  	v22 =	vmul.f32 v40, v22;
	[tilespmem:s2+$0x30] =	vst v16;
	v16 =	vmul.f32 v42, v33  }
0x6db: {  	[tilespmem:s1+$0x10] =	vst v32;
	v25 =	vmul.f32 v40, v25;
	v7 =	vadd.f32 v9, v7;
	v8 =	vadd.f32 v18, v8  }
0x6dc: {  	[tilespmem:s1+$0xFFFFFF90] =	vst v22;
	v22 =	vmul.f32 v47, v28  }
0x6dd: {  	[tilespmem:s1+$0xFFFFFF80] =	vst v25;
	(erf) = vrcp.f32 v7;
	v7 =	vperm.xlane v8, v6  }
0x6de: {  	[tilespmem:s2+$0xFFFFFFA0] =	vst v16;
	v16 =	vpop (erf);
	v9 =	vmul.f32 v42, v36  }
0x6df: {  	[tilespmem:s2+$0x20] =	vst v22;
	v17 =	vmul.f32 v47, v26;
	v7 =	vadd.f32 v8, v7;
	v8 =	vmul.f32 v16, v29  }
0x6e0: {  	[tilespmem:s2+$0xFFFFFF80] =	vst v9;
	v9 =	vmul.f32 v16, v35  }
0x6e1: {  	s0 =	sadd.s32 $0x100, s0;
	[tilespmem:s2+$0x10] =	vst v17  }
0x6e2: {  	[tilespmem:s0+$0x0] =	vst v9;
	(erf) = vrcp.f32 v7;
	v7 =	vmul.f32 v16, v13  }
0x6e3: {  	v17 =	vmul.f32 v42, v38;
	[tilespmem:s0+$0x10] =	vst v8;
	v8 =	vpop (erf)  }
0x6e4: {  	v9 =	vmul.f32 v16, v23;
	[tilespmem:s0+$0x30] =	vst v7;
	v7 =	vmul.f32 v8, v12  }
0x6e5: {  	[tilespmem:s2+$0xFFFFFFB0] =	vst v17;
	v17 =	vmul.f32 v42, v34  }
0x6e6: {  	[tilespmem:s0+$0x20] =	vst v9;
	v9 =	vmul.f32 v8, v45  }
0x6e7: {  	[tilespmem:s2+$0xFFFFFF90] =	vst v17;
	v10 =	vmul.f32 v8, v10;
	v8 =	vmul.f32 v8, v11  }
0x6e8: {  	[tilespmem:s0+$0xFFFFFFA0] =	vst v7;
	v7 =	vpop (erf)  }
0x6e9: {  	[tilespmem:s0+$0xFFFFFF90] =	vst v8;
	v8 =	vmul.f32 v7, v24  }
0x6ea: {  	[tilespmem:s0+$0xFFFFFFB0] =	vst v9;
	v9 =	vmul.f32 v7, v19  }
0x6eb: {  	s21 =	sadd.s32 $0x100, s0;
	[tilespmem:s0+$0xFFFFFF80] =	vst v10  }
0x6ec: {  	[tilespmem:s21+$0x0] =	vst v9;
	v9 =	vmul.f32 v7, v53  }
0x6ed: {  	[tilespmem:s21+$0x10] =	vst v8;
	v7 =	vmul.f32 v7, v14;
	v8 =	vpop (erf)  }
0x6ee: {  	[tilespmem:s21+$0x20] =	vst v9;
	v9 =	vmul.f32 v8, v20  }
0x6ef: {  	[tilespmem:s21+$0x30] =	vst v7;
	v7 =	vmul.f32 v8, v15  }
0x6f0: {  	v10 =	vmul.f32 v8, v58;
	[tilespmem:s21+$0xFFFFFFB0] =	vst v9  }
0x6f1: {  	v8 =	vmul.f32 v8, v21;
	[tilespmem:s21+$0xFFFFFFA0] =	vst v7  }
0x6f2: {  	[tilespmem:s21+$0xFFFFFF80] =	vst v10  }
0x6f3: {  	[tilespmem:s21+$0xFFFFFF90] =	vst v8  }
0x6f4: {  	[hbm4b:s18+s3] =	stream.linear.scatter [tilespmem:s25], [sflag:$0x3], $0x4000, $0x38;
	[tilespmem:$0x10080] =	vst v63  }
0x6f5: {  	_ =	swait.ge [sflag:s26], $0x4000  }
0x6f6: {  	[sflag:s26] =	ssyncset.done $0x0  }
0x6f7: {  	[sflag:s26] =	ssyncadd.s32 $0xFFFFC000  }
0x6f8: {  	_ =	swait.ge [sflag:s30], $0x4000  }
0x6f9: {  	[sflag:s30] =	ssyncset.done $0x0  }
0x6fa: {  	s1 =	simm.s32 $0x4080;
	[sflag:s30] =	ssyncadd.s32 $0xFFFFC000  }
0x6fb: {  	v7 =	vld [tilespmem:s1+$0x0]  }
0x6fc: {  	v8 =	vld [tilespmem:s1+$0x10];
	_ =	sdelay $0x2  }
0x6fd: {  	v19 =	vld [tilespmem:s1+$0x30]  }
0x6fe: {  	v18 =	vld [tilespmem:s1+$0xFFFFFFB0];
	(xrf1) =	vsort.dscd.msk.f32 $0xffff, v7, v7  }
0x6ff: {  	v20 =	vld [tilespmem:s1+$0x20];
	(xrf1) =	vsort.dscd.msk.f32 $0xffff, v8, v8;
	_ =	sdelay $0x2  }
0x700: {  	(xrf1) =	vsort.dscd.msk.f32 $0xffff, v19, v19  }
0x701: {  	(xrf1) =	vsort.dscd.msk.f32 $0xffff, v18, v18  }
0x702: {  	v14 =	vld [tilespmem:s1+$0xFFFFFF90];
	(xrf1) =	vsort.dscd.msk.f32 $0xffff, v20, v20  }
0x703: {  	v17 =	vld [tilespmem:s1+$0xFFFFFF80]  }
0x704: {  	v15 =	vld [tilespmem:s1+$0xFFFFFFA0];
	_ =	sdelay $0x2  }
0x705: {  	(xrf1) =	vsort.dscd.msk.f32 $0xffff, v14, v14  }
0x706: {  	(xrf1) =	vsort.dscd.msk.f32 $0xffff, v17, v17  }
0x707: {  	(xrf1) =	vsort.dscd.msk.f32 $0xffff, v15, v15  }
0x708: {  	v9, _, _ =	vpop (xrf1)  }
0x709: {  	v10, _, _ =	vpop (xrf1)  }
0x70a: {  	v10 =	vperm.xlane v10, v1;
	_ =	sdelay $0x1  }
0x70b: {  	v11, _, _ =	vpop (xrf1)  }
0x70c: {  	v11 =	vperm.xlane v11, v1;
	v12, _, _ =	vpop (xrf1)  }
0x70d: {  	v9 =	vsel vm0, v9, v10;
	v10, _, _ =	vpop (xrf1)  }
0x70e: {  	(xrf1) =	vsort.dscd.msk.f32 $0xffff, v9, v9;
	v10 =	vsel vm0, v10, v11  }
0x70f: {  	(xrf1) =	vsort.dscd.msk.f32 $0xffff, v10, v10;
	_ =	sdelay $0x2  }
0x710: {  	s2 =	simm.s32 $0x4180;
	v9, _, _ =	vpop (xrf1)  }
0x711: {  	v16 =	vld [tilespmem:s2+$0x0];
	v10 =	vperm.xlane v12, v1;
	v11, _, _ =	vpop (xrf1)  }
0x712: {  	v26 =	vld [tilespmem:s2+$0x10];
	v9 =	vperm.xlane v9, v1;
	v12, _, _ =	vpop (xrf1)  }
0x713: {  	v27 =	vld [tilespmem:s2+$0x30];
	v10 =	vsel vm0, v12, v10  }
0x714: {  	v35 =	vld [tilespmem:s2+$0xFFFFFFB0];
	v9 =	vsel vm0, v11, v9;
	(xrf1) =	vsort.dscd.msk.f32 $0xffff, v10, v10  }
0x715: {  	v28 =	vld [tilespmem:s2+$0x20];
	(xrf1) =	vsort.dscd.msk.f32 $0xffff, v9, v9  }
0x716: {  	v37 =	vld [tilespmem:s2+$0xFFFFFF90];
	(xrf1) =	vsort.dscd.msk.f32 $0xffff, v16, v16  }
0x717: {  	v38 =	vld [tilespmem:s2+$0xFFFFFF80];
	(xrf1) =	vsort.dscd.msk.f32 $0xffff, v26, v26  }
0x718: {  	v36 =	vld [tilespmem:s2+$0xFFFFFFA0];
	(xrf1) =	vsort.dscd.msk.f32 $0xffff, v27, v27  }
0x719: {  	(xrf1) =	vsort.dscd.msk.f32 $0xffff, v35, v35  }
0x71a: {  	(xrf1) =	vsort.dscd.msk.f32 $0xffff, v28, v28;
	v9, _, _ =	vpop (xrf1)  }
0x71b: {  	(xrf1) =	vsort.dscd.msk.f32 $0xffff, v37, v37;
	v10, _, _ =	vpop (xrf1)  }
0x71c: {  	(xrf1) =	vsort.dscd.msk.f32 $0xffff, v38, v38;
	v10 =	vperm.xlane v10, v1  }
0x71d: {  	(xrf1) =	vsort.dscd.msk.f32 $0xffff, v36, v36  }
0x71e: {  	v9 =	vsel vm0, v9, v10  }
0x71f: {  	(xrf1) =	vsort.dscd.msk.f32 $0xffff, v9, v9;
	_ =	sdelay $0x2  }
0x720: {  	v9, _, _ =	vpop (xrf1)  }
0x721: {  	v10, _, _ =	vpop (xrf1)  }
0x722: {  	v11, _, _ =	vpop (xrf1)  }
0x723: {  	v12, _, _ =	vpop (xrf1)  }
0x724: {  	v13, _, _ =	vpop (xrf1);
	v12 =	vperm.xlane v12, v1  }
0x725: {  	v9 =	vperm.xlane v9, v1;
	v21, _, _ =	vpop (xrf1)  }
0x726: {  	v22, _, _ =	vpop (xrf1)  }
0x727: {  	v9 =	vsel vm0, v10, v9;
	v10 =	vperm.xlane v13, v1;
	v13, _, _ =	vpop (xrf1)  }
0x728: {  	s4 =	simm.s32 $0x4280;
	(xrf1) =	vsort.dscd.msk.f32 $0xffff, v9, v9;
	v9 =	vsel vm0, v11, v12;
	v11 =	vperm.xlane v21, v1;
	v12, _, _ =	vpop (xrf1)  }
0x729: {  	v23 =	vld [tilespmem:s4+$0x0];
	v10 =	vsel vm0, v22, v10;
	(xrf1) =	vsort.dscd.msk.f32 $0xffff, v9, v9;
	v9 =	vperm.xlane v13, v1;
	v13, _, _ =	vpop (xrf1)  }
0x72a: {  	v29 =	vld [tilespmem:s4+$0x10];
	(xrf1) =	vsort.dscd.msk.f32 $0xffff, v10, v10;
	v10 =	vsel vm0, v13, v11  }
0x72b: {  	v9 =	vsel vm0, v12, v9;
	(xrf1) =	vsort.dscd.msk.f32 $0xffff, v10, v10;
	v21, _, _ =	vpop (xrf1)  }
0x72c: {  	v33 =	vld [tilespmem:s4+$0x30];
	(xrf1) =	vsort.dscd.msk.f32 $0xffff, v9, v9;
	v10 =	vperm.xlane v21, v0;
	_ =	sdelay $0x1  }
0x72d: {  	v9 =	vld [tilespmem:s4+$0xFFFFFFB0];
	(xrf1) =	vsort.dscd.msk.f32 $0xffff, v23, v23;
	v11 =	vsub.f32 v7, v10  }
0x72e: {  	v13 =	vld [tilespmem:s4+$0x20];
	(xrf1) =	vsort.dscd.msk.f32 $0xffff, v29, v29;
	v12 =	vsub.f32 v8, v10  }
0x72f: {  	v25 =	vsub.f32 v20, v10;
	v22 =	vmul.f32 $1.442695020e+00, v11  }
0x730: {  	v24 =	vsub.f32 v19, v10;
	(xrf1) =	vsort.dscd.msk.f32 $0xffff, v33, v33;
	v11 =	vld [tilespmem:s4+$0xFFFFFF90];
	v30 =	vmul.f32 $1.442695020e+00, v12  }
0x731: {  	v12 =	vld [tilespmem:s4+$0xFFFFFF80];
	(erf) = vpow2.f32 v22;
	v22 =	vmul.f32 $1.442695020e+00, v25  }
0x732: {  	v10 =	vld [tilespmem:s4+$0xFFFFFFA0];
	v24 =	vmul.f32 $1.442695020e+00, v24;
	(xrf1) =	vsort.dscd.msk.f32 $0xffff, v9, v9  }
0x733: {  	(xrf1) =	vsort.dscd.msk.f32 $0xffff, v13, v13;
	(erf) = vpow2.f32 v30  }
0x734: {  	(erf) = vpow2.f32 v24  }
0x735: {  	(erf) = vpow2.f32 v22;
	v22, _, _ =	vpop (xrf1);
	(xrf1) =	vsort.dscd.msk.f32 $0xffff, v11, v11  }
0x736: {  	v24, _, _ =	vpop (xrf1);
	(xrf1) =	vsort.dscd.msk.f32 $0xffff, v12, v12  }
0x737: {  	v25, _, _ =	vpop (xrf1);
	(xrf1) =	vsort.dscd.msk.f32 $0xffff, v10, v10  }
0x738: {  	v30, _, _ =	vpop (xrf1)  }
0x739: {  	v21 =	vperm.xlane v21, v2;
	v25 =	vperm.xlane v25, v1;
	v31, _, _ =	vpop (xrf1)  }
0x73a: {  	v45 =	vpop (erf)  }
0x73b: {  	vm2 =	vge.f32 v19, v21;
	v19, _, _ =	vpop (xrf1)  }
0x73c: {  	vm5 =	vge.f32 v8, v21;
	v24 =	vsel vm0, v24, v25;
	v8, _, _ =	vpop (xrf1)  }
0x73d: {  	vm3 =	vge.f32 v20, v21;
	(xrf1) =	vsort.dscd.msk.f32 $0xffff, v24, v24;
	v25 =	vpop (erf)  }
0x73e: {  	vm4 =	vge.f32 v7, v21;
	v46 =	vperm.xlane v22, v0;
	v30 =	vperm.xlane v30, v1;
	v20, _, _ =	vpop (xrf1)  }
0x73f: {  	vm2 =	vmor vm1, vm2;
	v21 =	vperm.xlane v8, v1;
	v24 =	vpop (erf);
	v20 =	vperm.xlane v20, v1  }
0x740: {  	v7 =	vnsel vm2, $0x0, v24;
	vm2 =	vmor vm1, vm4;
	vm4 =	vmor vm1, vm5;
	v24, _, _ =	vpop (xrf1)  }
0x741: {  	v30 =	vsel vm0, v31, v30;
	v19 =	vsel vm0, v19, v21;
	v32 =	vnsel vm4, $0x0, v25;
	v25, _, _ =	vpop (xrf1)  }
0x742: {  	(xrf1) =	vsort.dscd.msk.f32 $0xffff, v30, v30;
	v49 =	vpop (erf);
	v34 =	vnsel vm2, $0x0, v45;
	vm2 =	vmor vm1, vm3;
	v20 =	vsel vm0, v25, v20  }
0x743: {  	v47 =	vsub.f32 v18, v46;
	(xrf1) =	vsort.dscd.msk.f32 $0xffff, v19, v19;
	v8 =	vnsel vm2, $0x0, v49;
	v21, _, _ =	vpop (xrf1)  }
0x744: {  	v19 =	vperm.xlane v24, v1;
	v30 =	vadd.f32 v32, v34;
	v31 =	vadd.f32 v7, v8;
	v24, _, _ =	vpop (xrf1)  }
0x745: {  	v48 =	vsub.f32 v17, v46;
	v25 =	vsub.f32 v15, v46;
	(xrf1) =	vsort.dscd.msk.f32 $0xffff, v20, v20;
	v20, _, _ =	vpop (xrf1)  }
0x746: {  	v30 =	vadd.f32 v31, v30;
	v21 =	vperm.xlane v21, v1;
	v19 =	vsel vm0, v20, v19  }
0x747: {  	v31 =	vmul.f32 $1.442695020e+00, v48;
	(xrf1) =	vsort.dscd.msk.f32 $0xffff, v19, v19;
	v19 =	vmul.f32 $1.442695020e+00, v47  }
0x748: {  	v25 =	vmul.f32 $1.442695020e+00, v25;
	v50 =	vperm.xlane v30, v3;
	v21 =	vsel vm0, v24, v21  }
0x749: {  	(erf) = vpow2.f32 v31;
	(xrf1) =	vsort.dscd.msk.f32 $0xffff, v21, v21;
	v21 =	vperm.xlane v22, v2  }
0x74a: {  	s21 =	simm.s32 $0x4380;
	v20 =	vsub.f32 v14, v46;
	(erf) = vpow2.f32 v25  }
0x74b: {  	v24 =	vadd.f32 v30, v50;
	(erf) = vpow2.f32 v19;
	vm2 =	vge.f32 v17, v21;
	v17 =	vld [tilespmem:s21+$0x0];
	v19, _, _ =	vpop (xrf1)  }
0x74c: {  	v20 =	vmul.f32 $1.442695020e+00, v20;
	v25 =	vperm.xlane v19, v0  }
0x74d: {  	v22 =	vperm.xlane v24, v4;
	vm3 =	vge.f32 v14, v21;
	v14 =	vld [tilespmem:s21+$0x10]  }
0x74e: {  	(erf) = vpow2.f32 v20;
	v31 =	vperm.xlane v19, v2;
	v19 =	vld [tilespmem:s21+$0x30];
	v20 =	vsub.f32 v16, v25  }
0x74f: {  	vm4 =	vge.f32 v15, v21;
	v15 =	vld [tilespmem:s21+$0xFFFFFFB0];
	v30 =	vsub.f32 v26, v25;
	v53 =	vsub.f32 v27, v25  }
0x750: {  	vm5 =	vge.f32 v18, v21;
	v22 =	vadd.f32 v24, v22;
	(xrf1) =	vsort.dscd.msk.f32 $0xffff, v17, v17;
	v52 =	vmul.f32 $1.442695020e+00, v20  }
0x751: {  	v24 =	vld [tilespmem:s21+$0x20];
	vm4 =	vmor vm1, vm4;
	v21 =	vmul.f32 $1.442695020e+00, v30;
	v30 =	vmul.f32 $1.442695020e+00, v53  }
0x752: {  	v40, _, _ =	vpop (xrf1);
	v51 =	vperm.xlane v22, v5;
	v25 =	vsub.f32 v28, v25;
	v20 =	vld [tilespmem:s21+$0xFFFFFF90];
	(xrf1) =	vsort.dscd.msk.f32 $0xffff, v14, v14;
	(erf) = vpow2.f32 v52  }
0x753: {  	vm5 =	vmor vm1, vm5;
	v54 =	vperm.xlane v40, v0;
	v56, _, _ =	vpop (xrf1);
	(xrf1) =	vsort.dscd.msk.f32 $0xffff, v19, v19;
	(erf) = vpow2.f32 v21  }
0x754: {  	v18 =	vld [tilespmem:s21+$0xFFFFFF80];
	vm3 =	vmor vm1, vm3;
	v58, _, _ =	vpop (xrf1);
	v25 =	vmul.f32 $1.442695020e+00, v25;
	(xrf1) =	vsort.dscd.msk.f32 $0xffff, v15, v15;
	(erf) = vpow2.f32 v30  }
0x755: {  	v40 =	vperm.xlane v40, v2;
	v22 =	vadd.f32 v22, v51;
	v55 =	vsub.f32 v35, v54;
	v21 =	vld [tilespmem:s21+$0xFFFFFFA0];
	v30 =	vpop (erf)  }
0x756: {  	v57 =	vsub.f32 v38, v54;
	v45 =	vsub.f32 v37, v54;
	(xrf1) =	vsort.dscd.msk.f32 $0xffff, v24, v24;
	v59, _, _ =	vpop (xrf1);
	(erf) = vpow2.f32 v25  }
0x757: {  	v43 =	vsub.f32 v36, v54;
	v44 =	vperm.xlane v58, v1;
	v39 =	vmul.f32 $1.442695020e+00, v55;
	v60 =	vpop (erf);
	(xrf1) =	vsort.dscd.msk.f32 $0xffff, v20, v20  }
0x758: {  	vm2 =	vmor vm1, vm2;
	v63 =	vperm.xlane v22, v6;
	v25 =	vmul.f32 $1.442695020e+00, v57;
	v62, _, _ =	vpop (xrf1)  }
0x759: {  	v43 =	vmul.f32 $1.442695020e+00, v43;
	v45 =	vmul.f32 $1.442695020e+00, v45;
	v41 =	vsel vm0, v56, v44;
	(xrf1) =	vsort.dscd.msk.f32 $0xffff, v18, v18;
	v52 =	vpop (erf)  }
0x75a: {  	v49 =	vadd.f32 v22, v63;
	v61 =	vperm.xlane v59, v1;
	(erf) = vpow2.f32 v25;
	v53 =	vpop (erf);
	(xrf1) =	vsort.dscd.msk.f32 $0xffff, v21, v21  }
0x75b: {  	v25 =	vnsel vm2, $0x0, v30;
	vm2 =	vge.f32 v27, v31;
	v27 =	vnsel vm4, $0x0, v60;
	v54 =	vpop (erf)  }
0x75c: {  	v30 =	vnsel vm5, $0x0, v52;
	vm4 =	vge.f32 v16, v31;
	vm5 =	vge.f32 v26, v31;
	(xrf1) =	vsort.dscd.msk.f32 $0xffff, v41, v41;
	v55 =	vpop (erf)  }
0x75d: {  	v42 =	vsel vm0, v62, v61;
	v22 =	vnsel vm3, $0x0, v53;
	vm3 =	vge.f32 v28, v31;
	v28 =	vpop (erf)  }
0x75e: {  	vm2 =	vmor vm1, vm2;
	v56 =	vadd.f32 v30, v27;
	(erf) = vpow2.f32 v43;
	v57, _, _ =	vpop (xrf1)  }
0x75f: {  	v58 =	vadd.f32 v22, v25;
	v16 =	vnsel vm2, $0x0, v28;
	vm2 =	vmor vm1, vm4;
	v28 =	vpop (erf)  }
0x760: {  	vm4 =	vmor vm1, vm5;
	v60, _, _ =	vpop (xrf1);
	v31 =	vnsel vm2, $0x0, v54;
	vm2 =	vmor vm1, vm3  }
0x761: {  	v51 =	vadd.f32 v56, v58;
	v26 =	vnsel vm4, $0x0, v55;
	v63, _, _ =	vpop (xrf1);
	v28 =	vnsel vm2, $0x0, v28  }
0x762: {  	(erf) = vpow2.f32 v39;
	v59 =	vadd.f32 v26, v31;
	v53, _, _ =	vpop (xrf1);
	(xrf1) =	vsort.dscd.msk.f32 $0xffff, v42, v42;
	v61 =	vadd.f32 v16, v28  }
0x763: {  	v62 =	vperm.xlane v60, v1;
	v52 =	vperm.xlane v63, v1;
	vm2 =	vge.f32 v38, v40;
	v38 =	vpop (erf)  }
0x764: {  	v56 =	vperm.xlane v51, v3;
	(erf) = vpow2.f32 v45;
	v55, _, _ =	vpop (xrf1);
	v47 =	vadd.f32 v61, v59  }
0x765: {  	(erf) = vrcp.f32 v49;
	v54 =	vsel vm0, v57, v62;
	v41 =	vsel vm0, v55, v52;
	v57, _, _ =	vpop (xrf1)  }
0x766: {  	(xrf1) =	vsort.dscd.msk.f32 $0xffff, v54, v54;
	v42 =	vperm.xlane v57, v1;
	v58 =	vperm.xlane v47, v3  }
0x767: {  	v39 =	vadd.f32 v51, v56;
	v44 =	vperm.xlane v53, v1;
	(xrf1) =	vsort.dscd.msk.f32 $0xffff, v41, v41;
	v59, _, _ =	vpop (xrf1)  }
0x768: {  	v60, _, _ =	vpop (xrf1);
	v41 =	vsel vm0, v59, v42;
	v43 =	vadd.f32 v47, v58  }
0x769: {  	v62 =	vperm.xlane v39, v4;
	v61 =	vsel vm0, v60, v44  }
0x76a: {  	vm5 =	vge.f32 v35, v40;
	v46, _, _ =	vpop (xrf1);
	(xrf1) =	vsort.dscd.msk.f32 $0xffff, v61, v61;
	v63 =	vperm.xlane v43, v4  }
0x76b: {  	s0 =	simm.s32 $0xC180;
	s1 =	simm.s32 $0xC080;
	vm3 =	vge.f32 v37, v40;
	v47 =	vadd.f32 v39, v62;
	(xrf1) =	vsort.dscd.msk.f32 $0xffff, v41, v41;
	v41 =	vpop (erf)  }
0x76c: {  	s2 =	simm.s32 $0xC180;
	s4 =	simm.s32 $0x4480;
	s21 =	simm.s32 $0x6;
	vm4 =	vge.f32 v36, v40;
	v35 =	vperm.xlane v46, v2;
	v45 =	vadd.f32 v43, v63;
	v43 =	vpop (erf)  }
.LBB2_16:
0x76d: {  	v48 =	vpop (erf);
	v49 =	vperm.xlane v47, v5;
	v40 =	vmov v9;
	v9 =	vmov v15  }
0x76e: {  	v36 =	vld [tilespmem:s4+$0x0];
	s21 =	sadd.s32 $0x2, s21;
	s0 =	sadd.s32 $0x100, s0;
	v50 =	vmovc v13;
	v13 =	vmovc v24;
	v42 =	vmov v10;
	v10 =	vmov v21;
	v44 =	vmov v11  }
0x76f: {  	v46 =	vperm.xlane v46, v0;
	v11 =	vmov v20;
	v37 =	vld [tilespmem:s4+$0x10];
	p0 =	slt.u32 s21, $0x7E;
	v21 =	vperm.xlane v45, v5;
	v51 =	vpop (erf)  }
0x770: {  	v39 =	vld [tilespmem:s4+$0x30];
	v52, _, _ =	vpop (xrf1);
	v47 =	vadd.f32 v47, v49;
	v20 =	vmul.f32 v51, v34;
	v32 =	vmul.f32 v51, v32  }
0x771: {  	v49 =	vsub.f32 v23, v46;
	v15 =	vld [tilespmem:s4+$0xFFFFFFB0];
	v34 =	vperm.xlane v52, v0;
	v53 =	vadd.f32 v45, v21;
	v45 =	vmovc v12  }
0x772: {  	v54 =	vsub.f32 v29, v46;
	v55 =	vsub.f32 v50, v46;
	v24 =	vld [tilespmem:s4+$0x20];
	v56 =	vperm.xlane v47, v6;
	[tilespmem:s1+$0x0] =	vst v20  }
0x773: {  	v46 =	vsub.f32 v33, v46;
	v12 =	vmovc v18;
	v49 =	vmul.f32 $1.442695020e+00, v49;
	v21 =	vld [tilespmem:s4+$0xFFFFFFA0];
	v57 =	vsub.f32 v40, v34;
	[tilespmem:s1+$0x10] =	vst v32  }
0x774: {  	v61 =	vmul.f32 $1.442695020e+00, v54;
	v62 =	vsub.f32 v45, v34;
	v59 =	vsub.f32 v44, v34;
	v20 =	vld [tilespmem:s4+$0xFFFFFF90];
	v32, _, _ =	vpop (xrf1)  }
0x775: {  	v63 =	vmul.f32 $1.442695020e+00, v46;
	v34 =	vsub.f32 v42, v34;
	v60, _, _ =	vpop (xrf1);
	(erf) = vpow2.f32 v49  }
0x776: {  	v47 =	vadd.f32 v47, v56;
	v57 =	vmul.f32 $1.442695020e+00, v57;
	v18 =	vld [tilespmem:s4+$0xFFFFFF80];
	(xrf1) =	vsort.dscd.msk.f32 $0xffff, v36, v36;
	v49 =	vperm.xlane v60, v1  }
0x777: {  	v58 =	vmovc v22;
	v54 =	vmovc v25;
	v56 =	vmul.f32 $1.442695020e+00, v62;
	v60 =	vmov v27;
	(erf) = vpow2.f32 v61  }
0x778: {  	v22 =	vmul.f32 $1.442695020e+00, v55;
	v46 =	vmovc v30;
	(xrf1) =	vsort.dscd.msk.f32 $0xffff, v37, v37;
	v49 =	vsel vm0, v32, v49;
	(erf) = vpow2.f32 v63  }
0x779: {  	v55 =	vmul.f32 $1.442695020e+00, v34;
	v34 =	vmov v31;
	(xrf1) =	vsort.dscd.msk.f32 $0xffff, v39, v39;
	v25, _, _ =	vpop (xrf1);
	(erf) = vrcp.f32 v47  }
0x77a: {  	vm4 =	vmor vm1, vm4;
	(xrf1) =	vsort.dscd.msk.f32 $0xffff, v15, v15;
	v25 =	vperm.xlane v25, v1;
	v27, _, _ =	vpop (xrf1);
	(erf) = vpow2.f32 v22  }
0x77b: {  	vm5 =	vmor vm1, vm5;
	v32 =	vmovc v26;
	v47 =	vmul.f32 $1.442695020e+00, v59;
	v22 =	vperm.xlane v53, v6;
	(xrf1) =	vsort.dscd.msk.f32 $0xffff, v24, v24  }
0x77c: {  	v59 =	vsel vm0, v27, v25;
	(erf) = vpow2.f32 v56;
	v25 =	vmul.f32 v51, v8;
	v8 =	vmovc v28  }
0x77d: {  	vm3 =	vmor vm1, vm3;
	v53 =	vadd.f32 v53, v22;
	v27 =	vmul.f32 v51, v7;
	(xrf1) =	vsort.dscd.msk.f32 $0xffff, v20, v20  }
0x77e: {  	vm2 =	vmor vm1, vm2;
	v51 =	vperm.xlane v52, v2;
	(xrf1) =	vsort.dscd.msk.f32 $0xffff, v18, v18;
	v26 =	vpop (erf);
	[tilespmem:s1+$0x20] =	vst v25  }
0x77f: {  	v22 =	vnsel vm3, $0x0, v48;
	v7 =	vmovc v16;
	v25 =	vnsel vm2, $0x0, v38;
	(xrf1) =	vsort.dscd.msk.f32 $0xffff, v21, v21;
	[tilespmem:s1+$0x30] =	vst v27  }
0x780: {  	v30 =	vnsel vm5, $0x0, v43;
	vm2 =	vge.f32 v33, v35;
	v27 =	vnsel vm4, $0x0, v41;
	v28 =	vpop (erf)  }
0x781: {  	vm3 =	vge.f32 v50, v35;
	vm2 =	vmor vm1, vm2;
	v33 =	vadd.f32 v30, v27;
	(xrf1) =	vsort.dscd.msk.f32 $0xffff, v49, v49;
	v16 =	vpop (erf)  }
0x782: {  	vm5 =	vge.f32 v29, v35;
	vm4 =	vge.f32 v23, v35;
	v16 =	vnsel vm2, $0x0, v16;
	v23 =	vpop (erf)  }
0x783: {  	vm2 =	vmor vm1, vm4;
	vm4 =	vmor vm1, vm5;
	v29 =	vpop (erf);
	v49 =	vmul.f32 v23, v46  }
0x784: {  	v31 =	vnsel vm2, $0x0, v26;
	v26 =	vnsel vm4, $0x0, v28;
	vm2 =	vmor vm1, vm3;
	v41, _, _ =	vpop (xrf1)  }
0x785: {  	v46 =	vmul.f32 v23, v54;
	v48 =	vmul.f32 v23, v60;
	v43 =	vadd.f32 v26, v31;
	v38 =	vpop (erf);
	[tilespmem:s1+$0xFFFFFFB0] =	vst v49  }
0x786: {  	v23 =	vmul.f32 v23, v58;
	v28 =	vnsel vm2, $0x0, v29;
	v29 =	vadd.f32 v22, v25;
	v35, _, _ =	vpop (xrf1);
	(xrf1) =	vsort.dscd.msk.f32 $0xffff, v59, v59  }
0x787: {  	v50 =	vadd.f32 v16, v28;
	v52 =	vperm.xlane v35, v1;
	v49, _, _ =	vpop (xrf1);
	(erf) = vpow2.f32 v55;
	[tilespmem:s1+$0xFFFFFFA0] =	vst v48  }
0x788: {  	v29 =	vadd.f32 v33, v29;
	v48 =	vperm.xlane v49, v1;
	v49, _, _ =	vpop (xrf1);
	(erf) = vpow2.f32 v57;
	[tilespmem:s1+$0xFFFFFF80] =	vst v46  }
0x789: {  	v33 =	vsel vm0, v41, v52;
	v35, _, _ =	vpop (xrf1);
	v41 =	vadd.f32 v50, v43;
	(erf) = vpow2.f32 v47;
	[tilespmem:s1+$0xFFFFFF90] =	vst v23;
	s1 =	smov.u32 s2;
	s2 =	smov.u32 s0  }
0x78a: {  	v48 =	vsel vm0, v35, v48;
	(xrf1) =	vsort.dscd.msk.f32 $0xffff, v33, v33;
	v33 =	vperm.xlane v29, v3;
	(erf) = vrcp.f32 v53  }
0x78b: {  	v23 =	vmov v17;
	v35 =	vperm.xlane v49, v1;
	v43, _, _ =	vpop (xrf1);
	(xrf1) =	vsort.dscd.msk.f32 $0xffff, v48, v48;
	v46 =	vperm.xlane v41, v3  }
0x78c: {  	vm3 =	vge.f32 v44, v51;
	vm2 =	vge.f32 v45, v51;
	v47, _, _ =	vpop (xrf1);
	v33 =	vadd.f32 v29, v33  }
.Ltmp7:
0x78d: {  	vm4 =	vge.f32 v42, v51;
	v44 =	vperm.xlane v43, v1;
	v17, _, _ =	vpop (xrf1);
	v42 =	vadd.f32 v41, v46;
	(pc) =	sbr.rel @p0 .LBB2_16-.Ltmp7, $4  }
0x78e: {  	vm5 =	vge.f32 v40, v51;
	v35 =	vsel vm0, v17, v35;
	v40 =	vperm.xlane v33, v4;
	v17 =	vmovc v36  }
0x78f: {  	v29 =	vmov v14;
	v36 =	vsel vm0, v47, v44;
	(xrf1) =	vsort.dscd.msk.f32 $0xffff, v35, v35;
	v46, _, _ =	vpop (xrf1);
	v44 =	vperm.xlane v42, v4  }
0x790: {  	v14 =	vmov v37;
	(xrf1) =	vsort.dscd.msk.f32 $0xffff, v36, v36;
	v35 =	vperm.xlane v46, v2;
	v41 =	vpop (erf);
	v47 =	vadd.f32 v33, v40  }
0x791: {  	s4 =	sadd.s32 $0x100, s4;
	v33 =	vmov v19;
	v19 =	vmov v39;
	v45 =	vadd.f32 v42, v44;
	v43 =	vpop (erf)  }
0x792: {  	v36 =	vperm.xlane v46, v0;
	v37 =	vperm.xlane v47, v5  }
0x793: {  	v40 =	vpop (erf);
	vm4 =	vmor vm1, vm4;
	vm5 =	vmor vm1, vm5;
	vm3 =	vmor vm1, vm3  }
0x794: {  	vm2 =	vmor vm1, vm2;
	v42 =	vperm.xlane v45, v5;
	v39 =	vpop (erf);
	v44 =	vsub.f32 v23, v36  }
0x795: {  	v46, _, _ =	vpop (xrf1);
	v47 =	vadd.f32 v47, v37;
	v37 =	vmul.f32 v39, v34;
	v54 =	vsub.f32 v29, v36  }
0x796: {  	v49 =	vsub.f32 v33, v36;
	v48 =	vperm.xlane v46, v0;
	v44 =	vmul.f32 $1.442695020e+00, v44  }
0x797: {  	v36 =	vsub.f32 v13, v36;
	v50 =	vperm.xlane v47, v6;
	v34 =	vmul.f32 $1.442695020e+00, v54  }
0x798: {  	vm14 =	vge.f32 v23, v35;
	v49 =	vmul.f32 $1.442695020e+00, v49;
	(erf) = vpow2.f32 v44;
	v55, _, _ =	vpop (xrf1)  }
0x799: {  	v36 =	vmul.f32 $1.442695020e+00, v36;
	v56 =	vadd.f32 v47, v50;
	(erf) = vpow2.f32 v34;
	v58, _, _ =	vpop (xrf1)  }
0x79a: {  	vm15 =	vge.f32 v29, v35;
	(erf) = vpow2.f32 v49;
	v47 =	vperm.xlane v58, v1  }
0x79b: {  	v42 =	vadd.f32 v45, v42;
	v57 =	vsub.f32 v9, v48;
	(erf) = vrcp.f32 v56  }
0x79c: {  	v59 =	vsub.f32 v12, v48;
	(erf) = vpow2.f32 v36;
	v61 =	vsel vm0, v55, v47  }
0x79d: {  	vm8 =	vmor vm1, vm15;
	v45 =	vsub.f32 v11, v48;
	v48 =	vsub.f32 v10, v48;
	v60, _, _ =	vpop (xrf1);
	(xrf1) =	vsort.dscd.msk.f32 $0xffff, v61, v61  }
0x79e: {  	v34 =	vnsel vm3, $0x0, v40;
	v36 =	vnsel vm2, $0x0, v38;
	v62 =	vperm.xlane v60, v1  }
0x79f: {  	vm2 =	vge.f32 v33, v35;
	v33 =	vnsel vm4, $0x0, v41;
	v38 =	vnsel vm5, $0x0, v43;
	v50, _, _ =	vpop (xrf1)  }
0x7a0: {  	v55 =	vadd.f32 v38, v33;
	v56 =	vadd.f32 v34, v36;
	v47 =	vsel vm0, v50, v62  }
0x7a1: {  	v51 =	vmul.f32 $1.442695020e+00, v57;
	v63 =	vmul.f32 $1.442695020e+00, v59;
	vm3 =	vge.f32 v13, v35;
	v52 =	vpop (erf);
	(xrf1) =	vsort.dscd.msk.f32 $0xffff, v47, v47  }
0x7a2: {  	v53 =	vmul.f32 $1.442695020e+00, v48;
	v45 =	vmul.f32 $1.442695020e+00, v45;
	v47 =	vadd.f32 v55, v56;
	v54 =	vpop (erf)  }
0x7a3: {  	vm2 =	vmor vm1, vm2;
	(erf) = vpow2.f32 v63;
	v63 =	vperm.xlane v46, v2;
	v57 =	vpop (erf)  }
0x7a4: {  	v59 =	vperm.xlane v47, v3;
	v13 =	vnsel vm2, $0x0, v57;
	v40 =	vpop (erf);
	vm2 =	vmor vm1, vm14  }
0x7a5: {  	(erf) = vpow2.f32 v53;
	v58 =	vpop (erf);
	v35 =	vnsel vm2, $0x0, v52;
	vm2 =	vmor vm1, vm3  }
0x7a6: {  	v29 =	vnsel vm8, $0x0, v54;
	v43 =	vadd.f32 v47, v59;
	v23 =	vnsel vm2, $0x0, v58  }
0x7a7: {  	v62 =	vperm.xlane v42, v6;
	v60 =	vadd.f32 v29, v35;
	v61 =	vadd.f32 v13, v23  }
0x7a8: {  	vm9 =	vge.f32 v10, v63;
	vm10 =	vge.f32 v9, v63;
	v49 =	vperm.xlane v43, v4  }
0x7a9: {  	v42 =	vadd.f32 v42, v62;
	(erf) = vpow2.f32 v51;
	v48 =	vadd.f32 v61, v60  }
0x7aa: {  	vm5 =	vmor vm1, vm9;
	(erf) = vpow2.f32 v45;
	v43 =	vadd.f32 v43, v49  }
0x7ab: {  	vm4 =	vmor vm1, vm10;
	(erf) = vrcp.f32 v42;
	v50 =	vperm.xlane v48, v3;
	v51, _, _ =	vpop (xrf1)  }
0x7ac: {  	vm3 =	vge.f32 v11, v63;
	v53 =	vperm.xlane v43, v5;
	v52 =	vperm.xlane v51, v0  }
0x7ad: {  	vm2 =	vge.f32 v12, v63;
	vm3 =	vmor vm1, vm3;
	v12 =	vadd.f32 v48, v50  }
0x7ae: {  	v42 =	vperm.xlane v51, v2;
	v10 =	vadd.f32 v43, v53;
	v55 =	vsub.f32 v17, v52  }
0x7af: {  	v57 =	vsub.f32 v14, v52;
	v59 =	vsub.f32 v19, v52;
	v54 =	vperm.xlane v12, v4;
	v56, _, _ =	vpop (xrf1)  }
0x7b0: {  	v41 =	vsub.f32 v24, v52;
	v60 =	vperm.xlane v10, v6;
	v58 =	vperm.xlane v56, v0  }
0x7b1: {  	vm2 =	vmor vm1, vm2;
	v11 =	vmul.f32 $1.442695020e+00, v55;
	v43 =	vmul.f32 $1.442695020e+00, v57  }
0x7b2: {  	vm11 =	vge.f32 v17, v42;
	v46 =	vmul.f32 $1.442695020e+00, v59;
	v41 =	vmul.f32 $1.442695020e+00, v41  }
0x7b3: {  	vm12 =	vge.f32 v14, v42;
	v44 =	vperm.xlane v56, v2;
	(erf) = vpow2.f32 v11  }
0x7b4: {  	v10 =	vadd.f32 v10, v60;
	v62 =	vsub.f32 v18, v58;
	(erf) = vpow2.f32 v43  }
0x7b5: {  	v9 =	vadd.f32 v12, v54;
	v45 =	vsub.f32 v21, v58;
	(erf) = vpow2.f32 v46  }
0x7b6: {  	v50 =	vpop (erf);
	v61 =	vsub.f32 v15, v58;
	v11 =	vmul.f32 $1.442695020e+00, v62;
	(erf) = vrcp.f32 v10  }
0x7b7: {  	v51 =	vpop (erf);
	v63 =	vsub.f32 v20, v58;
	v52 =	vmul.f32 $1.442695020e+00, v45;
	(erf) = vpow2.f32 v41  }
0x7b8: {  	v53 =	vpop (erf);
	v12 =	vnsel vm5, $0x0, v51;
	v49 =	vmul.f32 $1.442695020e+00, v61;
	(erf) = vpow2.f32 v11  }
0x7b9: {  	v54 =	vpop (erf);
	v43 =	vmul.f32 $1.442695020e+00, v63;
	v45 =	vnsel vm4, $0x0, v53;
	(erf) = vpow2.f32 v52  }
0x7ba: {  	v10 =	vnsel vm2, $0x0, v50;
	v11 =	vnsel vm3, $0x0, v54;
	(erf) = vpow2.f32 v49  }
0x7bb: {  	v47 =	vpop (erf);
	v57 =	vadd.f32 v45, v12;
	v59 =	vadd.f32 v11, v10;
	(erf) = vpow2.f32 v43  }
0x7bc: {  	vm13 =	vmor vm1, vm12;
	vm14 =	vge.f32 v21, v44;
	vm15 =	vge.f32 v15, v44;
	v55 =	vpop (erf)  }
0x7bd: {  	vm5 =	vmor vm1, vm15;
	v63 =	vperm.xlane v9, v5;
	v17 =	vadd.f32 v57, v59;
	v56 =	vpop (erf)  }
0x7be: {  	vm4 =	vmor vm1, vm14;
	vm2 =	vge.f32 v19, v42;
	vm3 =	vge.f32 v24, v42;
	v58 =	vpop (erf)  }
0x7bf: {  	vm2 =	vmor vm1, vm2;
	vm3 =	vmor vm1, vm3;
	v62 =	vperm.xlane v17, v3;
	v42 =	vpop (erf)  }
0x7c0: {  	v24 =	vnsel vm13, $0x0, v56;
	v14 =	vnsel vm2, $0x0, v58;
	vm2 =	vmor vm1, vm11;
	v60 =	vpop (erf)  }
0x7c1: {  	v17 =	vadd.f32 v17, v62;
	v19 =	vnsel vm2, $0x0, v55;
	v41 =	vnsel vm3, $0x0, v60;
	v52 =	vpop (erf)  }
0x7c2: {  	vm2 =	vge.f32 v18, v44;
	v61 =	vadd.f32 v24, v19;
	v46 =	vadd.f32 v14, v41;
	v53 =	vpop (erf)  }
0x7c3: {  	vm3 =	vge.f32 v20, v44;
	v54 =	vperm.xlane v17, v4;
	vm2 =	vmor vm1, vm2;
	v55 =	vpop (erf)  }
0x7c4: {  	vm1 =	vmor vm1, vm3;
	v44 =	vnsel vm2, $0x0, v52;
	v43 =	vadd.f32 v46, v61;
	v56 =	vpop (erf)  }
0x7c5: {  	v15 =	vnsel vm4, $0x0, v53;
	v20 =	vnsel vm5, $0x0, v55;
	v21 =	vnsel vm1, $0x0, v56  }
0x7c6: {  	v57 =	vadd.f32 v20, v15;
	v46 =	vperm.xlane v43, v3;
	v50 =	vadd.f32 v21, v44  }
0x7c7: {  	v9 =	vadd.f32 v9, v63;
	v17 =	vadd.f32 v17, v54  }
0x7c8: {  	v8 =	vmul.f32 v39, v8;
	v59 =	vadd.f32 v43, v46;
	v60 =	vadd.f32 v57, v50  }
0x7c9: {  	v61 =	vperm.xlane v9, v6;
	v62 =	vperm.xlane v17, v5  }
0x7ca: {  	v63 =	vperm.xlane v59, v4;
	v48 =	vperm.xlane v60, v3  }
0x7cb: {  	v7 =	vmul.f32 v39, v7;
	v9 =	vadd.f32 v9, v61;
	v17 =	vadd.f32 v17, v62  }
0x7cc: {  	[tilespmem:s1+$0x20] =	vst v8;
	v8 =	vmul.f32 v40, v27;
	v43 =	vadd.f32 v59, v63;
	v46 =	vadd.f32 v60, v48  }
0x7cd: {  	[tilespmem:s1+$0x30] =	vst v7;
	(erf) = vrcp.f32 v9;
	v7 =	vperm.xlane v17, v6  }
0x7ce: {  	v48 =	vperm.xlane v43, v5;
	v49 =	vperm.xlane v46, v4  }
0x7cf: {  	v32 =	vmul.f32 v39, v32;
	[tilespmem:s1+$0x0] =	vst v37;
	v25 =	vmul.f32 v40, v25;
	v7 =	vadd.f32 v17, v7  }
0x7d0: {  	[tilespmem:s1+$0xFFFFFFA0] =	vst v8;
	v8 =	vmul.f32 v47, v31;
	v9 =	vadd.f32 v43, v48;
	v18 =	vadd.f32 v46, v49  }
0x7d1: {  	[tilespmem:s1+$0x10] =	vst v32;
	v22 =	vmul.f32 v40, v22;
	(erf) = vrcp.f32 v7  }
0x7d2: {  	[tilespmem:s2+$0x0] =	vst v8;
	v7 =	vperm.xlane v9, v6;
	v8 =	vperm.xlane v18, v5  }
0x7d3: {  	[tilespmem:s1+$0xFFFFFF80] =	vst v25;
	v51 =	vmul.f32 v47, v28  }
0x7d4: {  	[tilespmem:s1+$0xFFFFFF90] =	vst v22;
	v16 =	vmul.f32 v47, v16;
	v7 =	vadd.f32 v9, v7;
	v8 =	vadd.f32 v18, v8  }
0x7d5: {  	[tilespmem:s2+$0x20] =	vst v51;
	v58 =	vmul.f32 v40, v30;
	v52 =	vmul.f32 v42, v38  }
0x7d6: {  	[tilespmem:s2+$0x30] =	vst v16;
	(erf) = vrcp.f32 v7;
	v7 =	vperm.xlane v8, v6  }
0x7d7: {  	[tilespmem:s1+$0xFFFFFFB0] =	vst v58;
	v54 =	vmul.f32 v42, v33;
	v56 =	vpop (erf)  }
0x7d8: {  	v53 =	vmul.f32 v42, v36;
	[tilespmem:s2+$0xFFFFFFB0] =	vst v52;
	v7 =	vadd.f32 v8, v7;
	v8 =	vmul.f32 v56, v29  }
0x7d9: {  	v55 =	vmul.f32 v42, v34;
	[tilespmem:s2+$0xFFFFFFA0] =	vst v54  }
0x7da: {  	[tilespmem:s2+$0xFFFFFF80] =	vst v53  }
0x7db: {  	s0 =	sadd.s32 $0x100, s0;
	[tilespmem:s2+$0xFFFFFF90] =	vst v55;
	(erf) = vrcp.f32 v7;
	v7 =	vmul.f32 v56, v13  }
0x7dc: {  	v50 =	vmul.f32 v47, v26;
	[tilespmem:s0+$0x10] =	vst v8;
	v8 =	vpop (erf)  }
0x7dd: {  	v57 =	vmul.f32 v56, v35;
	[tilespmem:s0+$0x30] =	vst v7;
	v7 =	vmul.f32 v8, v12  }
0x7de: {  	[tilespmem:s2+$0x10] =	vst v50;
	v58 =	vmul.f32 v56, v23  }
0x7df: {  	[tilespmem:s0+$0x0] =	vst v57;
	v59 =	vmul.f32 v8, v45  }
0x7e0: {  	[tilespmem:s0+$0x20] =	vst v58;
	v10 =	vmul.f32 v8, v10;
	v8 =	vmul.f32 v8, v11  }
0x7e1: {  	[tilespmem:s0+$0xFFFFFFA0] =	vst v7;
	v7 =	vpop (erf)  }
0x7e2: {  	[tilespmem:s0+$0xFFFFFF90] =	vst v8;
	v8 =	vmul.f32 v7, v24  }
0x7e3: {  	[tilespmem:s0+$0xFFFFFFB0] =	vst v59;
	v60 =	vmul.f32 v7, v19  }
0x7e4: {  	s21 =	sadd.s32 $0x100, s0;
	[tilespmem:s0+$0xFFFFFF80] =	vst v10  }
0x7e5: {  	v61 =	vmul.f32 v7, v41;
	[tilespmem:s21+$0x0] =	vst v60  }
0x7e6: {  	v7 =	vmul.f32 v7, v14;
	[tilespmem:s21+$0x10] =	vst v8;
	v8 =	vpop (erf)  }
0x7e7: {  	[tilespmem:s21+$0x20] =	vst v61;
	v62 =	vmul.f32 v8, v20  }
0x7e8: {  	[tilespmem:s21+$0x30] =	vst v7;
	v7 =	vmul.f32 v8, v15  }
0x7e9: {  	v63 =	vmul.f32 v8, v44;
	[tilespmem:s21+$0xFFFFFFB0] =	vst v62  }
0x7ea: {  	v8 =	vmul.f32 v8, v21;
	[tilespmem:s21+$0xFFFFFFA0] =	vst v7  }
0x7eb: {  	[tilespmem:s21+$0xFFFFFF80] =	vst v63  }
0x7ec: {  	s31 =	sadd.s32 $0x1, s31;
	[tilespmem:s21+$0xFFFFFF90] =	vst v8  }
0x7ed: {  	[hbm4b:s19+s3] =	stream.linear.scatter [tilespmem:s28], [sflag:$0x4], $0x4000, $0x38;
	[tilespmem:$0x10080] =	vst v63  }
0x7ee: {  	p0 =	sne.s32 s31, s20;
	_ =	swait.ge [sflag:s29], $0x4000  }
.Ltmp8:
0x7ef: {  	[sflag:s29] =	ssyncset.done $0x0;
	(pc) =	sbr.rel @p0 .LBB2_1-.Ltmp8, $4  }
0x7f0: {  	[sflag:s29] =	ssyncadd.s32 $0xFFFFC000  }
0x7f1: {  	_ =	swait.ge [sflag:s30], $0x4000  }
0x7f2: {  	[sflag:s30] =	ssyncset.done $0x0  }
0x7f3: {  	[sflag:s30] =	ssyncadd.s32 $0xFFFFC000  }
0x7f4: {  	_ =	sfence.sel $0x180000  }
0x7f5: {  	[bflag:$0x0] =	sbarrier.arrive $0xFFFF  }
0x7f6: {  	_ =	strace $0x90000047  }
0x7f7: {  	s0 =	stileid.u32;
	[bflag:$0x2] =	sbarrier.arrive $0xFFFF  }
0x7f8: {  	p0 =	sne.s32 s0, $0x0;
	s0 =	rddreg [dreg:$0x2]  }
0x7f9: {  	s0 =	sadd.s32 @!p0 $0x100000, s0  }
0x7fa: {  	[sflag:s0] =	ssyncadd.tile.s32 @!p0 $0x1;
	_ =	shalt  }
.Lfunc_end2:
_tile_overlayer_lowered:
.L_overlay_start_2:
0x7fb: {  	(tag) =	ssettag $0x2  }
0x7fc: {  	s0 =	rddreg [dreg:$0x0];
	s2 =	stileid.u32  }
0x7fd: {  	s1 =	rddreg [dreg:$0x1];
	p0 =	sne.s32 s2, $0x0  }
0x7fe: {  	s3 =	rddreg [dreg:$0x2];
	[bflag:$0x3] =	sbarrier.arrive $0xFFFF;
	s2 =	simm.s32 @!p0 $0x1C05  }
0x7ff: {  	[timem:s3], [sflag:s2] =	dma.local @!p0 [hbm:s0], s1  }
0x800: {  	s0 =	simm.s32 @!p0 $0x5  }
0x801: {  	_ =	swait.ge @!p0 [sflag:s0], s1  }
0x802: {  	s1 =	ssub.s32 @!p0 $0x0, s1;
	[sflag:s0] =	ssyncset.done @!p0 $0x0  }
0x803: {  	[sflag:s0] =	ssyncadd.s32 @!p0 s1  }
0x804: {  	[bflag:$0x3] =	sbarrier.arrive $0xFFFF  }
0x805: {  	_ =	shalt  }

</sc_bundles>
